<compile_context>
chip_gen: v7x
topology: tpu7x:2x2x1
jax: 0.10.2.dev20260603
libtpu: 0.0.44.dev20260713+nightly
codegen_flags: <defaults>
</compile_context>

<pallas_src>
import functools

import jax
import jax.numpy as jnp
from jax import lax
from jax.experimental import pallas as pl
from jax.experimental.pallas import tpu as pltpu
from jax.experimental.pallas import tpu_sc as plsc

N_NODES = 10000
D_IN = 128
HID = 128
HEADS = 4
DM = HEADS * HID
NEG = 0.2

NP = 10240
ROWS_BLK = 1280
N_BLKS = NP // ROWS_BLK

NC, NS, L = 2, 16, 16
NW = NC * NS
NPS = NP // NS
EP_TILE = 5376
E_PAD = NW * EP_TILE
B = 64
NB = EP_TILE // B
G = B // L
ZB = 16
ZBD = 32


def _dense_pre_body(x_ref, w_in_ref, b_in_ref, pro_ref, wlm_ref, wls_ref,
                    bl_ref, wrm_ref, wrs_ref, br_ref,
                    xl0_ref, xl1_ref, xl2_ref, xl3_ref,
                    xr0_ref, xr1_ref, xr2_ref, xr3_ref):
    xb = x_ref[...]
    h = jnp.maximum(xb @ w_in_ref[...] + b_in_ref[...], 0.0)
    hn = h / (jnp.sqrt(jnp.sum(h * h, axis=1, keepdims=True)) + 1e-12)
    pro = pro_ref[...]
    pn = pro / (jnp.sqrt(jnp.sum(pro * pro, axis=1, keepdims=True)) + 1e-12)
    sem = hn @ pn.T
    xl = h @ wlm_ref[...] + sem @ wls_ref[...] + bl_ref[...]
    xr = h @ wrm_ref[...] + sem @ wrs_ref[...] + br_ref[...]
    xl_refs = [xl0_ref, xl1_ref, xl2_ref, xl3_ref]
    xr_refs = [xr0_ref, xr1_ref, xr2_ref, xr3_ref]
    for h_ in range(HEADS):
        xl_refs[h_][...] = xl[:, h_ * HID:(h_ + 1) * HID]
        xr_refs[h_][...] = xr[:, h_ * HID:(h_ + 1) * HID]


def _dense_pre(xp, w_in, b_in, pro, wlm, wls, bl, wrm, wrs, br):
    full = lambda i: (0, 0)
    blk = lambda i: (i, 0)
    hid_blk = pl.BlockSpec((ROWS_BLK, HID), blk)
    return pl.pallas_call(
        _dense_pre_body,
        grid=(N_BLKS,),
        in_specs=[
            pl.BlockSpec((ROWS_BLK, D_IN), blk),
            pl.BlockSpec((D_IN, HID), full),
            pl.BlockSpec((1, HID), full),
            pl.BlockSpec((2, HID), full),
            pl.BlockSpec((HID, DM), full),
            pl.BlockSpec((2, DM), full),
            pl.BlockSpec((1, DM), full),
            pl.BlockSpec((HID, DM), full),
            pl.BlockSpec((2, DM), full),
            pl.BlockSpec((1, DM), full),
        ],
        out_specs=[hid_blk] * (2 * HEADS),
        out_shape=[jax.ShapeDtypeStruct((NP, HID), jnp.float32)] * (2 * HEADS),
    )(xp, w_in, b_in, pro, wlm, wls, bl, wrm, wrs, br)


def _sc_fused_body(src_hbm, dst_hbm, xl0, xl1, xl2, xl3, xr0, xr1, xr2, xr3,
                   attb_hbm,
                   m_hbm, den_hbm,
                   src_v, dst_v, xl_rows, xr_rows, aexp_buf,
                   m_rows, zb_m, zb_d, attb_v, m_sh, den_sh,
                   sem1, sem2, sem_d, sem_m):
    cid = lax.axis_index("c")
    sid = lax.axis_index("s")
    wid = cid * NS + sid

    xls = [xl0, xl1, xl2, xl3]
    xrs = [xr0, xr1, xr2, xr3]

    zero16 = jnp.zeros((L,), jnp.float32)

    @pl.loop(0, ZB)
    def _(i):
        for k in range(HID // L):
            zb_m[i, pl.ds(k * L, L)] = zero16

    @pl.loop(0, ZBD)
    def _(i):
        zb_d[i, :] = zero16

    @pl.loop(0, NPS // ZBD)
    def _(k):
        pltpu.sync_copy(zb_d, den_sh.at[pl.ds(sid * NPS + k * ZBD, ZBD)])

    riota = lax.iota(jnp.int32, L)
    rows = [riota + g * L for g in range(G)]

    for h in range(HEADS):
        pltpu.sync_copy(attb_hbm.at[pl.ds(h * HID * L, HID * L)], attb_v)

        @pl.loop(0, NPS // ZB)
        def _(k):
            pltpu.sync_copy(zb_m, m_sh.at[pl.ds(sid * NPS + k * ZB, ZB)])

        @pl.loop(0, B)
        def _(i):
            aexp_buf[i, :] = zero16

        plsc.subcore_barrier()

        hcol = jnp.full((L,), h, jnp.int32)

        @pl.loop(0, NB)
        def _(b):
            base = wid * EP_TILE + b * B
            pltpu.sync_copy(src_hbm.at[pl.ds(base, B)], src_v)
            pltpu.sync_copy(dst_hbm.at[pl.ds(base, B)], dst_v)

            cp1 = pltpu.async_copy(xls[h].at[src_v], xl_rows, sem1)
            cp2 = pltpu.async_copy(xrs[h].at[dst_v], xr_rows, sem2)
            cp1.wait()
            cp2.wait()

            init = tuple(jnp.zeros((L,), jnp.float32) for _ in range(G))

            @pl.loop(0, HID, init_carry=init, unroll=2)
            def accs(c, accs):
                attv = attb_v[pl.ds(c * L, L)]
                col = (riota + c) & (HID - 1)
                out = []
                for g in range(G):
                    xlv = plsc.load_gather(xl_rows, [rows[g], col])
                    xrv = plsc.load_gather(xr_rows, [rows[g], col])
                    s = xlv + xrv
                    lr = jnp.maximum(s, NEG * s)
                    out.append(accs[g] + attv * lr)
                return tuple(out)

            avs = []
            for g in range(G):
                av = jnp.exp(accs[g])
                avs.append(av)
                plsc.store_scatter(aexp_buf, [rows[g], hcol], av)

            den_cp = pltpu.async_copy(aexp_buf, den_sh.at[dst_v], sem_d,
                                      add=True)

            m_cps = []
            for g in range(G):
                @pl.loop(0, HID, unroll=2)
                def _(c):
                    ch = (riota + c) & (HID - 1)
                    xlv = plsc.load_gather(xl_rows, [rows[g], ch])
                    plsc.store_scatter(m_rows, [rows[g], ch], avs[g] * xlv)

                dreg = dst_v[pl.ds(g * L, L)]
                m_cps.append(pltpu.async_copy(m_rows.at[pl.ds(g * L, L)],
                                              m_sh.at[dreg], sem_m, add=True))
            for cp in m_cps:
                cp.wait()
            den_cp.wait()

        plsc.subcore_barrier()

        pltpu.sync_copy(m_sh.at[pl.ds(sid * NPS, NPS)],
                        m_hbm.at[cid * HEADS + h].at[pl.ds(sid * NPS, NPS)])
        plsc.subcore_barrier()

    pltpu.sync_copy(den_sh.at[pl.ds(sid * NPS, NPS)],
                    den_hbm.at[cid].at[pl.ds(sid * NPS, NPS)])


def _sc_fused(src, dst, xls, xrs, attb):
    mesh = plsc.VectorSubcoreMesh(core_axis_name="c", subcore_axis_name="s",
                                  num_cores=NC, num_subcores=NS)
    return pl.kernel(
        _sc_fused_body,
        out_type=[
            jax.ShapeDtypeStruct((NC * HEADS, NP, HID), jnp.float32),
            jax.ShapeDtypeStruct((NC, NP, 16), jnp.float32),
        ],
        mesh=mesh,
        compiler_params=pltpu.CompilerParams(use_tc_tiling_on_sc=False,
                                             needs_layout_passes=False),
        scratch_types=[
            pltpu.VMEM((B,), jnp.int32),
            pltpu.VMEM((B,), jnp.int32),
            pltpu.VMEM((B, HID), jnp.float32),
            pltpu.VMEM((B, HID), jnp.float32),
            pltpu.VMEM((B, 16), jnp.float32),
            pltpu.VMEM((B, HID), jnp.float32),
            pltpu.VMEM((ZB, HID), jnp.float32),
            pltpu.VMEM((ZBD, 16), jnp.float32),
            pltpu.VMEM((HID * L,), jnp.float32),
            pltpu.VMEM_SHARED((NP, HID), jnp.float32),
            pltpu.VMEM_SHARED((NP, 16), jnp.float32),
        ] + [pltpu.SemaphoreType.DMA] * 4,
    )(src, dst, *xls, *xrs, attb)


def _dense_post_body(m00, m01, m02, m03, m10, m11, m12, m13,
                     den0_ref, den1_ref, gb_ref, wc_ref, bc_ref, out_ref):
    d = den0_ref[...] + den1_ref[...]
    m0 = [m00, m01, m02, m03]
    m1 = [m10, m11, m12, m13]
    acc = jnp.zeros((ROWS_BLK, HID), jnp.float32)
    for h in range(HEADS):
        num = m0[h][...] + m1[h][...]
        acc = acc + num / (d[:, h:h + 1] + 1e-16)
    o = acc * (1.0 / HEADS) + gb_ref[...]
    o = jnp.maximum(o, 0.0)
    out_ref[...] = o @ wc_ref[...] + bc_ref[...]


def _dense_post(m_parts, den0, den1, gb, wc_pad, bc_pad):
    full = lambda i: (0, 0)
    blk = lambda i: (i, 0)
    hid_blk = pl.BlockSpec((ROWS_BLK, HID), blk)
    return pl.pallas_call(
        _dense_post_body,
        grid=(N_BLKS,),
        in_specs=[hid_blk] * (2 * HEADS) + [
            pl.BlockSpec((ROWS_BLK, 16), blk),
            pl.BlockSpec((ROWS_BLK, 16), blk),
            pl.BlockSpec((1, HID), full),
            pl.BlockSpec((HID, HID), full),
            pl.BlockSpec((1, HID), full),
        ],
        out_specs=pl.BlockSpec((ROWS_BLK, HID), blk),
        out_shape=jax.ShapeDtypeStruct((NP, HID), jnp.float32),
    )(*m_parts, den0, den1, gb, wc_pad, bc_pad)


def kernel(x, edge_index, W_in, b_in, prototypes, W_l, b_l, W_r, b_r, att,
           gat_bias, W_cls, b_cls):
    f32 = jnp.float32
    xp = jnp.zeros((NP, D_IN), f32).at[:N_NODES].set(x)

    loop = jnp.arange(N_NODES, dtype=jnp.int32)
    n_dummy = E_PAD - (edge_index.shape[1] + N_NODES)
    dummy = N_NODES + (jnp.arange(n_dummy, dtype=jnp.int32) % (NP - N_NODES))
    src = jnp.concatenate([edge_index[0].astype(jnp.int32), loop, dummy])
    dst = jnp.concatenate([edge_index[1].astype(jnp.int32), loop, dummy])

    wlm, wls = W_l[:HID], W_l[HID:]
    wrm, wrs = W_r[:HID], W_r[HID:]

    outs = _dense_pre(
        xp, W_in, b_in.reshape(1, HID), prototypes,
        wlm, wls, b_l.reshape(1, DM), wrm, wrs, b_r.reshape(1, DM))
    xls, xrs = outs[:HEADS], outs[HEADS:2 * HEADS]

    rot = (jnp.arange(HID)[:, None] + jnp.arange(L)[None, :]) % HID
    attb = att[:, rot].reshape(-1)

    m, den = _sc_fused(src, dst, xls, xrs, attb)

    wc_pad = jnp.zeros((HID, HID), f32).at[:, :W_cls.shape[1]].set(W_cls)
    bc_pad = jnp.zeros((1, HID), f32).at[0, :b_cls.shape[0]].set(b_cls)
    m_parts = [m[0], m[1], m[2], m[3], m[4], m[5], m[6], m[7]]
    res = _dense_post(m_parts, den[0], den[1], gat_bias.reshape(1, HID),
                      wc_pad, bc_pad)
    return res[:N_NODES, :W_cls.shape[1]]

# --- scband reference (transcript-rebuilt; emitter-appended) ---
"""Pipeline reference for scband-cgnn-86045374808283 (READ-ONLY COPY).

The authoritative reference and input builder live on the scoring server;
editing this copy changes nothing except your own understanding.
"""

import jax, jax.numpy as jnp
import numpy as np

N = 10000
E = 160000
D_IN = 128
HID = 128
HEADS = 4
P = 2
OUT = 2
GAT_IN = HID + P


def setup_inputs(seed: int = 0) -> dict:
    key = jax.random.key(seed)
    ks = jax.random.split(key, 14)
    x = jax.random.normal(ks[0], (N, D_IN), dtype=jnp.float32)
    edge_index = jax.random.randint(ks[1], (2, E), 0, N, dtype=jnp.int32)
    W_in = jax.random.normal(ks[2], (D_IN, HID), dtype=jnp.float32) * 0.05
    b_in = jnp.zeros((HID,), dtype=jnp.float32)
    prototypes = jax.random.normal(ks[3], (P, HID), dtype=jnp.float32) * 0.05
    W_l = jax.random.normal(ks[4], (GAT_IN, HEADS * HID), dtype=jnp.float32) * 0.05
    b_l = jnp.zeros((HEADS * HID,), dtype=jnp.float32)
    W_r = jax.random.normal(ks[5], (GAT_IN, HEADS * HID), dtype=jnp.float32) * 0.05
    b_r = jnp.zeros((HEADS * HID,), dtype=jnp.float32)
    att = jax.random.normal(ks[6], (HEADS, HID), dtype=jnp.float32) * 0.05
    gat_bias = jnp.zeros((HID,), dtype=jnp.float32)
    W_cls = jax.random.normal(ks[7], (HID, OUT), dtype=jnp.float32) * 0.05
    b_cls = jnp.zeros((OUT,), dtype=jnp.float32)
    return {"x": x, "edge_index": edge_index, "W_in": W_in, "b_in": b_in,
            "prototypes": prototypes, "W_l": W_l, "b_l": b_l, "W_r": W_r,
            "b_r": b_r, "att": att, "gat_bias": gat_bias, "W_cls": W_cls,
            "b_cls": b_cls}


def reference(x, edge_index, W_in, b_in, prototypes, W_l, b_l, W_r, b_r, att, gat_bias, W_cls, b_cls):
    # lin_in + relu (dropout is identity in eval mode)
    h = jax.nn.relu(x @ W_in + b_in)
    # semantic context: cosine similarity to prototypes
    h_norm = h / (jnp.linalg.norm(h, axis=1, keepdims=True) + 1e-12)
    p_norm = prototypes / (jnp.linalg.norm(prototypes, axis=1, keepdims=True) + 1e-12)
    semantic_scores = h_norm @ p_norm.T
    h_aug = jnp.concatenate([h, semantic_scores], axis=1)
    # GATv2Conv(heads=HEADS, concat=False) with self-loops (PyG default)
    loop = jnp.arange(N, dtype=edge_index.dtype)
    src = jnp.concatenate([edge_index[0], loop])
    dst = jnp.concatenate([edge_index[1], loop])
    x_l = (h_aug @ W_l + b_l).reshape(N, HEADS, HID)
    x_r = (h_aug @ W_r + b_r).reshape(N, HEADS, HID)
    xj = x_l[src]  # source messages
    xi = x_r[dst]  # target
    e = jax.nn.leaky_relu(xi + xj, negative_slope=0.2)
    alpha = jnp.einsum('ehc,hc->eh', e, att)
    amax = jax.ops.segment_max(alpha, dst, num_segments=N)
    amax = jnp.where(jnp.isfinite(amax), amax, 0.0)
    alpha = jnp.exp(alpha - amax[dst])
    denom = jax.ops.segment_sum(alpha, dst, num_segments=N)
    alpha = alpha / (denom[dst] + 1e-16)
    out = jax.ops.segment_sum(xj * alpha[:, :, None], dst, num_segments=N)
    out = out.mean(axis=1) + gat_bias  # concat=False -> average heads
    out = jax.nn.relu(out)
    return out @ W_cls + b_cls

if __name__ == "__main__":
    import jax
    _d = setup_inputs()
    print(jax.jit(kernel)(*tuple(_d.values())))

</pallas_src>

<mosaic_0001>
#map = affine_map<(d0, d1) -> (0)>
#map1 = affine_map<(d0, d1) -> (0, 0)>
#map2 = affine_map<(d0, d1) -> (0, 0, 0)>
module attributes {stable_mosaic.version = 14 : i64} {
  func.func @_sc_fused_body(%arg0: i32, %arg1: i32, %arg2: memref<172032xi32, #tpu.memory_space<hbm>>, %arg3: memref<172032xi32, #tpu.memory_space<hbm>>, %arg4: memref<10240x128xf32, #tpu.memory_space<hbm>>, %arg5: memref<10240x128xf32, #tpu.memory_space<hbm>>, %arg6: memref<10240x128xf32, #tpu.memory_space<hbm>>, %arg7: memref<10240x128xf32, #tpu.memory_space<hbm>>, %arg8: memref<10240x128xf32, #tpu.memory_space<hbm>>, %arg9: memref<10240x128xf32, #tpu.memory_space<hbm>>, %arg10: memref<10240x128xf32, #tpu.memory_space<hbm>>, %arg11: memref<10240x128xf32, #tpu.memory_space<hbm>>, %arg12: memref<8192xf32, #tpu.memory_space<hbm>>, %arg13: memref<8x10240x128xf32, #tpu.memory_space<hbm>>, %arg14: memref<2x10240x16xf32, #tpu.memory_space<hbm>>, %arg15: memref<64xi32, #tpu.memory_space<vmem>>, %arg16: memref<64xi32, #tpu.memory_space<vmem>>, %arg17: memref<64x128xf32, #tpu.memory_space<vmem>>, %arg18: memref<64x128xf32, #tpu.memory_space<vmem>>, %arg19: memref<64x16xf32, #tpu.memory_space<vmem>>, %arg20: memref<64x128xf32, #tpu.memory_space<vmem>>, %arg21: memref<16x128xf32, #tpu.memory_space<vmem>>, %arg22: memref<32x16xf32, #tpu.memory_space<vmem>>, %arg23: memref<2048xf32, #tpu.memory_space<vmem>>, %arg24: memref<10240x128xf32, #tpu.memory_space<vmem_shared>>, %arg25: memref<10240x16xf32, #tpu.memory_space<vmem_shared>>, %arg26: memref<!tpu.dma_semaphore, #tpu.memory_space<semaphore_mem>>, %arg27: memref<!tpu.dma_semaphore, #tpu.memory_space<semaphore_mem>>, %arg28: memref<!tpu.dma_semaphore, #tpu.memory_space<semaphore_mem>>, %arg29: memref<!tpu.dma_semaphore, #tpu.memory_space<semaphore_mem>>) attributes {dimension_semantics = [#tpu.dimension_semantics<core_parallel>, #tpu.dimension_semantics<subcore_parallel>], iteration_bounds = array<i64: 2, 16>, scalar_prefetch = 0 : i64, scratch_operands = 15 : i64, tpu.core_type = #tpu.core_type<sc_vector_subcore>, window_params = [{transform_indices = #map}, {transform_indices = #map}, {transform_indices = #map1}, {transform_indices = #map1}, {transform_indices = #map1}, {transform_indices = #map1}, {transform_indices = #map1}, {transform_indices = #map1}, {transform_indices = #map1}, {transform_indices = #map1}, {transform_indices = #map}, {transform_indices = #map2}, {transform_indices = #map2}]} {
    %mul3A = arith.constant 16 : i32
    %mul3A_0 = arith.muli %arg0, %mul3A : i32
    %add3A = arith.addi %mul3A_0, %arg1 : i32
    %broadcast_in_dim3A = arith.constant 0.000000e+00 : f32
    %broadcast_in_dim3A_1 = vector.broadcast %broadcast_in_dim3A : f32 to vector<16xf32>
    %scan3A = arith.constant 0 : i32
    %scan3A_2 = arith.constant 16 : i32
    %scan3A_3 = arith.addi %scan3A, %scan3A_2 : i32
    %scan3A_4 = arith.constant 1 : i32
    scf.for %scan3A_143 = %scan3A to %scan3A_3 step %scan3A_4  : i32 {
      %mul3A_144 = arith.constant 1 : i32
      %mul3A_145 = arith.muli %scan3A_143, %mul3A_144 : i32
      %add3A_146 = arith.constant 0 : i32
      %add3A_147 = arith.addi %add3A_146, %mul3A_145 : i32
      %swap3A = arith.index_cast %add3A_147 : i32 to index
      %swap3A_148 = arith.constant 0 : index
      %swap3A_149 = tpu.vector_load %arg21[%swap3A, %swap3A_148] {strides = array<i32>} : memref<16x128xf32, #tpu.memory_space<vmem>>, vector<16xf32>,
      tpu.vector_store %arg21[%swap3A, %swap3A_148], %broadcast_in_dim3A_1 {strides = array<i32>} : memref<16x128xf32, #tpu.memory_space<vmem>>, vector<16xf32>,
      %swap3A_150 = arith.index_cast %add3A_147 : i32 to index
      %swap3A_151 = arith.constant 16 : index
      %swap3A_152 = tpu.vector_load %arg21[%swap3A_150, %swap3A_151] {strides = array<i32>} : memref<16x128xf32, #tpu.memory_space<vmem>>, vector<16xf32>,
      tpu.vector_store %arg21[%swap3A_150, %swap3A_151], %broadcast_in_dim3A_1 {strides = array<i32>} : memref<16x128xf32, #tpu.memory_space<vmem>>, vector<16xf32>,
      %swap3A_153 = arith.index_cast %add3A_147 : i32 to index
      %swap3A_154 = arith.constant 32 : index
      %swap3A_155 = tpu.vector_load %arg21[%swap3A_153, %swap3A_154] {strides = array<i32>} : memref<16x128xf32, #tpu.memory_space<vmem>>, vector<16xf32>,
      tpu.vector_store %arg21[%swap3A_153, %swap3A_154], %broadcast_in_dim3A_1 {strides = array<i32>} : memref<16x128xf32, #tpu.memory_space<vmem>>, vector<16xf32>,
      %swap3A_156 = arith.index_cast %add3A_147 : i32 to index
      %swap3A_157 = arith.constant 48 : index
      %swap3A_158 = tpu.vector_load %arg21[%swap3A_156, %swap3A_157] {strides = array<i32>} : memref<16x128xf32, #tpu.memory_space<vmem>>, vector<16xf32>,
      tpu.vector_store %arg21[%swap3A_156, %swap3A_157], %broadcast_in_dim3A_1 {strides = array<i32>} : memref<16x128xf32, #tpu.memory_space<vmem>>, vector<16xf32>,
      %swap3A_159 = arith.index_cast %add3A_147 : i32 to index
      %swap3A_160 = arith.constant 64 : index
      %swap3A_161 = tpu.vector_load %arg21[%swap3A_159, %swap3A_160] {strides = array<i32>} : memref<16x128xf32, #tpu.memory_space<vmem>>, vector<16xf32>,
      tpu.vector_store %arg21[%swap3A_159, %swap3A_160], %broadcast_in_dim3A_1 {strides = array<i32>} : memref<16x128xf32, #tpu.memory_space<vmem>>, vector<16xf32>,
      %swap3A_162 = arith.index_cast %add3A_147 : i32 to index
      %swap3A_163 = arith.constant 80 : index
      %swap3A_164 = tpu.vector_load %arg21[%swap3A_162, %swap3A_163] {strides = array<i32>} : memref<16x128xf32, #tpu.memory_space<vmem>>, vector<16xf32>,
      tpu.vector_store %arg21[%swap3A_162, %swap3A_163], %broadcast_in_dim3A_1 {strides = array<i32>} : memref<16x128xf32, #tpu.memory_space<vmem>>, vector<16xf32>,
      %swap3A_165 = arith.index_cast %add3A_147 : i32 to index
      %swap3A_166 = arith.constant 96 : index
      %swap3A_167 = tpu.vector_load %arg21[%swap3A_165, %swap3A_166] {strides = array<i32>} : memref<16x128xf32, #tpu.memory_space<vmem>>, vector<16xf32>,
      tpu.vector_store %arg21[%swap3A_165, %swap3A_166], %broadcast_in_dim3A_1 {strides = array<i32>} : memref<16x128xf32, #tpu.memory_space<vmem>>, vector<16xf32>,
      %swap3A_168 = arith.index_cast %add3A_147 : i32 to index
      %swap3A_169 = arith.constant 112 : index
      %swap3A_170 = tpu.vector_load %arg21[%swap3A_168, %swap3A_169] {strides = array<i32>} : memref<16x128xf32, #tpu.memory_space<vmem>>, vector<16xf32>,
      tpu.vector_store %arg21[%swap3A_168, %swap3A_169], %broadcast_in_dim3A_1 {strides = array<i32>} : memref<16x128xf32, #tpu.memory_space<vmem>>, vector<16xf32>,
    }
    %scan3A_5 = arith.constant 16 : i32
    %scan3A_6 = arith.constant 0 : i32
    %scan3A_7 = arith.constant 32 : i32
    %scan3A_8 = arith.addi %scan3A_6, %scan3A_7 : i32
    %scan3A_9 = arith.constant 1 : i32
    scf.for %scan3A_143 = %scan3A_6 to %scan3A_8 step %scan3A_9  : i32 {
      %mul3A_144 = arith.constant 1 : i32
      %mul3A_145 = arith.muli %scan3A_143, %mul3A_144 : i32
      %add3A_146 = arith.constant 0 : i32
      %add3A_147 = arith.addi %add3A_146, %mul3A_145 : i32
      %swap3A = arith.index_cast %add3A_147 : i32 to index
      %swap3A_148 = arith.constant 0 : index
      %swap3A_149 = tpu.vector_load %arg22[%swap3A, %swap3A_148] {strides = array<i32>} : memref<32x16xf32, #tpu.memory_space<vmem>>, vector<16xf32>,
      tpu.vector_store %arg22[%swap3A, %swap3A_148], %broadcast_in_dim3A_1 {strides = array<i32>} : memref<32x16xf32, #tpu.memory_space<vmem>>, vector<16xf32>,
    }
    %scan3A_10 = arith.constant 32 : i32
    %scan3A_11 = arith.constant 0 : i32
    %scan3A_12 = arith.constant 20 : i32
    %scan3A_13 = arith.addi %scan3A_11, %scan3A_12 : i32
    %scan3A_14 = arith.constant 1 : i32
    scf.for %scan3A_143 = %scan3A_11 to %scan3A_13 step %scan3A_14  : i32 {
      %mul3A_144 = arith.constant 1 : i32
      %mul3A_145 = arith.muli %scan3A_143, %mul3A_144 : i32
      %add3A_146 = arith.constant 0 : i32
      %add3A_147 = arith.addi %add3A_146, %mul3A_145 : i32
      %mul3A_148 = arith.constant 640 : i32
      %mul3A_149 = arith.muli %arg1, %mul3A_148 : i32
      %mul3A_150 = arith.constant 32 : i32
      %mul3A_151 = arith.muli %add3A_147, %mul3A_150 : i32
      %add3A_152 = arith.addi %mul3A_149, %mul3A_151 : i32
      "tpu.region"() ({
        %run_scoped3A = tpu.sem_alloc : memref<!tpu.dma_semaphore, #tpu.memory_space<semaphore_mem>>
        %dma_start3A = arith.constant 0 : i32
        %dma_start3A_153 = tpu.memref_slice %arg25[%add3A_152, %dma_start3A] : memref<10240x16xf32, #tpu.memory_space<vmem_shared>> -> memref<32x16xf32, #tpu.memory_space<vmem_shared>>
        %dma_start3A_154 = arith.constant 0 : i32
        %dma_start3A_155 = tpu.memref_slice %arg25[%add3A_152, %dma_start3A_154] : memref<10240x16xf32, #tpu.memory_space<vmem_shared>> -> memref<32x16xf32, #tpu.memory_space<vmem_shared>>
        tpu.enqueue_dma source(%arg22 : memref<32x16xf32, #tpu.memory_space<vmem>>) target(%dma_start3A_155 : memref<32x16xf32, #tpu.memory_space<vmem_shared>>) target_semaphore(%run_scoped3A : memref<!tpu.dma_semaphore, #tpu.memory_space<semaphore_mem>>)
        %dma_wait3A = arith.constant 0 : i32
        %dma_wait3A_156 = tpu.memref_slice %arg25[%add3A_152, %dma_wait3A] : memref<10240x16xf32, #tpu.memory_space<vmem_shared>> -> memref<32x16xf32, #tpu.memory_space<vmem_shared>>
        %dma_wait3A_157 = arith.constant 0 : i32
        %dma_wait3A_158 = tpu.memref_slice %arg25[%add3A_152, %dma_wait3A_157] : memref<10240x16xf32, #tpu.memory_space<vmem_shared>> -> memref<32x16xf32, #tpu.memory_space<vmem_shared>>
        tpu.wait_dma2 semaphore(%run_scoped3A : memref<!tpu.dma_semaphore, #tpu.memory_space<semaphore_mem>>) src(%arg22 : memref<32x16xf32, #tpu.memory_space<vmem>>) dst(%dma_wait3A_158 : memref<32x16xf32, #tpu.memory_space<vmem_shared>>)
        tpu.yield
      }) : () -> ()
    }
    %scan3A_15 = arith.constant 20 : i32
    %iota3A = tpu.iota {dimensions = array<i32: 0>} : vector<16xi32>
    %add3A_16 = arith.constant 0 : i32
    %add3A_17 = vector.broadcast %add3A_16 : i32 to vector<16xi32>
    %add3A_18 = arith.addi %iota3A, %add3A_17 : vector<16xi32>
    %add3A_19 = arith.constant 16 : i32
    %add3A_20 = vector.broadcast %add3A_19 : i32 to vector<16xi32>
    %add3A_21 = arith.addi %iota3A, %add3A_20 : vector<16xi32>
    %add3A_22 = arith.constant 32 : i32
    %add3A_23 = vector.broadcast %add3A_22 : i32 to vector<16xi32>
    %add3A_24 = arith.addi %iota3A, %add3A_23 : vector<16xi32>
    %add3A_25 = arith.constant 48 : i32
    %add3A_26 = vector.broadcast %add3A_25 : i32 to vector<16xi32>
    %add3A_27 = arith.addi %iota3A, %add3A_26 : vector<16xi32>
    "tpu.region"() ({
      %run_scoped3A = tpu.sem_alloc : memref<!tpu.dma_semaphore, #tpu.memory_space<semaphore_mem>>
      %dma_start3A = arith.constant 0 : i32
      %dma_start3A_143 = tpu.memref_slice %arg12[%dma_start3A] : memref<8192xf32, #tpu.memory_space<hbm>> -> memref<2048xf32, #tpu.memory_space<hbm>>
      %dma_start3A_144 = arith.constant 0 : i32
      %dma_start3A_145 = tpu.memref_slice %arg12[%dma_start3A_144] : memref<8192xf32, #tpu.memory_space<hbm>> -> memref<2048xf32, #tpu.memory_space<hbm>>
      tpu.enqueue_dma source(%dma_start3A_145 : memref<2048xf32, #tpu.memory_space<hbm>>) target(%arg23 : memref<2048xf32, #tpu.memory_space<vmem>>) target_semaphore(%run_scoped3A : memref<!tpu.dma_semaphore, #tpu.memory_space<semaphore_mem>>)
      %dma_wait3A = arith.constant 0 : i32
      %dma_wait3A_146 = tpu.memref_slice %arg12[%dma_wait3A] : memref<8192xf32, #tpu.memory_space<hbm>> -> memref<2048xf32, #tpu.memory_space<hbm>>
      %dma_wait3A_147 = arith.constant 0 : i32
      %dma_wait3A_148 = tpu.memref_slice %arg12[%dma_wait3A_147] : memref<8192xf32, #tpu.memory_space<hbm>> -> memref<2048xf32, #tpu.memory_space<hbm>>
      tpu.wait_dma2 semaphore(%run_scoped3A : memref<!tpu.dma_semaphore, #tpu.memory_space<semaphore_mem>>) src(%dma_wait3A_148 : memref<2048xf32, #tpu.memory_space<hbm>>) dst(%arg23 : memref<2048xf32, #tpu.memory_space<vmem>>)
      tpu.yield
    }) : () -> ()
    %scan3A_28 = arith.constant 0 : i32
    %scan3A_29 = arith.constant 40 : i32
    %scan3A_30 = arith.addi %scan3A_28, %scan3A_29 : i32
    %scan3A_31 = arith.constant 1 : i32
    scf.for %scan3A_143 = %scan3A_28 to %scan3A_30 step %scan3A_31  : i32 {
      %mul3A_144 = arith.constant 1 : i32
      %mul3A_145 = arith.muli %scan3A_143, %mul3A_144 : i32
      %add3A_146 = arith.constant 0 : i32
      %add3A_147 = arith.addi %add3A_146, %mul3A_145 : i32
      %mul3A_148 = arith.constant 640 : i32
      %mul3A_149 = arith.muli %arg1, %mul3A_148 : i32
      %mul3A_150 = arith.constant 16 : i32
      %mul3A_151 = arith.muli %add3A_147, %mul3A_150 : i32
      %add3A_152 = arith.addi %mul3A_149, %mul3A_151 : i32
      "tpu.region"() ({
        %run_scoped3A = tpu.sem_alloc : memref<!tpu.dma_semaphore, #tpu.memory_space<semaphore_mem>>
        %dma_start3A = arith.constant 0 : i32
        %dma_start3A_153 = tpu.memref_slice %arg24[%add3A_152, %dma_start3A] : memref<10240x128xf32, #tpu.memory_space<vmem_shared>> -> memref<16x128xf32, #tpu.memory_space<vmem_shared>>
        %dma_start3A_154 = arith.constant 0 : i32
        %dma_start3A_155 = tpu.memref_slice %arg24[%add3A_152, %dma_start3A_154] : memref<10240x128xf32, #tpu.memory_space<vmem_shared>> -> memref<16x128xf32, #tpu.memory_space<vmem_shared>>
        tpu.enqueue_dma source(%arg21 : memref<16x128xf32, #tpu.memory_space<vmem>>) target(%dma_start3A_155 : memref<16x128xf32, #tpu.memory_space<vmem_shared>>) target_semaphore(%run_scoped3A : memref<!tpu.dma_semaphore, #tpu.memory_space<semaphore_mem>>)
        %dma_wait3A = arith.constant 0 : i32
        %dma_wait3A_156 = tpu.memref_slice %arg24[%add3A_152, %dma_wait3A] : memref<10240x128xf32, #tpu.memory_space<vmem_shared>> -> memref<16x128xf32, #tpu.memory_space<vmem_shared>>
        %dma_wait3A_157 = arith.constant 0 : i32
        %dma_wait3A_158 = tpu.memref_slice %arg24[%add3A_152, %dma_wait3A_157] : memref<10240x128xf32, #tpu.memory_space<vmem_shared>> -> memref<16x128xf32, #tpu.memory_space<vmem_shared>>
        tpu.wait_dma2 semaphore(%run_scoped3A : memref<!tpu.dma_semaphore, #tpu.memory_space<semaphore_mem>>) src(%arg21 : memref<16x128xf32, #tpu.memory_space<vmem>>) dst(%dma_wait3A_158 : memref<16x128xf32, #tpu.memory_space<vmem_shared>>)
        tpu.yield
      }) : () -> ()
    }
    %scan3A_32 = arith.constant 40 : i32
    %scan3A_33 = arith.constant 0 : i32
    %scan3A_34 = arith.constant 64 : i32
    %scan3A_35 = arith.addi %scan3A_33, %scan3A_34 : i32
    %scan3A_36 = arith.constant 1 : i32
    scf.for %scan3A_143 = %scan3A_33 to %scan3A_35 step %scan3A_36  : i32 {
      %mul3A_144 = arith.constant 1 : i32
      %mul3A_145 = arith.muli %scan3A_143, %mul3A_144 : i32
      %add3A_146 = arith.constant 0 : i32
      %add3A_147 = arith.addi %add3A_146, %mul3A_145 : i32
      %swap3A = arith.index_cast %add3A_147 : i32 to index
      %swap3A_148 = arith.constant 0 : index
      %swap3A_149 = tpu.vector_load %arg19[%swap3A, %swap3A_148] {strides = array<i32>} : memref<64x16xf32, #tpu.memory_space<vmem>>, vector<16xf32>,
      tpu.vector_store %arg19[%swap3A, %swap3A_148], %broadcast_in_dim3A_1 {strides = array<i32>} : memref<64x16xf32, #tpu.memory_space<vmem>>, vector<16xf32>,
    }
    %scan3A_37 = arith.constant 64 : i32
    %barrier3A = arith.constant 0 : index
    tpu.barrier barrier_id(%barrier3A)
    %broadcast_in_dim3A_38 = arith.constant 0 : i32
    %broadcast_in_dim3A_39 = vector.broadcast %broadcast_in_dim3A_38 : i32 to vector<16xi32>
    %scan3A_40 = arith.constant 0 : i32
    %scan3A_41 = arith.constant 84 : i32
    %scan3A_42 = arith.addi %scan3A_40, %scan3A_41 : i32
    %scan3A_43 = arith.constant 1 : i32
    scf.for %scan3A_143 = %scan3A_40 to %scan3A_42 step %scan3A_43  : i32 {
      %mul3A_144 = arith.constant 1 : i32
      %mul3A_145 = arith.muli %scan3A_143, %mul3A_144 : i32
      %add3A_146 = arith.constant 0 : i32
      %add3A_147 = arith.addi %add3A_146, %mul3A_145 : i32
      %mul3A_148 = arith.constant 5376 : i32
      %mul3A_149 = arith.muli %add3A, %mul3A_148 : i32
      %mul3A_150 = arith.constant 64 : i32
      %mul3A_151 = arith.muli %add3A_147, %mul3A_150 : i32
      %add3A_152 = arith.addi %mul3A_149, %mul3A_151 : i32
      "tpu.region"() ({
        %run_scoped3A = tpu.sem_alloc : memref<!tpu.dma_semaphore, #tpu.memory_space<semaphore_mem>>
        %dma_start3A_261 = tpu.memref_slice %arg2[%add3A_152] : memref<172032xi32, #tpu.memory_space<hbm>> -> memref<64xi32, #tpu.memory_space<hbm>>
        %dma_start3A_262 = tpu.memref_slice %arg2[%add3A_152] : memref<172032xi32, #tpu.memory_space<hbm>> -> memref<64xi32, #tpu.memory_space<hbm>>
        tpu.enqueue_dma source(%dma_start3A_262 : memref<64xi32, #tpu.memory_space<hbm>>) target(%arg15 : memref<64xi32, #tpu.memory_space<vmem>>) target_semaphore(%run_scoped3A : memref<!tpu.dma_semaphore, #tpu.memory_space<semaphore_mem>>)
        %dma_wait3A_263 = tpu.memref_slice %arg2[%add3A_152] : memref<172032xi32, #tpu.memory_space<hbm>> -> memref<64xi32, #tpu.memory_space<hbm>>
        %dma_wait3A_264 = tpu.memref_slice %arg2[%add3A_152] : memref<172032xi32, #tpu.memory_space<hbm>> -> memref<64xi32, #tpu.memory_space<hbm>>
        tpu.wait_dma2 semaphore(%run_scoped3A : memref<!tpu.dma_semaphore, #tpu.memory_space<semaphore_mem>>) src(%dma_wait3A_264 : memref<64xi32, #tpu.memory_space<hbm>>) dst(%arg15 : memref<64xi32, #tpu.memory_space<vmem>>)
        tpu.yield
      }) : () -> ()
      "tpu.region"() ({
        %run_scoped3A = tpu.sem_alloc : memref<!tpu.dma_semaphore, #tpu.memory_space<semaphore_mem>>
        %dma_start3A_261 = tpu.memref_slice %arg3[%add3A_152] : memref<172032xi32, #tpu.memory_space<hbm>> -> memref<64xi32, #tpu.memory_space<hbm>>
        %dma_start3A_262 = tpu.memref_slice %arg3[%add3A_152] : memref<172032xi32, #tpu.memory_space<hbm>> -> memref<64xi32, #tpu.memory_space<hbm>>
        tpu.enqueue_dma source(%dma_start3A_262 : memref<64xi32, #tpu.memory_space<hbm>>) target(%arg16 : memref<64xi32, #tpu.memory_space<vmem>>) target_semaphore(%run_scoped3A : memref<!tpu.dma_semaphore, #tpu.memory_space<semaphore_mem>>)
        %dma_wait3A_263 = tpu.memref_slice %arg3[%add3A_152] : memref<172032xi32, #tpu.memory_space<hbm>> -> memref<64xi32, #tpu.memory_space<hbm>>
        %dma_wait3A_264 = tpu.memref_slice %arg3[%add3A_152] : memref<172032xi32, #tpu.memory_space<hbm>> -> memref<64xi32, #tpu.memory_space<hbm>>
        tpu.wait_dma2 semaphore(%run_scoped3A : memref<!tpu.dma_semaphore, #tpu.memory_space<semaphore_mem>>) src(%dma_wait3A_264 : memref<64xi32, #tpu.memory_space<hbm>>) dst(%arg16 : memref<64xi32, #tpu.memory_space<vmem>>)
        tpu.yield
      }) : () -> ()
      %dma_start3A = arith.constant 0 : i32
      %dma_start3A_153 = arith.constant 0 : i32
      %dma_start3A_154 = tpu.memref_slice %arg4[%dma_start3A, %dma_start3A_153] : memref<10240x128xf32, #tpu.memory_space<hbm>> -> memref<10240x128xf32, #tpu.memory_space<hbm>>
      tpu.enqueue_indirect_dma source(%dma_start3A_154 : memref<10240x128xf32, #tpu.memory_space<hbm>>) target(%arg17 : memref<64x128xf32, #tpu.memory_space<vmem>>) offsets(%arg15 : memref<64xi32, #tpu.memory_space<vmem>>) semaphore(%arg26 : memref<!tpu.dma_semaphore, #tpu.memory_space<semaphore_mem>>)
      %dma_start3A_155 = arith.constant 0 : i32
      %dma_start3A_156 = arith.constant 0 : i32
      %dma_start3A_157 = tpu.memref_slice %arg8[%dma_start3A_155, %dma_start3A_156] : memref<10240x128xf32, #tpu.memory_space<hbm>> -> memref<10240x128xf32, #tpu.memory_space<hbm>>
      tpu.enqueue_indirect_dma source(%dma_start3A_157 : memref<10240x128xf32, #tpu.memory_space<hbm>>) target(%arg18 : memref<64x128xf32, #tpu.memory_space<vmem>>) offsets(%arg16 : memref<64xi32, #tpu.memory_space<vmem>>) semaphore(%arg27 : memref<!tpu.dma_semaphore, #tpu.memory_space<semaphore_mem>>)
      %dma_wait3A = arith.constant 0 : i32
      %dma_wait3A_158 = arith.constant 0 : i32
      %dma_wait3A_159 = tpu.memref_slice %arg4[%dma_wait3A, %dma_wait3A_158] : memref<10240x128xf32, #tpu.memory_space<hbm>> -> memref<10240x128xf32, #tpu.memory_space<hbm>>
      tpu.wait_indirect_dma semaphore(%arg26 : memref<!tpu.dma_semaphore, #tpu.memory_space<semaphore_mem>>) src(%dma_wait3A_159 : memref<10240x128xf32, #tpu.memory_space<hbm>>) dst(%arg17 : memref<64x128xf32, #tpu.memory_space<vmem>>)
      %dma_wait3A_160 = arith.constant 0 : i32
      %dma_wait3A_161 = arith.constant 0 : i32
      %dma_wait3A_162 = tpu.memref_slice %arg8[%dma_wait3A_160, %dma_wait3A_161] : memref<10240x128xf32, #tpu.memory_space<hbm>> -> memref<10240x128xf32, #tpu.memory_space<hbm>>
      tpu.wait_indirect_dma semaphore(%arg27 : memref<!tpu.dma_semaphore, #tpu.memory_space<semaphore_mem>>) src(%dma_wait3A_162 : memref<10240x128xf32, #tpu.memory_space<hbm>>) dst(%arg18 : memref<64x128xf32, #tpu.memory_space<vmem>>)
      %broadcast_in_dim3A_163 = arith.constant 0.000000e+00 : f32
      %broadcast_in_dim3A_164 = vector.broadcast %broadcast_in_dim3A_163 : f32 to vector<16xf32>
      %broadcast_in_dim3A_165 = arith.constant 0.000000e+00 : f32
      %broadcast_in_dim3A_166 = vector.broadcast %broadcast_in_dim3A_165 : f32 to vector<16xf32>
      %broadcast_in_dim3A_167 = arith.constant 0.000000e+00 : f32
      %broadcast_in_dim3A_168 = vector.broadcast %broadcast_in_dim3A_167 : f32 to vector<16xf32>
      %broadcast_in_dim3A_169 = arith.constant 0.000000e+00 : f32
      %broadcast_in_dim3A_170 = vector.broadcast %broadcast_in_dim3A_169 : f32 to vector<16xf32>
      %scan3A_171 = arith.constant 0 : i32
      %scan3A_172 = arith.constant 128 : i32
      %scan3A_173 = arith.addi %scan3A_171, %scan3A_172 : i32
      %scan3A_174 = arith.constant 2 : i32
      %scan3A_175:4 = scf.for %scan3A_261 = %scan3A_171 to %scan3A_173 step %scan3A_174 iter_args(%scan3A_262 = %broadcast_in_dim3A_164, %scan3A_263 = %broadcast_in_dim3A_166, %scan3A_264 = %broadcast_in_dim3A_168, %scan3A_265 = %broadcast_in_dim3A_170) -> (vector<16xf32>, vector<16xf32>, vector<16xf32>, vector<16xf32>)  : i32 {
        %mul3A_266 = arith.constant 1 : i32
        %mul3A_267 = arith.muli %scan3A_261, %mul3A_266 : i32
        %add3A_268 = arith.constant 0 : i32
        %add3A_269 = arith.addi %add3A_268, %mul3A_267 : i32
        %mul3A_270 = arith.constant 16 : i32
        %mul3A_271 = arith.muli %add3A_269, %mul3A_270 : i32
        %get3A_272 = arith.index_cast %mul3A_271 : i32 to index
        %get3A_273 = tpu.vector_load %arg23[%get3A_272] {strides = array<i32>} : memref<2048xf32, #tpu.memory_space<vmem>>, vector<16xf32>,
        %add3A_274 = vector.broadcast %add3A_269 : i32 to vector<16xi32>
        %add3A_275 = arith.addi %iota3A, %add3A_274 : vector<16xi32>
        %and3A = arith.constant 127 : i32
        %and3A_276 = vector.broadcast %and3A : i32 to vector<16xi32>
        %and3A_277 = arith.andi %add3A_275, %and3A_276 : vector<16xi32>
        %gather3A = tpu.vector_load_idx %arg17[%add3A_18, %and3A_277] : memref<64x128xf32, #tpu.memory_space<vmem>>[vector<16xi32>, vector<16xi32>], vector<16xf32>,
        %gather3A_278 = tpu.vector_load_idx %arg18[%add3A_18, %and3A_277] : memref<64x128xf32, #tpu.memory_space<vmem>>[vector<16xi32>, vector<16xi32>], vector<16xf32>,
        %add3A_279 = arith.addf %gather3A, %gather3A_278 : vector<16xf32>
        %mul3A_280 = arith.constant 2.000000e-01 : f32
        %mul3A_281 = vector.broadcast %mul3A_280 : f32 to vector<16xf32>
        %mul3A_282 = arith.mulf %mul3A_281, %add3A_279 : vector<16xf32>
        %max3A = arith.maximumf %add3A_279, %mul3A_282 : vector<16xf32>
        %mul3A_283 = arith.mulf %get3A_273, %max3A : vector<16xf32>
        %add3A_284 = arith.addf %scan3A_262, %mul3A_283 : vector<16xf32>
        %gather3A_285 = tpu.vector_load_idx %arg17[%add3A_21, %and3A_277] : memref<64x128xf32, #tpu.memory_space<vmem>>[vector<16xi32>, vector<16xi32>], vector<16xf32>,
        %gather3A_286 = tpu.vector_load_idx %arg18[%add3A_21, %and3A_277] : memref<64x128xf32, #tpu.memory_space<vmem>>[vector<16xi32>, vector<16xi32>], vector<16xf32>,
        %add3A_287 = arith.addf %gather3A_285, %gather3A_286 : vector<16xf32>
        %mul3A_288 = arith.constant 2.000000e-01 : f32
        %mul3A_289 = vector.broadcast %mul3A_288 : f32 to vector<16xf32>
        %mul3A_290 = arith.mulf %mul3A_289, %add3A_287 : vector<16xf32>
        %max3A_291 = arith.maximumf %add3A_287, %mul3A_290 : vector<16xf32>
        %mul3A_292 = arith.mulf %get3A_273, %max3A_291 : vector<16xf32>
        %add3A_293 = arith.addf %scan3A_263, %mul3A_292 : vector<16xf32>
        %gather3A_294 = tpu.vector_load_idx %arg17[%add3A_24, %and3A_277] : memref<64x128xf32, #tpu.memory_space<vmem>>[vector<16xi32>, vector<16xi32>], vector<16xf32>,
        %gather3A_295 = tpu.vector_load_idx %arg18[%add3A_24, %and3A_277] : memref<64x128xf32, #tpu.memory_space<vmem>>[vector<16xi32>, vector<16xi32>], vector<16xf32>,
        %add3A_296 = arith.addf %gather3A_294, %gather3A_295 : vector<16xf32>
        %mul3A_297 = arith.constant 2.000000e-01 : f32
        %mul3A_298 = vector.broadcast %mul3A_297 : f32 to vector<16xf32>
        %mul3A_299 = arith.mulf %mul3A_298, %add3A_296 : vector<16xf32>
        %max3A_300 = arith.maximumf %add3A_296, %mul3A_299 : vector<16xf32>
        %mul3A_301 = arith.mulf %get3A_273, %max3A_300 : vector<16xf32>
        %add3A_302 = arith.addf %scan3A_264, %mul3A_301 : vector<16xf32>
        %gather3A_303 = tpu.vector_load_idx %arg17[%add3A_27, %and3A_277] : memref<64x128xf32, #tpu.memory_space<vmem>>[vector<16xi32>, vector<16xi32>], vector<16xf32>,
        %gather3A_304 = tpu.vector_load_idx %arg18[%add3A_27, %and3A_277] : memref<64x128xf32, #tpu.memory_space<vmem>>[vector<16xi32>, vector<16xi32>], vector<16xf32>,
        %add3A_305 = arith.addf %gather3A_303, %gather3A_304 : vector<16xf32>
        %mul3A_306 = arith.constant 2.000000e-01 : f32
        %mul3A_307 = vector.broadcast %mul3A_306 : f32 to vector<16xf32>
        %mul3A_308 = arith.mulf %mul3A_307, %add3A_305 : vector<16xf32>
        %max3A_309 = arith.maximumf %add3A_305, %mul3A_308 : vector<16xf32>
        %mul3A_310 = arith.mulf %get3A_273, %max3A_309 : vector<16xf32>
        %add3A_311 = arith.addf %scan3A_265, %mul3A_310 : vector<16xf32>
        %scan3A_312 = arith.constant 1 : i32
        %scan3A_313 = arith.addi %scan3A_261, %scan3A_312 : i32
        %mul3A_314 = arith.constant 1 : i32
        %mul3A_315 = arith.muli %scan3A_313, %mul3A_314 : i32
        %add3A_316 = arith.constant 0 : i32
        %add3A_317 = arith.addi %add3A_316, %mul3A_315 : i32
        %mul3A_318 = arith.constant 16 : i32
        %mul3A_319 = arith.muli %add3A_317, %mul3A_318 : i32
        %get3A_320 = arith.index_cast %mul3A_319 : i32 to index
        %get3A_321 = tpu.vector_load %arg23[%get3A_320] {strides = array<i32>} : memref<2048xf32, #tpu.memory_space<vmem>>, vector<16xf32>,
        %add3A_322 = vector.broadcast %add3A_317 : i32 to vector<16xi32>
        %add3A_323 = arith.addi %iota3A, %add3A_322 : vector<16xi32>
        %and3A_324 = arith.constant 127 : i32
        %and3A_325 = vector.broadcast %and3A_324 : i32 to vector<16xi32>
        %and3A_326 = arith.andi %add3A_323, %and3A_325 : vector<16xi32>
        %gather3A_327 = tpu.vector_load_idx %arg17[%add3A_18, %and3A_326] : memref<64x128xf32, #tpu.memory_space<vmem>>[vector<16xi32>, vector<16xi32>], vector<16xf32>,
        %gather3A_328 = tpu.vector_load_idx %arg18[%add3A_18, %and3A_326] : memref<64x128xf32, #tpu.memory_space<vmem>>[vector<16xi32>, vector<16xi32>], vector<16xf32>,
        %add3A_329 = arith.addf %gather3A_327, %gather3A_328 : vector<16xf32>
        %mul3A_330 = arith.constant 2.000000e-01 : f32
        %mul3A_331 = vector.broadcast %mul3A_330 : f32 to vector<16xf32>
        %mul3A_332 = arith.mulf %mul3A_331, %add3A_329 : vector<16xf32>
        %max3A_333 = arith.maximumf %add3A_329, %mul3A_332 : vector<16xf32>
        %mul3A_334 = arith.mulf %get3A_321, %max3A_333 : vector<16xf32>
        %add3A_335 = arith.addf %add3A_284, %mul3A_334 : vector<16xf32>
        %gather3A_336 = tpu.vector_load_idx %arg17[%add3A_21, %and3A_326] : memref<64x128xf32, #tpu.memory_space<vmem>>[vector<16xi32>, vector<16xi32>], vector<16xf32>,
        %gather3A_337 = tpu.vector_load_idx %arg18[%add3A_21, %and3A_326] : memref<64x128xf32, #tpu.memory_space<vmem>>[vector<16xi32>, vector<16xi32>], vector<16xf32>,
        %add3A_338 = arith.addf %gather3A_336, %gather3A_337 : vector<16xf32>
        %mul3A_339 = arith.constant 2.000000e-01 : f32
        %mul3A_340 = vector.broadcast %mul3A_339 : f32 to vector<16xf32>
        %mul3A_341 = arith.mulf %mul3A_340, %add3A_338 : vector<16xf32>
        %max3A_342 = arith.maximumf %add3A_338, %mul3A_341 : vector<16xf32>
        %mul3A_343 = arith.mulf %get3A_321, %max3A_342 : vector<16xf32>
        %add3A_344 = arith.addf %add3A_293, %mul3A_343 : vector<16xf32>
        %gather3A_345 = tpu.vector_load_idx %arg17[%add3A_24, %and3A_326] : memref<64x128xf32, #tpu.memory_space<vmem>>[vector<16xi32>, vector<16xi32>], vector<16xf32>,
        %gather3A_346 = tpu.vector_load_idx %arg18[%add3A_24, %and3A_326] : memref<64x128xf32, #tpu.memory_space<vmem>>[vector<16xi32>, vector<16xi32>], vector<16xf32>,
        %add3A_347 = arith.addf %gather3A_345, %gather3A_346 : vector<16xf32>
        %mul3A_348 = arith.constant 2.000000e-01 : f32
        %mul3A_349 = vector.broadcast %mul3A_348 : f32 to vector<16xf32>
        %mul3A_350 = arith.mulf %mul3A_349, %add3A_347 : vector<16xf32>
        %max3A_351 = arith.maximumf %add3A_347, %mul3A_350 : vector<16xf32>
        %mul3A_352 = arith.mulf %get3A_321, %max3A_351 : vector<16xf32>
        %add3A_353 = arith.addf %add3A_302, %mul3A_352 : vector<16xf32>
        %gather3A_354 = tpu.vector_load_idx %arg17[%add3A_27, %and3A_326] : memref<64x128xf32, #tpu.memory_space<vmem>>[vector<16xi32>, vector<16xi32>], vector<16xf32>,
        %gather3A_355 = tpu.vector_load_idx %arg18[%add3A_27, %and3A_326] : memref<64x128xf32, #tpu.memory_space<vmem>>[vector<16xi32>, vector<16xi32>], vector<16xf32>,
        %add3A_356 = arith.addf %gather3A_354, %gather3A_355 : vector<16xf32>
        %mul3A_357 = arith.constant 2.000000e-01 : f32
        %mul3A_358 = vector.broadcast %mul3A_357 : f32 to vector<16xf32>
        %mul3A_359 = arith.mulf %mul3A_358, %add3A_356 : vector<16xf32>
        %max3A_360 = arith.maximumf %add3A_356, %mul3A_359 : vector<16xf32>
        %mul3A_361 = arith.mulf %get3A_321, %max3A_360 : vector<16xf32>
        %add3A_362 = arith.addf %add3A_311, %mul3A_361 : vector<16xf32>
        scf.yield %add3A_335, %add3A_344, %add3A_353, %add3A_362 : vector<16xf32>, vector<16xf32>, vector<16xf32>, vector<16xf32>
      }
      %scan3A_176 = arith.constant 128 : i32
      %exp3A = math.exp %scan3A_175#0 : vector<16xf32>
      tpu.vector_store_idx %arg19[%add3A_18, %broadcast_in_dim3A_39], %exp3A : memref<64x16xf32, #tpu.memory_space<vmem>>[vector<16xi32>, vector<16xi32>], vector<16xf32>,
      %exp3A_177 = math.exp %scan3A_175#1 : vector<16xf32>
      tpu.vector_store_idx %arg19[%add3A_21, %broadcast_in_dim3A_39], %exp3A_177 : memref<64x16xf32, #tpu.memory_space<vmem>>[vector<16xi32>, vector<16xi32>], vector<16xf32>,
      %exp3A_178 = math.exp %scan3A_175#2 : vector<16xf32>
      tpu.vector_store_idx %arg19[%add3A_24, %broadcast_in_dim3A_39], %exp3A_178 : memref<64x16xf32, #tpu.memory_space<vmem>>[vector<16xi32>, vector<16xi32>], vector<16xf32>,
      %exp3A_179 = math.exp %scan3A_175#3 : vector<16xf32>
      tpu.vector_store_idx %arg19[%add3A_27, %broadcast_in_dim3A_39], %exp3A_179 : memref<64x16xf32, #tpu.memory_space<vmem>>[vector<16xi32>, vector<16xi32>], vector<16xf32>,
      %dma_start3A_180 = arith.constant 0 : i32
      %dma_start3A_181 = arith.constant 0 : i32
      %dma_start3A_182 = tpu.memref_slice %arg25[%dma_start3A_180, %dma_start3A_181] : memref<10240x16xf32, #tpu.memory_space<vmem_shared>> -> memref<10240x16xf32, #tpu.memory_space<vmem_shared>>
      tpu.enqueue_indirect_dma source(%arg19 : memref<64x16xf32, #tpu.memory_space<vmem>>) target(%dma_start3A_182 : memref<10240x16xf32, #tpu.memory_space<vmem_shared>>) offsets(%arg16 : memref<64xi32, #tpu.memory_space<vmem>>) semaphore(%arg28 : memref<!tpu.dma_semaphore, #tpu.memory_space<semaphore_mem>>) {add = true}
      %scan3A_183 = arith.constant 0 : i32
      %scan3A_184 = arith.constant 128 : i32
      %scan3A_185 = arith.addi %scan3A_183, %scan3A_184 : i32
      %scan3A_186 = arith.constant 2 : i32
      scf.for %scan3A_261 = %scan3A_183 to %scan3A_185 step %scan3A_186  : i32 {
        %mul3A_262 = arith.constant 1 : i32
        %mul3A_263 = arith.muli %scan3A_261, %mul3A_262 : i32
        %add3A_264 = arith.constant 0 : i32
        %add3A_265 = arith.addi %add3A_264, %mul3A_263 : i32
        %add3A_266 = vector.broadcast %add3A_265 : i32 to vector<16xi32>
        %add3A_267 = arith.addi %iota3A, %add3A_266 : vector<16xi32>
        %and3A = arith.constant 127 : i32
        %and3A_268 = vector.broadcast %and3A : i32 to vector<16xi32>
        %and3A_269 = arith.andi %add3A_267, %and3A_268 : vector<16xi32>
        %gather3A = tpu.vector_load_idx %arg17[%add3A_18, %and3A_269] : memref<64x128xf32, #tpu.memory_space<vmem>>[vector<16xi32>, vector<16xi32>], vector<16xf32>,
        %mul3A_270 = arith.mulf %exp3A, %gather3A : vector<16xf32>
        tpu.vector_store_idx %arg20[%add3A_18, %and3A_269], %mul3A_270 : memref<64x128xf32, #tpu.memory_space<vmem>>[vector<16xi32>, vector<16xi32>], vector<16xf32>,
        %scan3A_271 = arith.constant 1 : i32
        %scan3A_272 = arith.addi %scan3A_261, %scan3A_271 : i32
        %mul3A_273 = arith.constant 1 : i32
        %mul3A_274 = arith.muli %scan3A_272, %mul3A_273 : i32
        %add3A_275 = arith.constant 0 : i32
        %add3A_276 = arith.addi %add3A_275, %mul3A_274 : i32
        %add3A_277 = vector.broadcast %add3A_276 : i32 to vector<16xi32>
        %add3A_278 = arith.addi %iota3A, %add3A_277 : vector<16xi32>
        %and3A_279 = arith.constant 127 : i32
        %and3A_280 = vector.broadcast %and3A_279 : i32 to vector<16xi32>
        %and3A_281 = arith.andi %add3A_278, %and3A_280 : vector<16xi32>
        %gather3A_282 = tpu.vector_load_idx %arg17[%add3A_18, %and3A_281] : memref<64x128xf32, #tpu.memory_space<vmem>>[vector<16xi32>, vector<16xi32>], vector<16xf32>,
        %mul3A_283 = arith.mulf %exp3A, %gather3A_282 : vector<16xf32>
        tpu.vector_store_idx %arg20[%add3A_18, %and3A_281], %mul3A_283 : memref<64x128xf32, #tpu.memory_space<vmem>>[vector<16xi32>, vector<16xi32>], vector<16xf32>,
      }
      %scan3A_187 = arith.constant 128 : i32
      %get3A = arith.constant 0 : index
      %get3A_188 = tpu.vector_load %arg16[%get3A] {strides = array<i32>} : memref<64xi32, #tpu.memory_space<vmem>>, vector<16xi32>,
      %dma_start3A_189 = arith.constant 0 : i32
      %dma_start3A_190 = arith.constant 0 : i32
      %dma_start3A_191 = tpu.memref_slice %arg20[%dma_start3A_189, %dma_start3A_190] : memref<64x128xf32, #tpu.memory_space<vmem>> -> memref<16x128xf32, #tpu.memory_space<vmem>>
      %dma_start3A_192 = arith.constant 0 : i32
      %dma_start3A_193 = arith.constant 0 : i32
      %dma_start3A_194 = tpu.memref_slice %arg24[%dma_start3A_192, %dma_start3A_193] : memref<10240x128xf32, #tpu.memory_space<vmem_shared>> -> memref<10240x128xf32, #tpu.memory_space<vmem_shared>>
      tpu.enqueue_indirect_dma source(%dma_start3A_191 : memref<16x128xf32, #tpu.memory_space<vmem>>) target(%dma_start3A_194 : memref<10240x128xf32, #tpu.memory_space<vmem_shared>>) offsets(%get3A_188 : vector<16xi32>) semaphore(%arg29 : memref<!tpu.dma_semaphore, #tpu.memory_space<semaphore_mem>>) {add = true}
      %scan3A_195 = arith.constant 0 : i32
      %scan3A_196 = arith.constant 128 : i32
      %scan3A_197 = arith.addi %scan3A_195, %scan3A_196 : i32
      %scan3A_198 = arith.constant 2 : i32
      scf.for %scan3A_261 = %scan3A_195 to %scan3A_197 step %scan3A_198  : i32 {
        %mul3A_262 = arith.constant 1 : i32
        %mul3A_263 = arith.muli %scan3A_261, %mul3A_262 : i32
        %add3A_264 = arith.constant 0 : i32
        %add3A_265 = arith.addi %add3A_264, %mul3A_263 : i32
        %add3A_266 = vector.broadcast %add3A_265 : i32 to vector<16xi32>
        %add3A_267 = arith.addi %iota3A, %add3A_266 : vector<16xi32>
        %and3A = arith.constant 127 : i32
        %and3A_268 = vector.broadcast %and3A : i32 to vector<16xi32>
        %and3A_269 = arith.andi %add3A_267, %and3A_268 : vector<16xi32>
        %gather3A = tpu.vector_load_idx %arg17[%add3A_21, %and3A_269] : memref<64x128xf32, #tpu.memory_space<vmem>>[vector<16xi32>, vector<16xi32>], vector<16xf32>,
        %mul3A_270 = arith.mulf %exp3A_177, %gather3A : vector<16xf32>
        tpu.vector_store_idx %arg20[%add3A_21, %and3A_269], %mul3A_270 : memref<64x128xf32, #tpu.memory_space<vmem>>[vector<16xi32>, vector<16xi32>], vector<16xf32>,
        %scan3A_271 = arith.constant 1 : i32
        %scan3A_272 = arith.addi %scan3A_261, %scan3A_271 : i32
        %mul3A_273 = arith.constant 1 : i32
        %mul3A_274 = arith.muli %scan3A_272, %mul3A_273 : i32
        %add3A_275 = arith.constant 0 : i32
        %add3A_276 = arith.addi %add3A_275, %mul3A_274 : i32
        %add3A_277 = vector.broadcast %add3A_276 : i32 to vector<16xi32>
        %add3A_278 = arith.addi %iota3A, %add3A_277 : vector<16xi32>
        %and3A_279 = arith.constant 127 : i32
        %and3A_280 = vector.broadcast %and3A_279 : i32 to vector<16xi32>
        %and3A_281 = arith.andi %add3A_278, %and3A_280 : vector<16xi32>
        %gather3A_282 = tpu.vector_load_idx %arg17[%add3A_21, %and3A_281] : memref<64x128xf32, #tpu.memory_space<vmem>>[vector<16xi32>, vector<16xi32>], vector<16xf32>,
        %mul3A_283 = arith.mulf %exp3A_177, %gather3A_282 : vector<16xf32>
        tpu.vector_store_idx %arg20[%add3A_21, %and3A_281], %mul3A_283 : memref<64x128xf32, #tpu.memory_space<vmem>>[vector<16xi32>, vector<16xi32>], vector<16xf32>,
      }
      %scan3A_199 = arith.constant 128 : i32
      %get3A_200 = arith.constant 16 : index
      %get3A_201 = tpu.vector_load %arg16[%get3A_200] {strides = array<i32>} : memref<64xi32, #tpu.memory_space<vmem>>, vector<16xi32>,
      %dma_start3A_202 = arith.constant 16 : i32
      %dma_start3A_203 = arith.constant 0 : i32
      %dma_start3A_204 = tpu.memref_slice %arg20[%dma_start3A_202, %dma_start3A_203] : memref<64x128xf32, #tpu.memory_space<vmem>> -> memref<16x128xf32, #tpu.memory_space<vmem>>
      %dma_start3A_205 = arith.constant 0 : i32
      %dma_start3A_206 = arith.constant 0 : i32
      %dma_start3A_207 = tpu.memref_slice %arg24[%dma_start3A_205, %dma_start3A_206] : memref<10240x128xf32, #tpu.memory_space<vmem_shared>> -> memref<10240x128xf32, #tpu.memory_space<vmem_shared>>
      tpu.enqueue_indirect_dma source(%dma_start3A_204 : memref<16x128xf32, #tpu.memory_space<vmem>>) target(%dma_start3A_207 : memref<10240x128xf32, #tpu.memory_space<vmem_shared>>) offsets(%get3A_201 : vector<16xi32>) semaphore(%arg29 : memref<!tpu.dma_semaphore, #tpu.memory_space<semaphore_mem>>) {add = true}
      %scan3A_208 = arith.constant 0 : i32
      %scan3A_209 = arith.constant 128 : i32
      %scan3A_210 = arith.addi %scan3A_208, %scan3A_209 : i32
      %scan3A_211 = arith.constant 2 : i32
      scf.for %scan3A_261 = %scan3A_208 to %scan3A_210 step %scan3A_211  : i32 {
        %mul3A_262 = arith.constant 1 : i32
        %mul3A_263 = arith.muli %scan3A_261, %mul3A_262 : i32
        %add3A_264 = arith.constant 0 : i32
        %add3A_265 = arith.addi %add3A_264, %mul3A_263 : i32
        %add3A_266 = vector.broadcast %add3A_265 : i32 to vector<16xi32>
        %add3A_267 = arith.addi %iota3A, %add3A_266 : vector<16xi32>
        %and3A = arith.constant 127 : i32
        %and3A_268 = vector.broadcast %and3A : i32 to vector<16xi32>
        %and3A_269 = arith.andi %add3A_267, %and3A_268 : vector<16xi32>
        %gather3A = tpu.vector_load_idx %arg17[%add3A_24, %and3A_269] : memref<64x128xf32, #tpu.memory_space<vmem>>[vector<16xi32>, vector<16xi32>], vector<16xf32>,
        %mul3A_270 = arith.mulf %exp3A_178, %gather3A : vector<16xf32>
        tpu.vector_store_idx %arg20[%add3A_24, %and3A_269], %mul3A_270 : memref<64x128xf32, #tpu.memory_space<vmem>>[vector<16xi32>, vector<16xi32>], vector<16xf32>,
        %scan3A_271 = arith.constant 1 : i32
        %scan3A_272 = arith.addi %scan3A_261, %scan3A_271 : i32
        %mul3A_273 = arith.constant 1 : i32
        %mul3A_274 = arith.muli %scan3A_272, %mul3A_273 : i32
        %add3A_275 = arith.constant 0 : i32
        %add3A_276 = arith.addi %add3A_275, %mul3A_274 : i32
        %add3A_277 = vector.broadcast %add3A_276 : i32 to vector<16xi32>
        %add3A_278 = arith.addi %iota3A, %add3A_277 : vector<16xi32>
        %and3A_279 = arith.constant 127 : i32
        %and3A_280 = vector.broadcast %and3A_279 : i32 to vector<16xi32>
        %and3A_281 = arith.andi %add3A_278, %and3A_280 : vector<16xi32>
        %gather3A_282 = tpu.vector_load_idx %arg17[%add3A_24, %and3A_281] : memref<64x128xf32, #tpu.memory_space<vmem>>[vector<16xi32>, vector<16xi32>], vector<16xf32>,
        %mul3A_283 = arith.mulf %exp3A_178, %gather3A_282 : vector<16xf32>
        tpu.vector_store_idx %arg20[%add3A_24, %and3A_281], %mul3A_283 : memref<64x128xf32, #tpu.memory_space<vmem>>[vector<16xi32>, vector<16xi32>], vector<16xf32>,
      }
      %scan3A_212 = arith.constant 128 : i32
      %get3A_213 = arith.constant 32 : index
      %get3A_214 = tpu.vector_load %arg16[%get3A_213] {strides = array<i32>} : memref<64xi32, #tpu.memory_space<vmem>>, vector<16xi32>,
      %dma_start3A_215 = arith.constant 32 : i32
      %dma_start3A_216 = arith.constant 0 : i32
      %dma_start3A_217 = tpu.memref_slice %arg20[%dma_start3A_215, %dma_start3A_216] : memref<64x128xf32, #tpu.memory_space<vmem>> -> memref<16x128xf32, #tpu.memory_space<vmem>>
      %dma_start3A_218 = arith.constant 0 : i32
      %dma_start3A_219 = arith.constant 0 : i32
      %dma_start3A_220 = tpu.memref_slice %arg24[%dma_start3A_218, %dma_start3A_219] : memref<10240x128xf32, #tpu.memory_space<vmem_shared>> -> memref<10240x128xf32, #tpu.memory_space<vmem_shared>>
      tpu.enqueue_indirect_dma source(%dma_start3A_217 : memref<16x128xf32, #tpu.memory_space<vmem>>) target(%dma_start3A_220 : memref<10240x128xf32, #tpu.memory_space<vmem_shared>>) offsets(%get3A_214 : vector<16xi32>) semaphore(%arg29 : memref<!tpu.dma_semaphore, #tpu.memory_space<semaphore_mem>>) {add = true}
      %scan3A_221 = arith.constant 0 : i32
      %scan3A_222 = arith.constant 128 : i32
      %scan3A_223 = arith.addi %scan3A_221, %scan3A_222 : i32
      %scan3A_224 = arith.constant 2 : i32
      scf.for %scan3A_261 = %scan3A_221 to %scan3A_223 step %scan3A_224  : i32 {
        %mul3A_262 = arith.constant 1 : i32
        %mul3A_263 = arith.muli %scan3A_261, %mul3A_262 : i32
        %add3A_264 = arith.constant 0 : i32
        %add3A_265 = arith.addi %add3A_264, %mul3A_263 : i32
        %add3A_266 = vector.broadcast %add3A_265 : i32 to vector<16xi32>
        %add3A_267 = arith.addi %iota3A, %add3A_266 : vector<16xi32>
        %and3A = arith.constant 127 : i32
        %and3A_268 = vector.broadcast %and3A : i32 to vector<16xi32>
        %and3A_269 = arith.andi %add3A_267, %and3A_268 : vector<16xi32>
        %gather3A = tpu.vector_load_idx %arg17[%add3A_27, %and3A_269] : memref<64x128xf32, #tpu.memory_space<vmem>>[vector<16xi32>, vector<16xi32>], vector<16xf32>,
        %mul3A_270 = arith.mulf %exp3A_179, %gather3A : vector<16xf32>
        tpu.vector_store_idx %arg20[%add3A_27, %and3A_269], %mul3A_270 : memref<64x128xf32, #tpu.memory_space<vmem>>[vector<16xi32>, vector<16xi32>], vector<16xf32>,
        %scan3A_271 = arith.constant 1 : i32
        %scan3A_272 = arith.addi %scan3A_261, %scan3A_271 : i32
        %mul3A_273 = arith.constant 1 : i32
        %mul3A_274 = arith.muli %scan3A_272, %mul3A_273 : i32
        %add3A_275 = arith.constant 0 : i32
        %add3A_276 = arith.addi %add3A_275, %mul3A_274 : i32
        %add3A_277 = vector.broadcast %add3A_276 : i32 to vector<16xi32>
        %add3A_278 = arith.addi %iota3A, %add3A_277 : vector<16xi32>
        %and3A_279 = arith.constant 127 : i32
        %and3A_280 = vector.broadcast %and3A_279 : i32 to vector<16xi32>
        %and3A_281 = arith.andi %add3A_278, %and3A_280 : vector<16xi32>
        %gather3A_282 = tpu.vector_load_idx %arg17[%add3A_27, %and3A_281] : memref<64x128xf32, #tpu.memory_space<vmem>>[vector<16xi32>, vector<16xi32>], vector<16xf32>,
        %mul3A_283 = arith.mulf %exp3A_179, %gather3A_282 : vector<16xf32>
        tpu.vector_store_idx %arg20[%add3A_27, %and3A_281], %mul3A_283 : memref<64x128xf32, #tpu.memory_space<vmem>>[vector<16xi32>, vector<16xi32>], vector<16xf32>,
      }
      %scan3A_225 = arith.constant 128 : i32
      %get3A_226 = arith.constant 48 : index
      %get3A_227 = tpu.vector_load %arg16[%get3A_226] {strides = array<i32>} : memref<64xi32, #tpu.memory_space<vmem>>, vector<16xi32>,
      %dma_start3A_228 = arith.constant 48 : i32
      %dma_start3A_229 = arith.constant 0 : i32
      %dma_start3A_230 = tpu.memref_slice %arg20[%dma_start3A_228, %dma_start3A_229] : memref<64x128xf32, #tpu.memory_space<vmem>> -> memref<16x128xf32, #tpu.memory_space<vmem>>
      %dma_start3A_231 = arith.constant 0 : i32
      %dma_start3A_232 = arith.constant 0 : i32
      %dma_start3A_233 = tpu.memref_slice %arg24[%dma_start3A_231, %dma_start3A_232] : memref<10240x128xf32, #tpu.memory_space<vmem_shared>> -> memref<10240x128xf32, #tpu.memory_space<vmem_shared>>
      tpu.enqueue_indirect_dma source(%dma_start3A_230 : memref<16x128xf32, #tpu.memory_space<vmem>>) target(%dma_start3A_233 : memref<10240x128xf32, #tpu.memory_space<vmem_shared>>) offsets(%get3A_227 : vector<16xi32>) semaphore(%arg29 : memref<!tpu.dma_semaphore, #tpu.memory_space<semaphore_mem>>) {add = true}
      %dma_wait3A_234 = arith.constant 0 : i32
      %dma_wait3A_235 = arith.constant 0 : i32
      %dma_wait3A_236 = tpu.memref_slice %arg20[%dma_wait3A_234, %dma_wait3A_235] : memref<64x128xf32, #tpu.memory_space<vmem>> -> memref<16x128xf32, #tpu.memory_space<vmem>>
      %dma_wait3A_237 = arith.constant 0 : i32
      %dma_wait3A_238 = arith.constant 0 : i32
      %dma_wait3A_239 = tpu.memref_slice %arg24[%dma_wait3A_237, %dma_wait3A_238] : memref<10240x128xf32, #tpu.memory_space<vmem_shared>> -> memref<10240x128xf32, #tpu.memory_space<vmem_shared>>
      tpu.wait_indirect_dma semaphore(%arg29 : memref<!tpu.dma_semaphore, #tpu.memory_space<semaphore_mem>>) src(%dma_wait3A_236 : memref<16x128xf32, #tpu.memory_space<vmem>>) dst(%dma_wait3A_239 : memref<10240x128xf32, #tpu.memory_space<vmem_shared>>)
      %dma_wait3A_240 = arith.constant 16 : i32
      %dma_wait3A_241 = arith.constant 0 : i32
      %dma_wait3A_242 = tpu.memref_slice %arg20[%dma_wait3A_240, %dma_wait3A_241] : memref<64x128xf32, #tpu.memory_space<vmem>> -> memref<16x128xf32, #tpu.memory_space<vmem>>
      %dma_wait3A_243 = arith.constant 0 : i32
      %dma_wait3A_244 = arith.constant 0 : i32
      %dma_wait3A_245 = tpu.memref_slice %arg24[%dma_wait3A_243, %dma_wait3A_244] : memref<10240x128xf32, #tpu.memory_space<vmem_shared>> -> memref<10240x128xf32, #tpu.memory_space<vmem_shared>>
      tpu.wait_indirect_dma semaphore(%arg29 : memref<!tpu.dma_semaphore, #tpu.memory_space<semaphore_mem>>) src(%dma_wait3A_242 : memref<16x128xf32, #tpu.memory_space<vmem>>) dst(%dma_wait3A_245 : memref<10240x128xf32, #tpu.memory_space<vmem_shared>>)
      %dma_wait3A_246 = arith.constant 32 : i32
      %dma_wait3A_247 = arith.constant 0 : i32
      %dma_wait3A_248 = tpu.memref_slice %arg20[%dma_wait3A_246, %dma_wait3A_247] : memref<64x128xf32, #tpu.memory_space<vmem>> -> memref<16x128xf32, #tpu.memory_space<vmem>>
      %dma_wait3A_249 = arith.constant 0 : i32
      %dma_wait3A_250 = arith.constant 0 : i32
      %dma_wait3A_251 = tpu.memref_slice %arg24[%dma_wait3A_249, %dma_wait3A_250] : memref<10240x128xf32, #tpu.memory_space<vmem_shared>> -> memref<10240x128xf32, #tpu.memory_space<vmem_shared>>
      tpu.wait_indirect_dma semaphore(%arg29 : memref<!tpu.dma_semaphore, #tpu.memory_space<semaphore_mem>>) src(%dma_wait3A_248 : memref<16x128xf32, #tpu.memory_space<vmem>>) dst(%dma_wait3A_251 : memref<10240x128xf32, #tpu.memory_space<vmem_shared>>)
      %dma_wait3A_252 = arith.constant 48 : i32
      %dma_wait3A_253 = arith.constant 0 : i32
      %dma_wait3A_254 = tpu.memref_slice %arg20[%dma_wait3A_252, %dma_wait3A_253] : memref<64x128xf32, #tpu.memory_space<vmem>> -> memref<16x128xf32, #tpu.memory_space<vmem>>
      %dma_wait3A_255 = arith.constant 0 : i32
      %dma_wait3A_256 = arith.constant 0 : i32
      %dma_wait3A_257 = tpu.memref_slice %arg24[%dma_wait3A_255, %dma_wait3A_256] : memref<10240x128xf32, #tpu.memory_space<vmem_shared>> -> memref<10240x128xf32, #tpu.memory_space<vmem_shared>>
      tpu.wait_indirect_dma semaphore(%arg29 : memref<!tpu.dma_semaphore, #tpu.memory_space<semaphore_mem>>) src(%dma_wait3A_254 : memref<16x128xf32, #tpu.memory_space<vmem>>) dst(%dma_wait3A_257 : memref<10240x128xf32, #tpu.memory_space<vmem_shared>>)
      %dma_wait3A_258 = arith.constant 0 : i32
      %dma_wait3A_259 = arith.constant 0 : i32
      %dma_wait3A_260 = tpu.memref_slice %arg25[%dma_wait3A_258, %dma_wait3A_259] : memref<10240x16xf32, #tpu.memory_space<vmem_shared>> -> memref<10240x16xf32, #tpu.memory_space<vmem_shared>>
      tpu.wait_indirect_dma semaphore(%arg28 : memref<!tpu.dma_semaphore, #tpu.memory_space<semaphore_mem>>) src(%arg19 : memref<64x16xf32, #tpu.memory_space<vmem>>) dst(%dma_wait3A_260 : memref<10240x16xf32, #tpu.memory_space<vmem_shared>>)
    }
    %scan3A_44 = arith.constant 84 : i32
    %barrier3A_45 = arith.constant 0 : index
    tpu.barrier barrier_id(%barrier3A_45)
    %mul3A_46 = arith.constant 640 : i32
    %mul3A_47 = arith.muli %arg1, %mul3A_46 : i32
    %mul3A_48 = arith.constant 4 : i32
    %mul3A_49 = arith.muli %arg0, %mul3A_48 : i32
    %add3A_50 = arith.constant 0 : i32
    %add3A_51 = arith.addi %mul3A_49, %add3A_50 : i32
    %mul3A_52 = arith.constant 640 : i32
    %mul3A_53 = arith.muli %arg1, %mul3A_52 : i32
    "tpu.region"() ({
      %run_scoped3A = tpu.sem_alloc : memref<!tpu.dma_semaphore, #tpu.memory_space<semaphore_mem>>
      %dma_start3A = arith.constant 0 : i32
      %dma_start3A_143 = arith.constant 0 : i32
      %dma_start3A_144 = tpu.memref_slice %arg13[%add3A_51, %dma_start3A, %dma_start3A_143] : memref<8x10240x128xf32, #tpu.memory_space<hbm>> -> memref<1x10240x128xf32, #tpu.memory_space<hbm>>
      %dma_start3A_145 = tpu.memref_squeeze %dma_start3A_144 : memref<1x10240x128xf32, #tpu.memory_space<hbm>> -> memref<10240x128xf32, #tpu.memory_space<hbm>>
      %dma_start3A_146 = arith.constant 0 : i32
      %dma_start3A_147 = tpu.memref_slice %dma_start3A_145[%mul3A_53, %dma_start3A_146] : memref<10240x128xf32, #tpu.memory_space<hbm>> -> memref<640x128xf32, #tpu.memory_space<hbm>>
      %dma_start3A_148 = arith.constant 0 : i32
      %dma_start3A_149 = tpu.memref_slice %arg24[%mul3A_47, %dma_start3A_148] : memref<10240x128xf32, #tpu.memory_space<vmem_shared>> -> memref<640x128xf32, #tpu.memory_space<vmem_shared>>
      tpu.enqueue_dma source(%dma_start3A_149 : memref<640x128xf32, #tpu.memory_space<vmem_shared>>) target(%dma_start3A_147 : memref<640x128xf32, #tpu.memory_space<hbm>>) target_semaphore(%run_scoped3A : memref<!tpu.dma_semaphore, #tpu.memory_space<semaphore_mem>>)
      %dma_wait3A = arith.constant 0 : i32
      %dma_wait3A_150 = arith.constant 0 : i32
      %dma_wait3A_151 = tpu.memref_slice %arg13[%add3A_51, %dma_wait3A, %dma_wait3A_150] : memref<8x10240x128xf32, #tpu.memory_space<hbm>> -> memref<1x10240x128xf32, #tpu.memory_space<hbm>>
      %dma_wait3A_152 = tpu.memref_squeeze %dma_wait3A_151 : memref<1x10240x128xf32, #tpu.memory_space<hbm>> -> memref<10240x128xf32, #tpu.memory_space<hbm>>
      %dma_wait3A_153 = arith.constant 0 : i32
      %dma_wait3A_154 = tpu.memref_slice %dma_wait3A_152[%mul3A_53, %dma_wait3A_153] : memref<10240x128xf32, #tpu.memory_space<hbm>> -> memref<640x128xf32, #tpu.memory_space<hbm>>
      %dma_wait3A_155 = arith.constant 0 : i32
      %dma_wait3A_156 = tpu.memref_slice %arg24[%mul3A_47, %dma_wait3A_155] : memref<10240x128xf32, #tpu.memory_space<vmem_shared>> -> memref<640x128xf32, #tpu.memory_space<vmem_shared>>
      tpu.wait_dma2 semaphore(%run_scoped3A : memref<!tpu.dma_semaphore, #tpu.memory_space<semaphore_mem>>) src(%dma_wait3A_156 : memref<640x128xf32, #tpu.memory_space<vmem_shared>>) dst(%dma_wait3A_154 : memref<640x128xf32, #tpu.memory_space<hbm>>)
      tpu.yield
    }) : () -> ()
    %barrier3A_54 = arith.constant 0 : index
    tpu.barrier barrier_id(%barrier3A_54)
    "tpu.region"() ({
      %run_scoped3A = tpu.sem_alloc : memref<!tpu.dma_semaphore, #tpu.memory_space<semaphore_mem>>
      %dma_start3A = arith.constant 2048 : i32
      %dma_start3A_143 = tpu.memref_slice %arg12[%dma_start3A] : memref<8192xf32, #tpu.memory_space<hbm>> -> memref<2048xf32, #tpu.memory_space<hbm>>
      %dma_start3A_144 = arith.constant 2048 : i32
      %dma_start3A_145 = tpu.memref_slice %arg12[%dma_start3A_144] : memref<8192xf32, #tpu.memory_space<hbm>> -> memref<2048xf32, #tpu.memory_space<hbm>>
      tpu.enqueue_dma source(%dma_start3A_145 : memref<2048xf32, #tpu.memory_space<hbm>>) target(%arg23 : memref<2048xf32, #tpu.memory_space<vmem>>) target_semaphore(%run_scoped3A : memref<!tpu.dma_semaphore, #tpu.memory_space<semaphore_mem>>)
      %dma_wait3A = arith.constant 2048 : i32
      %dma_wait3A_146 = tpu.memref_slice %arg12[%dma_wait3A] : memref<8192xf32, #tpu.memory_space<hbm>> -> memref<2048xf32, #tpu.memory_space<hbm>>
      %dma_wait3A_147 = arith.constant 2048 : i32
      %dma_wait3A_148 = tpu.memref_slice %arg12[%dma_wait3A_147] : memref<8192xf32, #tpu.memory_space<hbm>> -> memref<2048xf32, #tpu.memory_space<hbm>>
      tpu.wait_dma2 semaphore(%run_scoped3A : memref<!tpu.dma_semaphore, #tpu.memory_space<semaphore_mem>>) src(%dma_wait3A_148 : memref<2048xf32, #tpu.memory_space<hbm>>) dst(%arg23 : memref<2048xf32, #tpu.memory_space<vmem>>)
      tpu.yield
    }) : () -> ()
    %scan3A_55 = arith.constant 0 : i32
    %scan3A_56 = arith.constant 40 : i32
    %scan3A_57 = arith.addi %scan3A_55, %scan3A_56 : i32
    %scan3A_58 = arith.constant 1 : i32
    scf.for %scan3A_143 = %scan3A_55 to %scan3A_57 step %scan3A_58  : i32 {
      %mul3A_144 = arith.constant 1 : i32
      %mul3A_145 = arith.muli %scan3A_143, %mul3A_144 : i32
      %add3A_146 = arith.constant 0 : i32
      %add3A_147 = arith.addi %add3A_146, %mul3A_145 : i32
      %mul3A_148 = arith.constant 640 : i32
      %mul3A_149 = arith.muli %arg1, %mul3A_148 : i32
      %mul3A_150 = arith.constant 16 : i32
      %mul3A_151 = arith.muli %add3A_147, %mul3A_150 : i32
      %add3A_152 = arith.addi %mul3A_149, %mul3A_151 : i32
      "tpu.region"() ({
        %run_scoped3A = tpu.sem_alloc : memref<!tpu.dma_semaphore, #tpu.memory_space<semaphore_mem>>
        %dma_start3A = arith.constant 0 : i32
        %dma_start3A_153 = tpu.memref_slice %arg24[%add3A_152, %dma_start3A] : memref<10240x128xf32, #tpu.memory_space<vmem_shared>> -> memref<16x128xf32, #tpu.memory_space<vmem_shared>>
        %dma_start3A_154 = arith.constant 0 : i32
        %dma_start3A_155 = tpu.memref_slice %arg24[%add3A_152, %dma_start3A_154] : memref<10240x128xf32, #tpu.memory_space<vmem_shared>> -> memref<16x128xf32, #tpu.memory_space<vmem_shared>>
        tpu.enqueue_dma source(%arg21 : memref<16x128xf32, #tpu.memory_space<vmem>>) target(%dma_start3A_155 : memref<16x128xf32, #tpu.memory_space<vmem_shared>>) target_semaphore(%run_scoped3A : memref<!tpu.dma_semaphore, #tpu.memory_space<semaphore_mem>>)
        %dma_wait3A = arith.constant 0 : i32
        %dma_wait3A_156 = tpu.memref_slice %arg24[%add3A_152, %dma_wait3A] : memref<10240x128xf32, #tpu.memory_space<vmem_shared>> -> memref<16x128xf32, #tpu.memory_space<vmem_shared>>
        %dma_wait3A_157 = arith.constant 0 : i32
        %dma_wait3A_158 = tpu.memref_slice %arg24[%add3A_152, %dma_wait3A_157] : memref<10240x128xf32, #tpu.memory_space<vmem_shared>> -> memref<16x128xf32, #tpu.memory_space<vmem_shared>>
        tpu.wait_dma2 semaphore(%run_scoped3A : memref<!tpu.dma_semaphore, #tpu.memory_space<semaphore_mem>>) src(%arg21 : memref<16x128xf32, #tpu.memory_space<vmem>>) dst(%dma_wait3A_158 : memref<16x128xf32, #tpu.memory_space<vmem_shared>>)
        tpu.yield
      }) : () -> ()
    }
    %scan3A_59 = arith.constant 40 : i32
    %scan3A_60 = arith.constant 0 : i32
    %scan3A_61 = arith.constant 64 : i32
    %scan3A_62 = arith.addi %scan3A_60, %scan3A_61 : i32
    %scan3A_63 = arith.constant 1 : i32
    scf.for %scan3A_143 = %scan3A_60 to %scan3A_62 step %scan3A_63  : i32 {
      %mul3A_144 = arith.constant 1 : i32
      %mul3A_145 = arith.muli %scan3A_143, %mul3A_144 : i32
      %add3A_146 = arith.constant 0 : i32
      %add3A_147 = arith.addi %add3A_146, %mul3A_145 : i32
      %swap3A = arith.index_cast %add3A_147 : i32 to index
      %swap3A_148 = arith.constant 0 : index
      %swap3A_149 = tpu.vector_load %arg19[%swap3A, %swap3A_148] {strides = array<i32>} : memref<64x16xf32, #tpu.memory_space<vmem>>, vector<16xf32>,
      tpu.vector_store %arg19[%swap3A, %swap3A_148], %broadcast_in_dim3A_1 {strides = array<i32>} : memref<64x16xf32, #tpu.memory_space<vmem>>, vector<16xf32>,
    }
    %scan3A_64 = arith.constant 64 : i32
    %barrier3A_65 = arith.constant 0 : index
    tpu.barrier barrier_id(%barrier3A_65)
    %broadcast_in_dim3A_66 = arith.constant 1 : i32
    %broadcast_in_dim3A_67 = vector.broadcast %broadcast_in_dim3A_66 : i32 to vector<16xi32>
    %scan3A_68 = arith.constant 0 : i32
    %scan3A_69 = arith.constant 84 : i32
    %scan3A_70 = arith.addi %scan3A_68, %scan3A_69 : i32
    %scan3A_71 = arith.constant 1 : i32
    scf.for %scan3A_143 = %scan3A_68 to %scan3A_70 step %scan3A_71  : i32 {
      %mul3A_144 = arith.constant 1 : i32
      %mul3A_145 = arith.muli %scan3A_143, %mul3A_144 : i32
      %add3A_146 = arith.constant 0 : i32
      %add3A_147 = arith.addi %add3A_146, %mul3A_145 : i32
      %mul3A_148 = arith.constant 5376 : i32
      %mul3A_149 = arith.muli %add3A, %mul3A_148 : i32
      %mul3A_150 = arith.constant 64 : i32
      %mul3A_151 = arith.muli %add3A_147, %mul3A_150 : i32
      %add3A_152 = arith.addi %mul3A_149, %mul3A_151 : i32
      "tpu.region"() ({
        %run_scoped3A = tpu.sem_alloc : memref<!tpu.dma_semaphore, #tpu.memory_space<semaphore_mem>>
        %dma_start3A_261 = tpu.memref_slice %arg2[%add3A_152] : memref<172032xi32, #tpu.memory_space<hbm>> -> memref<64xi32, #tpu.memory_space<hbm>>
        %dma_start3A_262 = tpu.memref_slice %arg2[%add3A_152] : memref<172032xi32, #tpu.memory_space<hbm>> -> memref<64xi32, #tpu.memory_space<hbm>>
        tpu.enqueue_dma source(%dma_start3A_262 : memref<64xi32, #tpu.memory_space<hbm>>) target(%arg15 : memref<64xi32, #tpu.memory_space<vmem>>) target_semaphore(%run_scoped3A : memref<!tpu.dma_semaphore, #tpu.memory_space<semaphore_mem>>)
        %dma_wait3A_263 = tpu.memref_slice %arg2[%add3A_152] : memref<172032xi32, #tpu.memory_space<hbm>> -> memref<64xi32, #tpu.memory_space<hbm>>
        %dma_wait3A_264 = tpu.memref_slice %arg2[%add3A_152] : memref<172032xi32, #tpu.memory_space<hbm>> -> memref<64xi32, #tpu.memory_space<hbm>>
        tpu.wait_dma2 semaphore(%run_scoped3A : memref<!tpu.dma_semaphore, #tpu.memory_space<semaphore_mem>>) src(%dma_wait3A_264 : memref<64xi32, #tpu.memory_space<hbm>>) dst(%arg15 : memref<64xi32, #tpu.memory_space<vmem>>)
        tpu.yield
      }) : () -> ()
      "tpu.region"() ({
        %run_scoped3A = tpu.sem_alloc : memref<!tpu.dma_semaphore, #tpu.memory_space<semaphore_mem>>
        %dma_start3A_261 = tpu.memref_slice %arg3[%add3A_152] : memref<172032xi32, #tpu.memory_space<hbm>> -> memref<64xi32, #tpu.memory_space<hbm>>
        %dma_start3A_262 = tpu.memref_slice %arg3[%add3A_152] : memref<172032xi32, #tpu.memory_space<hbm>> -> memref<64xi32, #tpu.memory_space<hbm>>
        tpu.enqueue_dma source(%dma_start3A_262 : memref<64xi32, #tpu.memory_space<hbm>>) target(%arg16 : memref<64xi32, #tpu.memory_space<vmem>>) target_semaphore(%run_scoped3A : memref<!tpu.dma_semaphore, #tpu.memory_space<semaphore_mem>>)
        %dma_wait3A_263 = tpu.memref_slice %arg3[%add3A_152] : memref<172032xi32, #tpu.memory_space<hbm>> -> memref<64xi32, #tpu.memory_space<hbm>>
        %dma_wait3A_264 = tpu.memref_slice %arg3[%add3A_152] : memref<172032xi32, #tpu.memory_space<hbm>> -> memref<64xi32, #tpu.memory_space<hbm>>
        tpu.wait_dma2 semaphore(%run_scoped3A : memref<!tpu.dma_semaphore, #tpu.memory_space<semaphore_mem>>) src(%dma_wait3A_264 : memref<64xi32, #tpu.memory_space<hbm>>) dst(%arg16 : memref<64xi32, #tpu.memory_space<vmem>>)
        tpu.yield
      }) : () -> ()
      %dma_start3A = arith.constant 0 : i32
      %dma_start3A_153 = arith.constant 0 : i32
      %dma_start3A_154 = tpu.memref_slice %arg5[%dma_start3A, %dma_start3A_153] : memref<10240x128xf32, #tpu.memory_space<hbm>> -> memref<10240x128xf32, #tpu.memory_space<hbm>>
      tpu.enqueue_indirect_dma source(%dma_start3A_154 : memref<10240x128xf32, #tpu.memory_space<hbm>>) target(%arg17 : memref<64x128xf32, #tpu.memory_space<vmem>>) offsets(%arg15 : memref<64xi32, #tpu.memory_space<vmem>>) semaphore(%arg26 : memref<!tpu.dma_semaphore, #tpu.memory_space<semaphore_mem>>)
      %dma_start3A_155 = arith.constant 0 : i32
      %dma_start3A_156 = arith.constant 0 : i32
      %dma_start3A_157 = tpu.memref_slice %arg9[%dma_start3A_155, %dma_start3A_156] : memref<10240x128xf32, #tpu.memory_space<hbm>> -> memref<10240x128xf32, #tpu.memory_space<hbm>>
      tpu.enqueue_indirect_dma source(%dma_start3A_157 : memref<10240x128xf32, #tpu.memory_space<hbm>>) target(%arg18 : memref<64x128xf32, #tpu.memory_space<vmem>>) offsets(%arg16 : memref<64xi32, #tpu.memory_space<vmem>>) semaphore(%arg27 : memref<!tpu.dma_semaphore, #tpu.memory_space<semaphore_mem>>)
      %dma_wait3A = arith.constant 0 : i32
      %dma_wait3A_158 = arith.constant 0 : i32
      %dma_wait3A_159 = tpu.memref_slice %arg5[%dma_wait3A, %dma_wait3A_158] : memref<10240x128xf32, #tpu.memory_space<hbm>> -> memref<10240x128xf32, #tpu.memory_space<hbm>>
      tpu.wait_indirect_dma semaphore(%arg26 : memref<!tpu.dma_semaphore, #tpu.memory_space<semaphore_mem>>) src(%dma_wait3A_159 : memref<10240x128xf32, #tpu.memory_space<hbm>>) dst(%arg17 : memref<64x128xf32, #tpu.memory_space<vmem>>)
      %dma_wait3A_160 = arith.constant 0 : i32
      %dma_wait3A_161 = arith.constant 0 : i32
      %dma_wait3A_162 = tpu.memref_slice %arg9[%dma_wait3A_160, %dma_wait3A_161] : memref<10240x128xf32, #tpu.memory_space<hbm>> -> memref<10240x128xf32, #tpu.memory_space<hbm>>
      tpu.wait_indirect_dma semaphore(%arg27 : memref<!tpu.dma_semaphore, #tpu.memory_space<semaphore_mem>>) src(%dma_wait3A_162 : memref<10240x128xf32, #tpu.memory_space<hbm>>) dst(%arg18 : memref<64x128xf32, #tpu.memory_space<vmem>>)
      %broadcast_in_dim3A_163 = arith.constant 0.000000e+00 : f32
      %broadcast_in_dim3A_164 = vector.broadcast %broadcast_in_dim3A_163 : f32 to vector<16xf32>
      %broadcast_in_dim3A_165 = arith.constant 0.000000e+00 : f32
      %broadcast_in_dim3A_166 = vector.broadcast %broadcast_in_dim3A_165 : f32 to vector<16xf32>
      %broadcast_in_dim3A_167 = arith.constant 0.000000e+00 : f32
      %broadcast_in_dim3A_168 = vector.broadcast %broadcast_in_dim3A_167 : f32 to vector<16xf32>
      %broadcast_in_dim3A_169 = arith.constant 0.000000e+00 : f32
      %broadcast_in_dim3A_170 = vector.broadcast %broadcast_in_dim3A_169 : f32 to vector<16xf32>
      %scan3A_171 = arith.constant 0 : i32
      %scan3A_172 = arith.constant 128 : i32
      %scan3A_173 = arith.addi %scan3A_171, %scan3A_172 : i32
      %scan3A_174 = arith.constant 2 : i32
      %scan3A_175:4 = scf.for %scan3A_261 = %scan3A_171 to %scan3A_173 step %scan3A_174 iter_args(%scan3A_262 = %broadcast_in_dim3A_164, %scan3A_263 = %broadcast_in_dim3A_166, %scan3A_264 = %broadcast_in_dim3A_168, %scan3A_265 = %broadcast_in_dim3A_170) -> (vector<16xf32>, vector<16xf32>, vector<16xf32>, vector<16xf32>)  : i32 {
        %mul3A_266 = arith.constant 1 : i32
        %mul3A_267 = arith.muli %scan3A_261, %mul3A_266 : i32
        %add3A_268 = arith.constant 0 : i32
        %add3A_269 = arith.addi %add3A_268, %mul3A_267 : i32
        %mul3A_270 = arith.constant 16 : i32
        %mul3A_271 = arith.muli %add3A_269, %mul3A_270 : i32
        %get3A_272 = arith.index_cast %mul3A_271 : i32 to index
        %get3A_273 = tpu.vector_load %arg23[%get3A_272] {strides = array<i32>} : memref<2048xf32, #tpu.memory_space<vmem>>, vector<16xf32>,
        %add3A_274 = vector.broadcast %add3A_269 : i32 to vector<16xi32>
        %add3A_275 = arith.addi %iota3A, %add3A_274 : vector<16xi32>
        %and3A = arith.constant 127 : i32
        %and3A_276 = vector.broadcast %and3A : i32 to vector<16xi32>
        %and3A_277 = arith.andi %add3A_275, %and3A_276 : vector<16xi32>
        %gather3A = tpu.vector_load_idx %arg17[%add3A_18, %and3A_277] : memref<64x128xf32, #tpu.memory_space<vmem>>[vector<16xi32>, vector<16xi32>], vector<16xf32>,
        %gather3A_278 = tpu.vector_load_idx %arg18[%add3A_18, %and3A_277] : memref<64x128xf32, #tpu.memory_space<vmem>>[vector<16xi32>, vector<16xi32>], vector<16xf32>,
        %add3A_279 = arith.addf %gather3A, %gather3A_278 : vector<16xf32>
        %mul3A_280 = arith.constant 2.000000e-01 : f32
        %mul3A_281 = vector.broadcast %mul3A_280 : f32 to vector<16xf32>
        %mul3A_282 = arith.mulf %mul3A_281, %add3A_279 : vector<16xf32>
        %max3A = arith.maximumf %add3A_279, %mul3A_282 : vector<16xf32>
        %mul3A_283 = arith.mulf %get3A_273, %max3A : vector<16xf32>
        %add3A_284 = arith.addf %scan3A_262, %mul3A_283 : vector<16xf32>
        %gather3A_285 = tpu.vector_load_idx %arg17[%add3A_21, %and3A_277] : memref<64x128xf32, #tpu.memory_space<vmem>>[vector<16xi32>, vector<16xi32>], vector<16xf32>,
        %gather3A_286 = tpu.vector_load_idx %arg18[%add3A_21, %and3A_277] : memref<64x128xf32, #tpu.memory_space<vmem>>[vector<16xi32>, vector<16xi32>], vector<16xf32>,
        %add3A_287 = arith.addf %gather3A_285, %gather3A_286 : vector<16xf32>
        %mul3A_288 = arith.constant 2.000000e-01 : f32
        %mul3A_289 = vector.broadcast %mul3A_288 : f32 to vector<16xf32>
        %mul3A_290 = arith.mulf %mul3A_289, %add3A_287 : vector<16xf32>
        %max3A_291 = arith.maximumf %add3A_287, %mul3A_290 : vector<16xf32>
        %mul3A_292 = arith.mulf %get3A_273, %max3A_291 : vector<16xf32>
        %add3A_293 = arith.addf %scan3A_263, %mul3A_292 : vector<16xf32>
        %gather3A_294 = tpu.vector_load_idx %arg17[%add3A_24, %and3A_277] : memref<64x128xf32, #tpu.memory_space<vmem>>[vector<16xi32>, vector<16xi32>], vector<16xf32>,
        %gather3A_295 = tpu.vector_load_idx %arg18[%add3A_24, %and3A_277] : memref<64x128xf32, #tpu.memory_space<vmem>>[vector<16xi32>, vector<16xi32>], vector<16xf32>,
        %add3A_296 = arith.addf %gather3A_294, %gather3A_295 : vector<16xf32>
        %mul3A_297 = arith.constant 2.000000e-01 : f32
        %mul3A_298 = vector.broadcast %mul3A_297 : f32 to vector<16xf32>
        %mul3A_299 = arith.mulf %mul3A_298, %add3A_296 : vector<16xf32>
        %max3A_300 = arith.maximumf %add3A_296, %mul3A_299 : vector<16xf32>
        %mul3A_301 = arith.mulf %get3A_273, %max3A_300 : vector<16xf32>
        %add3A_302 = arith.addf %scan3A_264, %mul3A_301 : vector<16xf32>
        %gather3A_303 = tpu.vector_load_idx %arg17[%add3A_27, %and3A_277] : memref<64x128xf32, #tpu.memory_space<vmem>>[vector<16xi32>, vector<16xi32>], vector<16xf32>,
        %gather3A_304 = tpu.vector_load_idx %arg18[%add3A_27, %and3A_277] : memref<64x128xf32, #tpu.memory_space<vmem>>[vector<16xi32>, vector<16xi32>], vector<16xf32>,
        %add3A_305 = arith.addf %gather3A_303, %gather3A_304 : vector<16xf32>
        %mul3A_306 = arith.constant 2.000000e-01 : f32
        %mul3A_307 = vector.broadcast %mul3A_306 : f32 to vector<16xf32>
        %mul3A_308 = arith.mulf %mul3A_307, %add3A_305 : vector<16xf32>
        %max3A_309 = arith.maximumf %add3A_305, %mul3A_308 : vector<16xf32>
        %mul3A_310 = arith.mulf %get3A_273, %max3A_309 : vector<16xf32>
        %add3A_311 = arith.addf %scan3A_265, %mul3A_310 : vector<16xf32>
        %scan3A_312 = arith.constant 1 : i32
        %scan3A_313 = arith.addi %scan3A_261, %scan3A_312 : i32
        %mul3A_314 = arith.constant 1 : i32
        %mul3A_315 = arith.muli %scan3A_313, %mul3A_314 : i32
        %add3A_316 = arith.constant 0 : i32
        %add3A_317 = arith.addi %add3A_316, %mul3A_315 : i32
        %mul3A_318 = arith.constant 16 : i32
        %mul3A_319 = arith.muli %add3A_317, %mul3A_318 : i32
        %get3A_320 = arith.index_cast %mul3A_319 : i32 to index
        %get3A_321 = tpu.vector_load %arg23[%get3A_320] {strides = array<i32>} : memref<2048xf32, #tpu.memory_space<vmem>>, vector<16xf32>,
        %add3A_322 = vector.broadcast %add3A_317 : i32 to vector<16xi32>
        %add3A_323 = arith.addi %iota3A, %add3A_322 : vector<16xi32>
        %and3A_324 = arith.constant 127 : i32
        %and3A_325 = vector.broadcast %and3A_324 : i32 to vector<16xi32>
        %and3A_326 = arith.andi %add3A_323, %and3A_325 : vector<16xi32>
        %gather3A_327 = tpu.vector_load_idx %arg17[%add3A_18, %and3A_326] : memref<64x128xf32, #tpu.memory_space<vmem>>[vector<16xi32>, vector<16xi32>], vector<16xf32>,
        %gather3A_328 = tpu.vector_load_idx %arg18[%add3A_18, %and3A_326] : memref<64x128xf32, #tpu.memory_space<vmem>>[vector<16xi32>, vector<16xi32>], vector<16xf32>,
        %add3A_329 = arith.addf %gather3A_327, %gather3A_328 : vector<16xf32>
        %mul3A_330 = arith.constant 2.000000e-01 : f32
        %mul3A_331 = vector.broadcast %mul3A_330 : f32 to vector<16xf32>
        %mul3A_332 = arith.mulf %mul3A_331, %add3A_329 : vector<16xf32>
        %max3A_333 = arith.maximumf %add3A_329, %mul3A_332 : vector<16xf32>
        %mul3A_334 = arith.mulf %get3A_321, %max3A_333 : vector<16xf32>
        %add3A_335 = arith.addf %add3A_284, %mul3A_334 : vector<16xf32>
        %gather3A_336 = tpu.vector_load_idx %arg17[%add3A_21, %and3A_326] : memref<64x128xf32, #tpu.memory_space<vmem>>[vector<16xi32>, vector<16xi32>], vector<16xf32>,
        %gather3A_337 = tpu.vector_load_idx %arg18[%add3A_21, %and3A_326] : memref<64x128xf32, #tpu.memory_space<vmem>>[vector<16xi32>, vector<16xi32>], vector<16xf32>,
        %add3A_338 = arith.addf %gather3A_336, %gather3A_337 : vector<16xf32>
        %mul3A_339 = arith.constant 2.000000e-01 : f32
        %mul3A_340 = vector.broadcast %mul3A_339 : f32 to vector<16xf32>
        %mul3A_341 = arith.mulf %mul3A_340, %add3A_338 : vector<16xf32>
        %max3A_342 = arith.maximumf %add3A_338, %mul3A_341 : vector<16xf32>
        %mul3A_343 = arith.mulf %get3A_321, %max3A_342 : vector<16xf32>
        %add3A_344 = arith.addf %add3A_293, %mul3A_343 : vector<16xf32>
        %gather3A_345 = tpu.vector_load_idx %arg17[%add3A_24, %and3A_326] : memref<64x128xf32, #tpu.memory_space<vmem>>[vector<16xi32>, vector<16xi32>], vector<16xf32>,
        %gather3A_346 = tpu.vector_load_idx %arg18[%add3A_24, %and3A_326] : memref<64x128xf32, #tpu.memory_space<vmem>>[vector<16xi32>, vector<16xi32>], vector<16xf32>,
        %add3A_347 = arith.addf %gather3A_345, %gather3A_346 : vector<16xf32>
        %mul3A_348 = arith.constant 2.000000e-01 : f32
        %mul3A_349 = vector.broadcast %mul3A_348 : f32 to vector<16xf32>
        %mul3A_350 = arith.mulf %mul3A_349, %add3A_347 : vector<16xf32>
        %max3A_351 = arith.maximumf %add3A_347, %mul3A_350 : vector<16xf32>
        %mul3A_352 = arith.mulf %get3A_321, %max3A_351 : vector<16xf32>
        %add3A_353 = arith.addf %add3A_302, %mul3A_352 : vector<16xf32>
        %gather3A_354 = tpu.vector_load_idx %arg17[%add3A_27, %and3A_326] : memref<64x128xf32, #tpu.memory_space<vmem>>[vector<16xi32>, vector<16xi32>], vector<16xf32>,
        %gather3A_355 = tpu.vector_load_idx %arg18[%add3A_27, %and3A_326] : memref<64x128xf32, #tpu.memory_space<vmem>>[vector<16xi32>, vector<16xi32>], vector<16xf32>,
        %add3A_356 = arith.addf %gather3A_354, %gather3A_355 : vector<16xf32>
        %mul3A_357 = arith.constant 2.000000e-01 : f32
        %mul3A_358 = vector.broadcast %mul3A_357 : f32 to vector<16xf32>
        %mul3A_359 = arith.mulf %mul3A_358, %add3A_356 : vector<16xf32>
        %max3A_360 = arith.maximumf %add3A_356, %mul3A_359 : vector<16xf32>
        %mul3A_361 = arith.mulf %get3A_321, %max3A_360 : vector<16xf32>
        %add3A_362 = arith.addf %add3A_311, %mul3A_361 : vector<16xf32>
        scf.yield %add3A_335, %add3A_344, %add3A_353, %add3A_362 : vector<16xf32>, vector<16xf32>, vector<16xf32>, vector<16xf32>
      }
      %scan3A_176 = arith.constant 128 : i32
      %exp3A = math.exp %scan3A_175#0 : vector<16xf32>
      tpu.vector_store_idx %arg19[%add3A_18, %broadcast_in_dim3A_67], %exp3A : memref<64x16xf32, #tpu.memory_space<vmem>>[vector<16xi32>, vector<16xi32>], vector<16xf32>,
      %exp3A_177 = math.exp %scan3A_175#1 : vector<16xf32>
      tpu.vector_store_idx %arg19[%add3A_21, %broadcast_in_dim3A_67], %exp3A_177 : memref<64x16xf32, #tpu.memory_space<vmem>>[vector<16xi32>, vector<16xi32>], vector<16xf32>,
      %exp3A_178 = math.exp %scan3A_175#2 : vector<16xf32>
      tpu.vector_store_idx %arg19[%add3A_24, %broadcast_in_dim3A_67], %exp3A_178 : memref<64x16xf32, #tpu.memory_space<vmem>>[vector<16xi32>, vector<16xi32>], vector<16xf32>,
      %exp3A_179 = math.exp %scan3A_175#3 : vector<16xf32>
      tpu.vector_store_idx %arg19[%add3A_27, %broadcast_in_dim3A_67], %exp3A_179 : memref<64x16xf32, #tpu.memory_space<vmem>>[vector<16xi32>, vector<16xi32>], vector<16xf32>,
      %dma_start3A_180 = arith.constant 0 : i32
      %dma_start3A_181 = arith.constant 0 : i32
      %dma_start3A_182 = tpu.memref_slice %arg25[%dma_start3A_180, %dma_start3A_181] : memref<10240x16xf32, #tpu.memory_space<vmem_shared>> -> memref<10240x16xf32, #tpu.memory_space<vmem_shared>>
      tpu.enqueue_indirect_dma source(%arg19 : memref<64x16xf32, #tpu.memory_space<vmem>>) target(%dma_start3A_182 : memref<10240x16xf32, #tpu.memory_space<vmem_shared>>) offsets(%arg16 : memref<64xi32, #tpu.memory_space<vmem>>) semaphore(%arg28 : memref<!tpu.dma_semaphore, #tpu.memory_space<semaphore_mem>>) {add = true}
      %scan3A_183 = arith.constant 0 : i32
      %scan3A_184 = arith.constant 128 : i32
      %scan3A_185 = arith.addi %scan3A_183, %scan3A_184 : i32
      %scan3A_186 = arith.constant 2 : i32
      scf.for %scan3A_261 = %scan3A_183 to %scan3A_185 step %scan3A_186  : i32 {
        %mul3A_262 = arith.constant 1 : i32
        %mul3A_263 = arith.muli %scan3A_261, %mul3A_262 : i32
        %add3A_264 = arith.constant 0 : i32
        %add3A_265 = arith.addi %add3A_264, %mul3A_263 : i32
        %add3A_266 = vector.broadcast %add3A_265 : i32 to vector<16xi32>
        %add3A_267 = arith.addi %iota3A, %add3A_266 : vector<16xi32>
        %and3A = arith.constant 127 : i32
        %and3A_268 = vector.broadcast %and3A : i32 to vector<16xi32>
        %and3A_269 = arith.andi %add3A_267, %and3A_268 : vector<16xi32>
        %gather3A = tpu.vector_load_idx %arg17[%add3A_18, %and3A_269] : memref<64x128xf32, #tpu.memory_space<vmem>>[vector<16xi32>, vector<16xi32>], vector<16xf32>,
        %mul3A_270 = arith.mulf %exp3A, %gather3A : vector<16xf32>
        tpu.vector_store_idx %arg20[%add3A_18, %and3A_269], %mul3A_270 : memref<64x128xf32, #tpu.memory_space<vmem>>[vector<16xi32>, vector<16xi32>], vector<16xf32>,
        %scan3A_271 = arith.constant 1 : i32
        %scan3A_272 = arith.addi %scan3A_261, %scan3A_271 : i32
        %mul3A_273 = arith.constant 1 : i32
        %mul3A_274 = arith.muli %scan3A_272, %mul3A_273 : i32
        %add3A_275 = arith.constant 0 : i32
        %add3A_276 = arith.addi %add3A_275, %mul3A_274 : i32
        %add3A_277 = vector.broadcast %add3A_276 : i32 to vector<16xi32>
        %add3A_278 = arith.addi %iota3A, %add3A_277 : vector<16xi32>
        %and3A_279 = arith.constant 127 : i32
        %and3A_280 = vector.broadcast %and3A_279 : i32 to vector<16xi32>
        %and3A_281 = arith.andi %add3A_278, %and3A_280 : vector<16xi32>
        %gather3A_282 = tpu.vector_load_idx %arg17[%add3A_18, %and3A_281] : memref<64x128xf32, #tpu.memory_space<vmem>>[vector<16xi32>, vector<16xi32>], vector<16xf32>,
        %mul3A_283 = arith.mulf %exp3A, %gather3A_282 : vector<16xf32>
        tpu.vector_store_idx %arg20[%add3A_18, %and3A_281], %mul3A_283 : memref<64x128xf32, #tpu.memory_space<vmem>>[vector<16xi32>, vector<16xi32>], vector<16xf32>,
      }
      %scan3A_187 = arith.constant 128 : i32
      %get3A = arith.constant 0 : index
      %get3A_188 = tpu.vector_load %arg16[%get3A] {strides = array<i32>} : memref<64xi32, #tpu.memory_space<vmem>>, vector<16xi32>,
      %dma_start3A_189 = arith.constant 0 : i32
      %dma_start3A_190 = arith.constant 0 : i32
      %dma_start3A_191 = tpu.memref_slice %arg20[%dma_start3A_189, %dma_start3A_190] : memref<64x128xf32, #tpu.memory_space<vmem>> -> memref<16x128xf32, #tpu.memory_space<vmem>>
      %dma_start3A_192 = arith.constant 0 : i32
      %dma_start3A_193 = arith.constant 0 : i32
      %dma_start3A_194 = tpu.memref_slice %arg24[%dma_start3A_192, %dma_start3A_193] : memref<10240x128xf32, #tpu.memory_space<vmem_shared>> -> memref<10240x128xf32, #tpu.memory_space<vmem_shared>>
      tpu.enqueue_indirect_dma source(%dma_start3A_191 : memref<16x128xf32, #tpu.memory_space<vmem>>) target(%dma_start3A_194 : memref<10240x128xf32, #tpu.memory_space<vmem_shared>>) offsets(%get3A_188 : vector<16xi32>) semaphore(%arg29 : memref<!tpu.dma_semaphore, #tpu.memory_space<semaphore_mem>>) {add = true}
      %scan3A_195 = arith.constant 0 : i32
      %scan3A_196 = arith.constant 128 : i32
      %scan3A_197 = arith.addi %scan3A_195, %scan3A_196 : i32
      %scan3A_198 = arith.constant 2 : i32
      scf.for %scan3A_261 = %scan3A_195 to %scan3A_197 step %scan3A_198  : i32 {
        %mul3A_262 = arith.constant 1 : i32
        %mul3A_263 = arith.muli %scan3A_261, %mul3A_262 : i32
        %add3A_264 = arith.constant 0 : i32
        %add3A_265 = arith.addi %add3A_264, %mul3A_263 : i32
        %add3A_266 = vector.broadcast %add3A_265 : i32 to vector<16xi32>
        %add3A_267 = arith.addi %iota3A, %add3A_266 : vector<16xi32>
        %and3A = arith.constant 127 : i32
        %and3A_268 = vector.broadcast %and3A : i32 to vector<16xi32>
        %and3A_269 = arith.andi %add3A_267, %and3A_268 : vector<16xi32>
        %gather3A = tpu.vector_load_idx %arg17[%add3A_21, %and3A_269] : memref<64x128xf32, #tpu.memory_space<vmem>>[vector<16xi32>, vector<16xi32>], vector<16xf32>,
        %mul3A_270 = arith.mulf %exp3A_177, %gather3A : vector<16xf32>
        tpu.vector_store_idx %arg20[%add3A_21, %and3A_269], %mul3A_270 : memref<64x128xf32, #tpu.memory_space<vmem>>[vector<16xi32>, vector<16xi32>], vector<16xf32>,
        %scan3A_271 = arith.constant 1 : i32
        %scan3A_272 = arith.addi %scan3A_261, %scan3A_271 : i32
        %mul3A_273 = arith.constant 1 : i32
        %mul3A_274 = arith.muli %scan3A_272, %mul3A_273 : i32
        %add3A_275 = arith.constant 0 : i32
        %add3A_276 = arith.addi %add3A_275, %mul3A_274 : i32
        %add3A_277 = vector.broadcast %add3A_276 : i32 to vector<16xi32>
        %add3A_278 = arith.addi %iota3A, %add3A_277 : vector<16xi32>
        %and3A_279 = arith.constant 127 : i32
        %and3A_280 = vector.broadcast %and3A_279 : i32 to vector<16xi32>
        %and3A_281 = arith.andi %add3A_278, %and3A_280 : vector<16xi32>
        %gather3A_282 = tpu.vector_load_idx %arg17[%add3A_21, %and3A_281] : memref<64x128xf32, #tpu.memory_space<vmem>>[vector<16xi32>, vector<16xi32>], vector<16xf32>,
        %mul3A_283 = arith.mulf %exp3A_177, %gather3A_282 : vector<16xf32>
        tpu.vector_store_idx %arg20[%add3A_21, %and3A_281], %mul3A_283 : memref<64x128xf32, #tpu.memory_space<vmem>>[vector<16xi32>, vector<16xi32>], vector<16xf32>,
      }
      %scan3A_199 = arith.constant 128 : i32
      %get3A_200 = arith.constant 16 : index
      %get3A_201 = tpu.vector_load %arg16[%get3A_200] {strides = array<i32>} : memref<64xi32, #tpu.memory_space<vmem>>, vector<16xi32>,
      %dma_start3A_202 = arith.constant 16 : i32
      %dma_start3A_203 = arith.constant 0 : i32
      %dma_start3A_204 = tpu.memref_slice %arg20[%dma_start3A_202, %dma_start3A_203] : memref<64x128xf32, #tpu.memory_space<vmem>> -> memref<16x128xf32, #tpu.memory_space<vmem>>
      %dma_start3A_205 = arith.constant 0 : i32
      %dma_start3A_206 = arith.constant 0 : i32
      %dma_start3A_207 = tpu.memref_slice %arg24[%dma_start3A_205, %dma_start3A_206] : memref<10240x128xf32, #tpu.memory_space<vmem_shared>> -> memref<10240x128xf32, #tpu.memory_space<vmem_shared>>
      tpu.enqueue_indirect_dma source(%dma_start3A_204 : memref<16x128xf32, #tpu.memory_space<vmem>>) target(%dma_start3A_207 : memref<10240x128xf32, #tpu.memory_space<vmem_shared>>) offsets(%get3A_201 : vector<16xi32>) semaphore(%arg29 : memref<!tpu.dma_semaphore, #tpu.memory_space<semaphore_mem>>) {add = true}
      %scan3A_208 = arith.constant 0 : i32
      %scan3A_209 = arith.constant 128 : i32
      %scan3A_210 = arith.addi %scan3A_208, %scan3A_209 : i32
      %scan3A_211 = arith.constant 2 : i32
      scf.for %scan3A_261 = %scan3A_208 to %scan3A_210 step %scan3A_211  : i32 {
        %mul3A_262 = arith.constant 1 : i32
        %mul3A_263 = arith.muli %scan3A_261, %mul3A_262 : i32
        %add3A_264 = arith.constant 0 : i32
        %add3A_265 = arith.addi %add3A_264, %mul3A_263 : i32
        %add3A_266 = vector.broadcast %add3A_265 : i32 to vector<16xi32>
        %add3A_267 = arith.addi %iota3A, %add3A_266 : vector<16xi32>
        %and3A = arith.constant 127 : i32
        %and3A_268 = vector.broadcast %and3A : i32 to vector<16xi32>
        %and3A_269 = arith.andi %add3A_267, %and3A_268 : vector<16xi32>
        %gather3A = tpu.vector_load_idx %arg17[%add3A_24, %and3A_269] : memref<64x128xf32, #tpu.memory_space<vmem>>[vector<16xi32>, vector<16xi32>], vector<16xf32>,
        %mul3A_270 = arith.mulf %exp3A_178, %gather3A : vector<16xf32>
        tpu.vector_store_idx %arg20[%add3A_24, %and3A_269], %mul3A_270 : memref<64x128xf32, #tpu.memory_space<vmem>>[vector<16xi32>, vector<16xi32>], vector<16xf32>,
        %scan3A_271 = arith.constant 1 : i32
        %scan3A_272 = arith.addi %scan3A_261, %scan3A_271 : i32
        %mul3A_273 = arith.constant 1 : i32
        %mul3A_274 = arith.muli %scan3A_272, %mul3A_273 : i32
        %add3A_275 = arith.constant 0 : i32
        %add3A_276 = arith.addi %add3A_275, %mul3A_274 : i32
        %add3A_277 = vector.broadcast %add3A_276 : i32 to vector<16xi32>
        %add3A_278 = arith.addi %iota3A, %add3A_277 : vector<16xi32>
        %and3A_279 = arith.constant 127 : i32
        %and3A_280 = vector.broadcast %and3A_279 : i32 to vector<16xi32>
        %and3A_281 = arith.andi %add3A_278, %and3A_280 : vector<16xi32>
        %gather3A_282 = tpu.vector_load_idx %arg17[%add3A_24, %and3A_281] : memref<64x128xf32, #tpu.memory_space<vmem>>[vector<16xi32>, vector<16xi32>], vector<16xf32>,
        %mul3A_283 = arith.mulf %exp3A_178, %gather3A_282 : vector<16xf32>
        tpu.vector_store_idx %arg20[%add3A_24, %and3A_281], %mul3A_283 : memref<64x128xf32, #tpu.memory_space<vmem>>[vector<16xi32>, vector<16xi32>], vector<16xf32>,
      }
      %scan3A_212 = arith.constant 128 : i32
      %get3A_213 = arith.constant 32 : index
      %get3A_214 = tpu.vector_load %arg16[%get3A_213] {strides = array<i32>} : memref<64xi32, #tpu.memory_space<vmem>>, vector<16xi32>,
      %dma_start3A_215 = arith.constant 32 : i32
      %dma_start3A_216 = arith.constant 0 : i32
      %dma_start3A_217 = tpu.memref_slice %arg20[%dma_start3A_215, %dma_start3A_216] : memref<64x128xf32, #tpu.memory_space<vmem>> -> memref<16x128xf32, #tpu.memory_space<vmem>>
      %dma_start3A_218 = arith.constant 0 : i32
      %dma_start3A_219 = arith.constant 0 : i32
      %dma_start3A_220 = tpu.memref_slice %arg24[%dma_start3A_218, %dma_start3A_219] : memref<10240x128xf32, #tpu.memory_space<vmem_shared>> -> memref<10240x128xf32, #tpu.memory_space<vmem_shared>>
      tpu.enqueue_indirect_dma source(%dma_start3A_217 : memref<16x128xf32, #tpu.memory_space<vmem>>) target(%dma_start3A_220 : memref<10240x128xf32, #tpu.memory_space<vmem_shared>>) offsets(%get3A_214 : vector<16xi32>) semaphore(%arg29 : memref<!tpu.dma_semaphore, #tpu.memory_space<semaphore_mem>>) {add = true}
      %scan3A_221 = arith.constant 0 : i32
      %scan3A_222 = arith.constant 128 : i32
      %scan3A_223 = arith.addi %scan3A_221, %scan3A_222 : i32
      %scan3A_224 = arith.constant 2 : i32
      scf.for %scan3A_261 = %scan3A_221 to %scan3A_223 step %scan3A_224  : i32 {
        %mul3A_262 = arith.constant 1 : i32
        %mul3A_263 = arith.muli %scan3A_261, %mul3A_262 : i32
        %add3A_264 = arith.constant 0 : i32
        %add3A_265 = arith.addi %add3A_264, %mul3A_263 : i32
        %add3A_266 = vector.broadcast %add3A_265 : i32 to vector<16xi32>
        %add3A_267 = arith.addi %iota3A, %add3A_266 : vector<16xi32>
        %and3A = arith.constant 127 : i32
        %and3A_268 = vector.broadcast %and3A : i32 to vector<16xi32>
        %and3A_269 = arith.andi %add3A_267, %and3A_268 : vector<16xi32>
        %gather3A = tpu.vector_load_idx %arg17[%add3A_27, %and3A_269] : memref<64x128xf32, #tpu.memory_space<vmem>>[vector<16xi32>, vector<16xi32>], vector<16xf32>,
        %mul3A_270 = arith.mulf %exp3A_179, %gather3A : vector<16xf32>
        tpu.vector_store_idx %arg20[%add3A_27, %and3A_269], %mul3A_270 : memref<64x128xf32, #tpu.memory_space<vmem>>[vector<16xi32>, vector<16xi32>], vector<16xf32>,
        %scan3A_271 = arith.constant 1 : i32
        %scan3A_272 = arith.addi %scan3A_261, %scan3A_271 : i32
        %mul3A_273 = arith.constant 1 : i32
        %mul3A_274 = arith.muli %scan3A_272, %mul3A_273 : i32
        %add3A_275 = arith.constant 0 : i32
        %add3A_276 = arith.addi %add3A_275, %mul3A_274 : i32
        %add3A_277 = vector.broadcast %add3A_276 : i32 to vector<16xi32>
        %add3A_278 = arith.addi %iota3A, %add3A_277 : vector<16xi32>
        %and3A_279 = arith.constant 127 : i32
        %and3A_280 = vector.broadcast %and3A_279 : i32 to vector<16xi32>
        %and3A_281 = arith.andi %add3A_278, %and3A_280 : vector<16xi32>
        %gather3A_282 = tpu.vector_load_idx %arg17[%add3A_27, %and3A_281] : memref<64x128xf32, #tpu.memory_space<vmem>>[vector<16xi32>, vector<16xi32>], vector<16xf32>,
        %mul3A_283 = arith.mulf %exp3A_179, %gather3A_282 : vector<16xf32>
        tpu.vector_store_idx %arg20[%add3A_27, %and3A_281], %mul3A_283 : memref<64x128xf32, #tpu.memory_space<vmem>>[vector<16xi32>, vector<16xi32>], vector<16xf32>,
      }
      %scan3A_225 = arith.constant 128 : i32
      %get3A_226 = arith.constant 48 : index
      %get3A_227 = tpu.vector_load %arg16[%get3A_226] {strides = array<i32>} : memref<64xi32, #tpu.memory_space<vmem>>, vector<16xi32>,
      %dma_start3A_228 = arith.constant 48 : i32
      %dma_start3A_229 = arith.constant 0 : i32
      %dma_start3A_230 = tpu.memref_slice %arg20[%dma_start3A_228, %dma_start3A_229] : memref<64x128xf32, #tpu.memory_space<vmem>> -> memref<16x128xf32, #tpu.memory_space<vmem>>
      %dma_start3A_231 = arith.constant 0 : i32
      %dma_start3A_232 = arith.constant 0 : i32
      %dma_start3A_233 = tpu.memref_slice %arg24[%dma_start3A_231, %dma_start3A_232] : memref<10240x128xf32, #tpu.memory_space<vmem_shared>> -> memref<10240x128xf32, #tpu.memory_space<vmem_shared>>
      tpu.enqueue_indirect_dma source(%dma_start3A_230 : memref<16x128xf32, #tpu.memory_space<vmem>>) target(%dma_start3A_233 : memref<10240x128xf32, #tpu.memory_space<vmem_shared>>) offsets(%get3A_227 : vector<16xi32>) semaphore(%arg29 : memref<!tpu.dma_semaphore, #tpu.memory_space<semaphore_mem>>) {add = true}
      %dma_wait3A_234 = arith.constant 0 : i32
      %dma_wait3A_235 = arith.constant 0 : i32
      %dma_wait3A_236 = tpu.memref_slice %arg20[%dma_wait3A_234, %dma_wait3A_235] : memref<64x128xf32, #tpu.memory_space<vmem>> -> memref<16x128xf32, #tpu.memory_space<vmem>>
      %dma_wait3A_237 = arith.constant 0 : i32
      %dma_wait3A_238 = arith.constant 0 : i32
      %dma_wait3A_239 = tpu.memref_slice %arg24[%dma_wait3A_237, %dma_wait3A_238] : memref<10240x128xf32, #tpu.memory_space<vmem_shared>> -> memref<10240x128xf32, #tpu.memory_space<vmem_shared>>
      tpu.wait_indirect_dma semaphore(%arg29 : memref<!tpu.dma_semaphore, #tpu.memory_space<semaphore_mem>>) src(%dma_wait3A_236 : memref<16x128xf32, #tpu.memory_space<vmem>>) dst(%dma_wait3A_239 : memref<10240x128xf32, #tpu.memory_space<vmem_shared>>)
      %dma_wait3A_240 = arith.constant 16 : i32
      %dma_wait3A_241 = arith.constant 0 : i32
      %dma_wait3A_242 = tpu.memref_slice %arg20[%dma_wait3A_240, %dma_wait3A_241] : memref<64x128xf32, #tpu.memory_space<vmem>> -> memref<16x128xf32, #tpu.memory_space<vmem>>
      %dma_wait3A_243 = arith.constant 0 : i32
      %dma_wait3A_244 = arith.constant 0 : i32
      %dma_wait3A_245 = tpu.memref_slice %arg24[%dma_wait3A_243, %dma_wait3A_244] : memref<10240x128xf32, #tpu.memory_space<vmem_shared>> -> memref<10240x128xf32, #tpu.memory_space<vmem_shared>>
      tpu.wait_indirect_dma semaphore(%arg29 : memref<!tpu.dma_semaphore, #tpu.memory_space<semaphore_mem>>) src(%dma_wait3A_242 : memref<16x128xf32, #tpu.memory_space<vmem>>) dst(%dma_wait3A_245 : memref<10240x128xf32, #tpu.memory_space<vmem_shared>>)
      %dma_wait3A_246 = arith.constant 32 : i32
      %dma_wait3A_247 = arith.constant 0 : i32
      %dma_wait3A_248 = tpu.memref_slice %arg20[%dma_wait3A_246, %dma_wait3A_247] : memref<64x128xf32, #tpu.memory_space<vmem>> -> memref<16x128xf32, #tpu.memory_space<vmem>>
      %dma_wait3A_249 = arith.constant 0 : i32
      %dma_wait3A_250 = arith.constant 0 : i32
      %dma_wait3A_251 = tpu.memref_slice %arg24[%dma_wait3A_249, %dma_wait3A_250] : memref<10240x128xf32, #tpu.memory_space<vmem_shared>> -> memref<10240x128xf32, #tpu.memory_space<vmem_shared>>
      tpu.wait_indirect_dma semaphore(%arg29 : memref<!tpu.dma_semaphore, #tpu.memory_space<semaphore_mem>>) src(%dma_wait3A_248 : memref<16x128xf32, #tpu.memory_space<vmem>>) dst(%dma_wait3A_251 : memref<10240x128xf32, #tpu.memory_space<vmem_shared>>)
      %dma_wait3A_252 = arith.constant 48 : i32
      %dma_wait3A_253 = arith.constant 0 : i32
      %dma_wait3A_254 = tpu.memref_slice %arg20[%dma_wait3A_252, %dma_wait3A_253] : memref<64x128xf32, #tpu.memory_space<vmem>> -> memref<16x128xf32, #tpu.memory_space<vmem>>
      %dma_wait3A_255 = arith.constant 0 : i32
      %dma_wait3A_256 = arith.constant 0 : i32
      %dma_wait3A_257 = tpu.memref_slice %arg24[%dma_wait3A_255, %dma_wait3A_256] : memref<10240x128xf32, #tpu.memory_space<vmem_shared>> -> memref<10240x128xf32, #tpu.memory_space<vmem_shared>>
      tpu.wait_indirect_dma semaphore(%arg29 : memref<!tpu.dma_semaphore, #tpu.memory_space<semaphore_mem>>) src(%dma_wait3A_254 : memref<16x128xf32, #tpu.memory_space<vmem>>) dst(%dma_wait3A_257 : memref<10240x128xf32, #tpu.memory_space<vmem_shared>>)
      %dma_wait3A_258 = arith.constant 0 : i32
      %dma_wait3A_259 = arith.constant 0 : i32
      %dma_wait3A_260 = tpu.memref_slice %arg25[%dma_wait3A_258, %dma_wait3A_259] : memref<10240x16xf32, #tpu.memory_space<vmem_shared>> -> memref<10240x16xf32, #tpu.memory_space<vmem_shared>>
      tpu.wait_indirect_dma semaphore(%arg28 : memref<!tpu.dma_semaphore, #tpu.memory_space<semaphore_mem>>) src(%arg19 : memref<64x16xf32, #tpu.memory_space<vmem>>) dst(%dma_wait3A_260 : memref<10240x16xf32, #tpu.memory_space<vmem_shared>>)
    }
    %scan3A_72 = arith.constant 84 : i32
    %barrier3A_73 = arith.constant 0 : index
    tpu.barrier barrier_id(%barrier3A_73)
    %mul3A_74 = arith.constant 640 : i32
    %mul3A_75 = arith.muli %arg1, %mul3A_74 : i32
    %mul3A_76 = arith.constant 4 : i32
    %mul3A_77 = arith.muli %arg0, %mul3A_76 : i32
    %add3A_78 = arith.constant 1 : i32
    %add3A_79 = arith.addi %mul3A_77, %add3A_78 : i32
    %mul3A_80 = arith.constant 640 : i32
    %mul3A_81 = arith.muli %arg1, %mul3A_80 : i32
    "tpu.region"() ({
      %run_scoped3A = tpu.sem_alloc : memref<!tpu.dma_semaphore, #tpu.memory_space<semaphore_mem>>
      %dma_start3A = arith.constant 0 : i32
      %dma_start3A_143 = arith.constant 0 : i32
      %dma_start3A_144 = tpu.memref_slice %arg13[%add3A_79, %dma_start3A, %dma_start3A_143] : memref<8x10240x128xf32, #tpu.memory_space<hbm>> -> memref<1x10240x128xf32, #tpu.memory_space<hbm>>
      %dma_start3A_145 = tpu.memref_squeeze %dma_start3A_144 : memref<1x10240x128xf32, #tpu.memory_space<hbm>> -> memref<10240x128xf32, #tpu.memory_space<hbm>>
      %dma_start3A_146 = arith.constant 0 : i32
      %dma_start3A_147 = tpu.memref_slice %dma_start3A_145[%mul3A_81, %dma_start3A_146] : memref<10240x128xf32, #tpu.memory_space<hbm>> -> memref<640x128xf32, #tpu.memory_space<hbm>>
      %dma_start3A_148 = arith.constant 0 : i32
      %dma_start3A_149 = tpu.memref_slice %arg24[%mul3A_75, %dma_start3A_148] : memref<10240x128xf32, #tpu.memory_space<vmem_shared>> -> memref<640x128xf32, #tpu.memory_space<vmem_shared>>
      tpu.enqueue_dma source(%dma_start3A_149 : memref<640x128xf32, #tpu.memory_space<vmem_shared>>) target(%dma_start3A_147 : memref<640x128xf32, #tpu.memory_space<hbm>>) target_semaphore(%run_scoped3A : memref<!tpu.dma_semaphore, #tpu.memory_space<semaphore_mem>>)
      %dma_wait3A = arith.constant 0 : i32
      %dma_wait3A_150 = arith.constant 0 : i32
      %dma_wait3A_151 = tpu.memref_slice %arg13[%add3A_79, %dma_wait3A, %dma_wait3A_150] : memref<8x10240x128xf32, #tpu.memory_space<hbm>> -> memref<1x10240x128xf32, #tpu.memory_space<hbm>>
      %dma_wait3A_152 = tpu.memref_squeeze %dma_wait3A_151 : memref<1x10240x128xf32, #tpu.memory_space<hbm>> -> memref<10240x128xf32, #tpu.memory_space<hbm>>
      %dma_wait3A_153 = arith.constant 0 : i32
      %dma_wait3A_154 = tpu.memref_slice %dma_wait3A_152[%mul3A_81, %dma_wait3A_153] : memref<10240x128xf32, #tpu.memory_space<hbm>> -> memref<640x128xf32, #tpu.memory_space<hbm>>
      %dma_wait3A_155 = arith.constant 0 : i32
      %dma_wait3A_156 = tpu.memref_slice %arg24[%mul3A_75, %dma_wait3A_155] : memref<10240x128xf32, #tpu.memory_space<vmem_shared>> -> memref<640x128xf32, #tpu.memory_space<vmem_shared>>
      tpu.wait_dma2 semaphore(%run_scoped3A : memref<!tpu.dma_semaphore, #tpu.memory_space<semaphore_mem>>) src(%dma_wait3A_156 : memref<640x128xf32, #tpu.memory_space<vmem_shared>>) dst(%dma_wait3A_154 : memref<640x128xf32, #tpu.memory_space<hbm>>)
      tpu.yield
    }) : () -> ()
    %barrier3A_82 = arith.constant 0 : index
    tpu.barrier barrier_id(%barrier3A_82)
    "tpu.region"() ({
      %run_scoped3A = tpu.sem_alloc : memref<!tpu.dma_semaphore, #tpu.memory_space<semaphore_mem>>
      %dma_start3A = arith.constant 4096 : i32
      %dma_start3A_143 = tpu.memref_slice %arg12[%dma_start3A] : memref<8192xf32, #tpu.memory_space<hbm>> -> memref<2048xf32, #tpu.memory_space<hbm>>
      %dma_start3A_144 = arith.constant 4096 : i32
      %dma_start3A_145 = tpu.memref_slice %arg12[%dma_start3A_144] : memref<8192xf32, #tpu.memory_space<hbm>> -> memref<2048xf32, #tpu.memory_space<hbm>>
      tpu.enqueue_dma source(%dma_start3A_145 : memref<2048xf32, #tpu.memory_space<hbm>>) target(%arg23 : memref<2048xf32, #tpu.memory_space<vmem>>) target_semaphore(%run_scoped3A : memref<!tpu.dma_semaphore, #tpu.memory_space<semaphore_mem>>)
      %dma_wait3A = arith.constant 4096 : i32
      %dma_wait3A_146 = tpu.memref_slice %arg12[%dma_wait3A] : memref<8192xf32, #tpu.memory_space<hbm>> -> memref<2048xf32, #tpu.memory_space<hbm>>
      %dma_wait3A_147 = arith.constant 4096 : i32
      %dma_wait3A_148 = tpu.memref_slice %arg12[%dma_wait3A_147] : memref<8192xf32, #tpu.memory_space<hbm>> -> memref<2048xf32, #tpu.memory_space<hbm>>
      tpu.wait_dma2 semaphore(%run_scoped3A : memref<!tpu.dma_semaphore, #tpu.memory_space<semaphore_mem>>) src(%dma_wait3A_148 : memref<2048xf32, #tpu.memory_space<hbm>>) dst(%arg23 : memref<2048xf32, #tpu.memory_space<vmem>>)
      tpu.yield
    }) : () -> ()
    %scan3A_83 = arith.constant 0 : i32
    %scan3A_84 = arith.constant 40 : i32
    %scan3A_85 = arith.addi %scan3A_83, %scan3A_84 : i32
    %scan3A_86 = arith.constant 1 : i32
    scf.for %scan3A_143 = %scan3A_83 to %scan3A_85 step %scan3A_86  : i32 {
      %mul3A_144 = arith.constant 1 : i32
      %mul3A_145 = arith.muli %scan3A_143, %mul3A_144 : i32
      %add3A_146 = arith.constant 0 : i32
      %add3A_147 = arith.addi %add3A_146, %mul3A_145 : i32
      %mul3A_148 = arith.constant 640 : i32
      %mul3A_149 = arith.muli %arg1, %mul3A_148 : i32
      %mul3A_150 = arith.constant 16 : i32
      %mul3A_151 = arith.muli %add3A_147, %mul3A_150 : i32
      %add3A_152 = arith.addi %mul3A_149, %mul3A_151 : i32
      "tpu.region"() ({
        %run_scoped3A = tpu.sem_alloc : memref<!tpu.dma_semaphore, #tpu.memory_space<semaphore_mem>>
        %dma_start3A = arith.constant 0 : i32
        %dma_start3A_153 = tpu.memref_slice %arg24[%add3A_152, %dma_start3A] : memref<10240x128xf32, #tpu.memory_space<vmem_shared>> -> memref<16x128xf32, #tpu.memory_space<vmem_shared>>
        %dma_start3A_154 = arith.constant 0 : i32
        %dma_start3A_155 = tpu.memref_slice %arg24[%add3A_152, %dma_start3A_154] : memref<10240x128xf32, #tpu.memory_space<vmem_shared>> -> memref<16x128xf32, #tpu.memory_space<vmem_shared>>
        tpu.enqueue_dma source(%arg21 : memref<16x128xf32, #tpu.memory_space<vmem>>) target(%dma_start3A_155 : memref<16x128xf32, #tpu.memory_space<vmem_shared>>) target_semaphore(%run_scoped3A : memref<!tpu.dma_semaphore, #tpu.memory_space<semaphore_mem>>)
        %dma_wait3A = arith.constant 0 : i32
        %dma_wait3A_156 = tpu.memref_slice %arg24[%add3A_152, %dma_wait3A] : memref<10240x128xf32, #tpu.memory_space<vmem_shared>> -> memref<16x128xf32, #tpu.memory_space<vmem_shared>>
        %dma_wait3A_157 = arith.constant 0 : i32
        %dma_wait3A_158 = tpu.memref_slice %arg24[%add3A_152, %dma_wait3A_157] : memref<10240x128xf32, #tpu.memory_space<vmem_shared>> -> memref<16x128xf32, #tpu.memory_space<vmem_shared>>
        tpu.wait_dma2 semaphore(%run_scoped3A : memref<!tpu.dma_semaphore, #tpu.memory_space<semaphore_mem>>) src(%arg21 : memref<16x128xf32, #tpu.memory_space<vmem>>) dst(%dma_wait3A_158 : memref<16x128xf32, #tpu.memory_space<vmem_shared>>)
        tpu.yield
      }) : () -> ()
    }
    %scan3A_87 = arith.constant 40 : i32
    %scan3A_88 = arith.constant 0 : i32
    %scan3A_89 = arith.constant 64 : i32
    %scan3A_90 = arith.addi %scan3A_88, %scan3A_89 : i32
    %scan3A_91 = arith.constant 1 : i32
    scf.for %scan3A_143 = %scan3A_88 to %scan3A_90 step %scan3A_91  : i32 {
      %mul3A_144 = arith.constant 1 : i32
      %mul3A_145 = arith.muli %scan3A_143, %mul3A_144 : i32
      %add3A_146 = arith.constant 0 : i32
      %add3A_147 = arith.addi %add3A_146, %mul3A_145 : i32
      %swap3A = arith.index_cast %add3A_147 : i32 to index
      %swap3A_148 = arith.constant 0 : index
      %swap3A_149 = tpu.vector_load %arg19[%swap3A, %swap3A_148] {strides = array<i32>} : memref<64x16xf32, #tpu.memory_space<vmem>>, vector<16xf32>,
      tpu.vector_store %arg19[%swap3A, %swap3A_148], %broadcast_in_dim3A_1 {strides = array<i32>} : memref<64x16xf32, #tpu.memory_space<vmem>>, vector<16xf32>,
    }
    %scan3A_92 = arith.constant 64 : i32
    %barrier3A_93 = arith.constant 0 : index
    tpu.barrier barrier_id(%barrier3A_93)
    %broadcast_in_dim3A_94 = arith.constant 2 : i32
    %broadcast_in_dim3A_95 = vector.broadcast %broadcast_in_dim3A_94 : i32 to vector<16xi32>
    %scan3A_96 = arith.constant 0 : i32
    %scan3A_97 = arith.constant 84 : i32
    %scan3A_98 = arith.addi %scan3A_96, %scan3A_97 : i32
    %scan3A_99 = arith.constant 1 : i32
    scf.for %scan3A_143 = %scan3A_96 to %scan3A_98 step %scan3A_99  : i32 {
      %mul3A_144 = arith.constant 1 : i32
      %mul3A_145 = arith.muli %scan3A_143, %mul3A_144 : i32
      %add3A_146 = arith.constant 0 : i32
      %add3A_147 = arith.addi %add3A_146, %mul3A_145 : i32
      %mul3A_148 = arith.constant 5376 : i32
      %mul3A_149 = arith.muli %add3A, %mul3A_148 : i32
      %mul3A_150 = arith.constant 64 : i32
      %mul3A_151 = arith.muli %add3A_147, %mul3A_150 : i32
      %add3A_152 = arith.addi %mul3A_149, %mul3A_151 : i32
      "tpu.region"() ({
        %run_scoped3A = tpu.sem_alloc : memref<!tpu.dma_semaphore, #tpu.memory_space<semaphore_mem>>
        %dma_start3A_261 = tpu.memref_slice %arg2[%add3A_152] : memref<172032xi32, #tpu.memory_space<hbm>> -> memref<64xi32, #tpu.memory_space<hbm>>
        %dma_start3A_262 = tpu.memref_slice %arg2[%add3A_152] : memref<172032xi32, #tpu.memory_space<hbm>> -> memref<64xi32, #tpu.memory_space<hbm>>
        tpu.enqueue_dma source(%dma_start3A_262 : memref<64xi32, #tpu.memory_space<hbm>>) target(%arg15 : memref<64xi32, #tpu.memory_space<vmem>>) target_semaphore(%run_scoped3A : memref<!tpu.dma_semaphore, #tpu.memory_space<semaphore_mem>>)
        %dma_wait3A_263 = tpu.memref_slice %arg2[%add3A_152] : memref<172032xi32, #tpu.memory_space<hbm>> -> memref<64xi32, #tpu.memory_space<hbm>>
        %dma_wait3A_264 = tpu.memref_slice %arg2[%add3A_152] : memref<172032xi32, #tpu.memory_space<hbm>> -> memref<64xi32, #tpu.memory_space<hbm>>
        tpu.wait_dma2 semaphore(%run_scoped3A : memref<!tpu.dma_semaphore, #tpu.memory_space<semaphore_mem>>) src(%dma_wait3A_264 : memref<64xi32, #tpu.memory_space<hbm>>) dst(%arg15 : memref<64xi32, #tpu.memory_space<vmem>>)
        tpu.yield
      }) : () -> ()
      "tpu.region"() ({
        %run_scoped3A = tpu.sem_alloc : memref<!tpu.dma_semaphore, #tpu.memory_space<semaphore_mem>>
        %dma_start3A_261 = tpu.memref_slice %arg3[%add3A_152] : memref<172032xi32, #tpu.memory_space<hbm>> -> memref<64xi32, #tpu.memory_space<hbm>>
        %dma_start3A_262 = tpu.memref_slice %arg3[%add3A_152] : memref<172032xi32, #tpu.memory_space<hbm>> -> memref<64xi32, #tpu.memory_space<hbm>>
        tpu.enqueue_dma source(%dma_start3A_262 : memref<64xi32, #tpu.memory_space<hbm>>) target(%arg16 : memref<64xi32, #tpu.memory_space<vmem>>) target_semaphore(%run_scoped3A : memref<!tpu.dma_semaphore, #tpu.memory_space<semaphore_mem>>)
        %dma_wait3A_263 = tpu.memref_slice %arg3[%add3A_152] : memref<172032xi32, #tpu.memory_space<hbm>> -> memref<64xi32, #tpu.memory_space<hbm>>
        %dma_wait3A_264 = tpu.memref_slice %arg3[%add3A_152] : memref<172032xi32, #tpu.memory_space<hbm>> -> memref<64xi32, #tpu.memory_space<hbm>>
        tpu.wait_dma2 semaphore(%run_scoped3A : memref<!tpu.dma_semaphore, #tpu.memory_space<semaphore_mem>>) src(%dma_wait3A_264 : memref<64xi32, #tpu.memory_space<hbm>>) dst(%arg16 : memref<64xi32, #tpu.memory_space<vmem>>)
        tpu.yield
      }) : () -> ()
      %dma_start3A = arith.constant 0 : i32
      %dma_start3A_153 = arith.constant 0 : i32
      %dma_start3A_154 = tpu.memref_slice %arg6[%dma_start3A, %dma_start3A_153] : memref<10240x128xf32, #tpu.memory_space<hbm>> -> memref<10240x128xf32, #tpu.memory_space<hbm>>
      tpu.enqueue_indirect_dma source(%dma_start3A_154 : memref<10240x128xf32, #tpu.memory_space<hbm>>) target(%arg17 : memref<64x128xf32, #tpu.memory_space<vmem>>) offsets(%arg15 : memref<64xi32, #tpu.memory_space<vmem>>) semaphore(%arg26 : memref<!tpu.dma_semaphore, #tpu.memory_space<semaphore_mem>>)
      %dma_start3A_155 = arith.constant 0 : i32
      %dma_start3A_156 = arith.constant 0 : i32
      %dma_start3A_157 = tpu.memref_slice %arg10[%dma_start3A_155, %dma_start3A_156] : memref<10240x128xf32, #tpu.memory_space<hbm>> -> memref<10240x128xf32, #tpu.memory_space<hbm>>
      tpu.enqueue_indirect_dma source(%dma_start3A_157 : memref<10240x128xf32, #tpu.memory_space<hbm>>) target(%arg18 : memref<64x128xf32, #tpu.memory_space<vmem>>) offsets(%arg16 : memref<64xi32, #tpu.memory_space<vmem>>) semaphore(%arg27 : memref<!tpu.dma_semaphore, #tpu.memory_space<semaphore_mem>>)
      %dma_wait3A = arith.constant 0 : i32
      %dma_wait3A_158 = arith.constant 0 : i32
      %dma_wait3A_159 = tpu.memref_slice %arg6[%dma_wait3A, %dma_wait3A_158] : memref<10240x128xf32, #tpu.memory_space<hbm>> -> memref<10240x128xf32, #tpu.memory_space<hbm>>
      tpu.wait_indirect_dma semaphore(%arg26 : memref<!tpu.dma_semaphore, #tpu.memory_space<semaphore_mem>>) src(%dma_wait3A_159 : memref<10240x128xf32, #tpu.memory_space<hbm>>) dst(%arg17 : memref<64x128xf32, #tpu.memory_space<vmem>>)
      %dma_wait3A_160 = arith.constant 0 : i32
      %dma_wait3A_161 = arith.constant 0 : i32
      %dma_wait3A_162 = tpu.memref_slice %arg10[%dma_wait3A_160, %dma_wait3A_161] : memref<10240x128xf32, #tpu.memory_space<hbm>> -> memref<10240x128xf32, #tpu.memory_space<hbm>>
      tpu.wait_indirect_dma semaphore(%arg27 : memref<!tpu.dma_semaphore, #tpu.memory_space<semaphore_mem>>) src(%dma_wait3A_162 : memref<10240x128xf32, #tpu.memory_space<hbm>>) dst(%arg18 : memref<64x128xf32, #tpu.memory_space<vmem>>)
      %broadcast_in_dim3A_163 = arith.constant 0.000000e+00 : f32
      %broadcast_in_dim3A_164 = vector.broadcast %broadcast_in_dim3A_163 : f32 to vector<16xf32>
      %broadcast_in_dim3A_165 = arith.constant 0.000000e+00 : f32
      %broadcast_in_dim3A_166 = vector.broadcast %broadcast_in_dim3A_165 : f32 to vector<16xf32>
      %broadcast_in_dim3A_167 = arith.constant 0.000000e+00 : f32
      %broadcast_in_dim3A_168 = vector.broadcast %broadcast_in_dim3A_167 : f32 to vector<16xf32>
      %broadcast_in_dim3A_169 = arith.constant 0.000000e+00 : f32
      %broadcast_in_dim3A_170 = vector.broadcast %broadcast_in_dim3A_169 : f32 to vector<16xf32>
      %scan3A_171 = arith.constant 0 : i32
      %scan3A_172 = arith.constant 128 : i32
      %scan3A_173 = arith.addi %scan3A_171, %scan3A_172 : i32
      %scan3A_174 = arith.constant 2 : i32
      %scan3A_175:4 = scf.for %scan3A_261 = %scan3A_171 to %scan3A_173 step %scan3A_174 iter_args(%scan3A_262 = %broadcast_in_dim3A_164, %scan3A_263 = %broadcast_in_dim3A_166, %scan3A_264 = %broadcast_in_dim3A_168, %scan3A_265 = %broadcast_in_dim3A_170) -> (vector<16xf32>, vector<16xf32>, vector<16xf32>, vector<16xf32>)  : i32 {
        %mul3A_266 = arith.constant 1 : i32
        %mul3A_267 = arith.muli %scan3A_261, %mul3A_266 : i32
        %add3A_268 = arith.constant 0 : i32
        %add3A_269 = arith.addi %add3A_268, %mul3A_267 : i32
        %mul3A_270 = arith.constant 16 : i32
        %mul3A_271 = arith.muli %add3A_269, %mul3A_270 : i32
        %get3A_272 = arith.index_cast %mul3A_271 : i32 to index
        %get3A_273 = tpu.vector_load %arg23[%get3A_272] {strides = array<i32>} : memref<2048xf32, #tpu.memory_space<vmem>>, vector<16xf32>,
        %add3A_274 = vector.broadcast %add3A_269 : i32 to vector<16xi32>
        %add3A_275 = arith.addi %iota3A, %add3A_274 : vector<16xi32>
        %and3A = arith.constant 127 : i32
        %and3A_276 = vector.broadcast %and3A : i32 to vector<16xi32>
        %and3A_277 = arith.andi %add3A_275, %and3A_276 : vector<16xi32>
        %gather3A = tpu.vector_load_idx %arg17[%add3A_18, %and3A_277] : memref<64x128xf32, #tpu.memory_space<vmem>>[vector<16xi32>, vector<16xi32>], vector<16xf32>,
        %gather3A_278 = tpu.vector_load_idx %arg18[%add3A_18, %and3A_277] : memref<64x128xf32, #tpu.memory_space<vmem>>[vector<16xi32>, vector<16xi32>], vector<16xf32>,
        %add3A_279 = arith.addf %gather3A, %gather3A_278 : vector<16xf32>
        %mul3A_280 = arith.constant 2.000000e-01 : f32
        %mul3A_281 = vector.broadcast %mul3A_280 : f32 to vector<16xf32>
        %mul3A_282 = arith.mulf %mul3A_281, %add3A_279 : vector<16xf32>
        %max3A = arith.maximumf %add3A_279, %mul3A_282 : vector<16xf32>
        %mul3A_283 = arith.mulf %get3A_273, %max3A : vector<16xf32>
        %add3A_284 = arith.addf %scan3A_262, %mul3A_283 : vector<16xf32>
        %gather3A_285 = tpu.vector_load_idx %arg17[%add3A_21, %and3A_277] : memref<64x128xf32, #tpu.memory_space<vmem>>[vector<16xi32>, vector<16xi32>], vector<16xf32>,
        %gather3A_286 = tpu.vector_load_idx %arg18[%add3A_21, %and3A_277] : memref<64x128xf32, #tpu.memory_space<vmem>>[vector<16xi32>, vector<16xi32>], vector<16xf32>,
        %add3A_287 = arith.addf %gather3A_285, %gather3A_286 : vector<16xf32>
        %mul3A_288 = arith.constant 2.000000e-01 : f32
        %mul3A_289 = vector.broadcast %mul3A_288 : f32 to vector<16xf32>
        %mul3A_290 = arith.mulf %mul3A_289, %add3A_287 : vector<16xf32>
        %max3A_291 = arith.maximumf %add3A_287, %mul3A_290 : vector<16xf32>
        %mul3A_292 = arith.mulf %get3A_273, %max3A_291 : vector<16xf32>
        %add3A_293 = arith.addf %scan3A_263, %mul3A_292 : vector<16xf32>
        %gather3A_294 = tpu.vector_load_idx %arg17[%add3A_24, %and3A_277] : memref<64x128xf32, #tpu.memory_space<vmem>>[vector<16xi32>, vector<16xi32>], vector<16xf32>,
        %gather3A_295 = tpu.vector_load_idx %arg18[%add3A_24, %and3A_277] : memref<64x128xf32, #tpu.memory_space<vmem>>[vector<16xi32>, vector<16xi32>], vector<16xf32>,
        %add3A_296 = arith.addf %gather3A_294, %gather3A_295 : vector<16xf32>
        %mul3A_297 = arith.constant 2.000000e-01 : f32
        %mul3A_298 = vector.broadcast %mul3A_297 : f32 to vector<16xf32>
        %mul3A_299 = arith.mulf %mul3A_298, %add3A_296 : vector<16xf32>
        %max3A_300 = arith.maximumf %add3A_296, %mul3A_299 : vector<16xf32>
        %mul3A_301 = arith.mulf %get3A_273, %max3A_300 : vector<16xf32>
        %add3A_302 = arith.addf %scan3A_264, %mul3A_301 : vector<16xf32>
        %gather3A_303 = tpu.vector_load_idx %arg17[%add3A_27, %and3A_277] : memref<64x128xf32, #tpu.memory_space<vmem>>[vector<16xi32>, vector<16xi32>], vector<16xf32>,
        %gather3A_304 = tpu.vector_load_idx %arg18[%add3A_27, %and3A_277] : memref<64x128xf32, #tpu.memory_space<vmem>>[vector<16xi32>, vector<16xi32>], vector<16xf32>,
        %add3A_305 = arith.addf %gather3A_303, %gather3A_304 : vector<16xf32>
        %mul3A_306 = arith.constant 2.000000e-01 : f32
        %mul3A_307 = vector.broadcast %mul3A_306 : f32 to vector<16xf32>
        %mul3A_308 = arith.mulf %mul3A_307, %add3A_305 : vector<16xf32>
        %max3A_309 = arith.maximumf %add3A_305, %mul3A_308 : vector<16xf32>
        %mul3A_310 = arith.mulf %get3A_273, %max3A_309 : vector<16xf32>
        %add3A_311 = arith.addf %scan3A_265, %mul3A_310 : vector<16xf32>
        %scan3A_312 = arith.constant 1 : i32
        %scan3A_313 = arith.addi %scan3A_261, %scan3A_312 : i32
        %mul3A_314 = arith.constant 1 : i32
        %mul3A_315 = arith.muli %scan3A_313, %mul3A_314 : i32
        %add3A_316 = arith.constant 0 : i32
        %add3A_317 = arith.addi %add3A_316, %mul3A_315 : i32
        %mul3A_318 = arith.constant 16 : i32
        %mul3A_319 = arith.muli %add3A_317, %mul3A_318 : i32
        %get3A_320 = arith.index_cast %mul3A_319 : i32 to index
        %get3A_321 = tpu.vector_load %arg23[%get3A_320] {strides = array<i32>} : memref<2048xf32, #tpu.memory_space<vmem>>, vector<16xf32>,
        %add3A_322 = vector.broadcast %add3A_317 : i32 to vector<16xi32>
        %add3A_323 = arith.addi %iota3A, %add3A_322 : vector<16xi32>
        %and3A_324 = arith.constant 127 : i32
        %and3A_325 = vector.broadcast %and3A_324 : i32 to vector<16xi32>
        %and3A_326 = arith.andi %add3A_323, %and3A_325 : vector<16xi32>
        %gather3A_327 = tpu.vector_load_idx %arg17[%add3A_18, %and3A_326] : memref<64x128xf32, #tpu.memory_space<vmem>>[vector<16xi32>, vector<16xi32>], vector<16xf32>,
        %gather3A_328 = tpu.vector_load_idx %arg18[%add3A_18, %and3A_326] : memref<64x128xf32, #tpu.memory_space<vmem>>[vector<16xi32>, vector<16xi32>], vector<16xf32>,
        %add3A_329 = arith.addf %gather3A_327, %gather3A_328 : vector<16xf32>
        %mul3A_330 = arith.constant 2.000000e-01 : f32
        %mul3A_331 = vector.broadcast %mul3A_330 : f32 to vector<16xf32>
        %mul3A_332 = arith.mulf %mul3A_331, %add3A_329 : vector<16xf32>
        %max3A_333 = arith.maximumf %add3A_329, %mul3A_332 : vector<16xf32>
        %mul3A_334 = arith.mulf %get3A_321, %max3A_333 : vector<16xf32>
        %add3A_335 = arith.addf %add3A_284, %mul3A_334 : vector<16xf32>
        %gather3A_336 = tpu.vector_load_idx %arg17[%add3A_21, %and3A_326] : memref<64x128xf32, #tpu.memory_space<vmem>>[vector<16xi32>, vector<16xi32>], vector<16xf32>,
        %gather3A_337 = tpu.vector_load_idx %arg18[%add3A_21, %and3A_326] : memref<64x128xf32, #tpu.memory_space<vmem>>[vector<16xi32>, vector<16xi32>], vector<16xf32>,
        %add3A_338 = arith.addf %gather3A_336, %gather3A_337 : vector<16xf32>
        %mul3A_339 = arith.constant 2.000000e-01 : f32
        %mul3A_340 = vector.broadcast %mul3A_339 : f32 to vector<16xf32>
        %mul3A_341 = arith.mulf %mul3A_340, %add3A_338 : vector<16xf32>
        %max3A_342 = arith.maximumf %add3A_338, %mul3A_341 : vector<16xf32>
        %mul3A_343 = arith.mulf %get3A_321, %max3A_342 : vector<16xf32>
        %add3A_344 = arith.addf %add3A_293, %mul3A_343 : vector<16xf32>
        %gather3A_345 = tpu.vector_load_idx %arg17[%add3A_24, %and3A_326] : memref<64x128xf32, #tpu.memory_space<vmem>>[vector<16xi32>, vector<16xi32>], vector<16xf32>,
        %gather3A_346 = tpu.vector_load_idx %arg18[%add3A_24, %and3A_326] : memref<64x128xf32, #tpu.memory_space<vmem>>[vector<16xi32>, vector<16xi32>], vector<16xf32>,
        %add3A_347 = arith.addf %gather3A_345, %gather3A_346 : vector<16xf32>
        %mul3A_348 = arith.constant 2.000000e-01 : f32
        %mul3A_349 = vector.broadcast %mul3A_348 : f32 to vector<16xf32>
        %mul3A_350 = arith.mulf %mul3A_349, %add3A_347 : vector<16xf32>
        %max3A_351 = arith.maximumf %add3A_347, %mul3A_350 : vector<16xf32>
        %mul3A_352 = arith.mulf %get3A_321, %max3A_351 : vector<16xf32>
        %add3A_353 = arith.addf %add3A_302, %mul3A_352 : vector<16xf32>
        %gather3A_354 = tpu.vector_load_idx %arg17[%add3A_27, %and3A_326] : memref<64x128xf32, #tpu.memory_space<vmem>>[vector<16xi32>, vector<16xi32>], vector<16xf32>,
        %gather3A_355 = tpu.vector_load_idx %arg18[%add3A_27, %and3A_326] : memref<64x128xf32, #tpu.memory_space<vmem>>[vector<16xi32>, vector<16xi32>], vector<16xf32>,
        %add3A_356 = arith.addf %gather3A_354, %gather3A_355 : vector<16xf32>
        %mul3A_357 = arith.constant 2.000000e-01 : f32
        %mul3A_358 = vector.broadcast %mul3A_357 : f32 to vector<16xf32>
        %mul3A_359 = arith.mulf %mul3A_358, %add3A_356 : vector<16xf32>
        %max3A_360 = arith.maximumf %add3A_356, %mul3A_359 : vector<16xf32>
        %mul3A_361 = arith.mulf %get3A_321, %max3A_360 : vector<16xf32>
        %add3A_362 = arith.addf %add3A_311, %mul3A_361 : vector<16xf32>
        scf.yield %add3A_335, %add3A_344, %add3A_353, %add3A_362 : vector<16xf32>, vector<16xf32>, vector<16xf32>, vector<16xf32>
      }
      %scan3A_176 = arith.constant 128 : i32
      %exp3A = math.exp %scan3A_175#0 : vector<16xf32>
      tpu.vector_store_idx %arg19[%add3A_18, %broadcast_in_dim3A_95], %exp3A : memref<64x16xf32, #tpu.memory_space<vmem>>[vector<16xi32>, vector<16xi32>], vector<16xf32>,
      %exp3A_177 = math.exp %scan3A_175#1 : vector<16xf32>
      tpu.vector_store_idx %arg19[%add3A_21, %broadcast_in_dim3A_95], %exp3A_177 : memref<64x16xf32, #tpu.memory_space<vmem>>[vector<16xi32>, vector<16xi32>], vector<16xf32>,
      %exp3A_178 = math.exp %scan3A_175#2 : vector<16xf32>
      tpu.vector_store_idx %arg19[%add3A_24, %broadcast_in_dim3A_95], %exp3A_178 : memref<64x16xf32, #tpu.memory_space<vmem>>[vector<16xi32>, vector<16xi32>], vector<16xf32>,
      %exp3A_179 = math.exp %scan3A_175#3 : vector<16xf32>
      tpu.vector_store_idx %arg19[%add3A_27, %broadcast_in_dim3A_95], %exp3A_179 : memref<64x16xf32, #tpu.memory_space<vmem>>[vector<16xi32>, vector<16xi32>], vector<16xf32>,
      %dma_start3A_180 = arith.constant 0 : i32
      %dma_start3A_181 = arith.constant 0 : i32
      %dma_start3A_182 = tpu.memref_slice %arg25[%dma_start3A_180, %dma_start3A_181] : memref<10240x16xf32, #tpu.memory_space<vmem_shared>> -> memref<10240x16xf32, #tpu.memory_space<vmem_shared>>
      tpu.enqueue_indirect_dma source(%arg19 : memref<64x16xf32, #tpu.memory_space<vmem>>) target(%dma_start3A_182 : memref<10240x16xf32, #tpu.memory_space<vmem_shared>>) offsets(%arg16 : memref<64xi32, #tpu.memory_space<vmem>>) semaphore(%arg28 : memref<!tpu.dma_semaphore, #tpu.memory_space<semaphore_mem>>) {add = true}
      %scan3A_183 = arith.constant 0 : i32
      %scan3A_184 = arith.constant 128 : i32
      %scan3A_185 = arith.addi %scan3A_183, %scan3A_184 : i32
      %scan3A_186 = arith.constant 2 : i32
      scf.for %scan3A_261 = %scan3A_183 to %scan3A_185 step %scan3A_186  : i32 {
        %mul3A_262 = arith.constant 1 : i32
        %mul3A_263 = arith.muli %scan3A_261, %mul3A_262 : i32
        %add3A_264 = arith.constant 0 : i32
        %add3A_265 = arith.addi %add3A_264, %mul3A_263 : i32
        %add3A_266 = vector.broadcast %add3A_265 : i32 to vector<16xi32>
        %add3A_267 = arith.addi %iota3A, %add3A_266 : vector<16xi32>
        %and3A = arith.constant 127 : i32
        %and3A_268 = vector.broadcast %and3A : i32 to vector<16xi32>
        %and3A_269 = arith.andi %add3A_267, %and3A_268 : vector<16xi32>
        %gather3A = tpu.vector_load_idx %arg17[%add3A_18, %and3A_269] : memref<64x128xf32, #tpu.memory_space<vmem>>[vector<16xi32>, vector<16xi32>], vector<16xf32>,
        %mul3A_270 = arith.mulf %exp3A, %gather3A : vector<16xf32>
        tpu.vector_store_idx %arg20[%add3A_18, %and3A_269], %mul3A_270 : memref<64x128xf32, #tpu.memory_space<vmem>>[vector<16xi32>, vector<16xi32>], vector<16xf32>,
        %scan3A_271 = arith.constant 1 : i32
        %scan3A_272 = arith.addi %scan3A_261, %scan3A_271 : i32
        %mul3A_273 = arith.constant 1 : i32
        %mul3A_274 = arith.muli %scan3A_272, %mul3A_273 : i32
        %add3A_275 = arith.constant 0 : i32
        %add3A_276 = arith.addi %add3A_275, %mul3A_274 : i32
        %add3A_277 = vector.broadcast %add3A_276 : i32 to vector<16xi32>
        %add3A_278 = arith.addi %iota3A, %add3A_277 : vector<16xi32>
        %and3A_279 = arith.constant 127 : i32
        %and3A_280 = vector.broadcast %and3A_279 : i32 to vector<16xi32>
        %and3A_281 = arith.andi %add3A_278, %and3A_280 : vector<16xi32>
        %gather3A_282 = tpu.vector_load_idx %arg17[%add3A_18, %and3A_281] : memref<64x128xf32, #tpu.memory_space<vmem>>[vector<16xi32>, vector<16xi32>], vector<16xf32>,
        %mul3A_283 = arith.mulf %exp3A, %gather3A_282 : vector<16xf32>
        tpu.vector_store_idx %arg20[%add3A_18, %and3A_281], %mul3A_283 : memref<64x128xf32, #tpu.memory_space<vmem>>[vector<16xi32>, vector<16xi32>], vector<16xf32>,
      }
      %scan3A_187 = arith.constant 128 : i32
      %get3A = arith.constant 0 : index
      %get3A_188 = tpu.vector_load %arg16[%get3A] {strides = array<i32>} : memref<64xi32, #tpu.memory_space<vmem>>, vector<16xi32>,
      %dma_start3A_189 = arith.constant 0 : i32
      %dma_start3A_190 = arith.constant 0 : i32
      %dma_start3A_191 = tpu.memref_slice %arg20[%dma_start3A_189, %dma_start3A_190] : memref<64x128xf32, #tpu.memory_space<vmem>> -> memref<16x128xf32, #tpu.memory_space<vmem>>
      %dma_start3A_192 = arith.constant 0 : i32
      %dma_start3A_193 = arith.constant 0 : i32
      %dma_start3A_194 = tpu.memref_slice %arg24[%dma_start3A_192, %dma_start3A_193] : memref<10240x128xf32, #tpu.memory_space<vmem_shared>> -> memref<10240x128xf32, #tpu.memory_space<vmem_shared>>
      tpu.enqueue_indirect_dma source(%dma_start3A_191 : memref<16x128xf32, #tpu.memory_space<vmem>>) target(%dma_start3A_194 : memref<10240x128xf32, #tpu.memory_space<vmem_shared>>) offsets(%get3A_188 : vector<16xi32>) semaphore(%arg29 : memref<!tpu.dma_semaphore, #tpu.memory_space<semaphore_mem>>) {add = true}
      %scan3A_195 = arith.constant 0 : i32
      %scan3A_196 = arith.constant 128 : i32
      %scan3A_197 = arith.addi %scan3A_195, %scan3A_196 : i32
      %scan3A_198 = arith.constant 2 : i32
      scf.for %scan3A_261 = %scan3A_195 to %scan3A_197 step %scan3A_198  : i32 {
        %mul3A_262 = arith.constant 1 : i32
        %mul3A_263 = arith.muli %scan3A_261, %mul3A_262 : i32
        %add3A_264 = arith.constant 0 : i32
        %add3A_265 = arith.addi %add3A_264, %mul3A_263 : i32
        %add3A_266 = vector.broadcast %add3A_265 : i32 to vector<16xi32>
        %add3A_267 = arith.addi %iota3A, %add3A_266 : vector<16xi32>
        %and3A = arith.constant 127 : i32
        %and3A_268 = vector.broadcast %and3A : i32 to vector<16xi32>
        %and3A_269 = arith.andi %add3A_267, %and3A_268 : vector<16xi32>
        %gather3A = tpu.vector_load_idx %arg17[%add3A_21, %and3A_269] : memref<64x128xf32, #tpu.memory_space<vmem>>[vector<16xi32>, vector<16xi32>], vector<16xf32>,
        %mul3A_270 = arith.mulf %exp3A_177, %gather3A : vector<16xf32>
        tpu.vector_store_idx %arg20[%add3A_21, %and3A_269], %mul3A_270 : memref<64x128xf32, #tpu.memory_space<vmem>>[vector<16xi32>, vector<16xi32>], vector<16xf32>,
        %scan3A_271 = arith.constant 1 : i32
        %scan3A_272 = arith.addi %scan3A_261, %scan3A_271 : i32
        %mul3A_273 = arith.constant 1 : i32
        %mul3A_274 = arith.muli %scan3A_272, %mul3A_273 : i32
        %add3A_275 = arith.constant 0 : i32
        %add3A_276 = arith.addi %add3A_275, %mul3A_274 : i32
        %add3A_277 = vector.broadcast %add3A_276 : i32 to vector<16xi32>
        %add3A_278 = arith.addi %iota3A, %add3A_277 : vector<16xi32>
        %and3A_279 = arith.constant 127 : i32
        %and3A_280 = vector.broadcast %and3A_279 : i32 to vector<16xi32>
        %and3A_281 = arith.andi %add3A_278, %and3A_280 : vector<16xi32>
        %gather3A_282 = tpu.vector_load_idx %arg17[%add3A_21, %and3A_281] : memref<64x128xf32, #tpu.memory_space<vmem>>[vector<16xi32>, vector<16xi32>], vector<16xf32>,
        %mul3A_283 = arith.mulf %exp3A_177, %gather3A_282 : vector<16xf32>
        tpu.vector_store_idx %arg20[%add3A_21, %and3A_281], %mul3A_283 : memref<64x128xf32, #tpu.memory_space<vmem>>[vector<16xi32>, vector<16xi32>], vector<16xf32>,
      }
      %scan3A_199 = arith.constant 128 : i32
      %get3A_200 = arith.constant 16 : index
      %get3A_201 = tpu.vector_load %arg16[%get3A_200] {strides = array<i32>} : memref<64xi32, #tpu.memory_space<vmem>>, vector<16xi32>,
      %dma_start3A_202 = arith.constant 16 : i32
      %dma_start3A_203 = arith.constant 0 : i32
      %dma_start3A_204 = tpu.memref_slice %arg20[%dma_start3A_202, %dma_start3A_203] : memref<64x128xf32, #tpu.memory_space<vmem>> -> memref<16x128xf32, #tpu.memory_space<vmem>>
      %dma_start3A_205 = arith.constant 0 : i32
      %dma_start3A_206 = arith.constant 0 : i32
      %dma_start3A_207 = tpu.memref_slice %arg24[%dma_start3A_205, %dma_start3A_206] : memref<10240x128xf32, #tpu.memory_space<vmem_shared>> -> memref<10240x128xf32, #tpu.memory_space<vmem_shared>>
      tpu.enqueue_indirect_dma source(%dma_start3A_204 : memref<16x128xf32, #tpu.memory_space<vmem>>) target(%dma_start3A_207 : memref<10240x128xf32, #tpu.memory_space<vmem_shared>>) offsets(%get3A_201 : vector<16xi32>) semaphore(%arg29 : memref<!tpu.dma_semaphore, #tpu.memory_space<semaphore_mem>>) {add = true}
      %scan3A_208 = arith.constant 0 : i32
      %scan3A_209 = arith.constant 128 : i32
      %scan3A_210 = arith.addi %scan3A_208, %scan3A_209 : i32
      %scan3A_211 = arith.constant 2 : i32
      scf.for %scan3A_261 = %scan3A_208 to %scan3A_210 step %scan3A_211  : i32 {
        %mul3A_262 = arith.constant 1 : i32
        %mul3A_263 = arith.muli %scan3A_261, %mul3A_262 : i32
        %add3A_264 = arith.constant 0 : i32
        %add3A_265 = arith.addi %add3A_264, %mul3A_263 : i32
        %add3A_266 = vector.broadcast %add3A_265 : i32 to vector<16xi32>
        %add3A_267 = arith.addi %iota3A, %add3A_266 : vector<16xi32>
        %and3A = arith.constant 127 : i32
        %and3A_268 = vector.broadcast %and3A : i32 to vector<16xi32>
        %and3A_269 = arith.andi %add3A_267, %and3A_268 : vector<16xi32>
        %gather3A = tpu.vector_load_idx %arg17[%add3A_24, %and3A_269] : memref<64x128xf32, #tpu.memory_space<vmem>>[vector<16xi32>, vector<16xi32>], vector<16xf32>,
        %mul3A_270 = arith.mulf %exp3A_178, %gather3A : vector<16xf32>
        tpu.vector_store_idx %arg20[%add3A_24, %and3A_269], %mul3A_270 : memref<64x128xf32, #tpu.memory_space<vmem>>[vector<16xi32>, vector<16xi32>], vector<16xf32>,
        %scan3A_271 = arith.constant 1 : i32
        %scan3A_272 = arith.addi %scan3A_261, %scan3A_271 : i32
        %mul3A_273 = arith.constant 1 : i32
        %mul3A_274 = arith.muli %scan3A_272, %mul3A_273 : i32
        %add3A_275 = arith.constant 0 : i32
        %add3A_276 = arith.addi %add3A_275, %mul3A_274 : i32
        %add3A_277 = vector.broadcast %add3A_276 : i32 to vector<16xi32>
        %add3A_278 = arith.addi %iota3A, %add3A_277 : vector<16xi32>
        %and3A_279 = arith.constant 127 : i32
        %and3A_280 = vector.broadcast %and3A_279 : i32 to vector<16xi32>
        %and3A_281 = arith.andi %add3A_278, %and3A_280 : vector<16xi32>
        %gather3A_282 = tpu.vector_load_idx %arg17[%add3A_24, %and3A_281] : memref<64x128xf32, #tpu.memory_space<vmem>>[vector<16xi32>, vector<16xi32>], vector<16xf32>,
        %mul3A_283 = arith.mulf %exp3A_178, %gather3A_282 : vector<16xf32>
        tpu.vector_store_idx %arg20[%add3A_24, %and3A_281], %mul3A_283 : memref<64x128xf32, #tpu.memory_space<vmem>>[vector<16xi32>, vector<16xi32>], vector<16xf32>,
      }
      %scan3A_212 = arith.constant 128 : i32
      %get3A_213 = arith.constant 32 : index
      %get3A_214 = tpu.vector_load %arg16[%get3A_213] {strides = array<i32>} : memref<64xi32, #tpu.memory_space<vmem>>, vector<16xi32>,
      %dma_start3A_215 = arith.constant 32 : i32
      %dma_start3A_216 = arith.constant 0 : i32
      %dma_start3A_217 = tpu.memref_slice %arg20[%dma_start3A_215, %dma_start3A_216] : memref<64x128xf32, #tpu.memory_space<vmem>> -> memref<16x128xf32, #tpu.memory_space<vmem>>
      %dma_start3A_218 = arith.constant 0 : i32
      %dma_start3A_219 = arith.constant 0 : i32
      %dma_start3A_220 = tpu.memref_slice %arg24[%dma_start3A_218, %dma_start3A_219] : memref<10240x128xf32, #tpu.memory_space<vmem_shared>> -> memref<10240x128xf32, #tpu.memory_space<vmem_shared>>
      tpu.enqueue_indirect_dma source(%dma_start3A_217 : memref<16x128xf32, #tpu.memory_space<vmem>>) target(%dma_start3A_220 : memref<10240x128xf32, #tpu.memory_space<vmem_shared>>) offsets(%get3A_214 : vector<16xi32>) semaphore(%arg29 : memref<!tpu.dma_semaphore, #tpu.memory_space<semaphore_mem>>) {add = true}
      %scan3A_221 = arith.constant 0 : i32
      %scan3A_222 = arith.constant 128 : i32
      %scan3A_223 = arith.addi %scan3A_221, %scan3A_222 : i32
      %scan3A_224 = arith.constant 2 : i32
      scf.for %scan3A_261 = %scan3A_221 to %scan3A_223 step %scan3A_224  : i32 {
        %mul3A_262 = arith.constant 1 : i32
        %mul3A_263 = arith.muli %scan3A_261, %mul3A_262 : i32
        %add3A_264 = arith.constant 0 : i32
        %add3A_265 = arith.addi %add3A_264, %mul3A_263 : i32
        %add3A_266 = vector.broadcast %add3A_265 : i32 to vector<16xi32>
        %add3A_267 = arith.addi %iota3A, %add3A_266 : vector<16xi32>
        %and3A = arith.constant 127 : i32
        %and3A_268 = vector.broadcast %and3A : i32 to vector<16xi32>
        %and3A_269 = arith.andi %add3A_267, %and3A_268 : vector<16xi32>
        %gather3A = tpu.vector_load_idx %arg17[%add3A_27, %and3A_269] : memref<64x128xf32, #tpu.memory_space<vmem>>[vector<16xi32>, vector<16xi32>], vector<16xf32>,
        %mul3A_270 = arith.mulf %exp3A_179, %gather3A : vector<16xf32>
        tpu.vector_store_idx %arg20[%add3A_27, %and3A_269], %mul3A_270 : memref<64x128xf32, #tpu.memory_space<vmem>>[vector<16xi32>, vector<16xi32>], vector<16xf32>,
        %scan3A_271 = arith.constant 1 : i32
        %scan3A_272 = arith.addi %scan3A_261, %scan3A_271 : i32
        %mul3A_273 = arith.constant 1 : i32
        %mul3A_274 = arith.muli %scan3A_272, %mul3A_273 : i32
        %add3A_275 = arith.constant 0 : i32
        %add3A_276 = arith.addi %add3A_275, %mul3A_274 : i32
        %add3A_277 = vector.broadcast %add3A_276 : i32 to vector<16xi32>
        %add3A_278 = arith.addi %iota3A, %add3A_277 : vector<16xi32>
        %and3A_279 = arith.constant 127 : i32
        %and3A_280 = vector.broadcast %and3A_279 : i32 to vector<16xi32>
        %and3A_281 = arith.andi %add3A_278, %and3A_280 : vector<16xi32>
        %gather3A_282 = tpu.vector_load_idx %arg17[%add3A_27, %and3A_281] : memref<64x128xf32, #tpu.memory_space<vmem>>[vector<16xi32>, vector<16xi32>], vector<16xf32>,
        %mul3A_283 = arith.mulf %exp3A_179, %gather3A_282 : vector<16xf32>
        tpu.vector_store_idx %arg20[%add3A_27, %and3A_281], %mul3A_283 : memref<64x128xf32, #tpu.memory_space<vmem>>[vector<16xi32>, vector<16xi32>], vector<16xf32>,
      }
      %scan3A_225 = arith.constant 128 : i32
      %get3A_226 = arith.constant 48 : index
      %get3A_227 = tpu.vector_load %arg16[%get3A_226] {strides = array<i32>} : memref<64xi32, #tpu.memory_space<vmem>>, vector<16xi32>,
      %dma_start3A_228 = arith.constant 48 : i32
      %dma_start3A_229 = arith.constant 0 : i32
      %dma_start3A_230 = tpu.memref_slice %arg20[%dma_start3A_228, %dma_start3A_229] : memref<64x128xf32, #tpu.memory_space<vmem>> -> memref<16x128xf32, #tpu.memory_space<vmem>>
      %dma_start3A_231 = arith.constant 0 : i32
      %dma_start3A_232 = arith.constant 0 : i32
      %dma_start3A_233 = tpu.memref_slice %arg24[%dma_start3A_231, %dma_start3A_232] : memref<10240x128xf32, #tpu.memory_space<vmem_shared>> -> memref<10240x128xf32, #tpu.memory_space<vmem_shared>>
      tpu.enqueue_indirect_dma source(%dma_start3A_230 : memref<16x128xf32, #tpu.memory_space<vmem>>) target(%dma_start3A_233 : memref<10240x128xf32, #tpu.memory_space<vmem_shared>>) offsets(%get3A_227 : vector<16xi32>) semaphore(%arg29 : memref<!tpu.dma_semaphore, #tpu.memory_space<semaphore_mem>>) {add = true}
      %dma_wait3A_234 = arith.constant 0 : i32
      %dma_wait3A_235 = arith.constant 0 : i32
      %dma_wait3A_236 = tpu.memref_slice %arg20[%dma_wait3A_234, %dma_wait3A_235] : memref<64x128xf32, #tpu.memory_space<vmem>> -> memref<16x128xf32, #tpu.memory_space<vmem>>
      %dma_wait3A_237 = arith.constant 0 : i32
      %dma_wait3A_238 = arith.constant 0 : i32
      %dma_wait3A_239 = tpu.memref_slice %arg24[%dma_wait3A_237, %dma_wait3A_238] : memref<10240x128xf32, #tpu.memory_space<vmem_shared>> -> memref<10240x128xf32, #tpu.memory_space<vmem_shared>>
      tpu.wait_indirect_dma semaphore(%arg29 : memref<!tpu.dma_semaphore, #tpu.memory_space<semaphore_mem>>) src(%dma_wait3A_236 : memref<16x128xf32, #tpu.memory_space<vmem>>) dst(%dma_wait3A_239 : memref<10240x128xf32, #tpu.memory_space<vmem_shared>>)
      %dma_wait3A_240 = arith.constant 16 : i32
      %dma_wait3A_241 = arith.constant 0 : i32
      %dma_wait3A_242 = tpu.memref_slice %arg20[%dma_wait3A_240, %dma_wait3A_241] : memref<64x128xf32, #tpu.memory_space<vmem>> -> memref<16x128xf32, #tpu.memory_space<vmem>>
      %dma_wait3A_243 = arith.constant 0 : i32
      %dma_wait3A_244 = arith.constant 0 : i32
      %dma_wait3A_245 = tpu.memref_slice %arg24[%dma_wait3A_243, %dma_wait3A_244] : memref<10240x128xf32, #tpu.memory_space<vmem_shared>> -> memref<10240x128xf32, #tpu.memory_space<vmem_shared>>
      tpu.wait_indirect_dma semaphore(%arg29 : memref<!tpu.dma_semaphore, #tpu.memory_space<semaphore_mem>>) src(%dma_wait3A_242 : memref<16x128xf32, #tpu.memory_space<vmem>>) dst(%dma_wait3A_245 : memref<10240x128xf32, #tpu.memory_space<vmem_shared>>)
      %dma_wait3A_246 = arith.constant 32 : i32
      %dma_wait3A_247 = arith.constant 0 : i32
      %dma_wait3A_248 = tpu.memref_slice %arg20[%dma_wait3A_246, %dma_wait3A_247] : memref<64x128xf32, #tpu.memory_space<vmem>> -> memref<16x128xf32, #tpu.memory_space<vmem>>
      %dma_wait3A_249 = arith.constant 0 : i32
      %dma_wait3A_250 = arith.constant 0 : i32
      %dma_wait3A_251 = tpu.memref_slice %arg24[%dma_wait3A_249, %dma_wait3A_250] : memref<10240x128xf32, #tpu.memory_space<vmem_shared>> -> memref<10240x128xf32, #tpu.memory_space<vmem_shared>>
      tpu.wait_indirect_dma semaphore(%arg29 : memref<!tpu.dma_semaphore, #tpu.memory_space<semaphore_mem>>) src(%dma_wait3A_248 : memref<16x128xf32, #tpu.memory_space<vmem>>) dst(%dma_wait3A_251 : memref<10240x128xf32, #tpu.memory_space<vmem_shared>>)
      %dma_wait3A_252 = arith.constant 48 : i32
      %dma_wait3A_253 = arith.constant 0 : i32
      %dma_wait3A_254 = tpu.memref_slice %arg20[%dma_wait3A_252, %dma_wait3A_253] : memref<64x128xf32, #tpu.memory_space<vmem>> -> memref<16x128xf32, #tpu.memory_space<vmem>>
      %dma_wait3A_255 = arith.constant 0 : i32
      %dma_wait3A_256 = arith.constant 0 : i32
      %dma_wait3A_257 = tpu.memref_slice %arg24[%dma_wait3A_255, %dma_wait3A_256] : memref<10240x128xf32, #tpu.memory_space<vmem_shared>> -> memref<10240x128xf32, #tpu.memory_space<vmem_shared>>
      tpu.wait_indirect_dma semaphore(%arg29 : memref<!tpu.dma_semaphore, #tpu.memory_space<semaphore_mem>>) src(%dma_wait3A_254 : memref<16x128xf32, #tpu.memory_space<vmem>>) dst(%dma_wait3A_257 : memref<10240x128xf32, #tpu.memory_space<vmem_shared>>)
      %dma_wait3A_258 = arith.constant 0 : i32
      %dma_wait3A_259 = arith.constant 0 : i32
      %dma_wait3A_260 = tpu.memref_slice %arg25[%dma_wait3A_258, %dma_wait3A_259] : memref<10240x16xf32, #tpu.memory_space<vmem_shared>> -> memref<10240x16xf32, #tpu.memory_space<vmem_shared>>
      tpu.wait_indirect_dma semaphore(%arg28 : memref<!tpu.dma_semaphore, #tpu.memory_space<semaphore_mem>>) src(%arg19 : memref<64x16xf32, #tpu.memory_space<vmem>>) dst(%dma_wait3A_260 : memref<10240x16xf32, #tpu.memory_space<vmem_shared>>)
    }
    %scan3A_100 = arith.constant 84 : i32
    %barrier3A_101 = arith.constant 0 : index
    tpu.barrier barrier_id(%barrier3A_101)
    %mul3A_102 = arith.constant 640 : i32
    %mul3A_103 = arith.muli %arg1, %mul3A_102 : i32
    %mul3A_104 = arith.constant 4 : i32
    %mul3A_105 = arith.muli %arg0, %mul3A_104 : i32
    %add3A_106 = arith.constant 2 : i32
    %add3A_107 = arith.addi %mul3A_105, %add3A_106 : i32
    %mul3A_108 = arith.constant 640 : i32
    %mul3A_109 = arith.muli %arg1, %mul3A_108 : i32
    "tpu.region"() ({
      %run_scoped3A = tpu.sem_alloc : memref<!tpu.dma_semaphore, #tpu.memory_space<semaphore_mem>>
      %dma_start3A = arith.constant 0 : i32
      %dma_start3A_143 = arith.constant 0 : i32
      %dma_start3A_144 = tpu.memref_slice %arg13[%add3A_107, %dma_start3A, %dma_start3A_143] : memref<8x10240x128xf32, #tpu.memory_space<hbm>> -> memref<1x10240x128xf32, #tpu.memory_space<hbm>>
      %dma_start3A_145 = tpu.memref_squeeze %dma_start3A_144 : memref<1x10240x128xf32, #tpu.memory_space<hbm>> -> memref<10240x128xf32, #tpu.memory_space<hbm>>
      %dma_start3A_146 = arith.constant 0 : i32
      %dma_start3A_147 = tpu.memref_slice %dma_start3A_145[%mul3A_109, %dma_start3A_146] : memref<10240x128xf32, #tpu.memory_space<hbm>> -> memref<640x128xf32, #tpu.memory_space<hbm>>
      %dma_start3A_148 = arith.constant 0 : i32
      %dma_start3A_149 = tpu.memref_slice %arg24[%mul3A_103, %dma_start3A_148] : memref<10240x128xf32, #tpu.memory_space<vmem_shared>> -> memref<640x128xf32, #tpu.memory_space<vmem_shared>>
      tpu.enqueue_dma source(%dma_start3A_149 : memref<640x128xf32, #tpu.memory_space<vmem_shared>>) target(%dma_start3A_147 : memref<640x128xf32, #tpu.memory_space<hbm>>) target_semaphore(%run_scoped3A : memref<!tpu.dma_semaphore, #tpu.memory_space<semaphore_mem>>)
      %dma_wait3A = arith.constant 0 : i32
      %dma_wait3A_150 = arith.constant 0 : i32
      %dma_wait3A_151 = tpu.memref_slice %arg13[%add3A_107, %dma_wait3A, %dma_wait3A_150] : memref<8x10240x128xf32, #tpu.memory_space<hbm>> -> memref<1x10240x128xf32, #tpu.memory_space<hbm>>
      %dma_wait3A_152 = tpu.memref_squeeze %dma_wait3A_151 : memref<1x10240x128xf32, #tpu.memory_space<hbm>> -> memref<10240x128xf32, #tpu.memory_space<hbm>>
      %dma_wait3A_153 = arith.constant 0 : i32
      %dma_wait3A_154 = tpu.memref_slice %dma_wait3A_152[%mul3A_109, %dma_wait3A_153] : memref<10240x128xf32, #tpu.memory_space<hbm>> -> memref<640x128xf32, #tpu.memory_space<hbm>>
      %dma_wait3A_155 = arith.constant 0 : i32
      %dma_wait3A_156 = tpu.memref_slice %arg24[%mul3A_103, %dma_wait3A_155] : memref<10240x128xf32, #tpu.memory_space<vmem_shared>> -> memref<640x128xf32, #tpu.memory_space<vmem_shared>>
      tpu.wait_dma2 semaphore(%run_scoped3A : memref<!tpu.dma_semaphore, #tpu.memory_space<semaphore_mem>>) src(%dma_wait3A_156 : memref<640x128xf32, #tpu.memory_space<vmem_shared>>) dst(%dma_wait3A_154 : memref<640x128xf32, #tpu.memory_space<hbm>>)
      tpu.yield
    }) : () -> ()
    %barrier3A_110 = arith.constant 0 : index
    tpu.barrier barrier_id(%barrier3A_110)
    "tpu.region"() ({
      %run_scoped3A = tpu.sem_alloc : memref<!tpu.dma_semaphore, #tpu.memory_space<semaphore_mem>>
      %dma_start3A = arith.constant 6144 : i32
      %dma_start3A_143 = tpu.memref_slice %arg12[%dma_start3A] : memref<8192xf32, #tpu.memory_space<hbm>> -> memref<2048xf32, #tpu.memory_space<hbm>>
      %dma_start3A_144 = arith.constant 6144 : i32
      %dma_start3A_145 = tpu.memref_slice %arg12[%dma_start3A_144] : memref<8192xf32, #tpu.memory_space<hbm>> -> memref<2048xf32, #tpu.memory_space<hbm>>
      tpu.enqueue_dma source(%dma_start3A_145 : memref<2048xf32, #tpu.memory_space<hbm>>) target(%arg23 : memref<2048xf32, #tpu.memory_space<vmem>>) target_semaphore(%run_scoped3A : memref<!tpu.dma_semaphore, #tpu.memory_space<semaphore_mem>>)
      %dma_wait3A = arith.constant 6144 : i32
      %dma_wait3A_146 = tpu.memref_slice %arg12[%dma_wait3A] : memref<8192xf32, #tpu.memory_space<hbm>> -> memref<2048xf32, #tpu.memory_space<hbm>>
      %dma_wait3A_147 = arith.constant 6144 : i32
      %dma_wait3A_148 = tpu.memref_slice %arg12[%dma_wait3A_147] : memref<8192xf32, #tpu.memory_space<hbm>> -> memref<2048xf32, #tpu.memory_space<hbm>>
      tpu.wait_dma2 semaphore(%run_scoped3A : memref<!tpu.dma_semaphore, #tpu.memory_space<semaphore_mem>>) src(%dma_wait3A_148 : memref<2048xf32, #tpu.memory_space<hbm>>) dst(%arg23 : memref<2048xf32, #tpu.memory_space<vmem>>)
      tpu.yield
    }) : () -> ()
    %scan3A_111 = arith.constant 0 : i32
    %scan3A_112 = arith.constant 40 : i32
    %scan3A_113 = arith.addi %scan3A_111, %scan3A_112 : i32
    %scan3A_114 = arith.constant 1 : i32
    scf.for %scan3A_143 = %scan3A_111 to %scan3A_113 step %scan3A_114  : i32 {
      %mul3A_144 = arith.constant 1 : i32
      %mul3A_145 = arith.muli %scan3A_143, %mul3A_144 : i32
      %add3A_146 = arith.constant 0 : i32
      %add3A_147 = arith.addi %add3A_146, %mul3A_145 : i32
      %mul3A_148 = arith.constant 640 : i32
      %mul3A_149 = arith.muli %arg1, %mul3A_148 : i32
      %mul3A_150 = arith.constant 16 : i32
      %mul3A_151 = arith.muli %add3A_147, %mul3A_150 : i32
      %add3A_152 = arith.addi %mul3A_149, %mul3A_151 : i32
      "tpu.region"() ({
        %run_scoped3A = tpu.sem_alloc : memref<!tpu.dma_semaphore, #tpu.memory_space<semaphore_mem>>
        %dma_start3A = arith.constant 0 : i32
        %dma_start3A_153 = tpu.memref_slice %arg24[%add3A_152, %dma_start3A] : memref<10240x128xf32, #tpu.memory_space<vmem_shared>> -> memref<16x128xf32, #tpu.memory_space<vmem_shared>>
        %dma_start3A_154 = arith.constant 0 : i32
        %dma_start3A_155 = tpu.memref_slice %arg24[%add3A_152, %dma_start3A_154] : memref<10240x128xf32, #tpu.memory_space<vmem_shared>> -> memref<16x128xf32, #tpu.memory_space<vmem_shared>>
        tpu.enqueue_dma source(%arg21 : memref<16x128xf32, #tpu.memory_space<vmem>>) target(%dma_start3A_155 : memref<16x128xf32, #tpu.memory_space<vmem_shared>>) target_semaphore(%run_scoped3A : memref<!tpu.dma_semaphore, #tpu.memory_space<semaphore_mem>>)
        %dma_wait3A = arith.constant 0 : i32
        %dma_wait3A_156 = tpu.memref_slice %arg24[%add3A_152, %dma_wait3A] : memref<10240x128xf32, #tpu.memory_space<vmem_shared>> -> memref<16x128xf32, #tpu.memory_space<vmem_shared>>
        %dma_wait3A_157 = arith.constant 0 : i32
        %dma_wait3A_158 = tpu.memref_slice %arg24[%add3A_152, %dma_wait3A_157] : memref<10240x128xf32, #tpu.memory_space<vmem_shared>> -> memref<16x128xf32, #tpu.memory_space<vmem_shared>>
        tpu.wait_dma2 semaphore(%run_scoped3A : memref<!tpu.dma_semaphore, #tpu.memory_space<semaphore_mem>>) src(%arg21 : memref<16x128xf32, #tpu.memory_space<vmem>>) dst(%dma_wait3A_158 : memref<16x128xf32, #tpu.memory_space<vmem_shared>>)
        tpu.yield
      }) : () -> ()
    }
    %scan3A_115 = arith.constant 40 : i32
    %scan3A_116 = arith.constant 0 : i32
    %scan3A_117 = arith.constant 64 : i32
    %scan3A_118 = arith.addi %scan3A_116, %scan3A_117 : i32
    %scan3A_119 = arith.constant 1 : i32
    scf.for %scan3A_143 = %scan3A_116 to %scan3A_118 step %scan3A_119  : i32 {
      %mul3A_144 = arith.constant 1 : i32
      %mul3A_145 = arith.muli %scan3A_143, %mul3A_144 : i32
      %add3A_146 = arith.constant 0 : i32
      %add3A_147 = arith.addi %add3A_146, %mul3A_145 : i32
      %swap3A = arith.index_cast %add3A_147 : i32 to index
      %swap3A_148 = arith.constant 0 : index
      %swap3A_149 = tpu.vector_load %arg19[%swap3A, %swap3A_148] {strides = array<i32>} : memref<64x16xf32, #tpu.memory_space<vmem>>, vector<16xf32>,
      tpu.vector_store %arg19[%swap3A, %swap3A_148], %broadcast_in_dim3A_1 {strides = array<i32>} : memref<64x16xf32, #tpu.memory_space<vmem>>, vector<16xf32>,
    }
    %scan3A_120 = arith.constant 64 : i32
    %barrier3A_121 = arith.constant 0 : index
    tpu.barrier barrier_id(%barrier3A_121)
    %broadcast_in_dim3A_122 = arith.constant 3 : i32
    %broadcast_in_dim3A_123 = vector.broadcast %broadcast_in_dim3A_122 : i32 to vector<16xi32>
    %scan3A_124 = arith.constant 0 : i32
    %scan3A_125 = arith.constant 84 : i32
    %scan3A_126 = arith.addi %scan3A_124, %scan3A_125 : i32
    %scan3A_127 = arith.constant 1 : i32
    scf.for %scan3A_143 = %scan3A_124 to %scan3A_126 step %scan3A_127  : i32 {
      %mul3A_144 = arith.constant 1 : i32
      %mul3A_145 = arith.muli %scan3A_143, %mul3A_144 : i32
      %add3A_146 = arith.constant 0 : i32
      %add3A_147 = arith.addi %add3A_146, %mul3A_145 : i32
      %mul3A_148 = arith.constant 5376 : i32
      %mul3A_149 = arith.muli %add3A, %mul3A_148 : i32
      %mul3A_150 = arith.constant 64 : i32
      %mul3A_151 = arith.muli %add3A_147, %mul3A_150 : i32
      %add3A_152 = arith.addi %mul3A_149, %mul3A_151 : i32
      "tpu.region"() ({
        %run_scoped3A = tpu.sem_alloc : memref<!tpu.dma_semaphore, #tpu.memory_space<semaphore_mem>>
        %dma_start3A_261 = tpu.memref_slice %arg2[%add3A_152] : memref<172032xi32, #tpu.memory_space<hbm>> -> memref<64xi32, #tpu.memory_space<hbm>>
        %dma_start3A_262 = tpu.memref_slice %arg2[%add3A_152] : memref<172032xi32, #tpu.memory_space<hbm>> -> memref<64xi32, #tpu.memory_space<hbm>>
        tpu.enqueue_dma source(%dma_start3A_262 : memref<64xi32, #tpu.memory_space<hbm>>) target(%arg15 : memref<64xi32, #tpu.memory_space<vmem>>) target_semaphore(%run_scoped3A : memref<!tpu.dma_semaphore, #tpu.memory_space<semaphore_mem>>)
        %dma_wait3A_263 = tpu.memref_slice %arg2[%add3A_152] : memref<172032xi32, #tpu.memory_space<hbm>> -> memref<64xi32, #tpu.memory_space<hbm>>
        %dma_wait3A_264 = tpu.memref_slice %arg2[%add3A_152] : memref<172032xi32, #tpu.memory_space<hbm>> -> memref<64xi32, #tpu.memory_space<hbm>>
        tpu.wait_dma2 semaphore(%run_scoped3A : memref<!tpu.dma_semaphore, #tpu.memory_space<semaphore_mem>>) src(%dma_wait3A_264 : memref<64xi32, #tpu.memory_space<hbm>>) dst(%arg15 : memref<64xi32, #tpu.memory_space<vmem>>)
        tpu.yield
      }) : () -> ()
      "tpu.region"() ({
        %run_scoped3A = tpu.sem_alloc : memref<!tpu.dma_semaphore, #tpu.memory_space<semaphore_mem>>
        %dma_start3A_261 = tpu.memref_slice %arg3[%add3A_152] : memref<172032xi32, #tpu.memory_space<hbm>> -> memref<64xi32, #tpu.memory_space<hbm>>
        %dma_start3A_262 = tpu.memref_slice %arg3[%add3A_152] : memref<172032xi32, #tpu.memory_space<hbm>> -> memref<64xi32, #tpu.memory_space<hbm>>
        tpu.enqueue_dma source(%dma_start3A_262 : memref<64xi32, #tpu.memory_space<hbm>>) target(%arg16 : memref<64xi32, #tpu.memory_space<vmem>>) target_semaphore(%run_scoped3A : memref<!tpu.dma_semaphore, #tpu.memory_space<semaphore_mem>>)
        %dma_wait3A_263 = tpu.memref_slice %arg3[%add3A_152] : memref<172032xi32, #tpu.memory_space<hbm>> -> memref<64xi32, #tpu.memory_space<hbm>>
        %dma_wait3A_264 = tpu.memref_slice %arg3[%add3A_152] : memref<172032xi32, #tpu.memory_space<hbm>> -> memref<64xi32, #tpu.memory_space<hbm>>
        tpu.wait_dma2 semaphore(%run_scoped3A : memref<!tpu.dma_semaphore, #tpu.memory_space<semaphore_mem>>) src(%dma_wait3A_264 : memref<64xi32, #tpu.memory_space<hbm>>) dst(%arg16 : memref<64xi32, #tpu.memory_space<vmem>>)
        tpu.yield
      }) : () -> ()
      %dma_start3A = arith.constant 0 : i32
      %dma_start3A_153 = arith.constant 0 : i32
      %dma_start3A_154 = tpu.memref_slice %arg7[%dma_start3A, %dma_start3A_153] : memref<10240x128xf32, #tpu.memory_space<hbm>> -> memref<10240x128xf32, #tpu.memory_space<hbm>>
      tpu.enqueue_indirect_dma source(%dma_start3A_154 : memref<10240x128xf32, #tpu.memory_space<hbm>>) target(%arg17 : memref<64x128xf32, #tpu.memory_space<vmem>>) offsets(%arg15 : memref<64xi32, #tpu.memory_space<vmem>>) semaphore(%arg26 : memref<!tpu.dma_semaphore, #tpu.memory_space<semaphore_mem>>)
      %dma_start3A_155 = arith.constant 0 : i32
      %dma_start3A_156 = arith.constant 0 : i32
      %dma_start3A_157 = tpu.memref_slice %arg11[%dma_start3A_155, %dma_start3A_156] : memref<10240x128xf32, #tpu.memory_space<hbm>> -> memref<10240x128xf32, #tpu.memory_space<hbm>>
      tpu.enqueue_indirect_dma source(%dma_start3A_157 : memref<10240x128xf32, #tpu.memory_space<hbm>>) target(%arg18 : memref<64x128xf32, #tpu.memory_space<vmem>>) offsets(%arg16 : memref<64xi32, #tpu.memory_space<vmem>>) semaphore(%arg27 : memref<!tpu.dma_semaphore, #tpu.memory_space<semaphore_mem>>)
      %dma_wait3A = arith.constant 0 : i32
      %dma_wait3A_158 = arith.constant 0 : i32
      %dma_wait3A_159 = tpu.memref_slice %arg7[%dma_wait3A, %dma_wait3A_158] : memref<10240x128xf32, #tpu.memory_space<hbm>> -> memref<10240x128xf32, #tpu.memory_space<hbm>>
      tpu.wait_indirect_dma semaphore(%arg26 : memref<!tpu.dma_semaphore, #tpu.memory_space<semaphore_mem>>) src(%dma_wait3A_159 : memref<10240x128xf32, #tpu.memory_space<hbm>>) dst(%arg17 : memref<64x128xf32, #tpu.memory_space<vmem>>)
      %dma_wait3A_160 = arith.constant 0 : i32
      %dma_wait3A_161 = arith.constant 0 : i32
      %dma_wait3A_162 = tpu.memref_slice %arg11[%dma_wait3A_160, %dma_wait3A_161] : memref<10240x128xf32, #tpu.memory_space<hbm>> -> memref<10240x128xf32, #tpu.memory_space<hbm>>
      tpu.wait_indirect_dma semaphore(%arg27 : memref<!tpu.dma_semaphore, #tpu.memory_space<semaphore_mem>>) src(%dma_wait3A_162 : memref<10240x128xf32, #tpu.memory_space<hbm>>) dst(%arg18 : memref<64x128xf32, #tpu.memory_space<vmem>>)
      %broadcast_in_dim3A_163 = arith.constant 0.000000e+00 : f32
      %broadcast_in_dim3A_164 = vector.broadcast %broadcast_in_dim3A_163 : f32 to vector<16xf32>
      %broadcast_in_dim3A_165 = arith.constant 0.000000e+00 : f32
      %broadcast_in_dim3A_166 = vector.broadcast %broadcast_in_dim3A_165 : f32 to vector<16xf32>
      %broadcast_in_dim3A_167 = arith.constant 0.000000e+00 : f32
      %broadcast_in_dim3A_168 = vector.broadcast %broadcast_in_dim3A_167 : f32 to vector<16xf32>
      %broadcast_in_dim3A_169 = arith.constant 0.000000e+00 : f32
      %broadcast_in_dim3A_170 = vector.broadcast %broadcast_in_dim3A_169 : f32 to vector<16xf32>
      %scan3A_171 = arith.constant 0 : i32
      %scan3A_172 = arith.constant 128 : i32
      %scan3A_173 = arith.addi %scan3A_171, %scan3A_172 : i32
      %scan3A_174 = arith.constant 2 : i32
      %scan3A_175:4 = scf.for %scan3A_261 = %scan3A_171 to %scan3A_173 step %scan3A_174 iter_args(%scan3A_262 = %broadcast_in_dim3A_164, %scan3A_263 = %broadcast_in_dim3A_166, %scan3A_264 = %broadcast_in_dim3A_168, %scan3A_265 = %broadcast_in_dim3A_170) -> (vector<16xf32>, vector<16xf32>, vector<16xf32>, vector<16xf32>)  : i32 {
        %mul3A_266 = arith.constant 1 : i32
        %mul3A_267 = arith.muli %scan3A_261, %mul3A_266 : i32
        %add3A_268 = arith.constant 0 : i32
        %add3A_269 = arith.addi %add3A_268, %mul3A_267 : i32
        %mul3A_270 = arith.constant 16 : i32
        %mul3A_271 = arith.muli %add3A_269, %mul3A_270 : i32
        %get3A_272 = arith.index_cast %mul3A_271 : i32 to index
        %get3A_273 = tpu.vector_load %arg23[%get3A_272] {strides = array<i32>} : memref<2048xf32, #tpu.memory_space<vmem>>, vector<16xf32>,
        %add3A_274 = vector.broadcast %add3A_269 : i32 to vector<16xi32>
        %add3A_275 = arith.addi %iota3A, %add3A_274 : vector<16xi32>
        %and3A = arith.constant 127 : i32
        %and3A_276 = vector.broadcast %and3A : i32 to vector<16xi32>
        %and3A_277 = arith.andi %add3A_275, %and3A_276 : vector<16xi32>
        %gather3A = tpu.vector_load_idx %arg17[%add3A_18, %and3A_277] : memref<64x128xf32, #tpu.memory_space<vmem>>[vector<16xi32>, vector<16xi32>], vector<16xf32>,
        %gather3A_278 = tpu.vector_load_idx %arg18[%add3A_18, %and3A_277] : memref<64x128xf32, #tpu.memory_space<vmem>>[vector<16xi32>, vector<16xi32>], vector<16xf32>,
        %add3A_279 = arith.addf %gather3A, %gather3A_278 : vector<16xf32>
        %mul3A_280 = arith.constant 2.000000e-01 : f32
        %mul3A_281 = vector.broadcast %mul3A_280 : f32 to vector<16xf32>
        %mul3A_282 = arith.mulf %mul3A_281, %add3A_279 : vector<16xf32>
        %max3A = arith.maximumf %add3A_279, %mul3A_282 : vector<16xf32>
        %mul3A_283 = arith.mulf %get3A_273, %max3A : vector<16xf32>
        %add3A_284 = arith.addf %scan3A_262, %mul3A_283 : vector<16xf32>
        %gather3A_285 = tpu.vector_load_idx %arg17[%add3A_21, %and3A_277] : memref<64x128xf32, #tpu.memory_space<vmem>>[vector<16xi32>, vector<16xi32>], vector<16xf32>,
        %gather3A_286 = tpu.vector_load_idx %arg18[%add3A_21, %and3A_277] : memref<64x128xf32, #tpu.memory_space<vmem>>[vector<16xi32>, vector<16xi32>], vector<16xf32>,
        %add3A_287 = arith.addf %gather3A_285, %gather3A_286 : vector<16xf32>
        %mul3A_288 = arith.constant 2.000000e-01 : f32
        %mul3A_289 = vector.broadcast %mul3A_288 : f32 to vector<16xf32>
        %mul3A_290 = arith.mulf %mul3A_289, %add3A_287 : vector<16xf32>
        %max3A_291 = arith.maximumf %add3A_287, %mul3A_290 : vector<16xf32>
        %mul3A_292 = arith.mulf %get3A_273, %max3A_291 : vector<16xf32>
        %add3A_293 = arith.addf %scan3A_263, %mul3A_292 : vector<16xf32>
        %gather3A_294 = tpu.vector_load_idx %arg17[%add3A_24, %and3A_277] : memref<64x128xf32, #tpu.memory_space<vmem>>[vector<16xi32>, vector<16xi32>], vector<16xf32>,
        %gather3A_295 = tpu.vector_load_idx %arg18[%add3A_24, %and3A_277] : memref<64x128xf32, #tpu.memory_space<vmem>>[vector<16xi32>, vector<16xi32>], vector<16xf32>,
        %add3A_296 = arith.addf %gather3A_294, %gather3A_295 : vector<16xf32>
        %mul3A_297 = arith.constant 2.000000e-01 : f32
        %mul3A_298 = vector.broadcast %mul3A_297 : f32 to vector<16xf32>
        %mul3A_299 = arith.mulf %mul3A_298, %add3A_296 : vector<16xf32>
        %max3A_300 = arith.maximumf %add3A_296, %mul3A_299 : vector<16xf32>
        %mul3A_301 = arith.mulf %get3A_273, %max3A_300 : vector<16xf32>
        %add3A_302 = arith.addf %scan3A_264, %mul3A_301 : vector<16xf32>
        %gather3A_303 = tpu.vector_load_idx %arg17[%add3A_27, %and3A_277] : memref<64x128xf32, #tpu.memory_space<vmem>>[vector<16xi32>, vector<16xi32>], vector<16xf32>,
        %gather3A_304 = tpu.vector_load_idx %arg18[%add3A_27, %and3A_277] : memref<64x128xf32, #tpu.memory_space<vmem>>[vector<16xi32>, vector<16xi32>], vector<16xf32>,
        %add3A_305 = arith.addf %gather3A_303, %gather3A_304 : vector<16xf32>
        %mul3A_306 = arith.constant 2.000000e-01 : f32
        %mul3A_307 = vector.broadcast %mul3A_306 : f32 to vector<16xf32>
        %mul3A_308 = arith.mulf %mul3A_307, %add3A_305 : vector<16xf32>
        %max3A_309 = arith.maximumf %add3A_305, %mul3A_308 : vector<16xf32>
        %mul3A_310 = arith.mulf %get3A_273, %max3A_309 : vector<16xf32>
        %add3A_311 = arith.addf %scan3A_265, %mul3A_310 : vector<16xf32>
        %scan3A_312 = arith.constant 1 : i32
        %scan3A_313 = arith.addi %scan3A_261, %scan3A_312 : i32
        %mul3A_314 = arith.constant 1 : i32
        %mul3A_315 = arith.muli %scan3A_313, %mul3A_314 : i32
        %add3A_316 = arith.constant 0 : i32
        %add3A_317 = arith.addi %add3A_316, %mul3A_315 : i32
        %mul3A_318 = arith.constant 16 : i32
        %mul3A_319 = arith.muli %add3A_317, %mul3A_318 : i32
        %get3A_320 = arith.index_cast %mul3A_319 : i32 to index
        %get3A_321 = tpu.vector_load %arg23[%get3A_320] {strides = array<i32>} : memref<2048xf32, #tpu.memory_space<vmem>>, vector<16xf32>,
        %add3A_322 = vector.broadcast %add3A_317 : i32 to vector<16xi32>
        %add3A_323 = arith.addi %iota3A, %add3A_322 : vector<16xi32>
        %and3A_324 = arith.constant 127 : i32
        %and3A_325 = vector.broadcast %and3A_324 : i32 to vector<16xi32>
        %and3A_326 = arith.andi %add3A_323, %and3A_325 : vector<16xi32>
        %gather3A_327 = tpu.vector_load_idx %arg17[%add3A_18, %and3A_326] : memref<64x128xf32, #tpu.memory_space<vmem>>[vector<16xi32>, vector<16xi32>], vector<16xf32>,
        %gather3A_328 = tpu.vector_load_idx %arg18[%add3A_18, %and3A_326] : memref<64x128xf32, #tpu.memory_space<vmem>>[vector<16xi32>, vector<16xi32>], vector<16xf32>,
        %add3A_329 = arith.addf %gather3A_327, %gather3A_328 : vector<16xf32>
        %mul3A_330 = arith.constant 2.000000e-01 : f32
        %mul3A_331 = vector.broadcast %mul3A_330 : f32 to vector<16xf32>
        %mul3A_332 = arith.mulf %mul3A_331, %add3A_329 : vector<16xf32>
        %max3A_333 = arith.maximumf %add3A_329, %mul3A_332 : vector<16xf32>
        %mul3A_334 = arith.mulf %get3A_321, %max3A_333 : vector<16xf32>
        %add3A_335 = arith.addf %add3A_284, %mul3A_334 : vector<16xf32>
        %gather3A_336 = tpu.vector_load_idx %arg17[%add3A_21, %and3A_326] : memref<64x128xf32, #tpu.memory_space<vmem>>[vector<16xi32>, vector<16xi32>], vector<16xf32>,
        %gather3A_337 = tpu.vector_load_idx %arg18[%add3A_21, %and3A_326] : memref<64x128xf32, #tpu.memory_space<vmem>>[vector<16xi32>, vector<16xi32>], vector<16xf32>,
        %add3A_338 = arith.addf %gather3A_336, %gather3A_337 : vector<16xf32>
        %mul3A_339 = arith.constant 2.000000e-01 : f32
        %mul3A_340 = vector.broadcast %mul3A_339 : f32 to vector<16xf32>
        %mul3A_341 = arith.mulf %mul3A_340, %add3A_338 : vector<16xf32>
        %max3A_342 = arith.maximumf %add3A_338, %mul3A_341 : vector<16xf32>
        %mul3A_343 = arith.mulf %get3A_321, %max3A_342 : vector<16xf32>
        %add3A_344 = arith.addf %add3A_293, %mul3A_343 : vector<16xf32>
        %gather3A_345 = tpu.vector_load_idx %arg17[%add3A_24, %and3A_326] : memref<64x128xf32, #tpu.memory_space<vmem>>[vector<16xi32>, vector<16xi32>], vector<16xf32>,
        %gather3A_346 = tpu.vector_load_idx %arg18[%add3A_24, %and3A_326] : memref<64x128xf32, #tpu.memory_space<vmem>>[vector<16xi32>, vector<16xi32>], vector<16xf32>,
        %add3A_347 = arith.addf %gather3A_345, %gather3A_346 : vector<16xf32>
        %mul3A_348 = arith.constant 2.000000e-01 : f32
        %mul3A_349 = vector.broadcast %mul3A_348 : f32 to vector<16xf32>
        %mul3A_350 = arith.mulf %mul3A_349, %add3A_347 : vector<16xf32>
        %max3A_351 = arith.maximumf %add3A_347, %mul3A_350 : vector<16xf32>
        %mul3A_352 = arith.mulf %get3A_321, %max3A_351 : vector<16xf32>
        %add3A_353 = arith.addf %add3A_302, %mul3A_352 : vector<16xf32>
        %gather3A_354 = tpu.vector_load_idx %arg17[%add3A_27, %and3A_326] : memref<64x128xf32, #tpu.memory_space<vmem>>[vector<16xi32>, vector<16xi32>], vector<16xf32>,
        %gather3A_355 = tpu.vector_load_idx %arg18[%add3A_27, %and3A_326] : memref<64x128xf32, #tpu.memory_space<vmem>>[vector<16xi32>, vector<16xi32>], vector<16xf32>,
        %add3A_356 = arith.addf %gather3A_354, %gather3A_355 : vector<16xf32>
        %mul3A_357 = arith.constant 2.000000e-01 : f32
        %mul3A_358 = vector.broadcast %mul3A_357 : f32 to vector<16xf32>
        %mul3A_359 = arith.mulf %mul3A_358, %add3A_356 : vector<16xf32>
        %max3A_360 = arith.maximumf %add3A_356, %mul3A_359 : vector<16xf32>
        %mul3A_361 = arith.mulf %get3A_321, %max3A_360 : vector<16xf32>
        %add3A_362 = arith.addf %add3A_311, %mul3A_361 : vector<16xf32>
        scf.yield %add3A_335, %add3A_344, %add3A_353, %add3A_362 : vector<16xf32>, vector<16xf32>, vector<16xf32>, vector<16xf32>
      }
      %scan3A_176 = arith.constant 128 : i32
      %exp3A = math.exp %scan3A_175#0 : vector<16xf32>
      tpu.vector_store_idx %arg19[%add3A_18, %broadcast_in_dim3A_123], %exp3A : memref<64x16xf32, #tpu.memory_space<vmem>>[vector<16xi32>, vector<16xi32>], vector<16xf32>,
      %exp3A_177 = math.exp %scan3A_175#1 : vector<16xf32>
      tpu.vector_store_idx %arg19[%add3A_21, %broadcast_in_dim3A_123], %exp3A_177 : memref<64x16xf32, #tpu.memory_space<vmem>>[vector<16xi32>, vector<16xi32>], vector<16xf32>,
      %exp3A_178 = math.exp %scan3A_175#2 : vector<16xf32>
      tpu.vector_store_idx %arg19[%add3A_24, %broadcast_in_dim3A_123], %exp3A_178 : memref<64x16xf32, #tpu.memory_space<vmem>>[vector<16xi32>, vector<16xi32>], vector<16xf32>,
      %exp3A_179 = math.exp %scan3A_175#3 : vector<16xf32>
      tpu.vector_store_idx %arg19[%add3A_27, %broadcast_in_dim3A_123], %exp3A_179 : memref<64x16xf32, #tpu.memory_space<vmem>>[vector<16xi32>, vector<16xi32>], vector<16xf32>,
      %dma_start3A_180 = arith.constant 0 : i32
      %dma_start3A_181 = arith.constant 0 : i32
      %dma_start3A_182 = tpu.memref_slice %arg25[%dma_start3A_180, %dma_start3A_181] : memref<10240x16xf32, #tpu.memory_space<vmem_shared>> -> memref<10240x16xf32, #tpu.memory_space<vmem_shared>>
      tpu.enqueue_indirect_dma source(%arg19 : memref<64x16xf32, #tpu.memory_space<vmem>>) target(%dma_start3A_182 : memref<10240x16xf32, #tpu.memory_space<vmem_shared>>) offsets(%arg16 : memref<64xi32, #tpu.memory_space<vmem>>) semaphore(%arg28 : memref<!tpu.dma_semaphore, #tpu.memory_space<semaphore_mem>>) {add = true}
      %scan3A_183 = arith.constant 0 : i32
      %scan3A_184 = arith.constant 128 : i32
      %scan3A_185 = arith.addi %scan3A_183, %scan3A_184 : i32
      %scan3A_186 = arith.constant 2 : i32
      scf.for %scan3A_261 = %scan3A_183 to %scan3A_185 step %scan3A_186  : i32 {
        %mul3A_262 = arith.constant 1 : i32
        %mul3A_263 = arith.muli %scan3A_261, %mul3A_262 : i32
        %add3A_264 = arith.constant 0 : i32
        %add3A_265 = arith.addi %add3A_264, %mul3A_263 : i32
        %add3A_266 = vector.broadcast %add3A_265 : i32 to vector<16xi32>
        %add3A_267 = arith.addi %iota3A, %add3A_266 : vector<16xi32>
        %and3A = arith.constant 127 : i32
        %and3A_268 = vector.broadcast %and3A : i32 to vector<16xi32>
        %and3A_269 = arith.andi %add3A_267, %and3A_268 : vector<16xi32>
        %gather3A = tpu.vector_load_idx %arg17[%add3A_18, %and3A_269] : memref<64x128xf32, #tpu.memory_space<vmem>>[vector<16xi32>, vector<16xi32>], vector<16xf32>,
        %mul3A_270 = arith.mulf %exp3A, %gather3A : vector<16xf32>
        tpu.vector_store_idx %arg20[%add3A_18, %and3A_269], %mul3A_270 : memref<64x128xf32, #tpu.memory_space<vmem>>[vector<16xi32>, vector<16xi32>], vector<16xf32>,
        %scan3A_271 = arith.constant 1 : i32
        %scan3A_272 = arith.addi %scan3A_261, %scan3A_271 : i32
        %mul3A_273 = arith.constant 1 : i32
        %mul3A_274 = arith.muli %scan3A_272, %mul3A_273 : i32
        %add3A_275 = arith.constant 0 : i32
        %add3A_276 = arith.addi %add3A_275, %mul3A_274 : i32
        %add3A_277 = vector.broadcast %add3A_276 : i32 to vector<16xi32>
        %add3A_278 = arith.addi %iota3A, %add3A_277 : vector<16xi32>
        %and3A_279 = arith.constant 127 : i32
        %and3A_280 = vector.broadcast %and3A_279 : i32 to vector<16xi32>
        %and3A_281 = arith.andi %add3A_278, %and3A_280 : vector<16xi32>
        %gather3A_282 = tpu.vector_load_idx %arg17[%add3A_18, %and3A_281] : memref<64x128xf32, #tpu.memory_space<vmem>>[vector<16xi32>, vector<16xi32>], vector<16xf32>,
        %mul3A_283 = arith.mulf %exp3A, %gather3A_282 : vector<16xf32>
        tpu.vector_store_idx %arg20[%add3A_18, %and3A_281], %mul3A_283 : memref<64x128xf32, #tpu.memory_space<vmem>>[vector<16xi32>, vector<16xi32>], vector<16xf32>,
      }
      %scan3A_187 = arith.constant 128 : i32
      %get3A = arith.constant 0 : index
      %get3A_188 = tpu.vector_load %arg16[%get3A] {strides = array<i32>} : memref<64xi32, #tpu.memory_space<vmem>>, vector<16xi32>,
      %dma_start3A_189 = arith.constant 0 : i32
      %dma_start3A_190 = arith.constant 0 : i32
      %dma_start3A_191 = tpu.memref_slice %arg20[%dma_start3A_189, %dma_start3A_190] : memref<64x128xf32, #tpu.memory_space<vmem>> -> memref<16x128xf32, #tpu.memory_space<vmem>>
      %dma_start3A_192 = arith.constant 0 : i32
      %dma_start3A_193 = arith.constant 0 : i32
      %dma_start3A_194 = tpu.memref_slice %arg24[%dma_start3A_192, %dma_start3A_193] : memref<10240x128xf32, #tpu.memory_space<vmem_shared>> -> memref<10240x128xf32, #tpu.memory_space<vmem_shared>>
      tpu.enqueue_indirect_dma source(%dma_start3A_191 : memref<16x128xf32, #tpu.memory_space<vmem>>) target(%dma_start3A_194 : memref<10240x128xf32, #tpu.memory_space<vmem_shared>>) offsets(%get3A_188 : vector<16xi32>) semaphore(%arg29 : memref<!tpu.dma_semaphore, #tpu.memory_space<semaphore_mem>>) {add = true}
      %scan3A_195 = arith.constant 0 : i32
      %scan3A_196 = arith.constant 128 : i32
      %scan3A_197 = arith.addi %scan3A_195, %scan3A_196 : i32
      %scan3A_198 = arith.constant 2 : i32
      scf.for %scan3A_261 = %scan3A_195 to %scan3A_197 step %scan3A_198  : i32 {
        %mul3A_262 = arith.constant 1 : i32
        %mul3A_263 = arith.muli %scan3A_261, %mul3A_262 : i32
        %add3A_264 = arith.constant 0 : i32
        %add3A_265 = arith.addi %add3A_264, %mul3A_263 : i32
        %add3A_266 = vector.broadcast %add3A_265 : i32 to vector<16xi32>
        %add3A_267 = arith.addi %iota3A, %add3A_266 : vector<16xi32>
        %and3A = arith.constant 127 : i32
        %and3A_268 = vector.broadcast %and3A : i32 to vector<16xi32>
        %and3A_269 = arith.andi %add3A_267, %and3A_268 : vector<16xi32>
        %gather3A = tpu.vector_load_idx %arg17[%add3A_21, %and3A_269] : memref<64x128xf32, #tpu.memory_space<vmem>>[vector<16xi32>, vector<16xi32>], vector<16xf32>,
        %mul3A_270 = arith.mulf %exp3A_177, %gather3A : vector<16xf32>
        tpu.vector_store_idx %arg20[%add3A_21, %and3A_269], %mul3A_270 : memref<64x128xf32, #tpu.memory_space<vmem>>[vector<16xi32>, vector<16xi32>], vector<16xf32>,
        %scan3A_271 = arith.constant 1 : i32
        %scan3A_272 = arith.addi %scan3A_261, %scan3A_271 : i32
        %mul3A_273 = arith.constant 1 : i32
        %mul3A_274 = arith.muli %scan3A_272, %mul3A_273 : i32
        %add3A_275 = arith.constant 0 : i32
        %add3A_276 = arith.addi %add3A_275, %mul3A_274 : i32
        %add3A_277 = vector.broadcast %add3A_276 : i32 to vector<16xi32>
        %add3A_278 = arith.addi %iota3A, %add3A_277 : vector<16xi32>
        %and3A_279 = arith.constant 127 : i32
        %and3A_280 = vector.broadcast %and3A_279 : i32 to vector<16xi32>
        %and3A_281 = arith.andi %add3A_278, %and3A_280 : vector<16xi32>
        %gather3A_282 = tpu.vector_load_idx %arg17[%add3A_21, %and3A_281] : memref<64x128xf32, #tpu.memory_space<vmem>>[vector<16xi32>, vector<16xi32>], vector<16xf32>,
        %mul3A_283 = arith.mulf %exp3A_177, %gather3A_282 : vector<16xf32>
        tpu.vector_store_idx %arg20[%add3A_21, %and3A_281], %mul3A_283 : memref<64x128xf32, #tpu.memory_space<vmem>>[vector<16xi32>, vector<16xi32>], vector<16xf32>,
      }
      %scan3A_199 = arith.constant 128 : i32
      %get3A_200 = arith.constant 16 : index
      %get3A_201 = tpu.vector_load %arg16[%get3A_200] {strides = array<i32>} : memref<64xi32, #tpu.memory_space<vmem>>, vector<16xi32>,
      %dma_start3A_202 = arith.constant 16 : i32
      %dma_start3A_203 = arith.constant 0 : i32
      %dma_start3A_204 = tpu.memref_slice %arg20[%dma_start3A_202, %dma_start3A_203] : memref<64x128xf32, #tpu.memory_space<vmem>> -> memref<16x128xf32, #tpu.memory_space<vmem>>
      %dma_start3A_205 = arith.constant 0 : i32
      %dma_start3A_206 = arith.constant 0 : i32
      %dma_start3A_207 = tpu.memref_slice %arg24[%dma_start3A_205, %dma_start3A_206] : memref<10240x128xf32, #tpu.memory_space<vmem_shared>> -> memref<10240x128xf32, #tpu.memory_space<vmem_shared>>
      tpu.enqueue_indirect_dma source(%dma_start3A_204 : memref<16x128xf32, #tpu.memory_space<vmem>>) target(%dma_start3A_207 : memref<10240x128xf32, #tpu.memory_space<vmem_shared>>) offsets(%get3A_201 : vector<16xi32>) semaphore(%arg29 : memref<!tpu.dma_semaphore, #tpu.memory_space<semaphore_mem>>) {add = true}
      %scan3A_208 = arith.constant 0 : i32
      %scan3A_209 = arith.constant 128 : i32
      %scan3A_210 = arith.addi %scan3A_208, %scan3A_209 : i32
      %scan3A_211 = arith.constant 2 : i32
      scf.for %scan3A_261 = %scan3A_208 to %scan3A_210 step %scan3A_211  : i32 {
        %mul3A_262 = arith.constant 1 : i32
        %mul3A_263 = arith.muli %scan3A_261, %mul3A_262 : i32
        %add3A_264 = arith.constant 0 : i32
        %add3A_265 = arith.addi %add3A_264, %mul3A_263 : i32
        %add3A_266 = vector.broadcast %add3A_265 : i32 to vector<16xi32>
        %add3A_267 = arith.addi %iota3A, %add3A_266 : vector<16xi32>
        %and3A = arith.constant 127 : i32
        %and3A_268 = vector.broadcast %and3A : i32 to vector<16xi32>
        %and3A_269 = arith.andi %add3A_267, %and3A_268 : vector<16xi32>
        %gather3A = tpu.vector_load_idx %arg17[%add3A_24, %and3A_269] : memref<64x128xf32, #tpu.memory_space<vmem>>[vector<16xi32>, vector<16xi32>], vector<16xf32>,
        %mul3A_270 = arith.mulf %exp3A_178, %gather3A : vector<16xf32>
        tpu.vector_store_idx %arg20[%add3A_24, %and3A_269], %mul3A_270 : memref<64x128xf32, #tpu.memory_space<vmem>>[vector<16xi32>, vector<16xi32>], vector<16xf32>,
        %scan3A_271 = arith.constant 1 : i32
        %scan3A_272 = arith.addi %scan3A_261, %scan3A_271 : i32
        %mul3A_273 = arith.constant 1 : i32
        %mul3A_274 = arith.muli %scan3A_272, %mul3A_273 : i32
        %add3A_275 = arith.constant 0 : i32
        %add3A_276 = arith.addi %add3A_275, %mul3A_274 : i32
        %add3A_277 = vector.broadcast %add3A_276 : i32 to vector<16xi32>
        %add3A_278 = arith.addi %iota3A, %add3A_277 : vector<16xi32>
        %and3A_279 = arith.constant 127 : i32
        %and3A_280 = vector.broadcast %and3A_279 : i32 to vector<16xi32>
        %and3A_281 = arith.andi %add3A_278, %and3A_280 : vector<16xi32>
        %gather3A_282 = tpu.vector_load_idx %arg17[%add3A_24, %and3A_281] : memref<64x128xf32, #tpu.memory_space<vmem>>[vector<16xi32>, vector<16xi32>], vector<16xf32>,
        %mul3A_283 = arith.mulf %exp3A_178, %gather3A_282 : vector<16xf32>
        tpu.vector_store_idx %arg20[%add3A_24, %and3A_281], %mul3A_283 : memref<64x128xf32, #tpu.memory_space<vmem>>[vector<16xi32>, vector<16xi32>], vector<16xf32>,
      }
      %scan3A_212 = arith.constant 128 : i32
      %get3A_213 = arith.constant 32 : index
      %get3A_214 = tpu.vector_load %arg16[%get3A_213] {strides = array<i32>} : memref<64xi32, #tpu.memory_space<vmem>>, vector<16xi32>,
      %dma_start3A_215 = arith.constant 32 : i32
      %dma_start3A_216 = arith.constant 0 : i32
      %dma_start3A_217 = tpu.memref_slice %arg20[%dma_start3A_215, %dma_start3A_216] : memref<64x128xf32, #tpu.memory_space<vmem>> -> memref<16x128xf32, #tpu.memory_space<vmem>>
      %dma_start3A_218 = arith.constant 0 : i32
      %dma_start3A_219 = arith.constant 0 : i32
      %dma_start3A_220 = tpu.memref_slice %arg24[%dma_start3A_218, %dma_start3A_219] : memref<10240x128xf32, #tpu.memory_space<vmem_shared>> -> memref<10240x128xf32, #tpu.memory_space<vmem_shared>>
      tpu.enqueue_indirect_dma source(%dma_start3A_217 : memref<16x128xf32, #tpu.memory_space<vmem>>) target(%dma_start3A_220 : memref<10240x128xf32, #tpu.memory_space<vmem_shared>>) offsets(%get3A_214 : vector<16xi32>) semaphore(%arg29 : memref<!tpu.dma_semaphore, #tpu.memory_space<semaphore_mem>>) {add = true}
      %scan3A_221 = arith.constant 0 : i32
      %scan3A_222 = arith.constant 128 : i32
      %scan3A_223 = arith.addi %scan3A_221, %scan3A_222 : i32
      %scan3A_224 = arith.constant 2 : i32
      scf.for %scan3A_261 = %scan3A_221 to %scan3A_223 step %scan3A_224  : i32 {
        %mul3A_262 = arith.constant 1 : i32
        %mul3A_263 = arith.muli %scan3A_261, %mul3A_262 : i32
        %add3A_264 = arith.constant 0 : i32
        %add3A_265 = arith.addi %add3A_264, %mul3A_263 : i32
        %add3A_266 = vector.broadcast %add3A_265 : i32 to vector<16xi32>
        %add3A_267 = arith.addi %iota3A, %add3A_266 : vector<16xi32>
        %and3A = arith.constant 127 : i32
        %and3A_268 = vector.broadcast %and3A : i32 to vector<16xi32>
        %and3A_269 = arith.andi %add3A_267, %and3A_268 : vector<16xi32>
        %gather3A = tpu.vector_load_idx %arg17[%add3A_27, %and3A_269] : memref<64x128xf32, #tpu.memory_space<vmem>>[vector<16xi32>, vector<16xi32>], vector<16xf32>,
        %mul3A_270 = arith.mulf %exp3A_179, %gather3A : vector<16xf32>
        tpu.vector_store_idx %arg20[%add3A_27, %and3A_269], %mul3A_270 : memref<64x128xf32, #tpu.memory_space<vmem>>[vector<16xi32>, vector<16xi32>], vector<16xf32>,
        %scan3A_271 = arith.constant 1 : i32
        %scan3A_272 = arith.addi %scan3A_261, %scan3A_271 : i32
        %mul3A_273 = arith.constant 1 : i32
        %mul3A_274 = arith.muli %scan3A_272, %mul3A_273 : i32
        %add3A_275 = arith.constant 0 : i32
        %add3A_276 = arith.addi %add3A_275, %mul3A_274 : i32
        %add3A_277 = vector.broadcast %add3A_276 : i32 to vector<16xi32>
        %add3A_278 = arith.addi %iota3A, %add3A_277 : vector<16xi32>
        %and3A_279 = arith.constant 127 : i32
        %and3A_280 = vector.broadcast %and3A_279 : i32 to vector<16xi32>
        %and3A_281 = arith.andi %add3A_278, %and3A_280 : vector<16xi32>
        %gather3A_282 = tpu.vector_load_idx %arg17[%add3A_27, %and3A_281] : memref<64x128xf32, #tpu.memory_space<vmem>>[vector<16xi32>, vector<16xi32>], vector<16xf32>,
        %mul3A_283 = arith.mulf %exp3A_179, %gather3A_282 : vector<16xf32>
        tpu.vector_store_idx %arg20[%add3A_27, %and3A_281], %mul3A_283 : memref<64x128xf32, #tpu.memory_space<vmem>>[vector<16xi32>, vector<16xi32>], vector<16xf32>,
      }
      %scan3A_225 = arith.constant 128 : i32
      %get3A_226 = arith.constant 48 : index
      %get3A_227 = tpu.vector_load %arg16[%get3A_226] {strides = array<i32>} : memref<64xi32, #tpu.memory_space<vmem>>, vector<16xi32>,
      %dma_start3A_228 = arith.constant 48 : i32
      %dma_start3A_229 = arith.constant 0 : i32
      %dma_start3A_230 = tpu.memref_slice %arg20[%dma_start3A_228, %dma_start3A_229] : memref<64x128xf32, #tpu.memory_space<vmem>> -> memref<16x128xf32, #tpu.memory_space<vmem>>
      %dma_start3A_231 = arith.constant 0 : i32
      %dma_start3A_232 = arith.constant 0 : i32
      %dma_start3A_233 = tpu.memref_slice %arg24[%dma_start3A_231, %dma_start3A_232] : memref<10240x128xf32, #tpu.memory_space<vmem_shared>> -> memref<10240x128xf32, #tpu.memory_space<vmem_shared>>
      tpu.enqueue_indirect_dma source(%dma_start3A_230 : memref<16x128xf32, #tpu.memory_space<vmem>>) target(%dma_start3A_233 : memref<10240x128xf32, #tpu.memory_space<vmem_shared>>) offsets(%get3A_227 : vector<16xi32>) semaphore(%arg29 : memref<!tpu.dma_semaphore, #tpu.memory_space<semaphore_mem>>) {add = true}
      %dma_wait3A_234 = arith.constant 0 : i32
      %dma_wait3A_235 = arith.constant 0 : i32
      %dma_wait3A_236 = tpu.memref_slice %arg20[%dma_wait3A_234, %dma_wait3A_235] : memref<64x128xf32, #tpu.memory_space<vmem>> -> memref<16x128xf32, #tpu.memory_space<vmem>>
      %dma_wait3A_237 = arith.constant 0 : i32
      %dma_wait3A_238 = arith.constant 0 : i32
      %dma_wait3A_239 = tpu.memref_slice %arg24[%dma_wait3A_237, %dma_wait3A_238] : memref<10240x128xf32, #tpu.memory_space<vmem_shared>> -> memref<10240x128xf32, #tpu.memory_space<vmem_shared>>
      tpu.wait_indirect_dma semaphore(%arg29 : memref<!tpu.dma_semaphore, #tpu.memory_space<semaphore_mem>>) src(%dma_wait3A_236 : memref<16x128xf32, #tpu.memory_space<vmem>>) dst(%dma_wait3A_239 : memref<10240x128xf32, #tpu.memory_space<vmem_shared>>)
      %dma_wait3A_240 = arith.constant 16 : i32
      %dma_wait3A_241 = arith.constant 0 : i32
      %dma_wait3A_242 = tpu.memref_slice %arg20[%dma_wait3A_240, %dma_wait3A_241] : memref<64x128xf32, #tpu.memory_space<vmem>> -> memref<16x128xf32, #tpu.memory_space<vmem>>
      %dma_wait3A_243 = arith.constant 0 : i32
      %dma_wait3A_244 = arith.constant 0 : i32
      %dma_wait3A_245 = tpu.memref_slice %arg24[%dma_wait3A_243, %dma_wait3A_244] : memref<10240x128xf32, #tpu.memory_space<vmem_shared>> -> memref<10240x128xf32, #tpu.memory_space<vmem_shared>>
      tpu.wait_indirect_dma semaphore(%arg29 : memref<!tpu.dma_semaphore, #tpu.memory_space<semaphore_mem>>) src(%dma_wait3A_242 : memref<16x128xf32, #tpu.memory_space<vmem>>) dst(%dma_wait3A_245 : memref<10240x128xf32, #tpu.memory_space<vmem_shared>>)
      %dma_wait3A_246 = arith.constant 32 : i32
      %dma_wait3A_247 = arith.constant 0 : i32
      %dma_wait3A_248 = tpu.memref_slice %arg20[%dma_wait3A_246, %dma_wait3A_247] : memref<64x128xf32, #tpu.memory_space<vmem>> -> memref<16x128xf32, #tpu.memory_space<vmem>>
      %dma_wait3A_249 = arith.constant 0 : i32
      %dma_wait3A_250 = arith.constant 0 : i32
      %dma_wait3A_251 = tpu.memref_slice %arg24[%dma_wait3A_249, %dma_wait3A_250] : memref<10240x128xf32, #tpu.memory_space<vmem_shared>> -> memref<10240x128xf32, #tpu.memory_space<vmem_shared>>
      tpu.wait_indirect_dma semaphore(%arg29 : memref<!tpu.dma_semaphore, #tpu.memory_space<semaphore_mem>>) src(%dma_wait3A_248 : memref<16x128xf32, #tpu.memory_space<vmem>>) dst(%dma_wait3A_251 : memref<10240x128xf32, #tpu.memory_space<vmem_shared>>)
      %dma_wait3A_252 = arith.constant 48 : i32
      %dma_wait3A_253 = arith.constant 0 : i32
      %dma_wait3A_254 = tpu.memref_slice %arg20[%dma_wait3A_252, %dma_wait3A_253] : memref<64x128xf32, #tpu.memory_space<vmem>> -> memref<16x128xf32, #tpu.memory_space<vmem>>
      %dma_wait3A_255 = arith.constant 0 : i32
      %dma_wait3A_256 = arith.constant 0 : i32
      %dma_wait3A_257 = tpu.memref_slice %arg24[%dma_wait3A_255, %dma_wait3A_256] : memref<10240x128xf32, #tpu.memory_space<vmem_shared>> -> memref<10240x128xf32, #tpu.memory_space<vmem_shared>>
      tpu.wait_indirect_dma semaphore(%arg29 : memref<!tpu.dma_semaphore, #tpu.memory_space<semaphore_mem>>) src(%dma_wait3A_254 : memref<16x128xf32, #tpu.memory_space<vmem>>) dst(%dma_wait3A_257 : memref<10240x128xf32, #tpu.memory_space<vmem_shared>>)
      %dma_wait3A_258 = arith.constant 0 : i32
      %dma_wait3A_259 = arith.constant 0 : i32
      %dma_wait3A_260 = tpu.memref_slice %arg25[%dma_wait3A_258, %dma_wait3A_259] : memref<10240x16xf32, #tpu.memory_space<vmem_shared>> -> memref<10240x16xf32, #tpu.memory_space<vmem_shared>>
      tpu.wait_indirect_dma semaphore(%arg28 : memref<!tpu.dma_semaphore, #tpu.memory_space<semaphore_mem>>) src(%arg19 : memref<64x16xf32, #tpu.memory_space<vmem>>) dst(%dma_wait3A_260 : memref<10240x16xf32, #tpu.memory_space<vmem_shared>>)
    }
    %scan3A_128 = arith.constant 84 : i32
    %barrier3A_129 = arith.constant 0 : index
    tpu.barrier barrier_id(%barrier3A_129)
    %mul3A_130 = arith.constant 640 : i32
    %mul3A_131 = arith.muli %arg1, %mul3A_130 : i32
    %mul3A_132 = arith.constant 4 : i32
    %mul3A_133 = arith.muli %arg0, %mul3A_132 : i32
    %add3A_134 = arith.constant 3 : i32
    %add3A_135 = arith.addi %mul3A_133, %add3A_134 : i32
    %mul3A_136 = arith.constant 640 : i32
    %mul3A_137 = arith.muli %arg1, %mul3A_136 : i32
    "tpu.region"() ({
      %run_scoped3A = tpu.sem_alloc : memref<!tpu.dma_semaphore, #tpu.memory_space<semaphore_mem>>
      %dma_start3A = arith.constant 0 : i32
      %dma_start3A_143 = arith.constant 0 : i32
      %dma_start3A_144 = tpu.memref_slice %arg13[%add3A_135, %dma_start3A, %dma_start3A_143] : memref<8x10240x128xf32, #tpu.memory_space<hbm>> -> memref<1x10240x128xf32, #tpu.memory_space<hbm>>
      %dma_start3A_145 = tpu.memref_squeeze %dma_start3A_144 : memref<1x10240x128xf32, #tpu.memory_space<hbm>> -> memref<10240x128xf32, #tpu.memory_space<hbm>>
      %dma_start3A_146 = arith.constant 0 : i32
      %dma_start3A_147 = tpu.memref_slice %dma_start3A_145[%mul3A_137, %dma_start3A_146] : memref<10240x128xf32, #tpu.memory_space<hbm>> -> memref<640x128xf32, #tpu.memory_space<hbm>>
      %dma_start3A_148 = arith.constant 0 : i32
      %dma_start3A_149 = tpu.memref_slice %arg24[%mul3A_131, %dma_start3A_148] : memref<10240x128xf32, #tpu.memory_space<vmem_shared>> -> memref<640x128xf32, #tpu.memory_space<vmem_shared>>
      tpu.enqueue_dma source(%dma_start3A_149 : memref<640x128xf32, #tpu.memory_space<vmem_shared>>) target(%dma_start3A_147 : memref<640x128xf32, #tpu.memory_space<hbm>>) target_semaphore(%run_scoped3A : memref<!tpu.dma_semaphore, #tpu.memory_space<semaphore_mem>>)
      %dma_wait3A = arith.constant 0 : i32
      %dma_wait3A_150 = arith.constant 0 : i32
      %dma_wait3A_151 = tpu.memref_slice %arg13[%add3A_135, %dma_wait3A, %dma_wait3A_150] : memref<8x10240x128xf32, #tpu.memory_space<hbm>> -> memref<1x10240x128xf32, #tpu.memory_space<hbm>>
      %dma_wait3A_152 = tpu.memref_squeeze %dma_wait3A_151 : memref<1x10240x128xf32, #tpu.memory_space<hbm>> -> memref<10240x128xf32, #tpu.memory_space<hbm>>
      %dma_wait3A_153 = arith.constant 0 : i32
      %dma_wait3A_154 = tpu.memref_slice %dma_wait3A_152[%mul3A_137, %dma_wait3A_153] : memref<10240x128xf32, #tpu.memory_space<hbm>> -> memref<640x128xf32, #tpu.memory_space<hbm>>
      %dma_wait3A_155 = arith.constant 0 : i32
      %dma_wait3A_156 = tpu.memref_slice %arg24[%mul3A_131, %dma_wait3A_155] : memref<10240x128xf32, #tpu.memory_space<vmem_shared>> -> memref<640x128xf32, #tpu.memory_space<vmem_shared>>
      tpu.wait_dma2 semaphore(%run_scoped3A : memref<!tpu.dma_semaphore, #tpu.memory_space<semaphore_mem>>) src(%dma_wait3A_156 : memref<640x128xf32, #tpu.memory_space<vmem_shared>>) dst(%dma_wait3A_154 : memref<640x128xf32, #tpu.memory_space<hbm>>)
      tpu.yield
    }) : () -> ()
    %barrier3A_138 = arith.constant 0 : index
    tpu.barrier barrier_id(%barrier3A_138)
    %mul3A_139 = arith.constant 640 : i32
    %mul3A_140 = arith.muli %arg1, %mul3A_139 : i32
    %mul3A_141 = arith.constant 640 : i32
    %mul3A_142 = arith.muli %arg1, %mul3A_141 : i32
    "tpu.region"() ({
      %run_scoped3A = tpu.sem_alloc : memref<!tpu.dma_semaphore, #tpu.memory_space<semaphore_mem>>
      %dma_start3A = arith.constant 0 : i32
      %dma_start3A_143 = arith.constant 0 : i32
      %dma_start3A_144 = tpu.memref_slice %arg14[%arg0, %dma_start3A, %dma_start3A_143] : memref<2x10240x16xf32, #tpu.memory_space<hbm>> -> memref<1x10240x16xf32, #tpu.memory_space<hbm>>
      %dma_start3A_145 = tpu.memref_squeeze %dma_start3A_144 : memref<1x10240x16xf32, #tpu.memory_space<hbm>> -> memref<10240x16xf32, #tpu.memory_space<hbm>>
      %dma_start3A_146 = arith.constant 0 : i32
      %dma_start3A_147 = tpu.memref_slice %dma_start3A_145[%mul3A_142, %dma_start3A_146] : memref<10240x16xf32, #tpu.memory_space<hbm>> -> memref<640x16xf32, #tpu.memory_space<hbm>>
      %dma_start3A_148 = arith.constant 0 : i32
      %dma_start3A_149 = tpu.memref_slice %arg25[%mul3A_140, %dma_start3A_148] : memref<10240x16xf32, #tpu.memory_space<vmem_shared>> -> memref<640x16xf32, #tpu.memory_space<vmem_shared>>
      tpu.enqueue_dma source(%dma_start3A_149 : memref<640x16xf32, #tpu.memory_space<vmem_shared>>) target(%dma_start3A_147 : memref<640x16xf32, #tpu.memory_space<hbm>>) target_semaphore(%run_scoped3A : memref<!tpu.dma_semaphore, #tpu.memory_space<semaphore_mem>>)
      %dma_wait3A = arith.constant 0 : i32
      %dma_wait3A_150 = arith.constant 0 : i32
      %dma_wait3A_151 = tpu.memref_slice %arg14[%arg0, %dma_wait3A, %dma_wait3A_150] : memref<2x10240x16xf32, #tpu.memory_space<hbm>> -> memref<1x10240x16xf32, #tpu.memory_space<hbm>>
      %dma_wait3A_152 = tpu.memref_squeeze %dma_wait3A_151 : memref<1x10240x16xf32, #tpu.memory_space<hbm>> -> memref<10240x16xf32, #tpu.memory_space<hbm>>
      %dma_wait3A_153 = arith.constant 0 : i32
      %dma_wait3A_154 = tpu.memref_slice %dma_wait3A_152[%mul3A_142, %dma_wait3A_153] : memref<10240x16xf32, #tpu.memory_space<hbm>> -> memref<640x16xf32, #tpu.memory_space<hbm>>
      %dma_wait3A_155 = arith.constant 0 : i32
      %dma_wait3A_156 = tpu.memref_slice %arg25[%mul3A_140, %dma_wait3A_155] : memref<10240x16xf32, #tpu.memory_space<vmem_shared>> -> memref<640x16xf32, #tpu.memory_space<vmem_shared>>
      tpu.wait_dma2 semaphore(%run_scoped3A : memref<!tpu.dma_semaphore, #tpu.memory_space<semaphore_mem>>) src(%dma_wait3A_156 : memref<640x16xf32, #tpu.memory_space<vmem_shared>>) dst(%dma_wait3A_154 : memref<640x16xf32, #tpu.memory_space<hbm>>)
      tpu.yield
    }) : () -> ()
    return
  }
}

module attributes {stable_mosaic.version = 14 : i64} {
  func.func @_dense_pre_body(%arg0: i32, %arg1: memref<1280x128xf32, #tpu.memory_space<vmem>>, %arg2: memref<128x128xf32, #tpu.memory_space<vmem>>, %arg3: memref<1x128xf32, #tpu.memory_space<vmem>>, %arg4: memref<2x128xf32, #tpu.memory_space<vmem>>, %arg5: memref<128x512xf32, #tpu.memory_space<vmem>>, %arg6: memref<2x512xf32, #tpu.memory_space<vmem>>, %arg7: memref<1x512xf32, #tpu.memory_space<vmem>>, %arg8: memref<128x512xf32, #tpu.memory_space<vmem>>, %arg9: memref<2x512xf32, #tpu.memory_space<vmem>>, %arg10: memref<1x512xf32, #tpu.memory_space<vmem>>, %arg11: memref<1280x128xf32, #tpu.memory_space<vmem>>, %arg12: memref<1280x128xf32, #tpu.memory_space<vmem>>, %arg13: memref<1280x128xf32, #tpu.memory_space<vmem>>, %arg14: memref<1280x128xf32, #tpu.memory_space<vmem>>, %arg15: memref<1280x128xf32, #tpu.memory_space<vmem>>, %arg16: memref<1280x128xf32, #tpu.memory_space<vmem>>, %arg17: memref<1280x128xf32, #tpu.memory_space<vmem>>, %arg18: memref<1280x128xf32, #tpu.memory_space<vmem>>) attributes {dimension_semantics = [#tpu.dimension_semantics<arbitrary>], iteration_bounds = array<i64: 8>, scalar_prefetch = 0 : i64, scratch_operands = 0 : i64, tpu.core_type = #tpu.core_type<tc>, window_params = [{transform_indices = @transform_0, window_bounds = array<i64: 1280, 128>}, {pipeline_mode = #tpu.pipeline_mode<synchronous>, transform_indices = @transform_1, window_bounds = array<i64: 128, 128>}, {pipeline_mode = #tpu.pipeline_mode<synchronous>, transform_indices = @transform_2, window_bounds = array<i64: 1, 128>}, {pipeline_mode = #tpu.pipeline_mode<synchronous>, transform_indices = @transform_3, window_bounds = array<i64: 2, 128>}, {pipeline_mode = #tpu.pipeline_mode<synchronous>, transform_indices = @transform_4, window_bounds = array<i64: 128, 512>}, {pipeline_mode = #tpu.pipeline_mode<synchronous>, transform_indices = @transform_5, window_bounds = array<i64: 2, 512>}, {pipeline_mode = #tpu.pipeline_mode<synchronous>, transform_indices = @transform_6, window_bounds = array<i64: 1, 512>}, {pipeline_mode = #tpu.pipeline_mode<synchronous>, transform_indices = @transform_7, window_bounds = array<i64: 128, 512>}, {pipeline_mode = #tpu.pipeline_mode<synchronous>, transform_indices = @transform_8, window_bounds = array<i64: 2, 512>}, {pipeline_mode = #tpu.pipeline_mode<synchronous>, transform_indices = @transform_9, window_bounds = array<i64: 1, 512>}, {transform_indices = @transform_10, window_bounds = array<i64: 1280, 128>}, {transform_indices = @transform_11, window_bounds = array<i64: 1280, 128>}, {transform_indices = @transform_12, window_bounds = array<i64: 1280, 128>}, {transform_indices = @transform_13, window_bounds = array<i64: 1280, 128>}, {transform_indices = @transform_14, window_bounds = array<i64: 1280, 128>}, {transform_indices = @transform_15, window_bounds = array<i64: 1280, 128>}, {transform_indices = @transform_16, window_bounds = array<i64: 1280, 128>}, {transform_indices = @transform_17, window_bounds = array<i64: 1280, 128>}]} {
    %get3A = arith.constant 0 : index
    %get3A_0 = arith.constant 0 : index
    %get3A_1 = vector.load %arg1[%get3A, %get3A_0] : memref<1280x128xf32, #tpu.memory_space<vmem>>, vector<1280x128xf32>
    %get3A_2 = arith.constant 0 : index
    %get3A_3 = arith.constant 0 : index
    %get3A_4 = vector.load %arg2[%get3A_2, %get3A_3] : memref<128x128xf32, #tpu.memory_space<vmem>>, vector<128x128xf32>
    %dot_general3A = arith.constant dense<0.000000e+00> : vector<1280x128xf32>
    %dot_general3A_5 = tpu.matmul %get3A_1, %get3A_4, %dot_general3A {dimension_numbers = #tpu.dot_dimension_numbers<[1], [0], [0], [1], [0, 0, 1, 1], [], []>, transpose_lhs_hint = false} : vector<1280x128xf32>, vector<128x128xf32>, vector<1280x128xf32> -> vector<1280x128xf32>
    %get3A_6 = arith.constant 0 : index
    %get3A_7 = arith.constant 0 : index
    %get3A_8 = vector.load %arg3[%get3A_6, %get3A_7] : memref<1x128xf32, #tpu.memory_space<vmem>>, vector<1x128xf32>
    %add3A = vector.broadcast %get3A_8 : vector<1x128xf32> to vector<1280x128xf32>
    %add3A_9 = arith.addf %dot_general3A_5, %add3A : vector<1280x128xf32>
    %max3A = arith.constant 0.000000e+00 : f32
    %max3A_10 = vector.broadcast %max3A : f32 to vector<1280x128xf32>
    %max3A_11 = arith.maximumf %add3A_9, %max3A_10 : vector<1280x128xf32>
    %mul3A = arith.mulf %max3A_11, %max3A_11 : vector<1280x128xf32>
    %reduce_sum3A = arith.constant dense<0.000000e+00> : vector<1280xf32>
    %reduce_sum3A_12 = vector.multi_reduction <add>, %mul3A, %reduce_sum3A [1] : vector<1280x128xf32> to vector<1280xf32>
    %broadcast_in_dim3A = vector.shape_cast %reduce_sum3A_12 : vector<1280xf32> to vector<1280x1xf32>
    %sqrt3A = math.sqrt %broadcast_in_dim3A : vector<1280x1xf32>
    %add3A_13 = arith.constant 9.99999996E-13 : f32
    %add3A_14 = vector.broadcast %add3A_13 : f32 to vector<1280x1xf32>
    %add3A_15 = arith.addf %sqrt3A, %add3A_14 : vector<1280x1xf32>
    %div3A = vector.broadcast %add3A_15 : vector<1280x1xf32> to vector<1280x128xf32>
    %div3A_16 = arith.divf %max3A_11, %div3A : vector<1280x128xf32>
    %get3A_17 = arith.constant 0 : index
    %get3A_18 = arith.constant 0 : index
    %get3A_19 = vector.load %arg4[%get3A_17, %get3A_18] : memref<2x128xf32, #tpu.memory_space<vmem>>, vector<2x128xf32>
    %mul3A_20 = arith.mulf %get3A_19, %get3A_19 : vector<2x128xf32>
    %reduce_sum3A_21 = arith.constant dense<0.000000e+00> : vector<2xf32>
    %reduce_sum3A_22 = vector.multi_reduction <add>, %mul3A_20, %reduce_sum3A_21 [1] : vector<2x128xf32> to vector<2xf32>
    %broadcast_in_dim3A_23 = vector.shape_cast %reduce_sum3A_22 : vector<2xf32> to vector<2x1xf32>
    %sqrt3A_24 = math.sqrt %broadcast_in_dim3A_23 : vector<2x1xf32>
    %add3A_25 = arith.constant 9.99999996E-13 : f32
    %add3A_26 = vector.broadcast %add3A_25 : f32 to vector<2x1xf32>
    %add3A_27 = arith.addf %sqrt3A_24, %add3A_26 : vector<2x1xf32>
    %div3A_28 = vector.broadcast %add3A_27 : vector<2x1xf32> to vector<2x128xf32>
    %div3A_29 = arith.divf %get3A_19, %div3A_28 : vector<2x128xf32>
    %transpose3A = tpu.transpose %div3A_29, [1, 0] : vector<2x128xf32> -> vector<128x2xf32>
    %dot_general3A_30 = arith.constant dense<0.000000e+00> : vector<1280x2xf32>
    %dot_general3A_31 = tpu.matmul %div3A_16, %transpose3A, %dot_general3A_30 {dimension_numbers = #tpu.dot_dimension_numbers<[1], [0], [0], [1], [0, 0, 1, 1], [], []>, transpose_lhs_hint = false} : vector<1280x128xf32>, vector<128x2xf32>, vector<1280x2xf32> -> vector<1280x2xf32>
    %get3A_32 = arith.constant 0 : index
    %get3A_33 = arith.constant 0 : index
    %get3A_34 = vector.load %arg5[%get3A_32, %get3A_33] : memref<128x512xf32, #tpu.memory_space<vmem>>, vector<128x512xf32>
    %dot_general3A_35 = arith.constant dense<0.000000e+00> : vector<1280x512xf32>
    %dot_general3A_36 = tpu.matmul %max3A_11, %get3A_34, %dot_general3A_35 {dimension_numbers = #tpu.dot_dimension_numbers<[1], [0], [0], [1], [0, 0, 1, 1], [], []>, transpose_lhs_hint = false} : vector<1280x128xf32>, vector<128x512xf32>, vector<1280x512xf32> -> vector<1280x512xf32>
    %get3A_37 = arith.constant 0 : index
    %get3A_38 = arith.constant 0 : index
    %get3A_39 = vector.load %arg6[%get3A_37, %get3A_38] : memref<2x512xf32, #tpu.memory_space<vmem>>, vector<2x512xf32>
    %dot_general3A_40 = arith.constant dense<0.000000e+00> : vector<1280x512xf32>
    %dot_general3A_41 = tpu.matmul %dot_general3A_31, %get3A_39, %dot_general3A_40 {dimension_numbers = #tpu.dot_dimension_numbers<[1], [0], [0], [1], [0, 0, 1, 1], [], []>, transpose_lhs_hint = false} : vector<1280x2xf32>, vector<2x512xf32>, vector<1280x512xf32> -> vector<1280x512xf32>
    %add3A_42 = arith.addf %dot_general3A_36, %dot_general3A_41 : vector<1280x512xf32>
    %get3A_43 = arith.constant 0 : index
    %get3A_44 = arith.constant 0 : index
    %get3A_45 = vector.load %arg7[%get3A_43, %get3A_44] : memref<1x512xf32, #tpu.memory_space<vmem>>, vector<1x512xf32>
    %add3A_46 = vector.broadcast %get3A_45 : vector<1x512xf32> to vector<1280x512xf32>
    %add3A_47 = arith.addf %add3A_42, %add3A_46 : vector<1280x512xf32>
    %get3A_48 = arith.constant 0 : index
    %get3A_49 = arith.constant 0 : index
    %get3A_50 = vector.load %arg8[%get3A_48, %get3A_49] : memref<128x512xf32, #tpu.memory_space<vmem>>, vector<128x512xf32>
    %dot_general3A_51 = arith.constant dense<0.000000e+00> : vector<1280x512xf32>
    %dot_general3A_52 = tpu.matmul %max3A_11, %get3A_50, %dot_general3A_51 {dimension_numbers = #tpu.dot_dimension_numbers<[1], [0], [0], [1], [0, 0, 1, 1], [], []>, transpose_lhs_hint = false} : vector<1280x128xf32>, vector<128x512xf32>, vector<1280x512xf32> -> vector<1280x512xf32>
    %get3A_53 = arith.constant 0 : index
    %get3A_54 = arith.constant 0 : index
    %get3A_55 = vector.load %arg9[%get3A_53, %get3A_54] : memref<2x512xf32, #tpu.memory_space<vmem>>, vector<2x512xf32>
    %dot_general3A_56 = arith.constant dense<0.000000e+00> : vector<1280x512xf32>
    %dot_general3A_57 = tpu.matmul %dot_general3A_31, %get3A_55, %dot_general3A_56 {dimension_numbers = #tpu.dot_dimension_numbers<[1], [0], [0], [1], [0, 0, 1, 1], [], []>, transpose_lhs_hint = false} : vector<1280x2xf32>, vector<2x512xf32>, vector<1280x512xf32> -> vector<1280x512xf32>
    %add3A_58 = arith.addf %dot_general3A_52, %dot_general3A_57 : vector<1280x512xf32>
    %get3A_59 = arith.constant 0 : index
    %get3A_60 = arith.constant 0 : index
    %get3A_61 = vector.load %arg10[%get3A_59, %get3A_60] : memref<1x512xf32, #tpu.memory_space<vmem>>, vector<1x512xf32>
    %add3A_62 = vector.broadcast %get3A_61 : vector<1x512xf32> to vector<1280x512xf32>
    %add3A_63 = arith.addf %add3A_58, %add3A_62 : vector<1280x512xf32>
    %slice3A = vector.extract_strided_slice %add3A_47 {offsets = [0, 0], sizes = [1280, 128], strides = [1, 1]} : vector<1280x512xf32> to vector<1280x128xf32>
    %swap3A = arith.constant 0 : index
    %swap3A_64 = arith.constant 0 : index
    %swap3A_65 = vector.load %arg11[%swap3A, %swap3A_64] : memref<1280x128xf32, #tpu.memory_space<vmem>>, vector<1280x128xf32>
    tpu.vector_store %arg11[%swap3A, %swap3A_64], %slice3A {strides = array<i32>} : memref<1280x128xf32, #tpu.memory_space<vmem>>, vector<1280x128xf32>,
    %slice3A_66 = vector.extract_strided_slice %add3A_63 {offsets = [0, 0], sizes = [1280, 128], strides = [1, 1]} : vector<1280x512xf32> to vector<1280x128xf32>
    %swap3A_67 = arith.constant 0 : index
    %swap3A_68 = arith.constant 0 : index
    %swap3A_69 = vector.load %arg15[%swap3A_67, %swap3A_68] : memref<1280x128xf32, #tpu.memory_space<vmem>>, vector<1280x128xf32>
    tpu.vector_store %arg15[%swap3A_67, %swap3A_68], %slice3A_66 {strides = array<i32>} : memref<1280x128xf32, #tpu.memory_space<vmem>>, vector<1280x128xf32>,
    %slice3A_70 = vector.extract_strided_slice %add3A_47 {offsets = [0, 128], sizes = [1280, 128], strides = [1, 1]} : vector<1280x512xf32> to vector<1280x128xf32>
    %swap3A_71 = arith.constant 0 : index
    %swap3A_72 = arith.constant 0 : index
    %swap3A_73 = vector.load %arg12[%swap3A_71, %swap3A_72] : memref<1280x128xf32, #tpu.memory_space<vmem>>, vector<1280x128xf32>
    tpu.vector_store %arg12[%swap3A_71, %swap3A_72], %slice3A_70 {strides = array<i32>} : memref<1280x128xf32, #tpu.memory_space<vmem>>, vector<1280x128xf32>,
    %slice3A_74 = vector.extract_strided_slice %add3A_63 {offsets = [0, 128], sizes = [1280, 128], strides = [1, 1]} : vector<1280x512xf32> to vector<1280x128xf32>
    %swap3A_75 = arith.constant 0 : index
    %swap3A_76 = arith.constant 0 : index
    %swap3A_77 = vector.load %arg16[%swap3A_75, %swap3A_76] : memref<1280x128xf32, #tpu.memory_space<vmem>>, vector<1280x128xf32>
    tpu.vector_store %arg16[%swap3A_75, %swap3A_76], %slice3A_74 {strides = array<i32>} : memref<1280x128xf32, #tpu.memory_space<vmem>>, vector<1280x128xf32>,
    %slice3A_78 = vector.extract_strided_slice %add3A_47 {offsets = [0, 256], sizes = [1280, 128], strides = [1, 1]} : vector<1280x512xf32> to vector<1280x128xf32>
    %swap3A_79 = arith.constant 0 : index
    %swap3A_80 = arith.constant 0 : index
    %swap3A_81 = vector.load %arg13[%swap3A_79, %swap3A_80] : memref<1280x128xf32, #tpu.memory_space<vmem>>, vector<1280x128xf32>
    tpu.vector_store %arg13[%swap3A_79, %swap3A_80], %slice3A_78 {strides = array<i32>} : memref<1280x128xf32, #tpu.memory_space<vmem>>, vector<1280x128xf32>,
    %slice3A_82 = vector.extract_strided_slice %add3A_63 {offsets = [0, 256], sizes = [1280, 128], strides = [1, 1]} : vector<1280x512xf32> to vector<1280x128xf32>
    %swap3A_83 = arith.constant 0 : index
    %swap3A_84 = arith.constant 0 : index
    %swap3A_85 = vector.load %arg17[%swap3A_83, %swap3A_84] : memref<1280x128xf32, #tpu.memory_space<vmem>>, vector<1280x128xf32>
    tpu.vector_store %arg17[%swap3A_83, %swap3A_84], %slice3A_82 {strides = array<i32>} : memref<1280x128xf32, #tpu.memory_space<vmem>>, vector<1280x128xf32>,
    %slice3A_86 = vector.extract_strided_slice %add3A_47 {offsets = [0, 384], sizes = [1280, 128], strides = [1, 1]} : vector<1280x512xf32> to vector<1280x128xf32>
    %swap3A_87 = arith.constant 0 : index
    %swap3A_88 = arith.constant 0 : index
    %swap3A_89 = vector.load %arg14[%swap3A_87, %swap3A_88] : memref<1280x128xf32, #tpu.memory_space<vmem>>, vector<1280x128xf32>
    tpu.vector_store %arg14[%swap3A_87, %swap3A_88], %slice3A_86 {strides = array<i32>} : memref<1280x128xf32, #tpu.memory_space<vmem>>, vector<1280x128xf32>,
    %slice3A_90 = vector.extract_strided_slice %add3A_63 {offsets = [0, 384], sizes = [1280, 128], strides = [1, 1]} : vector<1280x512xf32> to vector<1280x128xf32>
    %swap3A_91 = arith.constant 0 : index
    %swap3A_92 = arith.constant 0 : index
    %swap3A_93 = vector.load %arg18[%swap3A_91, %swap3A_92] : memref<1280x128xf32, #tpu.memory_space<vmem>>, vector<1280x128xf32>
    tpu.vector_store %arg18[%swap3A_91, %swap3A_92], %slice3A_90 {strides = array<i32>} : memref<1280x128xf32, #tpu.memory_space<vmem>>, vector<1280x128xf32>,
    return
  }
  func.func @transform_0(%arg0: i32) -> (i32, i32) {
    %c0_i32 = arith.constant 0 : i32
    %c0_i32_0 = arith.constant 0 : i32
    return %arg0, %c0_i32 : i32, i32
  }
  func.func @transform_1(%arg0: i32) -> (i32, i32) {
    %c0_i32 = arith.constant 0 : i32
    %c0_i32_0 = arith.constant 0 : i32
    %c0_i32_1 = arith.constant 0 : i32
    return %c0_i32, %c0_i32_0 : i32, i32
  }
  func.func @transform_2(%arg0: i32) -> (i32, i32) {
    %c0_i32 = arith.constant 0 : i32
    %c0_i32_0 = arith.constant 0 : i32
    %c0_i32_1 = arith.constant 0 : i32
    return %c0_i32, %c0_i32_0 : i32, i32
  }
  func.func @transform_3(%arg0: i32) -> (i32, i32) {
    %c0_i32 = arith.constant 0 : i32
    %c0_i32_0 = arith.constant 0 : i32
    %c0_i32_1 = arith.constant 0 : i32
    return %c0_i32, %c0_i32_0 : i32, i32
  }
  func.func @transform_4(%arg0: i32) -> (i32, i32) {
    %c0_i32 = arith.constant 0 : i32
    %c0_i32_0 = arith.constant 0 : i32
    %c0_i32_1 = arith.constant 0 : i32
    return %c0_i32, %c0_i32_0 : i32, i32
  }
  func.func @transform_5(%arg0: i32) -> (i32, i32) {
    %c0_i32 = arith.constant 0 : i32
    %c0_i32_0 = arith.constant 0 : i32
    %c0_i32_1 = arith.constant 0 : i32
    return %c0_i32, %c0_i32_0 : i32, i32
  }
  func.func @transform_6(%arg0: i32) -> (i32, i32) {
    %c0_i32 = arith.constant 0 : i32
    %c0_i32_0 = arith.constant 0 : i32
    %c0_i32_1 = arith.constant 0 : i32
    return %c0_i32, %c0_i32_0 : i32, i32
  }
  func.func @transform_7(%arg0: i32) -> (i32, i32) {
    %c0_i32 = arith.constant 0 : i32
    %c0_i32_0 = arith.constant 0 : i32
    %c0_i32_1 = arith.constant 0 : i32
    return %c0_i32, %c0_i32_0 : i32, i32
  }
  func.func @transform_8(%arg0: i32) -> (i32, i32) {
    %c0_i32 = arith.constant 0 : i32
    %c0_i32_0 = arith.constant 0 : i32
    %c0_i32_1 = arith.constant 0 : i32
    return %c0_i32, %c0_i32_0 : i32, i32
  }
  func.func @transform_9(%arg0: i32) -> (i32, i32) {
    %c0_i32 = arith.constant 0 : i32
    %c0_i32_0 = arith.constant 0 : i32
    %c0_i32_1 = arith.constant 0 : i32
    return %c0_i32, %c0_i32_0 : i32, i32
  }
  func.func @transform_10(%arg0: i32) -> (i32, i32) {
    %c0_i32 = arith.constant 0 : i32
    %c0_i32_0 = arith.constant 0 : i32
    return %arg0, %c0_i32 : i32, i32
  }
  func.func @transform_11(%arg0: i32) -> (i32, i32) {
    %c0_i32 = arith.constant 0 : i32
    %c0_i32_0 = arith.constant 0 : i32
    return %arg0, %c0_i32 : i32, i32
  }
  func.func @transform_12(%arg0: i32) -> (i32, i32) {
    %c0_i32 = arith.constant 0 : i32
    %c0_i32_0 = arith.constant 0 : i32
    return %arg0, %c0_i32 : i32, i32
  }
  func.func @transform_13(%arg0: i32) -> (i32, i32) {
    %c0_i32 = arith.constant 0 : i32
    %c0_i32_0 = arith.constant 0 : i32
    return %arg0, %c0_i32 : i32, i32
  }
  func.func @transform_14(%arg0: i32) -> (i32, i32) {
    %c0_i32 = arith.constant 0 : i32
    %c0_i32_0 = arith.constant 0 : i32
    return %arg0, %c0_i32 : i32, i32
  }
  func.func @transform_15(%arg0: i32) -> (i32, i32) {
    %c0_i32 = arith.constant 0 : i32
    %c0_i32_0 = arith.constant 0 : i32
    return %arg0, %c0_i32 : i32, i32
  }
  func.func @transform_16(%arg0: i32) -> (i32, i32) {
    %c0_i32 = arith.constant 0 : i32
    %c0_i32_0 = arith.constant 0 : i32
    return %arg0, %c0_i32 : i32, i32
  }
  func.func @transform_17(%arg0: i32) -> (i32, i32) {
    %c0_i32 = arith.constant 0 : i32
    %c0_i32_0 = arith.constant 0 : i32
    return %arg0, %c0_i32 : i32, i32
  }
}

module attributes {stable_mosaic.version = 14 : i64} {
  func.func @_dense_post_body(%arg0: i32, %arg1: memref<1280x128xf32, #tpu.memory_space<vmem>>, %arg2: memref<1280x128xf32, #tpu.memory_space<vmem>>, %arg3: memref<1280x128xf32, #tpu.memory_space<vmem>>, %arg4: memref<1280x128xf32, #tpu.memory_space<vmem>>, %arg5: memref<1280x128xf32, #tpu.memory_space<vmem>>, %arg6: memref<1280x128xf32, #tpu.memory_space<vmem>>, %arg7: memref<1280x128xf32, #tpu.memory_space<vmem>>, %arg8: memref<1280x128xf32, #tpu.memory_space<vmem>>, %arg9: memref<1280x16xf32, #tpu.memory_space<vmem>>, %arg10: memref<1280x16xf32, #tpu.memory_space<vmem>>, %arg11: memref<1x128xf32, #tpu.memory_space<vmem>>, %arg12: memref<128x128xf32, #tpu.memory_space<vmem>>, %arg13: memref<1x128xf32, #tpu.memory_space<vmem>>, %arg14: memref<1280x128xf32, #tpu.memory_space<vmem>>) attributes {dimension_semantics = [#tpu.dimension_semantics<arbitrary>], iteration_bounds = array<i64: 8>, scalar_prefetch = 0 : i64, scratch_operands = 0 : i64, tpu.core_type = #tpu.core_type<tc>, window_params = [{transform_indices = @transform_0, window_bounds = array<i64: 1280, 128>}, {transform_indices = @transform_1, window_bounds = array<i64: 1280, 128>}, {transform_indices = @transform_2, window_bounds = array<i64: 1280, 128>}, {transform_indices = @transform_3, window_bounds = array<i64: 1280, 128>}, {transform_indices = @transform_4, window_bounds = array<i64: 1280, 128>}, {transform_indices = @transform_5, window_bounds = array<i64: 1280, 128>}, {transform_indices = @transform_6, window_bounds = array<i64: 1280, 128>}, {transform_indices = @transform_7, window_bounds = array<i64: 1280, 128>}, {transform_indices = @transform_8, window_bounds = array<i64: 1280, 16>}, {transform_indices = @transform_9, window_bounds = array<i64: 1280, 16>}, {pipeline_mode = #tpu.pipeline_mode<synchronous>, transform_indices = @transform_10, window_bounds = array<i64: 1, 128>}, {pipeline_mode = #tpu.pipeline_mode<synchronous>, transform_indices = @transform_11, window_bounds = array<i64: 128, 128>}, {pipeline_mode = #tpu.pipeline_mode<synchronous>, transform_indices = @transform_12, window_bounds = array<i64: 1, 128>}, {transform_indices = @transform_13, window_bounds = array<i64: 1280, 128>}]} {
    %get3A = arith.constant 0 : index
    %get3A_0 = arith.constant 0 : index
    %get3A_1 = vector.load %arg9[%get3A, %get3A_0] : memref<1280x16xf32, #tpu.memory_space<vmem>>, vector<1280x16xf32>
    %get3A_2 = arith.constant 0 : index
    %get3A_3 = arith.constant 0 : index
    %get3A_4 = vector.load %arg10[%get3A_2, %get3A_3] : memref<1280x16xf32, #tpu.memory_space<vmem>>, vector<1280x16xf32>
    %add3A = arith.addf %get3A_1, %get3A_4 : vector<1280x16xf32>
    %broadcast_in_dim3A = arith.constant 0.000000e+00 : f32
    %broadcast_in_dim3A_5 = vector.broadcast %broadcast_in_dim3A : f32 to vector<1280x128xf32>
    %get3A_6 = arith.constant 0 : index
    %get3A_7 = arith.constant 0 : index
    %get3A_8 = vector.load %arg1[%get3A_6, %get3A_7] : memref<1280x128xf32, #tpu.memory_space<vmem>>, vector<1280x128xf32>
    %get3A_9 = arith.constant 0 : index
    %get3A_10 = arith.constant 0 : index
    %get3A_11 = vector.load %arg5[%get3A_9, %get3A_10] : memref<1280x128xf32, #tpu.memory_space<vmem>>, vector<1280x128xf32>
    %add3A_12 = arith.addf %get3A_8, %get3A_11 : vector<1280x128xf32>
    %slice3A = vector.extract_strided_slice %add3A {offsets = [0, 0], sizes = [1280, 1], strides = [1, 1]} : vector<1280x16xf32> to vector<1280x1xf32>
    %add3A_13 = arith.constant 1.000000e-16 : f32
    %add3A_14 = vector.broadcast %add3A_13 : f32 to vector<1280x1xf32>
    %add3A_15 = arith.addf %slice3A, %add3A_14 : vector<1280x1xf32>
    %div3A = vector.broadcast %add3A_15 : vector<1280x1xf32> to vector<1280x128xf32>
    %div3A_16 = arith.divf %add3A_12, %div3A : vector<1280x128xf32>
    %add3A_17 = arith.addf %broadcast_in_dim3A_5, %div3A_16 : vector<1280x128xf32>
    %get3A_18 = arith.constant 0 : index
    %get3A_19 = arith.constant 0 : index
    %get3A_20 = vector.load %arg2[%get3A_18, %get3A_19] : memref<1280x128xf32, #tpu.memory_space<vmem>>, vector<1280x128xf32>
    %get3A_21 = arith.constant 0 : index
    %get3A_22 = arith.constant 0 : index
    %get3A_23 = vector.load %arg6[%get3A_21, %get3A_22] : memref<1280x128xf32, #tpu.memory_space<vmem>>, vector<1280x128xf32>
    %add3A_24 = arith.addf %get3A_20, %get3A_23 : vector<1280x128xf32>
    %slice3A_25 = vector.extract_strided_slice %add3A {offsets = [0, 1], sizes = [1280, 1], strides = [1, 1]} : vector<1280x16xf32> to vector<1280x1xf32>
    %add3A_26 = arith.constant 1.000000e-16 : f32
    %add3A_27 = vector.broadcast %add3A_26 : f32 to vector<1280x1xf32>
    %add3A_28 = arith.addf %slice3A_25, %add3A_27 : vector<1280x1xf32>
    %div3A_29 = vector.broadcast %add3A_28 : vector<1280x1xf32> to vector<1280x128xf32>
    %div3A_30 = arith.divf %add3A_24, %div3A_29 : vector<1280x128xf32>
    %add3A_31 = arith.addf %add3A_17, %div3A_30 : vector<1280x128xf32>
    %get3A_32 = arith.constant 0 : index
    %get3A_33 = arith.constant 0 : index
    %get3A_34 = vector.load %arg3[%get3A_32, %get3A_33] : memref<1280x128xf32, #tpu.memory_space<vmem>>, vector<1280x128xf32>
    %get3A_35 = arith.constant 0 : index
    %get3A_36 = arith.constant 0 : index
    %get3A_37 = vector.load %arg7[%get3A_35, %get3A_36] : memref<1280x128xf32, #tpu.memory_space<vmem>>, vector<1280x128xf32>
    %add3A_38 = arith.addf %get3A_34, %get3A_37 : vector<1280x128xf32>
    %slice3A_39 = vector.extract_strided_slice %add3A {offsets = [0, 2], sizes = [1280, 1], strides = [1, 1]} : vector<1280x16xf32> to vector<1280x1xf32>
    %add3A_40 = arith.constant 1.000000e-16 : f32
    %add3A_41 = vector.broadcast %add3A_40 : f32 to vector<1280x1xf32>
    %add3A_42 = arith.addf %slice3A_39, %add3A_41 : vector<1280x1xf32>
    %div3A_43 = vector.broadcast %add3A_42 : vector<1280x1xf32> to vector<1280x128xf32>
    %div3A_44 = arith.divf %add3A_38, %div3A_43 : vector<1280x128xf32>
    %add3A_45 = arith.addf %add3A_31, %div3A_44 : vector<1280x128xf32>
    %get3A_46 = arith.constant 0 : index
    %get3A_47 = arith.constant 0 : index
    %get3A_48 = vector.load %arg4[%get3A_46, %get3A_47] : memref<1280x128xf32, #tpu.memory_space<vmem>>, vector<1280x128xf32>
    %get3A_49 = arith.constant 0 : index
    %get3A_50 = arith.constant 0 : index
    %get3A_51 = vector.load %arg8[%get3A_49, %get3A_50] : memref<1280x128xf32, #tpu.memory_space<vmem>>, vector<1280x128xf32>
    %add3A_52 = arith.addf %get3A_48, %get3A_51 : vector<1280x128xf32>
    %slice3A_53 = vector.extract_strided_slice %add3A {offsets = [0, 3], sizes = [1280, 1], strides = [1, 1]} : vector<1280x16xf32> to vector<1280x1xf32>
    %add3A_54 = arith.constant 1.000000e-16 : f32
    %add3A_55 = vector.broadcast %add3A_54 : f32 to vector<1280x1xf32>
    %add3A_56 = arith.addf %slice3A_53, %add3A_55 : vector<1280x1xf32>
    %div3A_57 = vector.broadcast %add3A_56 : vector<1280x1xf32> to vector<1280x128xf32>
    %div3A_58 = arith.divf %add3A_52, %div3A_57 : vector<1280x128xf32>
    %add3A_59 = arith.addf %add3A_45, %div3A_58 : vector<1280x128xf32>
    %mul3A = arith.constant 2.500000e-01 : f32
    %mul3A_60 = vector.broadcast %mul3A : f32 to vector<1280x128xf32>
    %mul3A_61 = arith.mulf %add3A_59, %mul3A_60 : vector<1280x128xf32>
    %get3A_62 = arith.constant 0 : index
    %get3A_63 = arith.constant 0 : index
    %get3A_64 = vector.load %arg11[%get3A_62, %get3A_63] : memref<1x128xf32, #tpu.memory_space<vmem>>, vector<1x128xf32>
    %add3A_65 = vector.broadcast %get3A_64 : vector<1x128xf32> to vector<1280x128xf32>
    %add3A_66 = arith.addf %mul3A_61, %add3A_65 : vector<1280x128xf32>
    %max3A = arith.constant 0.000000e+00 : f32
    %max3A_67 = vector.broadcast %max3A : f32 to vector<1280x128xf32>
    %max3A_68 = arith.maximumf %add3A_66, %max3A_67 : vector<1280x128xf32>
    %get3A_69 = arith.constant 0 : index
    %get3A_70 = arith.constant 0 : index
    %get3A_71 = vector.load %arg12[%get3A_69, %get3A_70] : memref<128x128xf32, #tpu.memory_space<vmem>>, vector<128x128xf32>
    %dot_general3A = arith.constant dense<0.000000e+00> : vector<1280x128xf32>
    %dot_general3A_72 = tpu.matmul %max3A_68, %get3A_71, %dot_general3A {dimension_numbers = #tpu.dot_dimension_numbers<[1], [0], [0], [1], [0, 0, 1, 1], [], []>, transpose_lhs_hint = false} : vector<1280x128xf32>, vector<128x128xf32>, vector<1280x128xf32> -> vector<1280x128xf32>
    %get3A_73 = arith.constant 0 : index
    %get3A_74 = arith.constant 0 : index
    %get3A_75 = vector.load %arg13[%get3A_73, %get3A_74] : memref<1x128xf32, #tpu.memory_space<vmem>>, vector<1x128xf32>
    %add3A_76 = vector.broadcast %get3A_75 : vector<1x128xf32> to vector<1280x128xf32>
    %add3A_77 = arith.addf %dot_general3A_72, %add3A_76 : vector<1280x128xf32>
    %swap3A = arith.constant 0 : index
    %swap3A_78 = arith.constant 0 : index
    %swap3A_79 = vector.load %arg14[%swap3A, %swap3A_78] : memref<1280x128xf32, #tpu.memory_space<vmem>>, vector<1280x128xf32>
    tpu.vector_store %arg14[%swap3A, %swap3A_78], %add3A_77 {strides = array<i32>} : memref<1280x128xf32, #tpu.memory_space<vmem>>, vector<1280x128xf32>,
    return
  }
  func.func @transform_0(%arg0: i32) -> (i32, i32) {
    %c0_i32 = arith.constant 0 : i32
    %c0_i32_0 = arith.constant 0 : i32
    return %arg0, %c0_i32 : i32, i32
  }
  func.func @transform_1(%arg0: i32) -> (i32, i32) {
    %c0_i32 = arith.constant 0 : i32
    %c0_i32_0 = arith.constant 0 : i32
    return %arg0, %c0_i32 : i32, i32
  }
  func.func @transform_2(%arg0: i32) -> (i32, i32) {
    %c0_i32 = arith.constant 0 : i32
    %c0_i32_0 = arith.constant 0 : i32
    return %arg0, %c0_i32 : i32, i32
  }
  func.func @transform_3(%arg0: i32) -> (i32, i32) {
    %c0_i32 = arith.constant 0 : i32
    %c0_i32_0 = arith.constant 0 : i32
    return %arg0, %c0_i32 : i32, i32
  }
  func.func @transform_4(%arg0: i32) -> (i32, i32) {
    %c0_i32 = arith.constant 0 : i32
    %c0_i32_0 = arith.constant 0 : i32
    return %arg0, %c0_i32 : i32, i32
  }
  func.func @transform_5(%arg0: i32) -> (i32, i32) {
    %c0_i32 = arith.constant 0 : i32
    %c0_i32_0 = arith.constant 0 : i32
    return %arg0, %c0_i32 : i32, i32
  }
  func.func @transform_6(%arg0: i32) -> (i32, i32) {
    %c0_i32 = arith.constant 0 : i32
    %c0_i32_0 = arith.constant 0 : i32
    return %arg0, %c0_i32 : i32, i32
  }
  func.func @transform_7(%arg0: i32) -> (i32, i32) {
    %c0_i32 = arith.constant 0 : i32
    %c0_i32_0 = arith.constant 0 : i32
    return %arg0, %c0_i32 : i32, i32
  }
  func.func @transform_8(%arg0: i32) -> (i32, i32) {
    %c0_i32 = arith.constant 0 : i32
    %c0_i32_0 = arith.constant 0 : i32
    return %arg0, %c0_i32 : i32, i32
  }
  func.func @transform_9(%arg0: i32) -> (i32, i32) {
    %c0_i32 = arith.constant 0 : i32
    %c0_i32_0 = arith.constant 0 : i32
    return %arg0, %c0_i32 : i32, i32
  }
  func.func @transform_10(%arg0: i32) -> (i32, i32) {
    %c0_i32 = arith.constant 0 : i32
    %c0_i32_0 = arith.constant 0 : i32
    %c0_i32_1 = arith.constant 0 : i32
    return %c0_i32, %c0_i32_0 : i32, i32
  }
  func.func @transform_11(%arg0: i32) -> (i32, i32) {
    %c0_i32 = arith.constant 0 : i32
    %c0_i32_0 = arith.constant 0 : i32
    %c0_i32_1 = arith.constant 0 : i32
    return %c0_i32, %c0_i32_0 : i32, i32
  }
  func.func @transform_12(%arg0: i32) -> (i32, i32) {
    %c0_i32 = arith.constant 0 : i32
    %c0_i32_0 = arith.constant 0 : i32
    %c0_i32_1 = arith.constant 0 : i32
    return %c0_i32, %c0_i32_0 : i32, i32
  }
  func.func @transform_13(%arg0: i32) -> (i32, i32) {
    %c0_i32 = arith.constant 0 : i32
    %c0_i32_0 = arith.constant 0 : i32
    return %arg0, %c0_i32 : i32, i32
  }
}

</mosaic_0001>

<sc_bundles>
// kernel: kernel.5.cloned.1.call-start
scs
__scs_entry_jumppad:
0x0: {  	(pc) =	sbr.rel $0x88, $3  }
0x1: {  	(tag) =	ssettag $0x0;
	lr =	simm.s32 $0x1  }
0x2: {  	[smem:$0x3F94] =	sst lr;
	_ =	strace $0xD0000000  }
0x3: {  	_ = 	snop  }
0x4: {  	_ = 	snop  }
0x5: {  	_ = 	snop  }
0x6: {  	_ = 	snop  }
0x7: {  	_ = 	snop  }
__scs_overlays_trampoline_lowered:
0x8: {  	[smem:$0x3FA3] =	sst s0  }
0x9: {  	[smem:$0x3FA4] =	sst s1  }
0xa: {  	[smem:$0x3FA5] =	sst s2  }
0xb: {  	[smem:$0x3FA6] =	sst s3  }
0xc: {  	[smem:$0x3FA7] =	sst s4  }
0xd: {  	[smem:$0x3FA8] =	sst s5  }
0xe: {  	[smem:$0x3FA9] =	sst s6  }
0xf: {  	[smem:$0x3FAA] =	sst s7  }
0x10: {  	[smem:$0x3FAB] =	sst s8  }
0x11: {  	[smem:$0x3FAC] =	sst s9;
	s0 =	simm.s32 @!p0 $0x0  }
0x12: {  	s1 =	sld [smem:$0x3F92];
	s0 =	simm.s32 @p0 $0x1  }
0x13: {  	[smem:$0x3FAD] =	sst s0;
	s0 =	simm.s32 @!p1 $0x0  }
0x14: {  	s2 =	sld [smem:$0x3F91];
	s0 =	simm.s32 @p1 $0x1  }
0x15: {  	[smem:$0x3FAE] =	sst s0;
	s0 =	simm.s32 @!p2 $0x0  }
0x16: {  	s3 =	sld [smem:$0x3FDB];
	s0 =	simm.s32 @p2 $0x1  }
0x17: {  	s4 =	simm.s32 $0x1BF5;
	[smem:$0x3FB0] =	sst s0  }
0x18: {  	s0 =	sld [smem:$0x3F93];
	_ =	swait.ge [sflag:s4], $0x0  }
0x19: {  	s7 =	sld [smem:$0x3F94]  }
0x1a: {  	s8 =	sadd.s32 $0xFFFFE003, lr  }
0x1b: {  	s9 =	sadd.s32 $0xFFFFFEF7, lr;
	s5 =	simm.s32 $0xFFFFFFFF;
	p2 =	slt.u32 s8, $0xFFFFF086  }
0x1c: {  	p1 =	slt.u32 s9, $0xF7A;
	s5 =	simm.s32 @!p2 $0x0  }
0x1d: {  	s5 =	simm.s32 @p1 $0x1;
	p0 =	seq.s32 s7, s2  }
0x1e: {  	s7 =	smul.u32 @!p0 $0xF7A, s2;
	p2 =	seq.s32 @!p0 s5, $0x0  }
0x1f: {  	s9 =	smul.u32 $0xF7A, s1;
	s8 =	simm.s32 @!p0 $0x1BF5;
	p2 =	por !p2, p0  }
0x20: {  	[sflag:s8] =	ssyncset.s32 @!p0 $0xFFFFF086;
	s6 =	sadd.s32 @!p0 s3, s7;
	s7 =	simm.s32 @!p0 $0x108  }
0x21: {  	s3 =	sadd.s32 s3, s9;
	s6 =	sadd.s32 @!p0 $0x88, s6;
	s7 =	simm.s32 @p2 $0x1082  }
0x22: {  	[simem:s7], [sflag:s8] =	dma.local @!p0 [hbm:s6], $0xF7A  }
0x23: {  	s9 =	sor.u32 $0xD0000000, s2;
	s6 =	simm.s32 $0x108;
	_ =	swait.ge @!p0 [sflag:s8], $0x0  }
0x24: {  	s3 =	sadd.s32 $0x88, s3;
	s6 =	simm.s32 @!p1 $0x1082;
	[sflag:s4] =	ssyncset.s32 $0xFFFFF086  }
0x25: {  	[simem:s6], [sflag:s4] =	dma.local [hbm:s3], $0xF7A  }
0x26: {  	[smem:$0x3F94] =	sst s1;
	(tag) =	ssettag s2;
	_ =	strace s9  }
0x27: {  	s1 =	sld [smem:$0x3FA4]  }
0x28: {  	s2 =	sld [smem:$0x3FA5]  }
0x29: {  	s4 =	sld [smem:$0x3FA7]  }
0x2a: {  	p0 =	seq.s32 s5, $0x0;
	s5 =	sld [smem:$0x3FA8]  }
0x2b: {  	s6 =	sld [smem:$0x3FA9]  }
0x2c: {  	s7 =	sld [smem:$0x3FAA]  }
0x2d: {  	s3 =	simm.s32 $0x108;
	s8 =	sld [smem:$0x3FAB]  }
0x2e: {  	s3 =	simm.s32 @!p0 $0x1082;
	s9 =	sld [smem:$0x3FAC]  }
0x2f: {  	lr =	sadd.s32 s0, s3;
	s0 =	sld [smem:$0x3FA3]  }
0x30: {  	s3 =	sld [smem:$0x3FA6]  }
0x31: {  	[smem:$0x3FAF] =	sst s10  }
0x32: {  	s10 =	sld [smem:$0x3FAD];
	_ =	sdelay $0x3  }
0x33: {  	p0 =	seq.s32 s10, $0x1;
	s10 =	sld [smem:$0x3FAF];
	_ =	sdelay $0x3  }
0x34: {  	[smem:$0x3FAF] =	sst s10  }
0x35: {  	s10 =	sld [smem:$0x3FAE];
	_ =	sdelay $0x3  }
0x36: {  	p1 =	seq.s32 s10, $0x1;
	s10 =	sld [smem:$0x3FAF];
	_ =	sdelay $0x3  }
0x37: {  	[smem:$0x3FAF] =	sst s10  }
0x38: {  	s10 =	sld [smem:$0x3FB0]  }
0x39: {  	_ = 	snop;
	(pc) =	sbr.ind lr, $3  }
0x3a: {  	_ = 	snop  }
0x3b: {  	_ = 	snop  }
0x3c: {  	p2 =	seq.s32 s10, $0x1;
	s10 =	sld [smem:$0x3FAF]  }
0x3d: {  	_ =	shalt  }
0x3e: {  	_ =	shalt  }
0x3f: {  	_ =	shalt  }
0x40: {  	_ =	shalt  }
0x41: {  	_ =	shalt  }
0x42: {  	_ =	shalt  }
0x43: {  	_ =	shalt  }
0x44: {  	_ =	shalt  }
0x45: {  	_ =	shalt  }
0x46: {  	_ =	shalt  }
0x47: {  	_ =	shalt  }
0x48: {  	_ =	shalt  }
0x49: {  	_ =	shalt  }
0x4a: {  	_ =	shalt  }
0x4b: {  	_ =	shalt  }
0x4c: {  	_ =	shalt  }
0x4d: {  	_ =	shalt  }
0x4e: {  	_ =	shalt  }
0x4f: {  	_ =	shalt  }
0x50: {  	_ =	shalt  }
0x51: {  	_ =	shalt  }
0x52: {  	_ =	shalt  }
0x53: {  	_ =	shalt  }
0x54: {  	_ =	shalt  }
0x55: {  	_ =	shalt  }
0x56: {  	_ =	shalt  }
0x57: {  	_ =	shalt  }
0x58: {  	_ =	shalt  }
0x59: {  	_ =	shalt  }
0x5a: {  	_ =	shalt  }
0x5b: {  	_ =	shalt  }
0x5c: {  	_ =	shalt  }
0x5d: {  	_ =	shalt  }
0x5e: {  	_ =	shalt  }
0x5f: {  	_ =	shalt  }
0x60: {  	_ =	shalt  }
0x61: {  	_ =	shalt  }
0x62: {  	_ =	shalt  }
0x63: {  	_ =	shalt  }
0x64: {  	_ =	shalt  }
0x65: {  	_ =	shalt  }
0x66: {  	_ =	shalt  }
0x67: {  	_ =	shalt  }
0x68: {  	_ =	shalt  }
0x69: {  	_ =	shalt  }
0x6a: {  	_ =	shalt  }
0x6b: {  	_ =	shalt  }
0x6c: {  	_ =	shalt  }
0x6d: {  	_ =	shalt  }
0x6e: {  	_ =	shalt  }
0x6f: {  	_ =	shalt  }
0x70: {  	_ =	shalt  }
0x71: {  	_ =	shalt  }
0x72: {  	_ =	shalt  }
0x73: {  	_ =	shalt  }
0x74: {  	_ =	shalt  }
0x75: {  	_ =	shalt  }
0x76: {  	_ =	shalt  }
0x77: {  	_ =	shalt  }
0x78: {  	_ =	shalt  }
0x79: {  	_ =	shalt  }
0x7a: {  	_ =	shalt  }
0x7b: {  	_ =	shalt  }
0x7c: {  	_ =	shalt  }
0x7d: {  	_ =	shalt  }
0x7e: {  	_ =	shalt  }
0x7f: {  	_ =	shalt  }
0x80: {  	_ =	shalt  }
0x81: {  	_ =	shalt  }
0x82: {  	_ =	shalt  }
0x83: {  	_ =	shalt  }
0x84: {  	_ =	shalt  }
0x85: {  	_ =	shalt  }
0x86: {  	_ =	shalt  }
0x87: {  	_ =	shalt  }
.Lfunc_end0:
.L_simem_size_0:
called_computation_lowered:
.L_overlay_start_0:
0x88: {  	s2 =	sld [smem:$0x3FD9]  }
0x89: {  	s3 =	sld [smem:$0x3FFE];
	_ =	sdelay $0x1  }
0x8a: {  	s1 =	srdreg.scid  }
0x8b: {  	s0 =	sand.u32 $0x1, s1  }
0x8c: {  	s17 =	sshll.u32 s0, $0xA;
	s2 =	sadd.s32 s3, s2  }
0x8d: {  	s2 =	sadd.s32 s2, s17  }
0x8e: {  	[smem:$0x3FBB] =	sst s2  }
0x8f: {  	_ = 	snop  }
0x90: {  	s2 =	sld [smem:$0x3FD0];
	(tm) =	ssettm $0x1  }
0x91: {  	s18 =	sld [smem:$0x3FFB];
	_ =	sdelay $0x3  }
0x92: {  	_ =	strace s18  }
0x93: {  	s3 =	sld [smem:$0x3FFC];
	_ =	sdelay $0x3  }
0x94: {  	_ =	strace s3  }
0x95: {  	s3 =	sld [smem:$0x3FFD];
	_ =	sdelay $0x3  }
0x96: {  	_ =	strace s3  }
0x97: {  	_ =	strace $0x8FFFFFFF  }
0x98: {  	s19 =	sld [smem:$0x3FDB];
	_ =	sdelay $0x1  }
0x99: {  	s4 =	simm.s32 $_scs_section_size  }
0x9a: {  	s5 =	simm.s32 $_size__tile_overlayer_lowered;
	s6 =	simm.s32 $_tile_overlayer_lowered  }
0x9b: {  	s22 =	simm.s32 $0x1BFF;
	s21 =	sshll.u32 s6, $0x1;
	s3 =	sadd.s32 s4, s19  }
0x9c: {  	s7 =	simm.s32 $0x0;
	s20 =	sshll.u32 s5, $0x1;
	s5 =	sadd.s32 s21, s3  }
0x9d: {  	[timem:s7], [sflag:s22] =	dma.local [hbm:s5], s20  }
0x9e: {  	_ =	swait.ge [sflag:s22], s20  }
0x9f: {  	s4 =	ssub.s32 $0x0, s20;
	[sflag:s22] =	ssyncset.done $0x0  }
0xa0: {  	[sflag:s22] =	ssyncadd.s32 s4;
	_ =	sdelay $0x1  }
0xa1: {  	s23 =	simm.s32 $0x1B8B  }
0xa2: {  	_ =	swait.ge [sflag:s23], $0x1  }
0xa3: {  	[sflag:s23] =	ssyncset.done $0x0  }
0xa4: {  	s25 =	simm.s32 $0x1B8E;
	s24 =	sld [smem:$0x3FFE];
	[sflag:s23] =	ssyncadd.s32 $0xFFFFFFFF  }
0xa5: {  	s26 =	simm.s32 $execute0_lowered;
	[smem:$0x3FD2] =	sst s25  }
0xa6: {  	s5 =	sshll.u32 s26, $0x1;
	_ =	strace $0x80000046;
	[dreg:$0x1] =	wrdreg $0xFFFFFFFF  }
0xa7: {  	s28 =	simm.s32 $_size_execute0_lowered;
	s3 =	sadd.s32 s3, s5;
	[dreg:$0x0] =	wrdreg $0x0  }
0xa8: {  	s5 =	sshll.u32 s28, $0x1;
	[dreg:$0x2] =	wrdreg s3  }
0xa9: {  	[dreg:$0x3] =	wrdreg s5  }
0xaa: {  	[dreg:$0x4] =	wrdreg $0xC0  }
0xab: {  	_ =	task [dreg:s7], $0x5FFFF  }
0xac: {  	[dreg:$0x1] =	wrdreg $0xFFFFFFFF  }
0xad: {  	[dreg:$0x0] =	wrdreg $0x60  }
0xae: {  	[dreg:$0x2] =	wrdreg s24  }
0xaf: {  	[dreg:$0x3] =	wrdreg s2  }
0xb0: {  	[dreg:$0x4] =	wrdreg $0x1B6800  }
0xb1: {  	[dreg:$0x5] =	wrdreg $0x76800  }
0xb2: {  	[dreg:$0x6] =	wrdreg $0x9  }
0xb3: {  	_ =	task.clear_ibuf [dreg:s7], $0x7FFFF;
	_ =	strace $0x90000046  }
0xb4: {  	s29 =	simm.s32 $0x9;
	_ =	strace $0x80000048  }
0xb5: {  	_ =	swait.ge [sflag:s29], $0x1  }
0xb6: {  	[sflag:s29] =	ssyncadd.s32 $0xFFFFFFFF  }
0xb7: {  	_ =	strace $0x90000048  }
0xb8: {  	_ =	sfence  }
0xb9: {  	s30 =	sld [smem:$0x0];
	_ =	sdelay $0x2  }
0xba: {  	s31 =	sshll.u32 s1, $0xD;
	s1 =	sshrl.u32 s1, $0x2  }
0xbb: {  	s3 =	sand.u32 $0x4000, s31;
	s1 =	sadd.s32 s1, s30  }
0xbc: {  	s0 =	sor.u32 s3, s0;
	s1 =	sshll.u32 s1, $0x11  }
0xbd: {  	s0 =	sor.u32 s1, s0  }
0xbe: {  	s0 =	sadd.s32 $0x8F2B, s0  }
0xbf: {  	[sflag:s0] =	ssyncadd.remote.s32 $0x1  }
0xc0: {  	_ =	sfence.sel $0xFFFF  }
0xc1: {  	[dreg:$0x0] =	wrdreg $0xFFFFFFFF;
	(pc) =	sbr.abs _section_cstart, $3  }
0xc2: {  	[dreg:$0x1] =	wrdreg $0xFFFFFFFF  }
0xc3: {  	_ =	task.clear_ibuf [dreg:s7], $0x2FFFF;
	_ =	strace $0x9FFFFFFF  }
0xc4: {  	(tm) =	ssettm $0x7FFFFFFF  }
0xc5: {  	_ =	shalt  }
tec
execute0_lowered:
.L_overlay_start_1:
0x0: {  	(tag) =	ssettag $0x1  }
0x1: {  	s0 =	rddreg [dreg:$0x0]  }
0x2: {  	s9 =	rddreg [dreg:$0x1]  }
0x3: {  	s2 =	rddreg [dreg:$0x2]  }
0x4: {  	s3 =	rddreg [dreg:$0x3];
	s1 =	simm.s32 $0x0;
	s17 =	srdreg.scid  }
0x5: {  	s4 =	simm.s32 $0x0;
	s21 =	stileid.u32;
	[dreg:$0x5] =	wrdreg s1  }
0x6: {  	[smem:$0x7FF] =	sst s4;
	s5 =	sadd.s32 $0x7200, s0;
	s6 =	sadd.s32 $0x1E00, s0  }
0x7: {  	s16 =	sadd.s32 $0xC600, s0;
	s18 =	sadd.s32 $0xD4600, s0;
	s19 =	sadd.s32 $0xFC600, s0  }
0x8: {  	s1 =	sand.u32 $0x1, s17;
	s10 =	sadd.s32 $0x124600, s0;
	s15 =	smul.u32 $0xA000, s21  }
0x9: {  	s24 =	smul.u32 $0x50000, s21;
	_ =	strace $0x80000047;
	[dreg:$0x6] =	wrdreg s16  }
0xa: {  	s11 =	sadd.s32 $0x34600, s0;
	[dreg:$0x7] =	wrdreg s18;
	s20 =	smul.u32 $0x5000, s1  }
0xb: {  	s7 =	sadd.s32 $0x14C600, s0;
	[dreg:$0x8] =	wrdreg s19;
	s12 =	smul.u32 $0xA0000, s1  }
0xc: {  	s8 =	ssub.s32 $0x2, s1;
	s14 =	smul.u32 $0x500000, s1;
	s25 =	sshll.u32 s1, $0x4  }
0xd: {  	s13 =	sshrl.u32 s8, $0x1;
	s26 =	sshrl.u32 s15, $0x2;
	s15 =	sadd.s32 $0x200, s9  }
0xe: {  	s4 =	sadd.s32 s20, s0;
	s8 =	ssub.s32 s8, s13;
	s13 =	smul.u32 $0x14000, s21  }
0xf: {  	s12 =	sadd.s32 s7, s12;
	s1 =	sadd.s32 s26, s2;
	[dreg:$0x13] =	wrdreg s15  }
0x10: {  	s14 =	sshrl.u32 s14, $0x3;
	s26 =	sadd.s32 $0xA00, s1;
	[dreg:$0xe] =	wrdreg s1  }
0x11: {  	s7 =	sadd.s32 s7, s14;
	s15 =	sadd.s32 $0x1A00, s1;
	[dreg:$0x19] =	wrdreg s26  }
0x12: {  	s16 =	sshrl.u32 s13, $0x3;
	[smem:$0x7F7] =	sst s15;
	s26 =	sadd.s32 $0x2600, s1  }
0x13: {  	s17 =	sadd.s32 $0x28000, s7;
	s12 =	sadd.s32 s16, s12;
	[smem:$0x7FD] =	sst s26  }
0x14: {  	s18 =	sadd.s32 $0x50000, s7;
	s22 =	sadd.s32 s16, s17;
	[dreg:$0x9] =	wrdreg s12  }
0x15: {  	s7 =	sadd.s32 $0x78000, s7;
	s23 =	sadd.s32 s16, s18;
	[dreg:$0xa] =	wrdreg s22  }
0x16: {  	s14 =	smul.u32 $0x2800, s21;
	s7 =	sadd.s32 s16, s7;
	[dreg:$0xb] =	wrdreg s23  }
0x17: {  	s4 =	sadd.s32 $0x28C600, s4;
	s16 =	sadd.s32 $0x300, s9;
	[dreg:$0xc] =	wrdreg s7  }
0x18: {  	s19 =	sshrl.u32 s14, $0x3;
	s18 =	sadd.s32 $0x200, s1;
	[dreg:$0x14] =	wrdreg s16  }
0x19: {  	s20 =	sadd.s32 $0xAC600, s0;
	s4 =	sadd.s32 s19, s4;
	[dreg:$0x15] =	wrdreg s18  }
0x1a: {  	s17 =	sadd.s32 $0x5C600, s0;
	s7 =	sadd.s32 s13, s3;
	[dreg:$0xd] =	wrdreg s4  }
0x1b: {  	s19 =	sadd.s32 $0x84600, s0;
	s13 =	smax.u32 s8, $0x1;
	[dreg:$0xf] =	wrdreg s7  }
0x1c: {  	s12 =	sadd.s32 s14, s2;
	s14 =	sadd.s32 $0x100, s9;
	[dreg:$0x10] =	wrdreg s13  }
0x1d: {  	s0 =	sor.u32 s21, s25;
	s21 =	sadd.s32 $0x400, s1;
	[dreg:$0x12] =	wrdreg s14  }
0x1e: {  	s25 =	sadd.s32 $0x800, s1;
	[dreg:$0x16] =	wrdreg s21  }
0x1f: {  	s8 =	sadd.s32 $0x1000, s1;
	[dreg:$0x18] =	wrdreg s25  }
0x20: {  	s9 =	sadd.s32 $0x1200, s1;
	[dreg:$0x1c] =	wrdreg s8  }
0x21: {  	s28 =	simm.s32 $0x2;
	s16 =	sadd.s32 $0x1C00, s1;
	[dreg:$0x1d] =	wrdreg s9  }
0x22: {  	s29 =	simm.s32 $0x4080;
	s18 =	sadd.s32 $0x1E00, s1;
	[smem:$0x7F8] =	sst s16  }
0x23: {  	s23 =	smul.u32 $0x1500, s0;
	s0 =	sshrl.u32 s12, $0x3;
	[smem:$0x7F9] =	sst s18  }
0x24: {  	s4 =	sshrl.u32 s24, $0x2;
	s24 =	sadd.s32 $0x600, s1;
	[dreg:$0x11] =	wrdreg s0  }
0x25: {  	s30 =	simm.s32 $0x4480;
	s7 =	sadd.s32 $0xE00, s1;
	[dreg:$0x17] =	wrdreg s24  }
0x26: {  	s31 =	simm.s32 $0x4C80;
	s12 =	sadd.s32 $0x1400, s1;
	[dreg:$0x1b] =	wrdreg s7  }
0x27: {  	s26 =	simm.s32 $0x1;
	s13 =	sadd.s32 $0x1600, s1;
	[dreg:$0x1e] =	wrdreg s12  }
0x28: {  	s14 =	sadd.s32 $0x1800, s1;
	s21 =	sadd.s32 $0x2000, s1;
	[dreg:$0x1f] =	wrdreg s13  }
0x29: {  	s25 =	sadd.s32 $0x2400, s1;
	s16 =	simm.s32 $0x6480;
	[smem:$0x7F6] =	sst s14  }
0x2a: {  	v0 =	vlaneseq.u32;
	s18 =	simm.s32 $0x40;
	s22 =	sadd.s32 s4, s3;
	[smem:$0x7FA] =	sst s21  }
0x2b: {  	v1 =	vmul.u32 $0x80, v0;
	s4 =	sadd.s32 $0xC00, s1;
	s24 =	sadd.s32 $0x2200, s1;
	[smem:$0x7FC] =	sst s25  }
0x2c: {  	v3 =	vimm.f32 $0.0e+00;
	vm0 =	vmmov $0xffff;
	v2 =	vmul.u32 $0x10, v0;
	s14 =	simm.s32 $0x5;
	s25 =	simm.s32 $0x2080;
	s0 =	simm.s32 $0x5480  }
0x2d: {  	v4 =	vor.u32 $0x800, v1;
	v5 =	vor.u32 $0x1000, v1;
	v6 =	vor.u32 $0x1800, v1;
	s1 =	simm.s32 $0x5C80;
	s12 =	simm.s32 $0x4;
	[dreg:$0x1a] =	wrdreg s4  }
0x2e: {  	v7 =	vor.u32 $0x100, v2;
	v8 =	vor.u32 $0x200, v2;
	v9 =	vor.u32 $0x300, v2;
	s21 =	simm.s32 $0x3;
	[smem:$0x7FB] =	sst s24;
	s24 =	simm.s32 $0x80  }
.LBB2_1:
0x2f: {  	s4 =	simm.s32 $0x0;
	s7 =	simm.s32 $0x200  }
.LBB2_2:
0x30: {  	p0 =	sne.s32 s7, $0x1E00;
	[tilespmem:s4+$0x64F0] =	vst v3  }
0x31: {  	[tilespmem:s4+$0x6480] =	vst v3  }
0x32: {  	[tilespmem:s4+$0x6490] =	vst v3  }
.Ltmp0:
0x33: {  	[tilespmem:s4+$0x64A0] =	vst v3;
	(pc) =	sbr.rel @p0 .LBB2_2-.Ltmp0, $4  }
0x34: {  	[tilespmem:s4+$0x64B0] =	vst v3  }
0x35: {  	[tilespmem:s4+$0x64C0] =	vst v3  }
0x36: {  	[tilespmem:s4+$0x64D0] =	vst v3  }
0x37: {  	[tilespmem:s4+$0x64E0] =	vst v3;
	s4 =	sshra.s32 s7, $0x2;
	s7 =	sadd.s32 $0x200, s7  }
0x38: {  	[tilespmem:s4+$0x64F0] =	vst v3  }
0x39: {  	[tilespmem:s4+$0x6480] =	vst v3  }
0x3a: {  	[tilespmem:s4+$0x6490] =	vst v3  }
0x3b: {  	[tilespmem:s4+$0x64A0] =	vst v3  }
0x3c: {  	[tilespmem:s4+$0x64B0] =	vst v3  }
0x3d: {  	[tilespmem:s4+$0x64C0] =	vst v3  }
0x3e: {  	[tilespmem:s4+$0x64D0] =	vst v3  }
0x3f: {  	[tilespmem:s4+$0x64E0] =	vst v3  }
0x40: {  	[tilespmem:$0x6C80] =	vst v3  }
0x41: {  	[tilespmem:$0x6C90] =	vst v3  }
0x42: {  	[tilespmem:$0x6CA0] =	vst v3  }
0x43: {  	[tilespmem:$0x6CB0] =	vst v3  }
0x44: {  	[tilespmem:$0x6CC0] =	vst v3  }
0x45: {  	[tilespmem:$0x6CD0] =	vst v3  }
0x46: {  	[tilespmem:$0x6CE0] =	vst v3  }
0x47: {  	[tilespmem:$0x6CF0] =	vst v3  }
0x48: {  	[tilespmem:$0x6D00] =	vst v3  }
0x49: {  	[tilespmem:$0x6D10] =	vst v3  }
0x4a: {  	[tilespmem:$0x6D20] =	vst v3  }
0x4b: {  	[tilespmem:$0x6D30] =	vst v3  }
0x4c: {  	[tilespmem:$0x6D40] =	vst v3  }
0x4d: {  	[tilespmem:$0x6D50] =	vst v3  }
0x4e: {  	[tilespmem:$0x6D60] =	vst v3  }
0x4f: {  	[tilespmem:$0x6D70] =	vst v3  }
0x50: {  	[tilespmem:$0x6D80] =	vst v3  }
0x51: {  	[tilespmem:$0x6D90] =	vst v3  }
0x52: {  	[tilespmem:$0x6DA0] =	vst v3  }
0x53: {  	[tilespmem:$0x6DB0] =	vst v3  }
0x54: {  	[tilespmem:$0x6DC0] =	vst v3  }
0x55: {  	[tilespmem:$0x6DD0] =	vst v3  }
0x56: {  	[tilespmem:$0x6DE0] =	vst v3  }
0x57: {  	[tilespmem:$0x6DF0] =	vst v3  }
0x58: {  	[tilespmem:$0x6E00] =	vst v3  }
0x59: {  	[tilespmem:$0x6E10] =	vst v3  }
0x5a: {  	[tilespmem:$0x6E20] =	vst v3  }
0x5b: {  	[tilespmem:$0x6E30] =	vst v3  }
0x5c: {  	[tilespmem:$0x6E40] =	vst v3  }
0x5d: {  	[tilespmem:$0x6E50] =	vst v3  }
0x5e: {  	[tilespmem:$0x6E60] =	vst v3  }
0x5f: {  	s9 =	rddreg [dreg:$0xe];
	s7 =	simm.s32 $0x6C80;
	[tilespmem:$0x6E70] =	vst v3  }
0x60: {  	[spmem:s9] =	stream.linear.scatter [tilespmem:s7], [sflag:$0x5], $0x200, $0x38;
	[tilespmem:$0x1DE80] =	vst v63  }
0x61: {  	_ =	swait.ge [sflag:s14], $0x200  }
0x62: {  	[sflag:s14] =	ssyncset.done $0x0  }
0x63: {  	s13 =	rddreg [dreg:$0x15];
	[sflag:s14] =	ssyncadd.s32 $0xFFFFFE00  }
0x64: {  	[spmem:s13] =	stream.linear.scatter [tilespmem:s7], [sflag:$0x5], $0x200, $0x38;
	[tilespmem:$0x1DE80] =	vst v63  }
0x65: {  	_ =	swait.ge [sflag:s14], $0x200  }
0x66: {  	[sflag:s14] =	ssyncset.done $0x0  }
0x67: {  	s15 =	rddreg [dreg:$0x16];
	[sflag:s14] =	ssyncadd.s32 $0xFFFFFE00  }
0x68: {  	[spmem:s15] =	stream.linear.scatter [tilespmem:s7], [sflag:$0x5], $0x200, $0x38;
	[tilespmem:$0x1DE80] =	vst v63  }
0x69: {  	_ =	swait.ge [sflag:s14], $0x200  }
0x6a: {  	[sflag:s14] =	ssyncset.done $0x0  }
0x6b: {  	s8 =	rddreg [dreg:$0x17];
	[sflag:s14] =	ssyncadd.s32 $0xFFFFFE00  }
0x6c: {  	[spmem:s8] =	stream.linear.scatter [tilespmem:s7], [sflag:$0x5], $0x200, $0x38;
	[tilespmem:$0x1DE80] =	vst v63  }
0x6d: {  	_ =	swait.ge [sflag:s14], $0x200  }
0x6e: {  	[sflag:s14] =	ssyncset.done $0x0  }
0x6f: {  	s9 =	rddreg [dreg:$0x18];
	[sflag:s14] =	ssyncadd.s32 $0xFFFFFE00  }
0x70: {  	[spmem:s9] =	stream.linear.scatter [tilespmem:s7], [sflag:$0x5], $0x200, $0x38;
	[tilespmem:$0x1DE80] =	vst v63  }
0x71: {  	_ =	swait.ge [sflag:s14], $0x200  }
0x72: {  	[sflag:s14] =	ssyncset.done $0x0  }
0x73: {  	s13 =	rddreg [dreg:$0x19];
	[sflag:s14] =	ssyncadd.s32 $0xFFFFFE00  }
0x74: {  	[spmem:s13] =	stream.linear.scatter [tilespmem:s7], [sflag:$0x5], $0x200, $0x38;
	[tilespmem:$0x1DE80] =	vst v63  }
0x75: {  	_ =	swait.ge [sflag:s14], $0x200  }
0x76: {  	[sflag:s14] =	ssyncset.done $0x0  }
0x77: {  	s15 =	rddreg [dreg:$0x1a];
	[sflag:s14] =	ssyncadd.s32 $0xFFFFFE00  }
0x78: {  	[spmem:s15] =	stream.linear.scatter [tilespmem:s7], [sflag:$0x5], $0x200, $0x38;
	[tilespmem:$0x1DE80] =	vst v63  }
0x79: {  	_ =	swait.ge [sflag:s14], $0x200  }
0x7a: {  	[sflag:s14] =	ssyncset.done $0x0  }
0x7b: {  	s8 =	rddreg [dreg:$0x1b];
	[sflag:s14] =	ssyncadd.s32 $0xFFFFFE00  }
0x7c: {  	[spmem:s8] =	stream.linear.scatter [tilespmem:s7], [sflag:$0x5], $0x200, $0x38;
	[tilespmem:$0x1DE80] =	vst v63  }
0x7d: {  	_ =	swait.ge [sflag:s14], $0x200  }
0x7e: {  	[sflag:s14] =	ssyncset.done $0x0  }
0x7f: {  	s9 =	rddreg [dreg:$0x1c];
	[sflag:s14] =	ssyncadd.s32 $0xFFFFFE00  }
0x80: {  	[spmem:s9] =	stream.linear.scatter [tilespmem:s7], [sflag:$0x5], $0x200, $0x38;
	[tilespmem:$0x1DE80] =	vst v63  }
0x81: {  	_ =	swait.ge [sflag:s14], $0x200  }
0x82: {  	[sflag:s14] =	ssyncset.done $0x0  }
0x83: {  	s13 =	rddreg [dreg:$0x1d];
	[sflag:s14] =	ssyncadd.s32 $0xFFFFFE00  }
0x84: {  	[spmem:s13] =	stream.linear.scatter [tilespmem:s7], [sflag:$0x5], $0x200, $0x38;
	[tilespmem:$0x1DE80] =	vst v63  }
0x85: {  	_ =	swait.ge [sflag:s14], $0x200  }
0x86: {  	[sflag:s14] =	ssyncset.done $0x0  }
0x87: {  	s15 =	rddreg [dreg:$0x1e];
	[sflag:s14] =	ssyncadd.s32 $0xFFFFFE00  }
0x88: {  	[spmem:s15] =	stream.linear.scatter [tilespmem:s7], [sflag:$0x5], $0x200, $0x38;
	[tilespmem:$0x1DE80] =	vst v63  }
0x89: {  	_ =	swait.ge [sflag:s14], $0x200  }
0x8a: {  	[sflag:s14] =	ssyncset.done $0x0  }
0x8b: {  	s8 =	rddreg [dreg:$0x1f];
	[sflag:s14] =	ssyncadd.s32 $0xFFFFFE00  }
0x8c: {  	[spmem:s8] =	stream.linear.scatter [tilespmem:s7], [sflag:$0x5], $0x200, $0x38;
	[tilespmem:$0x1DE80] =	vst v63  }
0x8d: {  	_ =	swait.ge [sflag:s14], $0x200  }
0x8e: {  	s9 =	sld [smem:$0x7F6]  }
0x8f: {  	[sflag:s14] =	ssyncset.done $0x0  }
0x90: {  	[sflag:s14] =	ssyncadd.s32 $0xFFFFFE00  }
0x91: {  	[spmem:s9] =	stream.linear.scatter [tilespmem:s7], [sflag:$0x5], $0x200, $0x38;
	[tilespmem:$0x1DE80] =	vst v63  }
0x92: {  	_ =	swait.ge [sflag:s14], $0x200  }
0x93: {  	s13 =	sld [smem:$0x7F7]  }
0x94: {  	[sflag:s14] =	ssyncset.done $0x0  }
0x95: {  	[sflag:s14] =	ssyncadd.s32 $0xFFFFFE00  }
0x96: {  	[spmem:s13] =	stream.linear.scatter [tilespmem:s7], [sflag:$0x5], $0x200, $0x38;
	[tilespmem:$0x1DE80] =	vst v63  }
0x97: {  	_ =	swait.ge [sflag:s14], $0x200  }
0x98: {  	s15 =	sld [smem:$0x7F8]  }
0x99: {  	[sflag:s14] =	ssyncset.done $0x0  }
0x9a: {  	[sflag:s14] =	ssyncadd.s32 $0xFFFFFE00  }
0x9b: {  	[spmem:s15] =	stream.linear.scatter [tilespmem:s7], [sflag:$0x5], $0x200, $0x38;
	[tilespmem:$0x1DE80] =	vst v63  }
0x9c: {  	_ =	swait.ge [sflag:s14], $0x200  }
0x9d: {  	s8 =	sld [smem:$0x7F9]  }
0x9e: {  	[sflag:s14] =	ssyncset.done $0x0  }
0x9f: {  	[sflag:s14] =	ssyncadd.s32 $0xFFFFFE00  }
0xa0: {  	[spmem:s8] =	stream.linear.scatter [tilespmem:s7], [sflag:$0x5], $0x200, $0x38;
	[tilespmem:$0x1DE80] =	vst v63  }
0xa1: {  	_ =	swait.ge [sflag:s14], $0x200  }
0xa2: {  	s9 =	sld [smem:$0x7FA]  }
0xa3: {  	[sflag:s14] =	ssyncset.done $0x0  }
0xa4: {  	[sflag:s14] =	ssyncadd.s32 $0xFFFFFE00  }
0xa5: {  	[spmem:s9] =	stream.linear.scatter [tilespmem:s7], [sflag:$0x5], $0x200, $0x38;
	[tilespmem:$0x1DE80] =	vst v63  }
0xa6: {  	_ =	swait.ge [sflag:s14], $0x200  }
0xa7: {  	s13 =	sld [smem:$0x7FB]  }
0xa8: {  	[sflag:s14] =	ssyncset.done $0x0  }
0xa9: {  	[sflag:s14] =	ssyncadd.s32 $0xFFFFFE00  }
0xaa: {  	[spmem:s13] =	stream.linear.scatter [tilespmem:s7], [sflag:$0x5], $0x200, $0x38;
	[tilespmem:$0x1DE80] =	vst v63  }
0xab: {  	_ =	swait.ge [sflag:s14], $0x200  }
0xac: {  	s15 =	sld [smem:$0x7FC]  }
0xad: {  	[sflag:s14] =	ssyncset.done $0x0  }
0xae: {  	[sflag:s14] =	ssyncadd.s32 $0xFFFFFE00  }
0xaf: {  	[spmem:s15] =	stream.linear.scatter [tilespmem:s7], [sflag:$0x5], $0x200, $0x38;
	[tilespmem:$0x1DE80] =	vst v63  }
0xb0: {  	_ =	swait.ge [sflag:s14], $0x200  }
0xb1: {  	s8 =	sld [smem:$0x7FD]  }
0xb2: {  	[sflag:s14] =	ssyncset.done $0x0  }
0xb3: {  	[sflag:s14] =	ssyncadd.s32 $0xFFFFFE00  }
0xb4: {  	[spmem:s8] =	stream.linear.scatter [tilespmem:s7], [sflag:$0x5], $0x200, $0x38;
	[tilespmem:$0x1DE80] =	vst v63  }
0xb5: {  	_ =	swait.ge [sflag:s14], $0x200  }
0xb6: {  	[sflag:s14] =	ssyncset.done $0x0  }
0xb7: {  	[sflag:s14] =	ssyncadd.s32 $0xFFFFFE00  }
0xb8: {  	s9 =	simm.s32 $0x0;
	s8 =	simm.s32 $0x6E80;
	s13 =	rddreg [dreg:$0x1]  }
0xb9: {  	[tilespmem:s8], [sflag:$0x5] =	stream.linear.gather [hbm4b:s13+s9], $0x800, $0x38;
	[tilespmem:$0x1DE80] =	vst v63  }
0xba: {  	_ =	swait.ge [sflag:s14], $0x800  }
0xbb: {  	[sflag:s14] =	ssyncset.done $0x0  }
0xbc: {  	s15 =	sadd.s32 $0x0, s22;
	[sflag:s14] =	ssyncadd.s32 $0xFFFFF800  }
0xbd: {  	[spmem:s15] =	stream.linear.scatter [tilespmem:s16], [sflag:$0x5], $0x800, $0x38;
	[tilespmem:$0x1DE80] =	vst v63  }
0xbe: {  	s4 =	simm.s32 $0x2000;
	_ =	swait.ge [sflag:s14], $0x800  }
.LBB2_4:
0xbf: {  	s7 =	sshra.s32 s4, $0x2;
	[sflag:s14] =	ssyncset.done $0x0;
	p0 =	sne.s32 s4, $0x4E000  }
.Ltmp1:
0xc0: {  	s7 =	sadd.s32 s7, s22;
	[sflag:s14] =	ssyncadd.s32 $0xFFFFF800;
	(pc) =	sbr.rel @p0 .LBB2_4-.Ltmp1, $3  }
0xc1: {  	[spmem:s7] =	stream.linear.scatter [tilespmem:s16], [sflag:$0x5], $0x800, $0x38;
	[tilespmem:$0x1DE80] =	vst v63  }
0xc2: {  	s4 =	sadd.s32 $0x2000, s4;
	_ =	sdelay $0x1  }
0xc3: {  	_ =	swait.ge [sflag:s14], $0x800  }
0xc4: {  	[sflag:s14] =	ssyncset.done $0x0  }
0xc5: {  	s4 =	simm.s32 $0x40;
	s7 =	simm.s32 $0x0;
	[sflag:s14] =	ssyncadd.s32 $0xFFFFF800  }
.LBB2_6:
0xc6: {  	p0 =	sne.s32 s4, $0xFC0;
	[tilespmem:s7+$0x4080] =	vst v3;
	s7 =	smov.u32 s4;
	s4 =	sadd.s32 $0x40, s4  }
.Ltmp2:
0xc7: {  	(pc) =	sbr.rel @p0 .LBB2_6-.Ltmp2, $2  }
0xc8: {  	_ =	sdelay $0x2  }
0xc9: {  	s7 =	sshra.s32 s7, $0x2  }
0xca: {  	[tilespmem:s7+$0x4080] =	vst v3  }
0xcb: {  	s4 =	simm.s32 $0x0;
	s15 =	simm.s32 $0x0;
	[bflag:$0x0] =	sbarrier.arrive $0xFFFF  }
.LBB2_8:
0xcc: {  	s7 =	sshll.u32 s15, $0x6  }
0xcd: {  	s7 =	sadd.s32 s23, s7  }
0xce: {  	s7 =	sshrl.u32 s7, $0x3  }
0xcf: {  	s8 =	sadd.s32 s5, s7  }
0xd0: {  	[tilespmem:s4], [sflag:$0x5] =	stream.linear.gather [hbm4b:s8+s4], $0x40, $0x38;
	[tilespmem:$0x1DE80] =	vst v63  }
0xd1: {  	_ =	swait.ge [sflag:s14], $0x40  }
0xd2: {  	[sflag:s14] =	ssyncset.done $0x0  }
0xd3: {  	s7 =	sadd.s32 s6, s7;
	[sflag:s14] =	ssyncadd.s32 $0xFFFFFFC0  }
0xd4: {  	[tilespmem:s18], [sflag:$0x5] =	stream.linear.gather [hbm4b:s7+s4], $0x40, $0x38;
	[tilespmem:$0x1DE80] =	vst v63  }
0xd5: {  	_ =	swait.ge [sflag:s14], $0x40  }
0xd6: {  	[sflag:s14] =	ssyncset.done $0x0  }
0xd7: {  	s9 =	rddreg [dreg:$0x6];
	[sflag:s14] =	ssyncadd.s32 $0xFFFFFFC0  }
0xd8: {  	[tilespmem:s24], [sflag:$0x1] =	stream.indirect.gather [hbm4b:s9+s18], $0x80, s4, s18, $0xb8;
	[tilespmem:$0x1DE80] =	vst v63  }
0xd9: {  	s13 =	simm.s32 $0x1  }
0xda: {  	v10 =	vadd.s32 s13, v0;
	[tilespmem:s25], [sflag:$0x2] =	stream.indirect.gather [hbm4b:s11+s18], $0x80, s18, s18, $0xb8;
	[tilespmem:$0x1DE80] =	vst v63  }
0xdb: {  	v10 =	vand.u32 $0x7F, v10;
	_ =	swait.ge [sflag:s26], $0x2000  }
0xdc: {  	v11 =	vor.u32 v4, v10;
	[sflag:s26] =	ssyncset.done $0x0  }
0xdd: {  	[sflag:s26] =	ssyncadd.s32 $0xFFFFE000  }
0xde: {  	v12 =	vor.u32 v6, v10;
	_ =	swait.ge [sflag:s28], $0x2000  }
0xdf: {  	[sflag:s28] =	ssyncset.done $0x0  }
0xe0: {  	v13 =	vor.u32 v1, v10;
	[sflag:s28] =	ssyncadd.s32 $0xFFFFE000  }
0xe1: {  	v14 =	vld.idx.msk [tilespmem:v11+s24+$0x0], $0xffff  }
0xe2: {  	v15 =	vor.u32 v5, v10;
	v18 =	vld.idx.msk [tilespmem:v11+s25+$0x0], $0xffff  }
0xe3: {  	v16 =	vld.idx.msk [tilespmem:v12+s24+$0x0], $0xffff  }
0xe4: {  	v10 =	vadd.s32 s4, v0;
	v12 =	vld.idx.msk [tilespmem:v12+s25+$0x0], $0xffff  }
0xe5: {  	v17 =	vand.u32 $0x7F, v10;
	v19 =	vld.idx.msk [tilespmem:v13+s24+$0x0], $0xffff  }
0xe6: {  	v21 =	vor.u32 v6, v17;
	v13 =	vld.idx.msk [tilespmem:v13+s25+$0x0], $0xffff  }
0xe7: {  	s8 =	simm.s32 $0x6E90;
	v23 =	vor.u32 v4, v17;
	v22 =	vld.idx.msk [tilespmem:v15+s24+$0x0], $0xffff  }
0xe8: {  	v10 =	vld [tilespmem:s8+$0xFFFFFFF0]  }
0xe9: {  	v11 =	vld [tilespmem:s8+$0x0]  }
0xea: {  	v20 =	vor.u32 v1, v17;
	v15 =	vld.idx.msk [tilespmem:v15+s25+$0x0], $0xffff  }
0xeb: {  	v24 =	vor.u32 v5, v17;
	s9 =	simm.s32 $0x3;
	v25 =	vld.idx.msk [tilespmem:v21+s25+$0x0], $0xffff  }
0xec: {  	v17 =	vadd.s32 s9, v0;
	v29 =	vld.idx.msk [tilespmem:v23+s24+$0x0], $0xffff  }
0xed: {  	v28 =	vand.u32 $0x7F, v17;
	v23 =	vld.idx.msk [tilespmem:v23+s25+$0x0], $0xffff  }
0xee: {  	v30 =	vor.u32 v4, v28;
	v33 =	vld.idx.msk [tilespmem:v21+s24+$0x0], $0xffff  }
0xef: {  	v26 =	vld.idx.msk [tilespmem:v20+s24+$0x0], $0xffff  }
0xf0: {  	v32 =	vor.u32 v6, v28;
	v17 =	vld.idx.msk [tilespmem:v24+s25+$0x0], $0xffff;
	v31 =	vadd.f32 v12, v16  }
0xf1: {  	v36 =	vor.u32 v1, v28;
	v27 =	vld.idx.msk [tilespmem:v24+s24+$0x0], $0xffff;
	v13 =	vadd.f32 v13, v19;
	v15 =	vadd.f32 v15, v22  }
0xf2: {  	s13 =	simm.s32 $0x2;
	v19 =	vld.idx.msk [tilespmem:v20+s25+$0x0], $0xffff;
	v16 =	vimm.f32 $0.0e+00;
	v22 =	vor.u32 v5, v28;
	v34 =	vadd.f32 v23, v29  }
0xf3: {  	v21 =	vld.idx.msk [tilespmem:v30+s25+$0x0], $0xffff;
	v29 =	vadd.f32 v18, v14;
	v14 =	vadd.s32 s13, v0;
	v33 =	vadd.f32 v25, v33  }
0xf4: {  	v12 =	vld.idx.msk [tilespmem:v30+s24+$0x0], $0xffff;
	v38 =	vand.u32 $0x7F, v14;
	v14 =	vimm.f32 $0.0e+00;
	v20 =	vmul.f32 $2.000000030e-01, v31  }
0xf5: {  	v18 =	vld.idx.msk [tilespmem:v32+s24+$0x0], $0xffff;
	v24 =	vmul.f32 $2.000000030e-01, v13;
	v39 =	vmul.f32 $2.000000030e-01, v34;
	v25 =	vor.u32 v1, v38  }
0xf6: {  	v23 =	vld.idx.msk [tilespmem:v32+s25+$0x0], $0xffff;
	v30 =	vor.u32 v6, v38;
	v37 =	vmul.f32 $2.000000030e-01, v33;
	v28 =	vmax.f32 v31, v20  }
0xf7: {  	v20 =	vmul.f32 $2.000000030e-01, v15;
	v13 =	vmax.f32 v13, v24;
	v32 =	vadd.f32 v19, v26;
	v26 =	vld.idx.msk [tilespmem:v36+s25+$0x0], $0xffff  }
0xf8: {  	v31 =	vor.u32 v4, v38;
	v13 =	vmul.f32 v13, v11;
	v24 =	vld.idx.msk [tilespmem:v22+s24+$0x0], $0xffff;
	v19 =	vimm.f32 $0.0e+00  }
0xf9: {  	s7 =	simm.s32 $0x4;
	s13 =	simm.s32 $0x6EB0;
	v35 =	vmax.f32 v15, v20;
	v20 =	vld.idx.msk [tilespmem:v36+s24+$0x0], $0xffff;
	v36 =	vmul.f32 $2.000000030e-01, v29;
	v15 =	vimm.f32 $0.0e+00  }
.LBB2_9:
0xfa: {  	p0 =	slt.u32 s7, $0x7E;
	v40 =	vld [tilespmem:s13+$0xFFFFFFF0];
	v38 =	vor.u32 v5, v38;
	v34 =	vmax.f32 v34, v39;
	v39 =	vmov v21;
	s8 =	smov.u32 s7;
	s7 =	sadd.s32 $0x2, s7  }
0xfb: {  	v27 =	vadd.f32 v17, v27;
	v35 =	vmul.f32 v35, v11;
	s9 =	sadd.s32 $0x1, s8;
	v21 =	vld [tilespmem:s13+$0x0];
	v34 =	vmul.f32 v34, v10  }
0xfc: {  	v28 =	vmul.f32 v28, v11;
	v17 =	vadd.s32 s9, v0;
	v41 =	vld.idx.msk [tilespmem:v22+s25+$0x0], $0xffff;
	v22 =	vmax.f32 v33, v37  }
0xfd: {  	v33 =	vmul.f32 $2.000000030e-01, v32;
	v37 =	vld.idx.msk [tilespmem:v25+s24+$0x0], $0xffff;
	v16 =	vadd.f32 v34, v16;
	v34 =	vmul.f32 $2.000000030e-01, v27  }
0xfe: {  	v42 =	vand.u32 $0x7F, v17;
	v17 =	vmul.f32 v22, v10;
	v22 =	vmax.f32 v29, v36;
	v43 =	vld.idx.msk [tilespmem:v30+s25+$0x0], $0xffff  }
0xff: {  	v36 =	vor.u32 v1, v42;
	v29 =	vor.u32 v4, v42;
	v32 =	vmax.f32 v32, v33;
	v44 =	vld.idx.msk [tilespmem:v31+s24+$0x0], $0xffff  }
0x100: {  	v33 =	vor.u32 v6, v42;
	v11 =	vmul.f32 v22, v11;
	v19 =	vadd.f32 v17, v19;
	v31 =	vld.idx.msk [tilespmem:v31+s25+$0x0], $0xffff  }
0x101: {  	v18 =	vadd.f32 v23, v18;
	v23 =	vmul.f32 v32, v10;
	v27 =	vmax.f32 v27, v34;
	v17 =	vld.idx.msk [tilespmem:v38+s25+$0x0], $0xffff  }
0x102: {  	v22 =	vor.u32 v5, v42;
	v16 =	vadd.f32 v11, v16;
	v19 =	vadd.f32 v28, v19;
	v30 =	vld.idx.msk [tilespmem:v30+s24+$0x0], $0xffff  }
0x103: {  	v20 =	vadd.f32 v26, v20;
	v26 =	vmul.f32 v27, v10;
	v10 =	vmovc v40;
	v32 =	vld.idx.msk [tilespmem:v25+s25+$0x0], $0xffff;
	v25 =	vmul.f32 $2.000000030e-01, v18  }
0x104: {  	v24 =	vadd.f32 v41, v24;
	v15 =	vadd.f32 v23, v15;
	v11 =	vmov v21;
	v27 =	vld.idx.msk [tilespmem:v38+s24+$0x0], $0xffff  }
0x105: {  	v23 =	vmul.f32 $2.000000030e-01, v20;
	v14 =	vadd.f32 v26, v14;
	v40 =	vld.idx.msk [tilespmem:v29+s24+$0x0], $0xffff;
	v28 =	vmax.f32 v18, v25  }
0x106: {  	v15 =	vadd.f32 v13, v15;
	v34 =	vadd.f32 v31, v44;
	v25 =	vmul.f32 $2.000000030e-01, v24;
	v21 =	vld.idx.msk [tilespmem:v29+s25+$0x0], $0xffff  }
.Ltmp3:
0x107: {  	v13 =	vmax.f32 v20, v23;
	v14 =	vadd.f32 v35, v14;
	v29 =	vadd.f32 v39, v12;
	v18 =	vld.idx.msk [tilespmem:v33+s24+$0x0], $0xffff;
	(pc) =	sbr.rel @p0 .LBB2_9-.Ltmp3, $4  }
0x108: {  	v12 =	vadd.s32 s8, v0;
	v35 =	vmax.f32 v24, v25;
	v23 =	vld.idx.msk [tilespmem:v33+s25+$0x0], $0xffff;
	v33 =	vadd.f32 v43, v30  }
0x109: {  	v13 =	vmul.f32 v13, v11;
	v38 =	vand.u32 $0x7F, v12;
	v39 =	vmul.f32 $2.000000030e-01, v34;
	v20 =	vld.idx.msk [tilespmem:v36+s24+$0x0], $0xffff  }
0x10a: {  	v25 =	vor.u32 v1, v38;
	v31 =	vor.u32 v4, v38;
	v32 =	vadd.f32 v32, v37;
	v26 =	vld.idx.msk [tilespmem:v36+s25+$0x0], $0xffff  }
0x10b: {  	s13 =	sadd.s32 $0x20, s13;
	v30 =	vor.u32 v6, v38;
	v37 =	vmul.f32 $2.000000030e-01, v33;
	v36 =	vmul.f32 $2.000000030e-01, v29;
	v12 =	vmovc v40;
	v24 =	vld.idx.msk [tilespmem:v22+s24+$0x0], $0xffff  }
0x10c: {  	_ =	sdelay $0x3  }
0x10d: {  	v22 =	vld.idx.msk [tilespmem:v22+s25+$0x0], $0xffff  }
0x10e: {  	v44 =	vld.idx.msk [tilespmem:v25+s24+$0x0], $0xffff  }
0x10f: {  	v38 =	vor.u32 v5, v38;
	v34 =	vmax.f32 v34, v39;
	v46 =	vld.idx.msk [tilespmem:v30+s25+$0x0], $0xffff  }
0x110: {  	v17 =	vadd.f32 v17, v27;
	v45 =	vmul.f32 v35, v11;
	v28 =	vmul.f32 v28, v11;
	v40 =	vld.idx.msk [tilespmem:v31+s24+$0x0], $0xffff  }
0x111: {  	v47 =	vmul.f32 $2.000000030e-01, v32;
	v48 =	vld.idx.msk [tilespmem:v31+s25+$0x0], $0xffff;
	v12 =	vadd.f32 v21, v12;
	v34 =	vmul.f32 v34, v10  }
0x112: {  	v52 =	vld.idx.msk [tilespmem:v25+s25+$0x0], $0xffff;
	v33 =	vmax.f32 v33, v37;
	v29 =	vmax.f32 v29, v36;
	v18 =	vadd.f32 v23, v18  }
0x113: {  	v53 =	vld.idx.msk [tilespmem:v30+s24+$0x0], $0xffff;
	v33 =	vmul.f32 v33, v10;
	v49 =	vmul.f32 $2.000000030e-01, v17;
	v32 =	vmax.f32 v32, v47  }
0x114: {  	v55 =	vld [tilespmem:s13+$0x0];
	v11 =	vmul.f32 v29, v11;
	v63 =	vmul.f32 $2.000000030e-01, v12;
	v16 =	vadd.f32 v34, v16  }
0x115: {  	v51 =	vmul.f32 v32, v10;
	v54 =	vmul.f32 $2.000000030e-01, v18;
	v17 =	vmax.f32 v17, v49;
	v50 =	vld.idx.msk [tilespmem:v38+s25+$0x0], $0xffff  }
0x116: {  	v19 =	vadd.f32 v33, v19;
	v11 =	vadd.f32 v11, v16;
	v10 =	vmul.f32 v17, v10;
	v17 =	vld.idx.msk [tilespmem:v38+s24+$0x0], $0xffff  }
0x117: {  	v12 =	vmax.f32 v12, v63;
	v16 =	vadd.f32 v26, v20;
	v15 =	vadd.f32 v51, v15  }
0x118: {  	v22 =	vadd.f32 v22, v24;
	v18 =	vmax.f32 v18, v54;
	v58 =	vadd.f32 v46, v53  }
0x119: {  	v57 =	vld [tilespmem:s13+$0xFFFFFFF0];
	v12 =	vmul.f32 v12, v55;
	v13 =	vadd.f32 v13, v15;
	v15 =	vadd.f32 v52, v44  }
0x11a: {  	v56 =	vmul.f32 $2.000000030e-01, v16;
	v10 =	vadd.f32 v10, v14;
	v14 =	vadd.f32 v48, v40  }
0x11b: {  	v24 =	vmul.f32 $2.000000030e-01, v22;
	v59 =	vmul.f32 $2.000000030e-01, v15;
	v17 =	vadd.f32 v50, v17  }
0x11c: {  	v19 =	vadd.f32 v28, v19;
	v61 =	vmul.f32 $2.000000030e-01, v58;
	v60 =	vmul.f32 $2.000000030e-01, v14  }
0x11d: {  	v16 =	vmax.f32 v16, v56;
	v15 =	vmax.f32 v15, v59;
	v62 =	vmul.f32 $2.000000030e-01, v17  }
0x11e: {  	v10 =	vadd.f32 v45, v10;
	v14 =	vmax.f32 v14, v60;
	v15 =	vmul.f32 v15, v57  }
0x11f: {  	v21 =	vmax.f32 v58, v61;
	v14 =	vmul.f32 v14, v57;
	v17 =	vmax.f32 v17, v62  }
0x120: {  	v16 =	vmul.f32 v16, v55;
	v13 =	vadd.f32 v15, v13;
	v17 =	vmul.f32 v17, v57  }
0x121: {  	v22 =	vmax.f32 v22, v24;
	v11 =	vadd.f32 v14, v11;
	v14 =	vmul.f32 v21, v57  }
0x122: {  	v15 =	vmul.f32 v22, v55;
	v13 =	vadd.f32 v16, v13;
	v10 =	vadd.f32 v17, v10  }
0x123: {  	v16 =	vmul.f32 v18, v55;
	v14 =	vadd.f32 v14, v19;
	v11 =	vadd.f32 v12, v11  }
0x124: {  	v12 =	vmul.f32 $1.442695020e+00, v13;
	v10 =	vadd.f32 v15, v10  }
0x125: {  	v13 =	vadd.f32 v16, v14;
	v11 =	vmul.f32 $1.442695020e+00, v11  }
0x126: {  	(erf) = vpow2.f32 v12;
	v10 =	vmul.f32 $1.442695020e+00, v10  }
0x127: {  	(erf) = vpow2.f32 v11;
	v11 =	vmul.f32 $1.442695020e+00, v13  }
0x128: {  	(erf) = vpow2.f32 v10  }
0x129: {  	(erf) = vpow2.f32 v11;
	_ =	sdelay $0x3  }
0x12a: {  	s7 =	simm.s32 $0x0  }
0x12b: {  	v10 =	vadd.s32 s7, v0  }
0x12c: {  	v10 =	vand.u32 $0x7F, v10;
	v13 =	vpop (erf)  }
0x12d: {  	v14 =	vor.u32 v1, v10;
	v12 =	vpop (erf);
	[tilespmem:v2+s29+$0x0] =	vst.idx.msk $0xffff, v13  }
0x12e: {  	[tilespmem:v7+s29+$0x0] =	vst.idx.msk $0xffff, v12;
	v11 =	vpop (erf)  }
0x12f: {  	[tilespmem:v8+s29+$0x0] =	vst.idx.msk $0xffff, v11;
	v10 =	vpop (erf)  }
0x130: {  	[tilespmem:v9+s29+$0x0] =	vst.idx.msk $0xffff, v10  }
0x131: {  	[spmem:s2] =	stream.indirect.scatter.add.f32 [tilespmem:s29], [sflag:$0x3], $0x10, s18, s18, $0xb8;
	[tilespmem:$0x1DE80] =	vst v63  }
0x132: {  	s13 =	simm.s32 $0x1;
	v16 =	vld.idx.msk [tilespmem:v14+s24+$0x0], $0xffff  }
0x133: {  	v15 =	vadd.s32 s13, v0  }
0x134: {  	v15 =	vand.u32 $0x7F, v15  }
0x135: {  	v15 =	vor.u32 v1, v15;
	_ =	sdelay $0x1  }
0x136: {  	v16 =	vmul.f32 v16, v13;
	_ =	sdelay $0x1  }
0x137: {  	[tilespmem:v14+s30+$0x0] =	vst.idx.msk $0xffff, v16  }
0x138: {  	s7 =	simm.s32 $0x2;
	v16 =	vld.idx.msk [tilespmem:v15+s24+$0x0], $0xffff  }
0x139: {  	v14 =	vadd.s32 s7, v0  }
0x13a: {  	v14 =	vand.u32 $0x7F, v14  }
0x13b: {  	v14 =	vor.u32 v1, v14;
	_ =	sdelay $0x1  }
0x13c: {  	s8 =	simm.s32 $0x4;
	v16 =	vmul.f32 v16, v13  }
.LBB2_11:
0x13d: {  	_ = 	snop  }
0x13e: {  	p0 =	slt.u32 s8, $0x7E;
	s9 =	smov.u32 s8;
	s8 =	sadd.s32 $0x2, s8;
	[tilespmem:v15+s30+$0x0] =	vst.idx.msk $0xffff, v16  }
0x13f: {  	v16 =	vld.idx.msk [tilespmem:v14+s24+$0x0], $0xffff  }
0x140: {  	s13 =	sadd.s32 $0x1, s7;
	s7 =	smov.u32 s9  }
0x141: {  	v15 =	vadd.s32 s13, v0  }
0x142: {  	v15 =	vand.u32 $0x7F, v15  }
0x143: {  	v15 =	vor.u32 v1, v15;
	_ =	sdelay $0x1  }
0x144: {  	v16 =	vmul.f32 v16, v13;
	_ =	sdelay $0x1  }
0x145: {  	[tilespmem:v14+s30+$0x0] =	vst.idx.msk $0xffff, v16  }
0x146: {  	v16 =	vld.idx.msk [tilespmem:v15+s24+$0x0], $0xffff;
	_ =	sdelay $0x1  }
.Ltmp4:
0x147: {  	v14 =	vadd.s32 s7, v0;
	(pc) =	sbr.rel @p0 .LBB2_11-.Ltmp4, $3  }
0x148: {  	v14 =	vand.u32 $0x7F, v14  }
0x149: {  	v14 =	vor.u32 v1, v14;
	_ =	sdelay $0x1  }
0x14a: {  	v16 =	vmul.f32 v16, v13  }
0x14b: {  	_ =	sdelay $0x3  }
0x14c: {  	[tilespmem:v15+s30+$0x0] =	vst.idx.msk $0xffff, v16  }
0x14d: {  	s7 =	sadd.s32 $0x1, s7;
	v15 =	vld.idx.msk [tilespmem:v14+s24+$0x0], $0xffff  }
0x14e: {  	v16 =	vadd.s32 s7, v0  }
0x14f: {  	v16 =	vand.u32 $0x7F, v16  }
0x150: {  	v16 =	vor.u32 v1, v16;
	_ =	sdelay $0x1  }
0x151: {  	v15 =	vmul.f32 v15, v13;
	_ =	sdelay $0x1  }
0x152: {  	[tilespmem:v14+s30+$0x0] =	vst.idx.msk $0xffff, v15  }
0x153: {  	v14 =	vld.idx.msk [tilespmem:v16+s24+$0x0], $0xffff;
	_ =	sdelay $0x4  }
0x154: {  	v13 =	vmul.f32 v14, v13;
	_ =	sdelay $0x1  }
0x155: {  	[tilespmem:v16+s30+$0x0] =	vst.idx.msk $0xffff, v13  }
0x156: {  	v13 =	vld [tilespmem:$0x40]  }
0x157: {  	s9 =	simm.s32 $0x0  }
0x158: {  	v14 =	vadd.s32 s9, v0  }
0x159: {  	v14 =	vand.u32 $0x7F, v14  }
0x15a: {  	v15 =	vor.u32 v4, v14;
	_ =	sdelay $0x3  }
0x15b: {  	[spmem:s3] =	stream.indirect_vreg.scatter.add.f32 [tilespmem:s30], [sflag:$0x4], $0x80, v13, vm0, $0xb8;
	[tilespmem:$0x1DE80] =	vst v63  }
0x15c: {  	s13 =	simm.s32 $0x1;
	v13 =	vld.idx.msk [tilespmem:v15+s24+$0x0], $0xffff  }
0x15d: {  	v14 =	vadd.s32 s13, v0  }
0x15e: {  	v14 =	vand.u32 $0x7F, v14  }
0x15f: {  	v14 =	vor.u32 v4, v14;
	_ =	sdelay $0x1  }
0x160: {  	v13 =	vmul.f32 v13, v12;
	_ =	sdelay $0x1  }
0x161: {  	[tilespmem:v15+s30+$0x0] =	vst.idx.msk $0xffff, v13  }
0x162: {  	s7 =	simm.s32 $0x2;
	v15 =	vld.idx.msk [tilespmem:v14+s24+$0x0], $0xffff  }
0x163: {  	v13 =	vadd.s32 s7, v0  }
0x164: {  	v13 =	vand.u32 $0x7F, v13  }
0x165: {  	v13 =	vor.u32 v4, v13;
	_ =	sdelay $0x1  }
0x166: {  	s8 =	simm.s32 $0x4;
	v15 =	vmul.f32 v15, v12  }
.LBB2_13:
0x167: {  	_ = 	snop  }
0x168: {  	p0 =	slt.u32 s8, $0x7E;
	s9 =	smov.u32 s8;
	s8 =	sadd.s32 $0x2, s8;
	[tilespmem:v14+s30+$0x0] =	vst.idx.msk $0xffff, v15  }
0x169: {  	v15 =	vld.idx.msk [tilespmem:v13+s24+$0x0], $0xffff  }
0x16a: {  	s13 =	sadd.s32 $0x1, s7;
	s7 =	smov.u32 s9  }
0x16b: {  	v14 =	vadd.s32 s13, v0  }
0x16c: {  	v14 =	vand.u32 $0x7F, v14  }
0x16d: {  	v14 =	vor.u32 v4, v14;
	_ =	sdelay $0x1  }
0x16e: {  	v15 =	vmul.f32 v15, v12;
	_ =	sdelay $0x1  }
0x16f: {  	[tilespmem:v13+s30+$0x0] =	vst.idx.msk $0xffff, v15  }
0x170: {  	v15 =	vld.idx.msk [tilespmem:v14+s24+$0x0], $0xffff;
	_ =	sdelay $0x1  }
.Ltmp5:
0x171: {  	v13 =	vadd.s32 s7, v0;
	(pc) =	sbr.rel @p0 .LBB2_13-.Ltmp5, $3  }
0x172: {  	v13 =	vand.u32 $0x7F, v13  }
0x173: {  	v13 =	vor.u32 v4, v13;
	_ =	sdelay $0x1  }
0x174: {  	v15 =	vmul.f32 v15, v12  }
0x175: {  	_ =	sdelay $0x3  }
0x176: {  	[tilespmem:v14+s30+$0x0] =	vst.idx.msk $0xffff, v15  }
0x177: {  	s7 =	sadd.s32 $0x1, s7;
	v14 =	vld.idx.msk [tilespmem:v13+s24+$0x0], $0xffff  }
0x178: {  	v15 =	vadd.s32 s7, v0  }
0x179: {  	v15 =	vand.u32 $0x7F, v15  }
0x17a: {  	v15 =	vor.u32 v4, v15;
	_ =	sdelay $0x1  }
0x17b: {  	v14 =	vmul.f32 v14, v12;
	_ =	sdelay $0x1  }
0x17c: {  	[tilespmem:v13+s30+$0x0] =	vst.idx.msk $0xffff, v14  }
0x17d: {  	v13 =	vld.idx.msk [tilespmem:v15+s24+$0x0], $0xffff;
	_ =	sdelay $0x4  }
0x17e: {  	v12 =	vmul.f32 v13, v12;
	_ =	sdelay $0x1  }
0x17f: {  	[tilespmem:v15+s30+$0x0] =	vst.idx.msk $0xffff, v12  }
0x180: {  	v12 =	vld [tilespmem:$0x50]  }
0x181: {  	s9 =	simm.s32 $0x0  }
0x182: {  	v13 =	vadd.s32 s9, v0  }
0x183: {  	v13 =	vand.u32 $0x7F, v13  }
0x184: {  	v14 =	vor.u32 v5, v13;
	_ =	sdelay $0x3  }
0x185: {  	[spmem:s3] =	stream.indirect_vreg.scatter.add.f32 [tilespmem:s31], [sflag:$0x4], $0x80, v12, vm0, $0xb8;
	[tilespmem:$0x1DE80] =	vst v63  }
0x186: {  	s13 =	simm.s32 $0x1;
	v12 =	vld.idx.msk [tilespmem:v14+s24+$0x0], $0xffff  }
0x187: {  	v13 =	vadd.s32 s13, v0  }
0x188: {  	v13 =	vand.u32 $0x7F, v13  }
0x189: {  	v13 =	vor.u32 v5, v13;
	_ =	sdelay $0x1  }
0x18a: {  	v12 =	vmul.f32 v12, v11;
	_ =	sdelay $0x1  }
0x18b: {  	[tilespmem:v14+s30+$0x0] =	vst.idx.msk $0xffff, v12  }
0x18c: {  	s7 =	simm.s32 $0x2;
	v14 =	vld.idx.msk [tilespmem:v13+s24+$0x0], $0xffff  }
0x18d: {  	v12 =	vadd.s32 s7, v0  }
0x18e: {  	v12 =	vand.u32 $0x7F, v12  }
0x18f: {  	v12 =	vor.u32 v5, v12;
	_ =	sdelay $0x1  }
0x190: {  	s8 =	simm.s32 $0x4;
	v14 =	vmul.f32 v14, v11  }
.LBB2_15:
0x191: {  	_ = 	snop  }
0x192: {  	p0 =	slt.u32 s8, $0x7E;
	s9 =	smov.u32 s8;
	s8 =	sadd.s32 $0x2, s8;
	[tilespmem:v13+s30+$0x0] =	vst.idx.msk $0xffff, v14  }
0x193: {  	v14 =	vld.idx.msk [tilespmem:v12+s24+$0x0], $0xffff  }
0x194: {  	s13 =	sadd.s32 $0x1, s7;
	s7 =	smov.u32 s9  }
0x195: {  	v13 =	vadd.s32 s13, v0  }
0x196: {  	v13 =	vand.u32 $0x7F, v13  }
0x197: {  	v13 =	vor.u32 v5, v13;
	_ =	sdelay $0x1  }
0x198: {  	v14 =	vmul.f32 v14, v11;
	_ =	sdelay $0x1  }
0x199: {  	[tilespmem:v12+s30+$0x0] =	vst.idx.msk $0xffff, v14  }
0x19a: {  	v14 =	vld.idx.msk [tilespmem:v13+s24+$0x0], $0xffff;
	_ =	sdelay $0x1  }
.Ltmp6:
0x19b: {  	v12 =	vadd.s32 s7, v0;
	(pc) =	sbr.rel @p0 .LBB2_15-.Ltmp6, $3  }
0x19c: {  	v12 =	vand.u32 $0x7F, v12  }
0x19d: {  	v12 =	vor.u32 v5, v12;
	_ =	sdelay $0x1  }
0x19e: {  	v14 =	vmul.f32 v14, v11  }
0x19f: {  	_ =	sdelay $0x3  }
0x1a0: {  	[tilespmem:v13+s30+$0x0] =	vst.idx.msk $0xffff, v14  }
0x1a1: {  	s7 =	sadd.s32 $0x1, s7;
	v13 =	vld.idx.msk [tilespmem:v12+s24+$0x0], $0xffff  }
0x1a2: {  	v14 =	vadd.s32 s7, v0  }
0x1a3: {  	v14 =	vand.u32 $0x7F, v14  }
0x1a4: {  	v14 =	vor.u32 v5, v14;
	_ =	sdelay $0x1  }
0x1a5: {  	v13 =	vmul.f32 v13, v11;
	_ =	sdelay $0x1  }
0x1a6: {  	[tilespmem:v12+s30+$0x0] =	vst.idx.msk $0xffff, v13  }
0x1a7: {  	v12 =	vld.idx.msk [tilespmem:v14+s24+$0x0], $0xffff;
	_ =	sdelay $0x4  }
0x1a8: {  	v11 =	vmul.f32 v12, v11;
	_ =	sdelay $0x1  }
0x1a9: {  	[tilespmem:v14+s30+$0x0] =	vst.idx.msk $0xffff, v11  }
0x1aa: {  	v11 =	vld [tilespmem:$0x60]  }
0x1ab: {  	s9 =	simm.s32 $0x0  }
0x1ac: {  	v12 =	vadd.s32 s9, v0  }
0x1ad: {  	v12 =	vand.u32 $0x7F, v12  }
0x1ae: {  	v13 =	vor.u32 v6, v12;
	_ =	sdelay $0x3  }
0x1af: {  	[spmem:s3] =	stream.indirect_vreg.scatter.add.f32 [tilespmem:s0], [sflag:$0x4], $0x80, v11, vm0, $0xb8;
	[tilespmem:$0x1DE80] =	vst v63  }
0x1b0: {  	s13 =	simm.s32 $0x1;
	v11 =	vld.idx.msk [tilespmem:v13+s24+$0x0], $0xffff  }
0x1b1: {  	v12 =	vadd.s32 s13, v0  }
0x1b2: {  	v12 =	vand.u32 $0x7F, v12  }
0x1b3: {  	v12 =	vor.u32 v6, v12;
	_ =	sdelay $0x1  }
0x1b4: {  	v11 =	vmul.f32 v11, v10;
	_ =	sdelay $0x1  }
0x1b5: {  	[tilespmem:v13+s30+$0x0] =	vst.idx.msk $0xffff, v11  }
0x1b6: {  	s7 =	simm.s32 $0x2;
	v13 =	vld.idx.msk [tilespmem:v12+s24+$0x0], $0xffff  }
0x1b7: {  	v11 =	vadd.s32 s7, v0  }
0x1b8: {  	v11 =	vand.u32 $0x7F, v11  }
0x1b9: {  	v11 =	vor.u32 v6, v11;
	_ =	sdelay $0x1  }
0x1ba: {  	s8 =	simm.s32 $0x4;
	v13 =	vmul.f32 v13, v10  }
.LBB2_17:
0x1bb: {  	_ = 	snop  }
0x1bc: {  	p0 =	slt.u32 s8, $0x7E;
	s9 =	smov.u32 s8;
	s8 =	sadd.s32 $0x2, s8;
	[tilespmem:v12+s30+$0x0] =	vst.idx.msk $0xffff, v13  }
0x1bd: {  	v13 =	vld.idx.msk [tilespmem:v11+s24+$0x0], $0xffff  }
0x1be: {  	s13 =	sadd.s32 $0x1, s7;
	s7 =	smov.u32 s9  }
0x1bf: {  	v12 =	vadd.s32 s13, v0  }
0x1c0: {  	v12 =	vand.u32 $0x7F, v12  }
0x1c1: {  	v12 =	vor.u32 v6, v12;
	_ =	sdelay $0x1  }
0x1c2: {  	v13 =	vmul.f32 v13, v10;
	_ =	sdelay $0x1  }
0x1c3: {  	[tilespmem:v11+s30+$0x0] =	vst.idx.msk $0xffff, v13  }
0x1c4: {  	v13 =	vld.idx.msk [tilespmem:v12+s24+$0x0], $0xffff;
	_ =	sdelay $0x1  }
.Ltmp7:
0x1c5: {  	v11 =	vadd.s32 s7, v0;
	(pc) =	sbr.rel @p0 .LBB2_17-.Ltmp7, $3  }
0x1c6: {  	v11 =	vand.u32 $0x7F, v11  }
0x1c7: {  	v11 =	vor.u32 v6, v11;
	_ =	sdelay $0x1  }
0x1c8: {  	v13 =	vmul.f32 v13, v10  }
0x1c9: {  	_ =	sdelay $0x3  }
0x1ca: {  	[tilespmem:v12+s30+$0x0] =	vst.idx.msk $0xffff, v13  }
0x1cb: {  	s7 =	sadd.s32 $0x1, s7;
	v12 =	vld.idx.msk [tilespmem:v11+s24+$0x0], $0xffff  }
0x1cc: {  	v63 =	vadd.s32 s7, v0  }
0x1cd: {  	v13 =	vand.u32 $0x7F, v63  }
0x1ce: {  	v13 =	vor.u32 v6, v13;
	_ =	sdelay $0x1  }
0x1cf: {  	v12 =	vmul.f32 v12, v10;
	_ =	sdelay $0x1  }
0x1d0: {  	[tilespmem:v11+s30+$0x0] =	vst.idx.msk $0xffff, v12  }
0x1d1: {  	v11 =	vld.idx.msk [tilespmem:v13+s24+$0x0], $0xffff;
	_ =	sdelay $0x4  }
0x1d2: {  	v10 =	vmul.f32 v11, v10;
	_ =	sdelay $0x1  }
0x1d3: {  	[tilespmem:v13+s30+$0x0] =	vst.idx.msk $0xffff, v10  }
0x1d4: {  	v10 =	vld [tilespmem:$0x70];
	_ =	sdelay $0x7  }
0x1d5: {  	[spmem:s3] =	stream.indirect_vreg.scatter.add.f32 [tilespmem:s1], [sflag:$0x4], $0x80, v10, vm0, $0xb8;
	[tilespmem:$0x1DE80] =	vst v63  }
0x1d6: {  	_ =	swait.ge [sflag:s12], $0x800  }
0x1d7: {  	[sflag:s12] =	ssyncset.done $0x0  }
0x1d8: {  	[sflag:s12] =	ssyncadd.s32 $0xFFFFF800  }
0x1d9: {  	_ =	swait.ge [sflag:s12], $0x800  }
0x1da: {  	[sflag:s12] =	ssyncset.done $0x0  }
0x1db: {  	[sflag:s12] =	ssyncadd.s32 $0xFFFFF800  }
0x1dc: {  	_ =	swait.ge [sflag:s12], $0x800  }
0x1dd: {  	[sflag:s12] =	ssyncset.done $0x0  }
0x1de: {  	s15 =	sadd.s32 $0x1, s15;
	[sflag:s12] =	ssyncadd.s32 $0xFFFFF800  }
0x1df: {  	p0 =	sne.s32 s15, $0x54;
	_ =	swait.ge [sflag:s12], $0x800  }
.Ltmp8:
0x1e0: {  	[sflag:s12] =	ssyncset.done $0x0;
	(pc) =	sbr.rel @p0 .LBB2_8-.Ltmp8, $4  }
0x1e1: {  	[sflag:s12] =	ssyncadd.s32 $0xFFFFF800  }
0x1e2: {  	_ =	swait.ge [sflag:s21], $0x400  }
0x1e3: {  	[sflag:s21] =	ssyncset.done $0x0  }
0x1e4: {  	[sflag:s21] =	ssyncadd.s32 $0xFFFFFC00  }
0x1e5: {  	s4 =	stileid.u32;
	[bflag:$0x0] =	sbarrier.arrive $0xFFFF  }
0x1e6: {  	s4 =	sshll.u32 s4, $0x6;
	s13 =	rddreg [dreg:$0xf]  }
0x1e7: {  	s15 =	rddreg [dreg:$0x9];
	s7 =	sor.u32 $0x1C05, s4  }
0x1e8: {  	s8 =	sshrl.u32 s13, $0x3;
	[smem:$0x7F4] =	sst s7  }
0x1e9: {  	[smem:$0x7F5] =	sst s8  }
0x1ea: {  	[hbm:s15], [sflag:s7] =	dma.local [spmem:s8], $0x2800  }
0x1eb: {  	_ =	swait.ge [sflag:s14], $0x2800  }
0x1ec: {  	[sflag:s14] =	ssyncset.done $0x0  }
0x1ed: {  	[sflag:s14] =	ssyncadd.s32 $0xFFFFD800  }
0x1ee: {  	[bflag:$0x0] =	sbarrier.arrive $0xFFFF  }
0x1ef: {  	s13 =	simm.s32 $0x6E80;
	s8 =	simm.s32 $0x0;
	s9 =	rddreg [dreg:$0x12]  }
0x1f0: {  	[tilespmem:s13], [sflag:$0x5] =	stream.linear.gather [hbm4b:s9+s8], $0x800, $0x38;
	[tilespmem:$0x1DE80] =	vst v63  }
0x1f1: {  	_ =	swait.ge [sflag:s14], $0x800  }
0x1f2: {  	[sflag:s14] =	ssyncset.done $0x0  }
0x1f3: {  	s15 =	sadd.s32 $0x0, s22;
	[sflag:s14] =	ssyncadd.s32 $0xFFFFF800  }
0x1f4: {  	[spmem:s15] =	stream.linear.scatter [tilespmem:s16], [sflag:$0x5], $0x800, $0x38;
	[tilespmem:$0x1DE80] =	vst v63  }
0x1f5: {  	s4 =	simm.s32 $0x2000;
	_ =	swait.ge [sflag:s14], $0x800  }
.LBB2_20:
0x1f6: {  	s7 =	sshra.s32 s4, $0x2;
	[sflag:s14] =	ssyncset.done $0x0;
	p0 =	sne.s32 s4, $0x4E000  }
.Ltmp9:
0x1f7: {  	s7 =	sadd.s32 s7, s22;
	[sflag:s14] =	ssyncadd.s32 $0xFFFFF800;
	(pc) =	sbr.rel @p0 .LBB2_20-.Ltmp9, $3  }
0x1f8: {  	[spmem:s7] =	stream.linear.scatter [tilespmem:s16], [sflag:$0x5], $0x800, $0x38;
	[tilespmem:$0x1DE80] =	vst v63  }
0x1f9: {  	s4 =	sadd.s32 $0x2000, s4;
	_ =	sdelay $0x1  }
0x1fa: {  	_ =	swait.ge [sflag:s14], $0x800  }
0x1fb: {  	[sflag:s14] =	ssyncset.done $0x0  }
0x1fc: {  	s4 =	simm.s32 $0x40;
	s7 =	simm.s32 $0x0;
	[sflag:s14] =	ssyncadd.s32 $0xFFFFF800  }
.LBB2_22:
0x1fd: {  	p0 =	sne.s32 s4, $0xFC0;
	[tilespmem:s7+$0x4080] =	vst v3;
	s7 =	smov.u32 s4;
	s4 =	sadd.s32 $0x40, s4  }
.Ltmp10:
0x1fe: {  	(pc) =	sbr.rel @p0 .LBB2_22-.Ltmp10, $2  }
0x1ff: {  	_ =	sdelay $0x2  }
0x200: {  	s7 =	sshra.s32 s7, $0x2  }
0x201: {  	[tilespmem:s7+$0x4080] =	vst v3  }
0x202: {  	s4 =	simm.s32 $0x0;
	s15 =	simm.s32 $0x0;
	[bflag:$0x0] =	sbarrier.arrive $0xFFFF  }
.LBB2_24:
0x203: {  	s7 =	sshll.u32 s15, $0x6  }
0x204: {  	s7 =	sadd.s32 s23, s7  }
0x205: {  	s7 =	sshrl.u32 s7, $0x3  }
0x206: {  	s8 =	sadd.s32 s5, s7  }
0x207: {  	[tilespmem:s4], [sflag:$0x5] =	stream.linear.gather [hbm4b:s8+s4], $0x40, $0x38;
	[tilespmem:$0x1DE80] =	vst v63  }
0x208: {  	_ =	swait.ge [sflag:s14], $0x40  }
0x209: {  	[sflag:s14] =	ssyncset.done $0x0  }
0x20a: {  	s7 =	sadd.s32 s6, s7;
	[sflag:s14] =	ssyncadd.s32 $0xFFFFFFC0  }
0x20b: {  	[tilespmem:s18], [sflag:$0x5] =	stream.linear.gather [hbm4b:s7+s4], $0x40, $0x38;
	[tilespmem:$0x1DE80] =	vst v63  }
0x20c: {  	_ =	swait.ge [sflag:s14], $0x40  }
0x20d: {  	[sflag:s14] =	ssyncset.done $0x0  }
0x20e: {  	s9 =	rddreg [dreg:$0x7];
	[sflag:s14] =	ssyncadd.s32 $0xFFFFFFC0  }
0x20f: {  	[tilespmem:s24], [sflag:$0x1] =	stream.indirect.gather [hbm4b:s9+s18], $0x80, s4, s18, $0xb8;
	[tilespmem:$0x1DE80] =	vst v63  }
0x210: {  	s13 =	simm.s32 $0x1  }
0x211: {  	v10 =	vadd.s32 s13, v0;
	[tilespmem:s25], [sflag:$0x2] =	stream.indirect.gather [hbm4b:s17+s18], $0x80, s18, s18, $0xb8;
	[tilespmem:$0x1DE80] =	vst v63  }
0x212: {  	v10 =	vand.u32 $0x7F, v10;
	_ =	swait.ge [sflag:s26], $0x2000  }
0x213: {  	v11 =	vor.u32 v4, v10;
	[sflag:s26] =	ssyncset.done $0x0  }
0x214: {  	[sflag:s26] =	ssyncadd.s32 $0xFFFFE000  }
0x215: {  	v12 =	vor.u32 v6, v10;
	_ =	swait.ge [sflag:s28], $0x2000  }
0x216: {  	[sflag:s28] =	ssyncset.done $0x0  }
0x217: {  	v13 =	vor.u32 v1, v10;
	[sflag:s28] =	ssyncadd.s32 $0xFFFFE000  }
0x218: {  	v14 =	vld.idx.msk [tilespmem:v11+s24+$0x0], $0xffff  }
0x219: {  	v15 =	vor.u32 v5, v10;
	v18 =	vld.idx.msk [tilespmem:v11+s25+$0x0], $0xffff  }
0x21a: {  	v16 =	vld.idx.msk [tilespmem:v12+s24+$0x0], $0xffff  }
0x21b: {  	v10 =	vadd.s32 s4, v0;
	v12 =	vld.idx.msk [tilespmem:v12+s25+$0x0], $0xffff  }
0x21c: {  	v17 =	vand.u32 $0x7F, v10;
	v19 =	vld.idx.msk [tilespmem:v13+s24+$0x0], $0xffff  }
0x21d: {  	v21 =	vor.u32 v6, v17;
	v13 =	vld.idx.msk [tilespmem:v13+s25+$0x0], $0xffff  }
0x21e: {  	s8 =	simm.s32 $0x6E90;
	v23 =	vor.u32 v4, v17;
	v22 =	vld.idx.msk [tilespmem:v15+s24+$0x0], $0xffff  }
0x21f: {  	v10 =	vld [tilespmem:s8+$0xFFFFFFF0]  }
0x220: {  	v11 =	vld [tilespmem:s8+$0x0]  }
0x221: {  	v20 =	vor.u32 v1, v17;
	v15 =	vld.idx.msk [tilespmem:v15+s25+$0x0], $0xffff  }
0x222: {  	v24 =	vor.u32 v5, v17;
	s9 =	simm.s32 $0x3;
	v25 =	vld.idx.msk [tilespmem:v21+s25+$0x0], $0xffff  }
0x223: {  	v17 =	vadd.s32 s9, v0;
	v29 =	vld.idx.msk [tilespmem:v23+s24+$0x0], $0xffff  }
0x224: {  	v28 =	vand.u32 $0x7F, v17;
	v23 =	vld.idx.msk [tilespmem:v23+s25+$0x0], $0xffff  }
0x225: {  	v30 =	vor.u32 v4, v28;
	v33 =	vld.idx.msk [tilespmem:v21+s24+$0x0], $0xffff  }
0x226: {  	v26 =	vld.idx.msk [tilespmem:v20+s24+$0x0], $0xffff  }
0x227: {  	v32 =	vor.u32 v6, v28;
	v17 =	vld.idx.msk [tilespmem:v24+s25+$0x0], $0xffff;
	v31 =	vadd.f32 v12, v16  }
0x228: {  	v36 =	vor.u32 v1, v28;
	v27 =	vld.idx.msk [tilespmem:v24+s24+$0x0], $0xffff;
	v13 =	vadd.f32 v13, v19;
	v15 =	vadd.f32 v15, v22  }
0x229: {  	s13 =	simm.s32 $0x2;
	v19 =	vld.idx.msk [tilespmem:v20+s25+$0x0], $0xffff;
	v16 =	vimm.f32 $0.0e+00;
	v22 =	vor.u32 v5, v28;
	v34 =	vadd.f32 v23, v29  }
0x22a: {  	v21 =	vld.idx.msk [tilespmem:v30+s25+$0x0], $0xffff;
	v29 =	vadd.f32 v18, v14;
	v14 =	vadd.s32 s13, v0;
	v33 =	vadd.f32 v25, v33  }
0x22b: {  	v12 =	vld.idx.msk [tilespmem:v30+s24+$0x0], $0xffff;
	v38 =	vand.u32 $0x7F, v14;
	v14 =	vimm.f32 $0.0e+00;
	v20 =	vmul.f32 $2.000000030e-01, v31  }
0x22c: {  	v18 =	vld.idx.msk [tilespmem:v32+s24+$0x0], $0xffff;
	v24 =	vmul.f32 $2.000000030e-01, v13;
	v39 =	vmul.f32 $2.000000030e-01, v34;
	v25 =	vor.u32 v1, v38  }
0x22d: {  	v23 =	vld.idx.msk [tilespmem:v32+s25+$0x0], $0xffff;
	v30 =	vor.u32 v6, v38;
	v37 =	vmul.f32 $2.000000030e-01, v33;
	v28 =	vmax.f32 v31, v20  }
0x22e: {  	v20 =	vmul.f32 $2.000000030e-01, v15;
	v13 =	vmax.f32 v13, v24;
	v32 =	vadd.f32 v19, v26;
	v26 =	vld.idx.msk [tilespmem:v36+s25+$0x0], $0xffff  }
0x22f: {  	v31 =	vor.u32 v4, v38;
	v13 =	vmul.f32 v13, v11;
	v24 =	vld.idx.msk [tilespmem:v22+s24+$0x0], $0xffff;
	v19 =	vimm.f32 $0.0e+00  }
0x230: {  	s7 =	simm.s32 $0x4;
	s13 =	simm.s32 $0x6EB0;
	v35 =	vmax.f32 v15, v20;
	v20 =	vld.idx.msk [tilespmem:v36+s24+$0x0], $0xffff;
	v36 =	vmul.f32 $2.000000030e-01, v29;
	v15 =	vimm.f32 $0.0e+00  }
.LBB2_25:
0x231: {  	p0 =	slt.u32 s7, $0x7E;
	v40 =	vld [tilespmem:s13+$0xFFFFFFF0];
	v38 =	vor.u32 v5, v38;
	v34 =	vmax.f32 v34, v39;
	v39 =	vmov v21;
	s8 =	smov.u32 s7;
	s7 =	sadd.s32 $0x2, s7  }
0x232: {  	v27 =	vadd.f32 v17, v27;
	v35 =	vmul.f32 v35, v11;
	s9 =	sadd.s32 $0x1, s8;
	v21 =	vld [tilespmem:s13+$0x0];
	v34 =	vmul.f32 v34, v10  }
0x233: {  	v28 =	vmul.f32 v28, v11;
	v17 =	vadd.s32 s9, v0;
	v41 =	vld.idx.msk [tilespmem:v22+s25+$0x0], $0xffff;
	v22 =	vmax.f32 v33, v37  }
0x234: {  	v33 =	vmul.f32 $2.000000030e-01, v32;
	v37 =	vld.idx.msk [tilespmem:v25+s24+$0x0], $0xffff;
	v16 =	vadd.f32 v34, v16;
	v34 =	vmul.f32 $2.000000030e-01, v27  }
0x235: {  	v42 =	vand.u32 $0x7F, v17;
	v17 =	vmul.f32 v22, v10;
	v22 =	vmax.f32 v29, v36;
	v43 =	vld.idx.msk [tilespmem:v30+s25+$0x0], $0xffff  }
0x236: {  	v36 =	vor.u32 v1, v42;
	v29 =	vor.u32 v4, v42;
	v32 =	vmax.f32 v32, v33;
	v44 =	vld.idx.msk [tilespmem:v31+s24+$0x0], $0xffff  }
0x237: {  	v33 =	vor.u32 v6, v42;
	v11 =	vmul.f32 v22, v11;
	v19 =	vadd.f32 v17, v19;
	v31 =	vld.idx.msk [tilespmem:v31+s25+$0x0], $0xffff  }
0x238: {  	v18 =	vadd.f32 v23, v18;
	v23 =	vmul.f32 v32, v10;
	v27 =	vmax.f32 v27, v34;
	v17 =	vld.idx.msk [tilespmem:v38+s25+$0x0], $0xffff  }
0x239: {  	v22 =	vor.u32 v5, v42;
	v16 =	vadd.f32 v11, v16;
	v19 =	vadd.f32 v28, v19;
	v30 =	vld.idx.msk [tilespmem:v30+s24+$0x0], $0xffff  }
0x23a: {  	v20 =	vadd.f32 v26, v20;
	v26 =	vmul.f32 v27, v10;
	v10 =	vmovc v40;
	v32 =	vld.idx.msk [tilespmem:v25+s25+$0x0], $0xffff;
	v25 =	vmul.f32 $2.000000030e-01, v18  }
0x23b: {  	v24 =	vadd.f32 v41, v24;
	v15 =	vadd.f32 v23, v15;
	v11 =	vmov v21;
	v27 =	vld.idx.msk [tilespmem:v38+s24+$0x0], $0xffff  }
0x23c: {  	v23 =	vmul.f32 $2.000000030e-01, v20;
	v14 =	vadd.f32 v26, v14;
	v40 =	vld.idx.msk [tilespmem:v29+s24+$0x0], $0xffff;
	v28 =	vmax.f32 v18, v25  }
0x23d: {  	v15 =	vadd.f32 v13, v15;
	v34 =	vadd.f32 v31, v44;
	v25 =	vmul.f32 $2.000000030e-01, v24;
	v21 =	vld.idx.msk [tilespmem:v29+s25+$0x0], $0xffff  }
.Ltmp11:
0x23e: {  	v13 =	vmax.f32 v20, v23;
	v14 =	vadd.f32 v35, v14;
	v29 =	vadd.f32 v39, v12;
	v18 =	vld.idx.msk [tilespmem:v33+s24+$0x0], $0xffff;
	(pc) =	sbr.rel @p0 .LBB2_25-.Ltmp11, $4  }
0x23f: {  	v12 =	vadd.s32 s8, v0;
	v35 =	vmax.f32 v24, v25;
	v23 =	vld.idx.msk [tilespmem:v33+s25+$0x0], $0xffff;
	v33 =	vadd.f32 v43, v30  }
0x240: {  	v13 =	vmul.f32 v13, v11;
	v38 =	vand.u32 $0x7F, v12;
	v39 =	vmul.f32 $2.000000030e-01, v34;
	v20 =	vld.idx.msk [tilespmem:v36+s24+$0x0], $0xffff  }
0x241: {  	v25 =	vor.u32 v1, v38;
	v31 =	vor.u32 v4, v38;
	v32 =	vadd.f32 v32, v37;
	v26 =	vld.idx.msk [tilespmem:v36+s25+$0x0], $0xffff  }
0x242: {  	s13 =	sadd.s32 $0x20, s13;
	v30 =	vor.u32 v6, v38;
	v37 =	vmul.f32 $2.000000030e-01, v33;
	v36 =	vmul.f32 $2.000000030e-01, v29;
	v12 =	vmovc v40;
	v24 =	vld.idx.msk [tilespmem:v22+s24+$0x0], $0xffff  }
0x243: {  	_ =	sdelay $0x3  }
0x244: {  	v22 =	vld.idx.msk [tilespmem:v22+s25+$0x0], $0xffff  }
0x245: {  	v44 =	vld.idx.msk [tilespmem:v25+s24+$0x0], $0xffff  }
0x246: {  	v38 =	vor.u32 v5, v38;
	v34 =	vmax.f32 v34, v39;
	v46 =	vld.idx.msk [tilespmem:v30+s25+$0x0], $0xffff  }
0x247: {  	v17 =	vadd.f32 v17, v27;
	v45 =	vmul.f32 v35, v11;
	v28 =	vmul.f32 v28, v11;
	v40 =	vld.idx.msk [tilespmem:v31+s24+$0x0], $0xffff  }
0x248: {  	v47 =	vmul.f32 $2.000000030e-01, v32;
	v48 =	vld.idx.msk [tilespmem:v31+s25+$0x0], $0xffff;
	v12 =	vadd.f32 v21, v12;
	v34 =	vmul.f32 v34, v10  }
0x249: {  	v52 =	vld.idx.msk [tilespmem:v25+s25+$0x0], $0xffff;
	v33 =	vmax.f32 v33, v37;
	v29 =	vmax.f32 v29, v36;
	v18 =	vadd.f32 v23, v18  }
0x24a: {  	v53 =	vld.idx.msk [tilespmem:v30+s24+$0x0], $0xffff;
	v33 =	vmul.f32 v33, v10;
	v49 =	vmul.f32 $2.000000030e-01, v17;
	v32 =	vmax.f32 v32, v47  }
0x24b: {  	v55 =	vld [tilespmem:s13+$0x0];
	v11 =	vmul.f32 v29, v11;
	v63 =	vmul.f32 $2.000000030e-01, v12;
	v16 =	vadd.f32 v34, v16  }
0x24c: {  	v51 =	vmul.f32 v32, v10;
	v54 =	vmul.f32 $2.000000030e-01, v18;
	v17 =	vmax.f32 v17, v49;
	v50 =	vld.idx.msk [tilespmem:v38+s25+$0x0], $0xffff  }
0x24d: {  	v19 =	vadd.f32 v33, v19;
	v11 =	vadd.f32 v11, v16;
	v10 =	vmul.f32 v17, v10;
	v17 =	vld.idx.msk [tilespmem:v38+s24+$0x0], $0xffff  }
0x24e: {  	v12 =	vmax.f32 v12, v63;
	v16 =	vadd.f32 v26, v20;
	v15 =	vadd.f32 v51, v15  }
0x24f: {  	v22 =	vadd.f32 v22, v24;
	v18 =	vmax.f32 v18, v54;
	v58 =	vadd.f32 v46, v53  }
0x250: {  	v57 =	vld [tilespmem:s13+$0xFFFFFFF0];
	v12 =	vmul.f32 v12, v55;
	v13 =	vadd.f32 v13, v15;
	v15 =	vadd.f32 v52, v44  }
0x251: {  	v56 =	vmul.f32 $2.000000030e-01, v16;
	v10 =	vadd.f32 v10, v14;
	v14 =	vadd.f32 v48, v40  }
0x252: {  	v24 =	vmul.f32 $2.000000030e-01, v22;
	v59 =	vmul.f32 $2.000000030e-01, v15;
	v17 =	vadd.f32 v50, v17  }
0x253: {  	v19 =	vadd.f32 v28, v19;
	v61 =	vmul.f32 $2.000000030e-01, v58;
	v60 =	vmul.f32 $2.000000030e-01, v14  }
0x254: {  	v16 =	vmax.f32 v16, v56;
	v15 =	vmax.f32 v15, v59;
	v62 =	vmul.f32 $2.000000030e-01, v17  }
0x255: {  	v10 =	vadd.f32 v45, v10;
	v14 =	vmax.f32 v14, v60;
	v15 =	vmul.f32 v15, v57  }
0x256: {  	v21 =	vmax.f32 v58, v61;
	v14 =	vmul.f32 v14, v57;
	v17 =	vmax.f32 v17, v62  }
0x257: {  	v16 =	vmul.f32 v16, v55;
	v13 =	vadd.f32 v15, v13;
	v17 =	vmul.f32 v17, v57  }
0x258: {  	v22 =	vmax.f32 v22, v24;
	v11 =	vadd.f32 v14, v11;
	v14 =	vmul.f32 v21, v57  }
0x259: {  	v15 =	vmul.f32 v22, v55;
	v13 =	vadd.f32 v16, v13;
	v10 =	vadd.f32 v17, v10  }
0x25a: {  	v16 =	vmul.f32 v18, v55;
	v14 =	vadd.f32 v14, v19;
	v11 =	vadd.f32 v12, v11  }
0x25b: {  	v12 =	vmul.f32 $1.442695020e+00, v13;
	v10 =	vadd.f32 v15, v10  }
0x25c: {  	v13 =	vadd.f32 v16, v14;
	v11 =	vmul.f32 $1.442695020e+00, v11  }
0x25d: {  	(erf) = vpow2.f32 v12;
	v10 =	vmul.f32 $1.442695020e+00, v10  }
0x25e: {  	(erf) = vpow2.f32 v11;
	v11 =	vmul.f32 $1.442695020e+00, v13  }
0x25f: {  	(erf) = vpow2.f32 v10  }
0x260: {  	(erf) = vpow2.f32 v11;
	_ =	sdelay $0x1  }
0x261: {  	v10 =	vor.u32 $0x1, v2  }
0x262: {  	s7 =	simm.s32 $0x0;
	v14 =	vor.u32 $0x101, v2  }
0x263: {  	v15 =	vor.u32 $0x201, v2;
	v11 =	vadd.s32 s7, v0  }
0x264: {  	v16 =	vor.u32 $0x301, v2;
	v11 =	vand.u32 $0x7F, v11  }
0x265: {  	v13 =	vpop (erf)  }
0x266: {  	v17 =	vor.u32 v1, v11;
	v12 =	vpop (erf);
	[tilespmem:v10+s29+$0x0] =	vst.idx.msk $0xffff, v13  }
0x267: {  	[tilespmem:v14+s29+$0x0] =	vst.idx.msk $0xffff, v12;
	v11 =	vpop (erf)  }
0x268: {  	[tilespmem:v15+s29+$0x0] =	vst.idx.msk $0xffff, v11;
	v10 =	vpop (erf)  }
0x269: {  	[tilespmem:v16+s29+$0x0] =	vst.idx.msk $0xffff, v10  }
0x26a: {  	[spmem:s2] =	stream.indirect.scatter.add.f32 [tilespmem:s29], [sflag:$0x3], $0x10, s18, s18, $0xb8;
	[tilespmem:$0x1DE80] =	vst v63  }
0x26b: {  	s13 =	simm.s32 $0x1;
	v14 =	vld.idx.msk [tilespmem:v17+s24+$0x0], $0xffff  }
0x26c: {  	v15 =	vadd.s32 s13, v0  }
0x26d: {  	v15 =	vand.u32 $0x7F, v15  }
0x26e: {  	v15 =	vor.u32 v1, v15;
	_ =	sdelay $0x1  }
0x26f: {  	v14 =	vmul.f32 v14, v13;
	_ =	sdelay $0x1  }
0x270: {  	[tilespmem:v17+s30+$0x0] =	vst.idx.msk $0xffff, v14  }
0x271: {  	s7 =	simm.s32 $0x2;
	v16 =	vld.idx.msk [tilespmem:v15+s24+$0x0], $0xffff  }
0x272: {  	v14 =	vadd.s32 s7, v0  }
0x273: {  	v14 =	vand.u32 $0x7F, v14  }
0x274: {  	v14 =	vor.u32 v1, v14;
	_ =	sdelay $0x1  }
0x275: {  	s8 =	simm.s32 $0x4;
	v16 =	vmul.f32 v16, v13  }
.LBB2_27:
0x276: {  	_ = 	snop  }
0x277: {  	p0 =	slt.u32 s8, $0x7E;
	s9 =	smov.u32 s8;
	s8 =	sadd.s32 $0x2, s8;
	[tilespmem:v15+s30+$0x0] =	vst.idx.msk $0xffff, v16  }
0x278: {  	v16 =	vld.idx.msk [tilespmem:v14+s24+$0x0], $0xffff  }
0x279: {  	s13 =	sadd.s32 $0x1, s7;
	s7 =	smov.u32 s9  }
0x27a: {  	v15 =	vadd.s32 s13, v0  }
0x27b: {  	v15 =	vand.u32 $0x7F, v15  }
0x27c: {  	v15 =	vor.u32 v1, v15;
	_ =	sdelay $0x1  }
0x27d: {  	v16 =	vmul.f32 v16, v13;
	_ =	sdelay $0x1  }
0x27e: {  	[tilespmem:v14+s30+$0x0] =	vst.idx.msk $0xffff, v16  }
0x27f: {  	v16 =	vld.idx.msk [tilespmem:v15+s24+$0x0], $0xffff;
	_ =	sdelay $0x1  }
.Ltmp12:
0x280: {  	v14 =	vadd.s32 s7, v0;
	(pc) =	sbr.rel @p0 .LBB2_27-.Ltmp12, $3  }
0x281: {  	v14 =	vand.u32 $0x7F, v14  }
0x282: {  	v14 =	vor.u32 v1, v14;
	_ =	sdelay $0x1  }
0x283: {  	v16 =	vmul.f32 v16, v13  }
0x284: {  	_ =	sdelay $0x3  }
0x285: {  	[tilespmem:v15+s30+$0x0] =	vst.idx.msk $0xffff, v16  }
0x286: {  	s7 =	sadd.s32 $0x1, s7;
	v15 =	vld.idx.msk [tilespmem:v14+s24+$0x0], $0xffff  }
0x287: {  	v16 =	vadd.s32 s7, v0  }
0x288: {  	v16 =	vand.u32 $0x7F, v16  }
0x289: {  	v16 =	vor.u32 v1, v16;
	_ =	sdelay $0x1  }
0x28a: {  	v15 =	vmul.f32 v15, v13;
	_ =	sdelay $0x1  }
0x28b: {  	[tilespmem:v14+s30+$0x0] =	vst.idx.msk $0xffff, v15  }
0x28c: {  	v14 =	vld.idx.msk [tilespmem:v16+s24+$0x0], $0xffff;
	_ =	sdelay $0x4  }
0x28d: {  	v13 =	vmul.f32 v14, v13;
	_ =	sdelay $0x1  }
0x28e: {  	[tilespmem:v16+s30+$0x0] =	vst.idx.msk $0xffff, v13  }
0x28f: {  	v13 =	vld [tilespmem:$0x40]  }
0x290: {  	s9 =	simm.s32 $0x0  }
0x291: {  	v14 =	vadd.s32 s9, v0  }
0x292: {  	v14 =	vand.u32 $0x7F, v14  }
0x293: {  	v15 =	vor.u32 v4, v14;
	_ =	sdelay $0x3  }
0x294: {  	[spmem:s3] =	stream.indirect_vreg.scatter.add.f32 [tilespmem:s30], [sflag:$0x4], $0x80, v13, vm0, $0xb8;
	[tilespmem:$0x1DE80] =	vst v63  }
0x295: {  	s13 =	simm.s32 $0x1;
	v13 =	vld.idx.msk [tilespmem:v15+s24+$0x0], $0xffff  }
0x296: {  	v14 =	vadd.s32 s13, v0  }
0x297: {  	v14 =	vand.u32 $0x7F, v14  }
0x298: {  	v14 =	vor.u32 v4, v14;
	_ =	sdelay $0x1  }
0x299: {  	v13 =	vmul.f32 v13, v12;
	_ =	sdelay $0x1  }
0x29a: {  	[tilespmem:v15+s30+$0x0] =	vst.idx.msk $0xffff, v13  }
0x29b: {  	s7 =	simm.s32 $0x2;
	v15 =	vld.idx.msk [tilespmem:v14+s24+$0x0], $0xffff  }
0x29c: {  	v13 =	vadd.s32 s7, v0  }
0x29d: {  	v13 =	vand.u32 $0x7F, v13  }
0x29e: {  	v13 =	vor.u32 v4, v13;
	_ =	sdelay $0x1  }
0x29f: {  	s8 =	simm.s32 $0x4;
	v15 =	vmul.f32 v15, v12  }
.LBB2_29:
0x2a0: {  	_ = 	snop  }
0x2a1: {  	p0 =	slt.u32 s8, $0x7E;
	s9 =	smov.u32 s8;
	s8 =	sadd.s32 $0x2, s8;
	[tilespmem:v14+s30+$0x0] =	vst.idx.msk $0xffff, v15  }
0x2a2: {  	v15 =	vld.idx.msk [tilespmem:v13+s24+$0x0], $0xffff  }
0x2a3: {  	s13 =	sadd.s32 $0x1, s7;
	s7 =	smov.u32 s9  }
0x2a4: {  	v14 =	vadd.s32 s13, v0  }
0x2a5: {  	v14 =	vand.u32 $0x7F, v14  }
0x2a6: {  	v14 =	vor.u32 v4, v14;
	_ =	sdelay $0x1  }
0x2a7: {  	v15 =	vmul.f32 v15, v12;
	_ =	sdelay $0x1  }
0x2a8: {  	[tilespmem:v13+s30+$0x0] =	vst.idx.msk $0xffff, v15  }
0x2a9: {  	v15 =	vld.idx.msk [tilespmem:v14+s24+$0x0], $0xffff;
	_ =	sdelay $0x1  }
.Ltmp13:
0x2aa: {  	v13 =	vadd.s32 s7, v0;
	(pc) =	sbr.rel @p0 .LBB2_29-.Ltmp13, $3  }
0x2ab: {  	v13 =	vand.u32 $0x7F, v13  }
0x2ac: {  	v13 =	vor.u32 v4, v13;
	_ =	sdelay $0x1  }
0x2ad: {  	v15 =	vmul.f32 v15, v12  }
0x2ae: {  	_ =	sdelay $0x3  }
0x2af: {  	[tilespmem:v14+s30+$0x0] =	vst.idx.msk $0xffff, v15  }
0x2b0: {  	s7 =	sadd.s32 $0x1, s7;
	v14 =	vld.idx.msk [tilespmem:v13+s24+$0x0], $0xffff  }
0x2b1: {  	v15 =	vadd.s32 s7, v0  }
0x2b2: {  	v15 =	vand.u32 $0x7F, v15  }
0x2b3: {  	v15 =	vor.u32 v4, v15;
	_ =	sdelay $0x1  }
0x2b4: {  	v14 =	vmul.f32 v14, v12;
	_ =	sdelay $0x1  }
0x2b5: {  	[tilespmem:v13+s30+$0x0] =	vst.idx.msk $0xffff, v14  }
0x2b6: {  	v13 =	vld.idx.msk [tilespmem:v15+s24+$0x0], $0xffff;
	_ =	sdelay $0x4  }
0x2b7: {  	v12 =	vmul.f32 v13, v12;
	_ =	sdelay $0x1  }
0x2b8: {  	[tilespmem:v15+s30+$0x0] =	vst.idx.msk $0xffff, v12  }
0x2b9: {  	v12 =	vld [tilespmem:$0x50]  }
0x2ba: {  	s9 =	simm.s32 $0x0  }
0x2bb: {  	v13 =	vadd.s32 s9, v0  }
0x2bc: {  	v13 =	vand.u32 $0x7F, v13  }
0x2bd: {  	v14 =	vor.u32 v5, v13;
	_ =	sdelay $0x3  }
0x2be: {  	[spmem:s3] =	stream.indirect_vreg.scatter.add.f32 [tilespmem:s31], [sflag:$0x4], $0x80, v12, vm0, $0xb8;
	[tilespmem:$0x1DE80] =	vst v63  }
0x2bf: {  	s13 =	simm.s32 $0x1;
	v12 =	vld.idx.msk [tilespmem:v14+s24+$0x0], $0xffff  }
0x2c0: {  	v13 =	vadd.s32 s13, v0  }
0x2c1: {  	v13 =	vand.u32 $0x7F, v13  }
0x2c2: {  	v13 =	vor.u32 v5, v13;
	_ =	sdelay $0x1  }
0x2c3: {  	v12 =	vmul.f32 v12, v11;
	_ =	sdelay $0x1  }
0x2c4: {  	[tilespmem:v14+s30+$0x0] =	vst.idx.msk $0xffff, v12  }
0x2c5: {  	s7 =	simm.s32 $0x2;
	v14 =	vld.idx.msk [tilespmem:v13+s24+$0x0], $0xffff  }
0x2c6: {  	v12 =	vadd.s32 s7, v0  }
0x2c7: {  	v12 =	vand.u32 $0x7F, v12  }
0x2c8: {  	v12 =	vor.u32 v5, v12;
	_ =	sdelay $0x1  }
0x2c9: {  	s8 =	simm.s32 $0x4;
	v14 =	vmul.f32 v14, v11  }
.LBB2_31:
0x2ca: {  	_ = 	snop  }
0x2cb: {  	p0 =	slt.u32 s8, $0x7E;
	s9 =	smov.u32 s8;
	s8 =	sadd.s32 $0x2, s8;
	[tilespmem:v13+s30+$0x0] =	vst.idx.msk $0xffff, v14  }
0x2cc: {  	v14 =	vld.idx.msk [tilespmem:v12+s24+$0x0], $0xffff  }
0x2cd: {  	s13 =	sadd.s32 $0x1, s7;
	s7 =	smov.u32 s9  }
0x2ce: {  	v13 =	vadd.s32 s13, v0  }
0x2cf: {  	v13 =	vand.u32 $0x7F, v13  }
0x2d0: {  	v13 =	vor.u32 v5, v13;
	_ =	sdelay $0x1  }
0x2d1: {  	v14 =	vmul.f32 v14, v11;
	_ =	sdelay $0x1  }
0x2d2: {  	[tilespmem:v12+s30+$0x0] =	vst.idx.msk $0xffff, v14  }
0x2d3: {  	v14 =	vld.idx.msk [tilespmem:v13+s24+$0x0], $0xffff;
	_ =	sdelay $0x1  }
.Ltmp14:
0x2d4: {  	v12 =	vadd.s32 s7, v0;
	(pc) =	sbr.rel @p0 .LBB2_31-.Ltmp14, $3  }
0x2d5: {  	v12 =	vand.u32 $0x7F, v12  }
0x2d6: {  	v12 =	vor.u32 v5, v12;
	_ =	sdelay $0x1  }
0x2d7: {  	v14 =	vmul.f32 v14, v11  }
0x2d8: {  	_ =	sdelay $0x3  }
0x2d9: {  	[tilespmem:v13+s30+$0x0] =	vst.idx.msk $0xffff, v14  }
0x2da: {  	s7 =	sadd.s32 $0x1, s7;
	v13 =	vld.idx.msk [tilespmem:v12+s24+$0x0], $0xffff  }
0x2db: {  	v14 =	vadd.s32 s7, v0  }
0x2dc: {  	v14 =	vand.u32 $0x7F, v14  }
0x2dd: {  	v14 =	vor.u32 v5, v14;
	_ =	sdelay $0x1  }
0x2de: {  	v13 =	vmul.f32 v13, v11;
	_ =	sdelay $0x1  }
0x2df: {  	[tilespmem:v12+s30+$0x0] =	vst.idx.msk $0xffff, v13  }
0x2e0: {  	v12 =	vld.idx.msk [tilespmem:v14+s24+$0x0], $0xffff;
	_ =	sdelay $0x4  }
0x2e1: {  	v11 =	vmul.f32 v12, v11;
	_ =	sdelay $0x1  }
0x2e2: {  	[tilespmem:v14+s30+$0x0] =	vst.idx.msk $0xffff, v11  }
0x2e3: {  	v11 =	vld [tilespmem:$0x60]  }
0x2e4: {  	s9 =	simm.s32 $0x0  }
0x2e5: {  	v12 =	vadd.s32 s9, v0  }
0x2e6: {  	v12 =	vand.u32 $0x7F, v12  }
0x2e7: {  	v13 =	vor.u32 v6, v12;
	_ =	sdelay $0x3  }
0x2e8: {  	[spmem:s3] =	stream.indirect_vreg.scatter.add.f32 [tilespmem:s0], [sflag:$0x4], $0x80, v11, vm0, $0xb8;
	[tilespmem:$0x1DE80] =	vst v63  }
0x2e9: {  	s13 =	simm.s32 $0x1;
	v11 =	vld.idx.msk [tilespmem:v13+s24+$0x0], $0xffff  }
0x2ea: {  	v12 =	vadd.s32 s13, v0  }
0x2eb: {  	v12 =	vand.u32 $0x7F, v12  }
0x2ec: {  	v12 =	vor.u32 v6, v12;
	_ =	sdelay $0x1  }
0x2ed: {  	v11 =	vmul.f32 v11, v10;
	_ =	sdelay $0x1  }
0x2ee: {  	[tilespmem:v13+s30+$0x0] =	vst.idx.msk $0xffff, v11  }
0x2ef: {  	s7 =	simm.s32 $0x2;
	v13 =	vld.idx.msk [tilespmem:v12+s24+$0x0], $0xffff  }
0x2f0: {  	v11 =	vadd.s32 s7, v0  }
0x2f1: {  	v11 =	vand.u32 $0x7F, v11  }
0x2f2: {  	v11 =	vor.u32 v6, v11;
	_ =	sdelay $0x1  }
0x2f3: {  	s8 =	simm.s32 $0x4;
	v13 =	vmul.f32 v13, v10  }
.LBB2_33:
0x2f4: {  	_ = 	snop  }
0x2f5: {  	p0 =	slt.u32 s8, $0x7E;
	s9 =	smov.u32 s8;
	s8 =	sadd.s32 $0x2, s8;
	[tilespmem:v12+s30+$0x0] =	vst.idx.msk $0xffff, v13  }
0x2f6: {  	v13 =	vld.idx.msk [tilespmem:v11+s24+$0x0], $0xffff  }
0x2f7: {  	s13 =	sadd.s32 $0x1, s7;
	s7 =	smov.u32 s9  }
0x2f8: {  	v12 =	vadd.s32 s13, v0  }
0x2f9: {  	v12 =	vand.u32 $0x7F, v12  }
0x2fa: {  	v12 =	vor.u32 v6, v12;
	_ =	sdelay $0x1  }
0x2fb: {  	v13 =	vmul.f32 v13, v10;
	_ =	sdelay $0x1  }
0x2fc: {  	[tilespmem:v11+s30+$0x0] =	vst.idx.msk $0xffff, v13  }
0x2fd: {  	v13 =	vld.idx.msk [tilespmem:v12+s24+$0x0], $0xffff;
	_ =	sdelay $0x1  }
.Ltmp15:
0x2fe: {  	v11 =	vadd.s32 s7, v0;
	(pc) =	sbr.rel @p0 .LBB2_33-.Ltmp15, $3  }
0x2ff: {  	v11 =	vand.u32 $0x7F, v11  }
0x300: {  	v11 =	vor.u32 v6, v11;
	_ =	sdelay $0x1  }
0x301: {  	v13 =	vmul.f32 v13, v10  }
0x302: {  	_ =	sdelay $0x3  }
0x303: {  	[tilespmem:v12+s30+$0x0] =	vst.idx.msk $0xffff, v13  }
0x304: {  	s7 =	sadd.s32 $0x1, s7;
	v12 =	vld.idx.msk [tilespmem:v11+s24+$0x0], $0xffff  }
0x305: {  	v63 =	vadd.s32 s7, v0  }
0x306: {  	v13 =	vand.u32 $0x7F, v63  }
0x307: {  	v13 =	vor.u32 v6, v13;
	_ =	sdelay $0x1  }
0x308: {  	v12 =	vmul.f32 v12, v10;
	_ =	sdelay $0x1  }
0x309: {  	[tilespmem:v11+s30+$0x0] =	vst.idx.msk $0xffff, v12  }
0x30a: {  	v11 =	vld.idx.msk [tilespmem:v13+s24+$0x0], $0xffff;
	_ =	sdelay $0x4  }
0x30b: {  	v10 =	vmul.f32 v11, v10;
	_ =	sdelay $0x1  }
0x30c: {  	[tilespmem:v13+s30+$0x0] =	vst.idx.msk $0xffff, v10  }
0x30d: {  	v10 =	vld [tilespmem:$0x70];
	_ =	sdelay $0x7  }
0x30e: {  	[spmem:s3] =	stream.indirect_vreg.scatter.add.f32 [tilespmem:s1], [sflag:$0x4], $0x80, v10, vm0, $0xb8;
	[tilespmem:$0x1DE80] =	vst v63  }
0x30f: {  	_ =	swait.ge [sflag:s12], $0x800  }
0x310: {  	[sflag:s12] =	ssyncset.done $0x0  }
0x311: {  	[sflag:s12] =	ssyncadd.s32 $0xFFFFF800  }
0x312: {  	_ =	swait.ge [sflag:s12], $0x800  }
0x313: {  	[sflag:s12] =	ssyncset.done $0x0  }
0x314: {  	[sflag:s12] =	ssyncadd.s32 $0xFFFFF800  }
0x315: {  	_ =	swait.ge [sflag:s12], $0x800  }
0x316: {  	[sflag:s12] =	ssyncset.done $0x0  }
0x317: {  	s15 =	sadd.s32 $0x1, s15;
	[sflag:s12] =	ssyncadd.s32 $0xFFFFF800  }
0x318: {  	p0 =	sne.s32 s15, $0x54;
	_ =	swait.ge [sflag:s12], $0x800  }
.Ltmp16:
0x319: {  	[sflag:s12] =	ssyncset.done $0x0;
	(pc) =	sbr.rel @p0 .LBB2_24-.Ltmp16, $4  }
0x31a: {  	[sflag:s12] =	ssyncadd.s32 $0xFFFFF800  }
0x31b: {  	_ =	swait.ge [sflag:s21], $0x400  }
0x31c: {  	[sflag:s21] =	ssyncset.done $0x0  }
0x31d: {  	[sflag:s21] =	ssyncadd.s32 $0xFFFFFC00  }
0x31e: {  	[bflag:$0x0] =	sbarrier.arrive $0xFFFF  }
0x31f: {  	s7 =	sld [smem:$0x7F4]  }
0x320: {  	s8 =	sld [smem:$0x7F5];
	_ =	sdelay $0x1  }
0x321: {  	s4 =	rddreg [dreg:$0xa]  }
0x322: {  	[hbm:s4], [sflag:s7] =	dma.local [spmem:s8], $0x2800  }
0x323: {  	_ =	swait.ge [sflag:s14], $0x2800  }
0x324: {  	[sflag:s14] =	ssyncset.done $0x0  }
0x325: {  	[sflag:s14] =	ssyncadd.s32 $0xFFFFD800  }
0x326: {  	[bflag:$0x0] =	sbarrier.arrive $0xFFFF  }
0x327: {  	s13 =	simm.s32 $0x6E80;
	s8 =	simm.s32 $0x0;
	s9 =	rddreg [dreg:$0x13]  }
0x328: {  	[tilespmem:s13], [sflag:$0x5] =	stream.linear.gather [hbm4b:s9+s8], $0x800, $0x38;
	[tilespmem:$0x1DE80] =	vst v63  }
0x329: {  	_ =	swait.ge [sflag:s14], $0x800  }
0x32a: {  	[sflag:s14] =	ssyncset.done $0x0  }
0x32b: {  	s15 =	sadd.s32 $0x0, s22;
	[sflag:s14] =	ssyncadd.s32 $0xFFFFF800  }
0x32c: {  	[spmem:s15] =	stream.linear.scatter [tilespmem:s16], [sflag:$0x5], $0x800, $0x38;
	[tilespmem:$0x1DE80] =	vst v63  }
0x32d: {  	s4 =	simm.s32 $0x2000;
	_ =	swait.ge [sflag:s14], $0x800  }
.LBB2_36:
0x32e: {  	s7 =	sshra.s32 s4, $0x2;
	[sflag:s14] =	ssyncset.done $0x0;
	p0 =	sne.s32 s4, $0x4E000  }
.Ltmp17:
0x32f: {  	s7 =	sadd.s32 s7, s22;
	[sflag:s14] =	ssyncadd.s32 $0xFFFFF800;
	(pc) =	sbr.rel @p0 .LBB2_36-.Ltmp17, $3  }
0x330: {  	[spmem:s7] =	stream.linear.scatter [tilespmem:s16], [sflag:$0x5], $0x800, $0x38;
	[tilespmem:$0x1DE80] =	vst v63  }
0x331: {  	s4 =	sadd.s32 $0x2000, s4;
	_ =	sdelay $0x1  }
0x332: {  	_ =	swait.ge [sflag:s14], $0x800  }
0x333: {  	[sflag:s14] =	ssyncset.done $0x0  }
0x334: {  	s4 =	simm.s32 $0x40;
	s7 =	simm.s32 $0x0;
	[sflag:s14] =	ssyncadd.s32 $0xFFFFF800  }
.LBB2_38:
0x335: {  	p0 =	sne.s32 s4, $0xFC0;
	[tilespmem:s7+$0x4080] =	vst v3;
	s7 =	smov.u32 s4;
	s4 =	sadd.s32 $0x40, s4  }
.Ltmp18:
0x336: {  	(pc) =	sbr.rel @p0 .LBB2_38-.Ltmp18, $2  }
0x337: {  	_ =	sdelay $0x2  }
0x338: {  	s7 =	sshra.s32 s7, $0x2  }
0x339: {  	[tilespmem:s7+$0x4080] =	vst v3  }
0x33a: {  	s4 =	simm.s32 $0x0;
	s15 =	simm.s32 $0x0;
	[bflag:$0x0] =	sbarrier.arrive $0xFFFF  }
.LBB2_40:
0x33b: {  	s7 =	sshll.u32 s15, $0x6  }
0x33c: {  	s7 =	sadd.s32 s23, s7  }
0x33d: {  	s7 =	sshrl.u32 s7, $0x3  }
0x33e: {  	s8 =	sadd.s32 s5, s7  }
0x33f: {  	[tilespmem:s4], [sflag:$0x5] =	stream.linear.gather [hbm4b:s8+s4], $0x40, $0x38;
	[tilespmem:$0x1DE80] =	vst v63  }
0x340: {  	_ =	swait.ge [sflag:s14], $0x40  }
0x341: {  	[sflag:s14] =	ssyncset.done $0x0  }
0x342: {  	s7 =	sadd.s32 s6, s7;
	[sflag:s14] =	ssyncadd.s32 $0xFFFFFFC0  }
0x343: {  	[tilespmem:s18], [sflag:$0x5] =	stream.linear.gather [hbm4b:s7+s4], $0x40, $0x38;
	[tilespmem:$0x1DE80] =	vst v63  }
0x344: {  	_ =	swait.ge [sflag:s14], $0x40  }
0x345: {  	[sflag:s14] =	ssyncset.done $0x0  }
0x346: {  	s9 =	rddreg [dreg:$0x8];
	[sflag:s14] =	ssyncadd.s32 $0xFFFFFFC0  }
0x347: {  	[tilespmem:s24], [sflag:$0x1] =	stream.indirect.gather [hbm4b:s9+s18], $0x80, s4, s18, $0xb8;
	[tilespmem:$0x1DE80] =	vst v63  }
0x348: {  	s13 =	simm.s32 $0x1  }
0x349: {  	v10 =	vadd.s32 s13, v0;
	[tilespmem:s25], [sflag:$0x2] =	stream.indirect.gather [hbm4b:s19+s18], $0x80, s18, s18, $0xb8;
	[tilespmem:$0x1DE80] =	vst v63  }
0x34a: {  	v10 =	vand.u32 $0x7F, v10;
	_ =	swait.ge [sflag:s26], $0x2000  }
0x34b: {  	v11 =	vor.u32 v4, v10;
	[sflag:s26] =	ssyncset.done $0x0  }
0x34c: {  	[sflag:s26] =	ssyncadd.s32 $0xFFFFE000  }
0x34d: {  	v12 =	vor.u32 v6, v10;
	_ =	swait.ge [sflag:s28], $0x2000  }
0x34e: {  	[sflag:s28] =	ssyncset.done $0x0  }
0x34f: {  	v13 =	vor.u32 v1, v10;
	[sflag:s28] =	ssyncadd.s32 $0xFFFFE000  }
0x350: {  	v14 =	vld.idx.msk [tilespmem:v11+s24+$0x0], $0xffff  }
0x351: {  	v15 =	vor.u32 v5, v10;
	v18 =	vld.idx.msk [tilespmem:v11+s25+$0x0], $0xffff  }
0x352: {  	v16 =	vld.idx.msk [tilespmem:v12+s24+$0x0], $0xffff  }
0x353: {  	v10 =	vadd.s32 s4, v0;
	v12 =	vld.idx.msk [tilespmem:v12+s25+$0x0], $0xffff  }
0x354: {  	v17 =	vand.u32 $0x7F, v10;
	v19 =	vld.idx.msk [tilespmem:v13+s24+$0x0], $0xffff  }
0x355: {  	v21 =	vor.u32 v6, v17;
	v13 =	vld.idx.msk [tilespmem:v13+s25+$0x0], $0xffff  }
0x356: {  	s8 =	simm.s32 $0x6E90;
	v23 =	vor.u32 v4, v17;
	v22 =	vld.idx.msk [tilespmem:v15+s24+$0x0], $0xffff  }
0x357: {  	v10 =	vld [tilespmem:s8+$0xFFFFFFF0]  }
0x358: {  	v11 =	vld [tilespmem:s8+$0x0]  }
0x359: {  	v20 =	vor.u32 v1, v17;
	v15 =	vld.idx.msk [tilespmem:v15+s25+$0x0], $0xffff  }
0x35a: {  	v24 =	vor.u32 v5, v17;
	s9 =	simm.s32 $0x3;
	v25 =	vld.idx.msk [tilespmem:v21+s25+$0x0], $0xffff  }
0x35b: {  	v17 =	vadd.s32 s9, v0;
	v29 =	vld.idx.msk [tilespmem:v23+s24+$0x0], $0xffff  }
0x35c: {  	v28 =	vand.u32 $0x7F, v17;
	v23 =	vld.idx.msk [tilespmem:v23+s25+$0x0], $0xffff  }
0x35d: {  	v30 =	vor.u32 v4, v28;
	v33 =	vld.idx.msk [tilespmem:v21+s24+$0x0], $0xffff  }
0x35e: {  	v26 =	vld.idx.msk [tilespmem:v20+s24+$0x0], $0xffff  }
0x35f: {  	v32 =	vor.u32 v6, v28;
	v17 =	vld.idx.msk [tilespmem:v24+s25+$0x0], $0xffff;
	v31 =	vadd.f32 v12, v16  }
0x360: {  	v36 =	vor.u32 v1, v28;
	v27 =	vld.idx.msk [tilespmem:v24+s24+$0x0], $0xffff;
	v13 =	vadd.f32 v13, v19;
	v15 =	vadd.f32 v15, v22  }
0x361: {  	s13 =	simm.s32 $0x2;
	v19 =	vld.idx.msk [tilespmem:v20+s25+$0x0], $0xffff;
	v16 =	vimm.f32 $0.0e+00;
	v22 =	vor.u32 v5, v28;
	v34 =	vadd.f32 v23, v29  }
0x362: {  	v21 =	vld.idx.msk [tilespmem:v30+s25+$0x0], $0xffff;
	v29 =	vadd.f32 v18, v14;
	v14 =	vadd.s32 s13, v0;
	v33 =	vadd.f32 v25, v33  }
0x363: {  	v12 =	vld.idx.msk [tilespmem:v30+s24+$0x0], $0xffff;
	v38 =	vand.u32 $0x7F, v14;
	v14 =	vimm.f32 $0.0e+00;
	v20 =	vmul.f32 $2.000000030e-01, v31  }
0x364: {  	v18 =	vld.idx.msk [tilespmem:v32+s24+$0x0], $0xffff;
	v24 =	vmul.f32 $2.000000030e-01, v13;
	v39 =	vmul.f32 $2.000000030e-01, v34;
	v25 =	vor.u32 v1, v38  }
0x365: {  	v23 =	vld.idx.msk [tilespmem:v32+s25+$0x0], $0xffff;
	v30 =	vor.u32 v6, v38;
	v37 =	vmul.f32 $2.000000030e-01, v33;
	v28 =	vmax.f32 v31, v20  }
0x366: {  	v20 =	vmul.f32 $2.000000030e-01, v15;
	v13 =	vmax.f32 v13, v24;
	v32 =	vadd.f32 v19, v26;
	v26 =	vld.idx.msk [tilespmem:v36+s25+$0x0], $0xffff  }
0x367: {  	v31 =	vor.u32 v4, v38;
	v13 =	vmul.f32 v13, v11;
	v24 =	vld.idx.msk [tilespmem:v22+s24+$0x0], $0xffff;
	v19 =	vimm.f32 $0.0e+00  }
0x368: {  	s7 =	simm.s32 $0x4;
	s13 =	simm.s32 $0x6EB0;
	v35 =	vmax.f32 v15, v20;
	v20 =	vld.idx.msk [tilespmem:v36+s24+$0x0], $0xffff;
	v36 =	vmul.f32 $2.000000030e-01, v29;
	v15 =	vimm.f32 $0.0e+00  }
.LBB2_41:
0x369: {  	p0 =	slt.u32 s7, $0x7E;
	v40 =	vld [tilespmem:s13+$0xFFFFFFF0];
	v38 =	vor.u32 v5, v38;
	v34 =	vmax.f32 v34, v39;
	v39 =	vmov v21;
	s8 =	smov.u32 s7;
	s7 =	sadd.s32 $0x2, s7  }
0x36a: {  	v27 =	vadd.f32 v17, v27;
	v35 =	vmul.f32 v35, v11;
	s9 =	sadd.s32 $0x1, s8;
	v21 =	vld [tilespmem:s13+$0x0];
	v34 =	vmul.f32 v34, v10  }
0x36b: {  	v28 =	vmul.f32 v28, v11;
	v17 =	vadd.s32 s9, v0;
	v41 =	vld.idx.msk [tilespmem:v22+s25+$0x0], $0xffff;
	v22 =	vmax.f32 v33, v37  }
0x36c: {  	v33 =	vmul.f32 $2.000000030e-01, v32;
	v37 =	vld.idx.msk [tilespmem:v25+s24+$0x0], $0xffff;
	v16 =	vadd.f32 v34, v16;
	v34 =	vmul.f32 $2.000000030e-01, v27  }
0x36d: {  	v42 =	vand.u32 $0x7F, v17;
	v17 =	vmul.f32 v22, v10;
	v22 =	vmax.f32 v29, v36;
	v43 =	vld.idx.msk [tilespmem:v30+s25+$0x0], $0xffff  }
0x36e: {  	v36 =	vor.u32 v1, v42;
	v29 =	vor.u32 v4, v42;
	v32 =	vmax.f32 v32, v33;
	v44 =	vld.idx.msk [tilespmem:v31+s24+$0x0], $0xffff  }
0x36f: {  	v33 =	vor.u32 v6, v42;
	v11 =	vmul.f32 v22, v11;
	v19 =	vadd.f32 v17, v19;
	v31 =	vld.idx.msk [tilespmem:v31+s25+$0x0], $0xffff  }
0x370: {  	v18 =	vadd.f32 v23, v18;
	v23 =	vmul.f32 v32, v10;
	v27 =	vmax.f32 v27, v34;
	v17 =	vld.idx.msk [tilespmem:v38+s25+$0x0], $0xffff  }
0x371: {  	v22 =	vor.u32 v5, v42;
	v16 =	vadd.f32 v11, v16;
	v19 =	vadd.f32 v28, v19;
	v30 =	vld.idx.msk [tilespmem:v30+s24+$0x0], $0xffff  }
0x372: {  	v20 =	vadd.f32 v26, v20;
	v26 =	vmul.f32 v27, v10;
	v10 =	vmovc v40;
	v32 =	vld.idx.msk [tilespmem:v25+s25+$0x0], $0xffff;
	v25 =	vmul.f32 $2.000000030e-01, v18  }
0x373: {  	v24 =	vadd.f32 v41, v24;
	v15 =	vadd.f32 v23, v15;
	v11 =	vmov v21;
	v27 =	vld.idx.msk [tilespmem:v38+s24+$0x0], $0xffff  }
0x374: {  	v23 =	vmul.f32 $2.000000030e-01, v20;
	v14 =	vadd.f32 v26, v14;
	v40 =	vld.idx.msk [tilespmem:v29+s24+$0x0], $0xffff;
	v28 =	vmax.f32 v18, v25  }
0x375: {  	v15 =	vadd.f32 v13, v15;
	v34 =	vadd.f32 v31, v44;
	v25 =	vmul.f32 $2.000000030e-01, v24;
	v21 =	vld.idx.msk [tilespmem:v29+s25+$0x0], $0xffff  }
.Ltmp19:
0x376: {  	v13 =	vmax.f32 v20, v23;
	v14 =	vadd.f32 v35, v14;
	v29 =	vadd.f32 v39, v12;
	v18 =	vld.idx.msk [tilespmem:v33+s24+$0x0], $0xffff;
	(pc) =	sbr.rel @p0 .LBB2_41-.Ltmp19, $4  }
0x377: {  	v12 =	vadd.s32 s8, v0;
	v35 =	vmax.f32 v24, v25;
	v23 =	vld.idx.msk [tilespmem:v33+s25+$0x0], $0xffff;
	v33 =	vadd.f32 v43, v30  }
0x378: {  	v13 =	vmul.f32 v13, v11;
	v38 =	vand.u32 $0x7F, v12;
	v39 =	vmul.f32 $2.000000030e-01, v34;
	v20 =	vld.idx.msk [tilespmem:v36+s24+$0x0], $0xffff  }
0x379: {  	v25 =	vor.u32 v1, v38;
	v31 =	vor.u32 v4, v38;
	v32 =	vadd.f32 v32, v37;
	v26 =	vld.idx.msk [tilespmem:v36+s25+$0x0], $0xffff  }
0x37a: {  	s13 =	sadd.s32 $0x20, s13;
	v30 =	vor.u32 v6, v38;
	v37 =	vmul.f32 $2.000000030e-01, v33;
	v36 =	vmul.f32 $2.000000030e-01, v29;
	v12 =	vmovc v40;
	v24 =	vld.idx.msk [tilespmem:v22+s24+$0x0], $0xffff  }
0x37b: {  	_ =	sdelay $0x3  }
0x37c: {  	v22 =	vld.idx.msk [tilespmem:v22+s25+$0x0], $0xffff  }
0x37d: {  	v44 =	vld.idx.msk [tilespmem:v25+s24+$0x0], $0xffff  }
0x37e: {  	v38 =	vor.u32 v5, v38;
	v34 =	vmax.f32 v34, v39;
	v46 =	vld.idx.msk [tilespmem:v30+s25+$0x0], $0xffff  }
0x37f: {  	v17 =	vadd.f32 v17, v27;
	v45 =	vmul.f32 v35, v11;
	v28 =	vmul.f32 v28, v11;
	v40 =	vld.idx.msk [tilespmem:v31+s24+$0x0], $0xffff  }
0x380: {  	v47 =	vmul.f32 $2.000000030e-01, v32;
	v48 =	vld.idx.msk [tilespmem:v31+s25+$0x0], $0xffff;
	v12 =	vadd.f32 v21, v12;
	v34 =	vmul.f32 v34, v10  }
0x381: {  	v52 =	vld.idx.msk [tilespmem:v25+s25+$0x0], $0xffff;
	v33 =	vmax.f32 v33, v37;
	v29 =	vmax.f32 v29, v36;
	v18 =	vadd.f32 v23, v18  }
0x382: {  	v53 =	vld.idx.msk [tilespmem:v30+s24+$0x0], $0xffff;
	v33 =	vmul.f32 v33, v10;
	v49 =	vmul.f32 $2.000000030e-01, v17;
	v32 =	vmax.f32 v32, v47  }
0x383: {  	v55 =	vld [tilespmem:s13+$0x0];
	v11 =	vmul.f32 v29, v11;
	v63 =	vmul.f32 $2.000000030e-01, v12;
	v16 =	vadd.f32 v34, v16  }
0x384: {  	v51 =	vmul.f32 v32, v10;
	v54 =	vmul.f32 $2.000000030e-01, v18;
	v17 =	vmax.f32 v17, v49;
	v50 =	vld.idx.msk [tilespmem:v38+s25+$0x0], $0xffff  }
0x385: {  	v19 =	vadd.f32 v33, v19;
	v11 =	vadd.f32 v11, v16;
	v10 =	vmul.f32 v17, v10;
	v17 =	vld.idx.msk [tilespmem:v38+s24+$0x0], $0xffff  }
0x386: {  	v12 =	vmax.f32 v12, v63;
	v16 =	vadd.f32 v26, v20;
	v15 =	vadd.f32 v51, v15  }
0x387: {  	v22 =	vadd.f32 v22, v24;
	v18 =	vmax.f32 v18, v54;
	v58 =	vadd.f32 v46, v53  }
0x388: {  	v57 =	vld [tilespmem:s13+$0xFFFFFFF0];
	v12 =	vmul.f32 v12, v55;
	v13 =	vadd.f32 v13, v15;
	v15 =	vadd.f32 v52, v44  }
0x389: {  	v56 =	vmul.f32 $2.000000030e-01, v16;
	v10 =	vadd.f32 v10, v14;
	v14 =	vadd.f32 v48, v40  }
0x38a: {  	v24 =	vmul.f32 $2.000000030e-01, v22;
	v59 =	vmul.f32 $2.000000030e-01, v15;
	v17 =	vadd.f32 v50, v17  }
0x38b: {  	v19 =	vadd.f32 v28, v19;
	v61 =	vmul.f32 $2.000000030e-01, v58;
	v60 =	vmul.f32 $2.000000030e-01, v14  }
0x38c: {  	v16 =	vmax.f32 v16, v56;
	v15 =	vmax.f32 v15, v59;
	v62 =	vmul.f32 $2.000000030e-01, v17  }
0x38d: {  	v10 =	vadd.f32 v45, v10;
	v14 =	vmax.f32 v14, v60;
	v15 =	vmul.f32 v15, v57  }
0x38e: {  	v21 =	vmax.f32 v58, v61;
	v14 =	vmul.f32 v14, v57;
	v17 =	vmax.f32 v17, v62  }
0x38f: {  	v16 =	vmul.f32 v16, v55;
	v13 =	vadd.f32 v15, v13;
	v17 =	vmul.f32 v17, v57  }
0x390: {  	v22 =	vmax.f32 v22, v24;
	v11 =	vadd.f32 v14, v11;
	v14 =	vmul.f32 v21, v57  }
0x391: {  	v15 =	vmul.f32 v22, v55;
	v13 =	vadd.f32 v16, v13;
	v10 =	vadd.f32 v17, v10  }
0x392: {  	v16 =	vmul.f32 v18, v55;
	v14 =	vadd.f32 v14, v19;
	v11 =	vadd.f32 v12, v11  }
0x393: {  	v12 =	vmul.f32 $1.442695020e+00, v13;
	v10 =	vadd.f32 v15, v10  }
0x394: {  	v13 =	vadd.f32 v16, v14;
	v11 =	vmul.f32 $1.442695020e+00, v11  }
0x395: {  	(erf) = vpow2.f32 v12;
	v10 =	vmul.f32 $1.442695020e+00, v10  }
0x396: {  	(erf) = vpow2.f32 v11;
	v11 =	vmul.f32 $1.442695020e+00, v13  }
0x397: {  	(erf) = vpow2.f32 v10  }
0x398: {  	(erf) = vpow2.f32 v11;
	_ =	sdelay $0x1  }
0x399: {  	v10 =	vor.u32 $0x2, v2  }
0x39a: {  	s7 =	simm.s32 $0x0;
	v14 =	vor.u32 $0x102, v2  }
0x39b: {  	v15 =	vor.u32 $0x202, v2;
	v11 =	vadd.s32 s7, v0  }
0x39c: {  	v16 =	vor.u32 $0x302, v2;
	v11 =	vand.u32 $0x7F, v11  }
0x39d: {  	v13 =	vpop (erf)  }
0x39e: {  	v17 =	vor.u32 v1, v11;
	v12 =	vpop (erf);
	[tilespmem:v10+s29+$0x0] =	vst.idx.msk $0xffff, v13  }
0x39f: {  	[tilespmem:v14+s29+$0x0] =	vst.idx.msk $0xffff, v12;
	v11 =	vpop (erf)  }
0x3a0: {  	[tilespmem:v15+s29+$0x0] =	vst.idx.msk $0xffff, v11;
	v10 =	vpop (erf)  }
0x3a1: {  	[tilespmem:v16+s29+$0x0] =	vst.idx.msk $0xffff, v10  }
0x3a2: {  	[spmem:s2] =	stream.indirect.scatter.add.f32 [tilespmem:s29], [sflag:$0x3], $0x10, s18, s18, $0xb8;
	[tilespmem:$0x1DE80] =	vst v63  }
0x3a3: {  	s13 =	simm.s32 $0x1;
	v14 =	vld.idx.msk [tilespmem:v17+s24+$0x0], $0xffff  }
0x3a4: {  	v15 =	vadd.s32 s13, v0  }
0x3a5: {  	v15 =	vand.u32 $0x7F, v15  }
0x3a6: {  	v15 =	vor.u32 v1, v15;
	_ =	sdelay $0x1  }
0x3a7: {  	v14 =	vmul.f32 v14, v13;
	_ =	sdelay $0x1  }
0x3a8: {  	[tilespmem:v17+s30+$0x0] =	vst.idx.msk $0xffff, v14  }
0x3a9: {  	s7 =	simm.s32 $0x2;
	v16 =	vld.idx.msk [tilespmem:v15+s24+$0x0], $0xffff  }
0x3aa: {  	v14 =	vadd.s32 s7, v0  }
0x3ab: {  	v14 =	vand.u32 $0x7F, v14  }
0x3ac: {  	v14 =	vor.u32 v1, v14;
	_ =	sdelay $0x1  }
0x3ad: {  	s8 =	simm.s32 $0x4;
	v16 =	vmul.f32 v16, v13  }
.LBB2_43:
0x3ae: {  	_ = 	snop  }
0x3af: {  	p0 =	slt.u32 s8, $0x7E;
	s9 =	smov.u32 s8;
	s8 =	sadd.s32 $0x2, s8;
	[tilespmem:v15+s30+$0x0] =	vst.idx.msk $0xffff, v16  }
0x3b0: {  	v16 =	vld.idx.msk [tilespmem:v14+s24+$0x0], $0xffff  }
0x3b1: {  	s13 =	sadd.s32 $0x1, s7;
	s7 =	smov.u32 s9  }
0x3b2: {  	v15 =	vadd.s32 s13, v0  }
0x3b3: {  	v15 =	vand.u32 $0x7F, v15  }
0x3b4: {  	v15 =	vor.u32 v1, v15;
	_ =	sdelay $0x1  }
0x3b5: {  	v16 =	vmul.f32 v16, v13;
	_ =	sdelay $0x1  }
0x3b6: {  	[tilespmem:v14+s30+$0x0] =	vst.idx.msk $0xffff, v16  }
0x3b7: {  	v16 =	vld.idx.msk [tilespmem:v15+s24+$0x0], $0xffff;
	_ =	sdelay $0x1  }
.Ltmp20:
0x3b8: {  	v14 =	vadd.s32 s7, v0;
	(pc) =	sbr.rel @p0 .LBB2_43-.Ltmp20, $3  }
0x3b9: {  	v14 =	vand.u32 $0x7F, v14  }
0x3ba: {  	v14 =	vor.u32 v1, v14;
	_ =	sdelay $0x1  }
0x3bb: {  	v16 =	vmul.f32 v16, v13  }
0x3bc: {  	_ =	sdelay $0x3  }
0x3bd: {  	[tilespmem:v15+s30+$0x0] =	vst.idx.msk $0xffff, v16  }
0x3be: {  	s7 =	sadd.s32 $0x1, s7;
	v15 =	vld.idx.msk [tilespmem:v14+s24+$0x0], $0xffff  }
0x3bf: {  	v16 =	vadd.s32 s7, v0  }
0x3c0: {  	v16 =	vand.u32 $0x7F, v16  }
0x3c1: {  	v16 =	vor.u32 v1, v16;
	_ =	sdelay $0x1  }
0x3c2: {  	v15 =	vmul.f32 v15, v13;
	_ =	sdelay $0x1  }
0x3c3: {  	[tilespmem:v14+s30+$0x0] =	vst.idx.msk $0xffff, v15  }
0x3c4: {  	v14 =	vld.idx.msk [tilespmem:v16+s24+$0x0], $0xffff;
	_ =	sdelay $0x4  }
0x3c5: {  	v13 =	vmul.f32 v14, v13;
	_ =	sdelay $0x1  }
0x3c6: {  	[tilespmem:v16+s30+$0x0] =	vst.idx.msk $0xffff, v13  }
0x3c7: {  	v13 =	vld [tilespmem:$0x40]  }
0x3c8: {  	s9 =	simm.s32 $0x0  }
0x3c9: {  	v14 =	vadd.s32 s9, v0  }
0x3ca: {  	v14 =	vand.u32 $0x7F, v14  }
0x3cb: {  	v15 =	vor.u32 v4, v14;
	_ =	sdelay $0x3  }
0x3cc: {  	[spmem:s3] =	stream.indirect_vreg.scatter.add.f32 [tilespmem:s30], [sflag:$0x4], $0x80, v13, vm0, $0xb8;
	[tilespmem:$0x1DE80] =	vst v63  }
0x3cd: {  	s13 =	simm.s32 $0x1;
	v13 =	vld.idx.msk [tilespmem:v15+s24+$0x0], $0xffff  }
0x3ce: {  	v14 =	vadd.s32 s13, v0  }
0x3cf: {  	v14 =	vand.u32 $0x7F, v14  }
0x3d0: {  	v14 =	vor.u32 v4, v14;
	_ =	sdelay $0x1  }
0x3d1: {  	v13 =	vmul.f32 v13, v12;
	_ =	sdelay $0x1  }
0x3d2: {  	[tilespmem:v15+s30+$0x0] =	vst.idx.msk $0xffff, v13  }
0x3d3: {  	s7 =	simm.s32 $0x2;
	v15 =	vld.idx.msk [tilespmem:v14+s24+$0x0], $0xffff  }
0x3d4: {  	v13 =	vadd.s32 s7, v0  }
0x3d5: {  	v13 =	vand.u32 $0x7F, v13  }
0x3d6: {  	v13 =	vor.u32 v4, v13;
	_ =	sdelay $0x1  }
0x3d7: {  	s8 =	simm.s32 $0x4;
	v15 =	vmul.f32 v15, v12  }
.LBB2_45:
0x3d8: {  	_ = 	snop  }
0x3d9: {  	p0 =	slt.u32 s8, $0x7E;
	s9 =	smov.u32 s8;
	s8 =	sadd.s32 $0x2, s8;
	[tilespmem:v14+s30+$0x0] =	vst.idx.msk $0xffff, v15  }
0x3da: {  	v15 =	vld.idx.msk [tilespmem:v13+s24+$0x0], $0xffff  }
0x3db: {  	s13 =	sadd.s32 $0x1, s7;
	s7 =	smov.u32 s9  }
0x3dc: {  	v14 =	vadd.s32 s13, v0  }
0x3dd: {  	v14 =	vand.u32 $0x7F, v14  }
0x3de: {  	v14 =	vor.u32 v4, v14;
	_ =	sdelay $0x1  }
0x3df: {  	v15 =	vmul.f32 v15, v12;
	_ =	sdelay $0x1  }
0x3e0: {  	[tilespmem:v13+s30+$0x0] =	vst.idx.msk $0xffff, v15  }
0x3e1: {  	v15 =	vld.idx.msk [tilespmem:v14+s24+$0x0], $0xffff;
	_ =	sdelay $0x1  }
.Ltmp21:
0x3e2: {  	v13 =	vadd.s32 s7, v0;
	(pc) =	sbr.rel @p0 .LBB2_45-.Ltmp21, $3  }
0x3e3: {  	v13 =	vand.u32 $0x7F, v13  }
0x3e4: {  	v13 =	vor.u32 v4, v13;
	_ =	sdelay $0x1  }
0x3e5: {  	v15 =	vmul.f32 v15, v12  }
0x3e6: {  	_ =	sdelay $0x3  }
0x3e7: {  	[tilespmem:v14+s30+$0x0] =	vst.idx.msk $0xffff, v15  }
0x3e8: {  	s7 =	sadd.s32 $0x1, s7;
	v14 =	vld.idx.msk [tilespmem:v13+s24+$0x0], $0xffff  }
0x3e9: {  	v15 =	vadd.s32 s7, v0  }
0x3ea: {  	v15 =	vand.u32 $0x7F, v15  }
0x3eb: {  	v15 =	vor.u32 v4, v15;
	_ =	sdelay $0x1  }
0x3ec: {  	v14 =	vmul.f32 v14, v12;
	_ =	sdelay $0x1  }
0x3ed: {  	[tilespmem:v13+s30+$0x0] =	vst.idx.msk $0xffff, v14  }
0x3ee: {  	v13 =	vld.idx.msk [tilespmem:v15+s24+$0x0], $0xffff;
	_ =	sdelay $0x4  }
0x3ef: {  	v12 =	vmul.f32 v13, v12;
	_ =	sdelay $0x1  }
0x3f0: {  	[tilespmem:v15+s30+$0x0] =	vst.idx.msk $0xffff, v12  }
0x3f1: {  	v12 =	vld [tilespmem:$0x50]  }
0x3f2: {  	s9 =	simm.s32 $0x0  }
0x3f3: {  	v13 =	vadd.s32 s9, v0  }
0x3f4: {  	v13 =	vand.u32 $0x7F, v13  }
0x3f5: {  	v14 =	vor.u32 v5, v13;
	_ =	sdelay $0x3  }
0x3f6: {  	[spmem:s3] =	stream.indirect_vreg.scatter.add.f32 [tilespmem:s31], [sflag:$0x4], $0x80, v12, vm0, $0xb8;
	[tilespmem:$0x1DE80] =	vst v63  }
0x3f7: {  	s13 =	simm.s32 $0x1;
	v12 =	vld.idx.msk [tilespmem:v14+s24+$0x0], $0xffff  }
0x3f8: {  	v13 =	vadd.s32 s13, v0  }
0x3f9: {  	v13 =	vand.u32 $0x7F, v13  }
0x3fa: {  	v13 =	vor.u32 v5, v13;
	_ =	sdelay $0x1  }
0x3fb: {  	v12 =	vmul.f32 v12, v11;
	_ =	sdelay $0x1  }
0x3fc: {  	[tilespmem:v14+s30+$0x0] =	vst.idx.msk $0xffff, v12  }
0x3fd: {  	s7 =	simm.s32 $0x2;
	v14 =	vld.idx.msk [tilespmem:v13+s24+$0x0], $0xffff  }
0x3fe: {  	v12 =	vadd.s32 s7, v0  }
0x3ff: {  	v12 =	vand.u32 $0x7F, v12  }
0x400: {  	v12 =	vor.u32 v5, v12;
	_ =	sdelay $0x1  }
0x401: {  	s8 =	simm.s32 $0x4;
	v14 =	vmul.f32 v14, v11  }
.LBB2_47:
0x402: {  	_ = 	snop  }
0x403: {  	p0 =	slt.u32 s8, $0x7E;
	s9 =	smov.u32 s8;
	s8 =	sadd.s32 $0x2, s8;
	[tilespmem:v13+s30+$0x0] =	vst.idx.msk $0xffff, v14  }
0x404: {  	v14 =	vld.idx.msk [tilespmem:v12+s24+$0x0], $0xffff  }
0x405: {  	s13 =	sadd.s32 $0x1, s7;
	s7 =	smov.u32 s9  }
0x406: {  	v13 =	vadd.s32 s13, v0  }
0x407: {  	v13 =	vand.u32 $0x7F, v13  }
0x408: {  	v13 =	vor.u32 v5, v13;
	_ =	sdelay $0x1  }
0x409: {  	v14 =	vmul.f32 v14, v11;
	_ =	sdelay $0x1  }
0x40a: {  	[tilespmem:v12+s30+$0x0] =	vst.idx.msk $0xffff, v14  }
0x40b: {  	v14 =	vld.idx.msk [tilespmem:v13+s24+$0x0], $0xffff;
	_ =	sdelay $0x1  }
.Ltmp22:
0x40c: {  	v12 =	vadd.s32 s7, v0;
	(pc) =	sbr.rel @p0 .LBB2_47-.Ltmp22, $3  }
0x40d: {  	v12 =	vand.u32 $0x7F, v12  }
0x40e: {  	v12 =	vor.u32 v5, v12;
	_ =	sdelay $0x1  }
0x40f: {  	v14 =	vmul.f32 v14, v11  }
0x410: {  	_ =	sdelay $0x3  }
0x411: {  	[tilespmem:v13+s30+$0x0] =	vst.idx.msk $0xffff, v14  }
0x412: {  	s7 =	sadd.s32 $0x1, s7;
	v13 =	vld.idx.msk [tilespmem:v12+s24+$0x0], $0xffff  }
0x413: {  	v14 =	vadd.s32 s7, v0  }
0x414: {  	v14 =	vand.u32 $0x7F, v14  }
0x415: {  	v14 =	vor.u32 v5, v14;
	_ =	sdelay $0x1  }
0x416: {  	v13 =	vmul.f32 v13, v11;
	_ =	sdelay $0x1  }
0x417: {  	[tilespmem:v12+s30+$0x0] =	vst.idx.msk $0xffff, v13  }
0x418: {  	v12 =	vld.idx.msk [tilespmem:v14+s24+$0x0], $0xffff;
	_ =	sdelay $0x4  }
0x419: {  	v11 =	vmul.f32 v12, v11;
	_ =	sdelay $0x1  }
0x41a: {  	[tilespmem:v14+s30+$0x0] =	vst.idx.msk $0xffff, v11  }
0x41b: {  	v11 =	vld [tilespmem:$0x60]  }
0x41c: {  	s9 =	simm.s32 $0x0  }
0x41d: {  	v12 =	vadd.s32 s9, v0  }
0x41e: {  	v12 =	vand.u32 $0x7F, v12  }
0x41f: {  	v13 =	vor.u32 v6, v12;
	_ =	sdelay $0x3  }
0x420: {  	[spmem:s3] =	stream.indirect_vreg.scatter.add.f32 [tilespmem:s0], [sflag:$0x4], $0x80, v11, vm0, $0xb8;
	[tilespmem:$0x1DE80] =	vst v63  }
0x421: {  	s13 =	simm.s32 $0x1;
	v11 =	vld.idx.msk [tilespmem:v13+s24+$0x0], $0xffff  }
0x422: {  	v12 =	vadd.s32 s13, v0  }
0x423: {  	v12 =	vand.u32 $0x7F, v12  }
0x424: {  	v12 =	vor.u32 v6, v12;
	_ =	sdelay $0x1  }
0x425: {  	v11 =	vmul.f32 v11, v10;
	_ =	sdelay $0x1  }
0x426: {  	[tilespmem:v13+s30+$0x0] =	vst.idx.msk $0xffff, v11  }
0x427: {  	s7 =	simm.s32 $0x2;
	v13 =	vld.idx.msk [tilespmem:v12+s24+$0x0], $0xffff  }
0x428: {  	v11 =	vadd.s32 s7, v0  }
0x429: {  	v11 =	vand.u32 $0x7F, v11  }
0x42a: {  	v11 =	vor.u32 v6, v11;
	_ =	sdelay $0x1  }
0x42b: {  	s8 =	simm.s32 $0x4;
	v13 =	vmul.f32 v13, v10  }
.LBB2_49:
0x42c: {  	_ = 	snop  }
0x42d: {  	p0 =	slt.u32 s8, $0x7E;
	s9 =	smov.u32 s8;
	s8 =	sadd.s32 $0x2, s8;
	[tilespmem:v12+s30+$0x0] =	vst.idx.msk $0xffff, v13  }
0x42e: {  	v13 =	vld.idx.msk [tilespmem:v11+s24+$0x0], $0xffff  }
0x42f: {  	s13 =	sadd.s32 $0x1, s7;
	s7 =	smov.u32 s9  }
0x430: {  	v12 =	vadd.s32 s13, v0  }
0x431: {  	v12 =	vand.u32 $0x7F, v12  }
0x432: {  	v12 =	vor.u32 v6, v12;
	_ =	sdelay $0x1  }
0x433: {  	v13 =	vmul.f32 v13, v10;
	_ =	sdelay $0x1  }
0x434: {  	[tilespmem:v11+s30+$0x0] =	vst.idx.msk $0xffff, v13  }
0x435: {  	v13 =	vld.idx.msk [tilespmem:v12+s24+$0x0], $0xffff;
	_ =	sdelay $0x1  }
.Ltmp23:
0x436: {  	v11 =	vadd.s32 s7, v0;
	(pc) =	sbr.rel @p0 .LBB2_49-.Ltmp23, $3  }
0x437: {  	v11 =	vand.u32 $0x7F, v11  }
0x438: {  	v11 =	vor.u32 v6, v11;
	_ =	sdelay $0x1  }
0x439: {  	v13 =	vmul.f32 v13, v10  }
0x43a: {  	_ =	sdelay $0x3  }
0x43b: {  	[tilespmem:v12+s30+$0x0] =	vst.idx.msk $0xffff, v13  }
0x43c: {  	s7 =	sadd.s32 $0x1, s7;
	v12 =	vld.idx.msk [tilespmem:v11+s24+$0x0], $0xffff  }
0x43d: {  	v63 =	vadd.s32 s7, v0  }
0x43e: {  	v13 =	vand.u32 $0x7F, v63  }
0x43f: {  	v13 =	vor.u32 v6, v13;
	_ =	sdelay $0x1  }
0x440: {  	v12 =	vmul.f32 v12, v10;
	_ =	sdelay $0x1  }
0x441: {  	[tilespmem:v11+s30+$0x0] =	vst.idx.msk $0xffff, v12  }
0x442: {  	v11 =	vld.idx.msk [tilespmem:v13+s24+$0x0], $0xffff;
	_ =	sdelay $0x4  }
0x443: {  	v10 =	vmul.f32 v11, v10;
	_ =	sdelay $0x1  }
0x444: {  	[tilespmem:v13+s30+$0x0] =	vst.idx.msk $0xffff, v10  }
0x445: {  	v10 =	vld [tilespmem:$0x70];
	_ =	sdelay $0x7  }
0x446: {  	[spmem:s3] =	stream.indirect_vreg.scatter.add.f32 [tilespmem:s1], [sflag:$0x4], $0x80, v10, vm0, $0xb8;
	[tilespmem:$0x1DE80] =	vst v63  }
0x447: {  	_ =	swait.ge [sflag:s12], $0x800  }
0x448: {  	[sflag:s12] =	ssyncset.done $0x0  }
0x449: {  	[sflag:s12] =	ssyncadd.s32 $0xFFFFF800  }
0x44a: {  	_ =	swait.ge [sflag:s12], $0x800  }
0x44b: {  	[sflag:s12] =	ssyncset.done $0x0  }
0x44c: {  	[sflag:s12] =	ssyncadd.s32 $0xFFFFF800  }
0x44d: {  	_ =	swait.ge [sflag:s12], $0x800  }
0x44e: {  	[sflag:s12] =	ssyncset.done $0x0  }
0x44f: {  	s15 =	sadd.s32 $0x1, s15;
	[sflag:s12] =	ssyncadd.s32 $0xFFFFF800  }
0x450: {  	p0 =	sne.s32 s15, $0x54;
	_ =	swait.ge [sflag:s12], $0x800  }
.Ltmp24:
0x451: {  	[sflag:s12] =	ssyncset.done $0x0;
	(pc) =	sbr.rel @p0 .LBB2_40-.Ltmp24, $4  }
0x452: {  	[sflag:s12] =	ssyncadd.s32 $0xFFFFF800  }
0x453: {  	_ =	swait.ge [sflag:s21], $0x400  }
0x454: {  	[sflag:s21] =	ssyncset.done $0x0  }
0x455: {  	[sflag:s21] =	ssyncadd.s32 $0xFFFFFC00  }
0x456: {  	[bflag:$0x0] =	sbarrier.arrive $0xFFFF  }
0x457: {  	s7 =	sld [smem:$0x7F4]  }
0x458: {  	s8 =	sld [smem:$0x7F5];
	_ =	sdelay $0x1  }
0x459: {  	s4 =	rddreg [dreg:$0xb]  }
0x45a: {  	[hbm:s4], [sflag:s7] =	dma.local [spmem:s8], $0x2800  }
0x45b: {  	_ =	swait.ge [sflag:s14], $0x2800  }
0x45c: {  	[sflag:s14] =	ssyncset.done $0x0  }
0x45d: {  	[sflag:s14] =	ssyncadd.s32 $0xFFFFD800  }
0x45e: {  	[bflag:$0x0] =	sbarrier.arrive $0xFFFF  }
0x45f: {  	s13 =	simm.s32 $0x6E80;
	s8 =	simm.s32 $0x0;
	s9 =	rddreg [dreg:$0x14]  }
0x460: {  	[tilespmem:s13], [sflag:$0x5] =	stream.linear.gather [hbm4b:s9+s8], $0x800, $0x38;
	[tilespmem:$0x1DE80] =	vst v63  }
0x461: {  	_ =	swait.ge [sflag:s14], $0x800  }
0x462: {  	[sflag:s14] =	ssyncset.done $0x0  }
0x463: {  	s15 =	sadd.s32 $0x0, s22;
	[sflag:s14] =	ssyncadd.s32 $0xFFFFF800  }
0x464: {  	[spmem:s15] =	stream.linear.scatter [tilespmem:s16], [sflag:$0x5], $0x800, $0x38;
	[tilespmem:$0x1DE80] =	vst v63  }
0x465: {  	s4 =	simm.s32 $0x2000;
	_ =	swait.ge [sflag:s14], $0x800  }
.LBB2_52:
0x466: {  	s7 =	sshra.s32 s4, $0x2;
	[sflag:s14] =	ssyncset.done $0x0;
	p0 =	sne.s32 s4, $0x4E000  }
.Ltmp25:
0x467: {  	s7 =	sadd.s32 s7, s22;
	[sflag:s14] =	ssyncadd.s32 $0xFFFFF800;
	(pc) =	sbr.rel @p0 .LBB2_52-.Ltmp25, $3  }
0x468: {  	[spmem:s7] =	stream.linear.scatter [tilespmem:s16], [sflag:$0x5], $0x800, $0x38;
	[tilespmem:$0x1DE80] =	vst v63  }
0x469: {  	s4 =	sadd.s32 $0x2000, s4;
	_ =	sdelay $0x1  }
0x46a: {  	_ =	swait.ge [sflag:s14], $0x800  }
0x46b: {  	[sflag:s14] =	ssyncset.done $0x0  }
0x46c: {  	s4 =	simm.s32 $0x40;
	s7 =	simm.s32 $0x0;
	[sflag:s14] =	ssyncadd.s32 $0xFFFFF800  }
.LBB2_54:
0x46d: {  	p0 =	sne.s32 s4, $0xFC0;
	[tilespmem:s7+$0x4080] =	vst v3;
	s7 =	smov.u32 s4;
	s4 =	sadd.s32 $0x40, s4  }
.Ltmp26:
0x46e: {  	(pc) =	sbr.rel @p0 .LBB2_54-.Ltmp26, $2  }
0x46f: {  	_ =	sdelay $0x2  }
0x470: {  	s7 =	sshra.s32 s7, $0x2  }
0x471: {  	[tilespmem:s7+$0x4080] =	vst v3  }
0x472: {  	s4 =	simm.s32 $0x0;
	s15 =	simm.s32 $0x0;
	[bflag:$0x0] =	sbarrier.arrive $0xFFFF  }
.LBB2_56:
0x473: {  	s7 =	sshll.u32 s15, $0x6  }
0x474: {  	s7 =	sadd.s32 s23, s7  }
0x475: {  	s7 =	sshrl.u32 s7, $0x3  }
0x476: {  	s8 =	sadd.s32 s5, s7  }
0x477: {  	[tilespmem:s4], [sflag:$0x5] =	stream.linear.gather [hbm4b:s8+s4], $0x40, $0x38;
	[tilespmem:$0x1DE80] =	vst v63  }
0x478: {  	_ =	swait.ge [sflag:s14], $0x40  }
0x479: {  	[sflag:s14] =	ssyncset.done $0x0  }
0x47a: {  	s7 =	sadd.s32 s6, s7;
	[sflag:s14] =	ssyncadd.s32 $0xFFFFFFC0  }
0x47b: {  	[tilespmem:s18], [sflag:$0x5] =	stream.linear.gather [hbm4b:s7+s4], $0x40, $0x38;
	[tilespmem:$0x1DE80] =	vst v63  }
0x47c: {  	_ =	swait.ge [sflag:s14], $0x40  }
0x47d: {  	[sflag:s14] =	ssyncset.done $0x0  }
0x47e: {  	[sflag:s14] =	ssyncadd.s32 $0xFFFFFFC0  }
0x47f: {  	[tilespmem:s24], [sflag:$0x1] =	stream.indirect.gather [hbm4b:s10+s18], $0x80, s4, s18, $0xb8;
	[tilespmem:$0x1DE80] =	vst v63  }
0x480: {  	s13 =	simm.s32 $0x1  }
0x481: {  	v10 =	vadd.s32 s13, v0;
	[tilespmem:s25], [sflag:$0x2] =	stream.indirect.gather [hbm4b:s20+s18], $0x80, s18, s18, $0xb8;
	[tilespmem:$0x1DE80] =	vst v63  }
0x482: {  	v10 =	vand.u32 $0x7F, v10;
	_ =	swait.ge [sflag:s26], $0x2000  }
0x483: {  	v11 =	vor.u32 v4, v10;
	[sflag:s26] =	ssyncset.done $0x0  }
0x484: {  	[sflag:s26] =	ssyncadd.s32 $0xFFFFE000  }
0x485: {  	v12 =	vor.u32 v6, v10;
	_ =	swait.ge [sflag:s28], $0x2000  }
0x486: {  	[sflag:s28] =	ssyncset.done $0x0  }
0x487: {  	v13 =	vor.u32 v1, v10;
	[sflag:s28] =	ssyncadd.s32 $0xFFFFE000  }
0x488: {  	v14 =	vld.idx.msk [tilespmem:v11+s24+$0x0], $0xffff  }
0x489: {  	v15 =	vor.u32 v5, v10;
	v18 =	vld.idx.msk [tilespmem:v11+s25+$0x0], $0xffff  }
0x48a: {  	v16 =	vld.idx.msk [tilespmem:v12+s24+$0x0], $0xffff  }
0x48b: {  	v10 =	vadd.s32 s4, v0;
	v12 =	vld.idx.msk [tilespmem:v12+s25+$0x0], $0xffff  }
0x48c: {  	v17 =	vand.u32 $0x7F, v10;
	v19 =	vld.idx.msk [tilespmem:v13+s24+$0x0], $0xffff  }
0x48d: {  	v21 =	vor.u32 v6, v17;
	v13 =	vld.idx.msk [tilespmem:v13+s25+$0x0], $0xffff  }
0x48e: {  	s8 =	simm.s32 $0x6E90;
	v23 =	vor.u32 v4, v17;
	v22 =	vld.idx.msk [tilespmem:v15+s24+$0x0], $0xffff  }
0x48f: {  	v10 =	vld [tilespmem:s8+$0xFFFFFFF0]  }
0x490: {  	v11 =	vld [tilespmem:s8+$0x0]  }
0x491: {  	v20 =	vor.u32 v1, v17;
	v15 =	vld.idx.msk [tilespmem:v15+s25+$0x0], $0xffff  }
0x492: {  	s9 =	simm.s32 $0x3;
	v24 =	vor.u32 v5, v17;
	v25 =	vld.idx.msk [tilespmem:v21+s25+$0x0], $0xffff  }
0x493: {  	v17 =	vadd.s32 s9, v0;
	v29 =	vld.idx.msk [tilespmem:v23+s24+$0x0], $0xffff  }
0x494: {  	v28 =	vand.u32 $0x7F, v17;
	v23 =	vld.idx.msk [tilespmem:v23+s25+$0x0], $0xffff  }
0x495: {  	v30 =	vor.u32 v4, v28;
	v33 =	vld.idx.msk [tilespmem:v21+s24+$0x0], $0xffff  }
0x496: {  	v26 =	vld.idx.msk [tilespmem:v20+s24+$0x0], $0xffff  }
0x497: {  	v32 =	vor.u32 v6, v28;
	v17 =	vld.idx.msk [tilespmem:v24+s25+$0x0], $0xffff;
	v31 =	vadd.f32 v12, v16  }
0x498: {  	v36 =	vor.u32 v1, v28;
	v27 =	vld.idx.msk [tilespmem:v24+s24+$0x0], $0xffff;
	v13 =	vadd.f32 v13, v19;
	v15 =	vadd.f32 v15, v22  }
0x499: {  	s13 =	simm.s32 $0x2;
	v19 =	vld.idx.msk [tilespmem:v20+s25+$0x0], $0xffff;
	v16 =	vimm.f32 $0.0e+00;
	v22 =	vor.u32 v5, v28;
	v34 =	vadd.f32 v23, v29  }
0x49a: {  	v21 =	vld.idx.msk [tilespmem:v30+s25+$0x0], $0xffff;
	v29 =	vadd.f32 v18, v14;
	v14 =	vadd.s32 s13, v0;
	v33 =	vadd.f32 v25, v33  }
0x49b: {  	v12 =	vld.idx.msk [tilespmem:v30+s24+$0x0], $0xffff;
	v38 =	vand.u32 $0x7F, v14;
	v14 =	vimm.f32 $0.0e+00;
	v20 =	vmul.f32 $2.000000030e-01, v31  }
0x49c: {  	v18 =	vld.idx.msk [tilespmem:v32+s24+$0x0], $0xffff;
	v24 =	vmul.f32 $2.000000030e-01, v13;
	v39 =	vmul.f32 $2.000000030e-01, v34;
	v25 =	vor.u32 v1, v38  }
0x49d: {  	v23 =	vld.idx.msk [tilespmem:v32+s25+$0x0], $0xffff;
	v30 =	vor.u32 v6, v38;
	v37 =	vmul.f32 $2.000000030e-01, v33;
	v28 =	vmax.f32 v31, v20  }
0x49e: {  	v20 =	vmul.f32 $2.000000030e-01, v15;
	v13 =	vmax.f32 v13, v24;
	v32 =	vadd.f32 v19, v26;
	v26 =	vld.idx.msk [tilespmem:v36+s25+$0x0], $0xffff  }
0x49f: {  	v31 =	vor.u32 v4, v38;
	v13 =	vmul.f32 v13, v11;
	v24 =	vld.idx.msk [tilespmem:v22+s24+$0x0], $0xffff;
	v19 =	vimm.f32 $0.0e+00  }
0x4a0: {  	s7 =	simm.s32 $0x4;
	s13 =	simm.s32 $0x6EB0;
	v35 =	vmax.f32 v15, v20;
	v20 =	vld.idx.msk [tilespmem:v36+s24+$0x0], $0xffff;
	v36 =	vmul.f32 $2.000000030e-01, v29;
	v15 =	vimm.f32 $0.0e+00  }
.LBB2_57:
0x4a1: {  	p0 =	slt.u32 s7, $0x7E;
	v40 =	vld [tilespmem:s13+$0xFFFFFFF0];
	v38 =	vor.u32 v5, v38;
	v34 =	vmax.f32 v34, v39;
	v39 =	vmov v21;
	s8 =	smov.u32 s7;
	s7 =	sadd.s32 $0x2, s7  }
0x4a2: {  	v27 =	vadd.f32 v17, v27;
	v35 =	vmul.f32 v35, v11;
	s9 =	sadd.s32 $0x1, s8;
	v21 =	vld [tilespmem:s13+$0x0];
	v34 =	vmul.f32 v34, v10  }
0x4a3: {  	v28 =	vmul.f32 v28, v11;
	v17 =	vadd.s32 s9, v0;
	v41 =	vld.idx.msk [tilespmem:v22+s25+$0x0], $0xffff;
	v22 =	vmax.f32 v33, v37  }
0x4a4: {  	v33 =	vmul.f32 $2.000000030e-01, v32;
	v37 =	vld.idx.msk [tilespmem:v25+s24+$0x0], $0xffff;
	v16 =	vadd.f32 v34, v16;
	v34 =	vmul.f32 $2.000000030e-01, v27  }
0x4a5: {  	v42 =	vand.u32 $0x7F, v17;
	v17 =	vmul.f32 v22, v10;
	v22 =	vmax.f32 v29, v36;
	v43 =	vld.idx.msk [tilespmem:v30+s25+$0x0], $0xffff  }
0x4a6: {  	v36 =	vor.u32 v1, v42;
	v29 =	vor.u32 v4, v42;
	v32 =	vmax.f32 v32, v33;
	v44 =	vld.idx.msk [tilespmem:v31+s24+$0x0], $0xffff  }
0x4a7: {  	v33 =	vor.u32 v6, v42;
	v11 =	vmul.f32 v22, v11;
	v19 =	vadd.f32 v17, v19;
	v31 =	vld.idx.msk [tilespmem:v31+s25+$0x0], $0xffff  }
0x4a8: {  	v18 =	vadd.f32 v23, v18;
	v23 =	vmul.f32 v32, v10;
	v27 =	vmax.f32 v27, v34;
	v17 =	vld.idx.msk [tilespmem:v38+s25+$0x0], $0xffff  }
0x4a9: {  	v22 =	vor.u32 v5, v42;
	v16 =	vadd.f32 v11, v16;
	v19 =	vadd.f32 v28, v19;
	v30 =	vld.idx.msk [tilespmem:v30+s24+$0x0], $0xffff  }
0x4aa: {  	v20 =	vadd.f32 v26, v20;
	v26 =	vmul.f32 v27, v10;
	v10 =	vmovc v40;
	v32 =	vld.idx.msk [tilespmem:v25+s25+$0x0], $0xffff;
	v25 =	vmul.f32 $2.000000030e-01, v18  }
0x4ab: {  	v24 =	vadd.f32 v41, v24;
	v15 =	vadd.f32 v23, v15;
	v11 =	vmov v21;
	v27 =	vld.idx.msk [tilespmem:v38+s24+$0x0], $0xffff  }
0x4ac: {  	v23 =	vmul.f32 $2.000000030e-01, v20;
	v14 =	vadd.f32 v26, v14;
	v40 =	vld.idx.msk [tilespmem:v29+s24+$0x0], $0xffff;
	v28 =	vmax.f32 v18, v25  }
0x4ad: {  	v15 =	vadd.f32 v13, v15;
	v34 =	vadd.f32 v31, v44;
	v25 =	vmul.f32 $2.000000030e-01, v24;
	v21 =	vld.idx.msk [tilespmem:v29+s25+$0x0], $0xffff  }
.Ltmp27:
0x4ae: {  	v13 =	vmax.f32 v20, v23;
	v14 =	vadd.f32 v35, v14;
	v29 =	vadd.f32 v39, v12;
	v18 =	vld.idx.msk [tilespmem:v33+s24+$0x0], $0xffff;
	(pc) =	sbr.rel @p0 .LBB2_57-.Ltmp27, $4  }
0x4af: {  	v12 =	vadd.s32 s8, v0;
	v35 =	vmax.f32 v24, v25;
	v23 =	vld.idx.msk [tilespmem:v33+s25+$0x0], $0xffff;
	v33 =	vadd.f32 v43, v30  }
0x4b0: {  	v13 =	vmul.f32 v13, v11;
	v38 =	vand.u32 $0x7F, v12;
	v39 =	vmul.f32 $2.000000030e-01, v34;
	v20 =	vld.idx.msk [tilespmem:v36+s24+$0x0], $0xffff  }
0x4b1: {  	v25 =	vor.u32 v1, v38;
	v31 =	vor.u32 v4, v38;
	v32 =	vadd.f32 v32, v37;
	v26 =	vld.idx.msk [tilespmem:v36+s25+$0x0], $0xffff  }
0x4b2: {  	s13 =	sadd.s32 $0x20, s13;
	v30 =	vor.u32 v6, v38;
	v37 =	vmul.f32 $2.000000030e-01, v33;
	v36 =	vmul.f32 $2.000000030e-01, v29;
	v12 =	vmovc v40;
	v24 =	vld.idx.msk [tilespmem:v22+s24+$0x0], $0xffff  }
0x4b3: {  	_ =	sdelay $0x3  }
0x4b4: {  	v22 =	vld.idx.msk [tilespmem:v22+s25+$0x0], $0xffff  }
0x4b5: {  	v44 =	vld.idx.msk [tilespmem:v25+s24+$0x0], $0xffff  }
0x4b6: {  	v38 =	vor.u32 v5, v38;
	v34 =	vmax.f32 v34, v39;
	v46 =	vld.idx.msk [tilespmem:v30+s25+$0x0], $0xffff  }
0x4b7: {  	v17 =	vadd.f32 v17, v27;
	v45 =	vmul.f32 v35, v11;
	v28 =	vmul.f32 v28, v11;
	v40 =	vld.idx.msk [tilespmem:v31+s24+$0x0], $0xffff  }
0x4b8: {  	v47 =	vmul.f32 $2.000000030e-01, v32;
	v48 =	vld.idx.msk [tilespmem:v31+s25+$0x0], $0xffff;
	v12 =	vadd.f32 v21, v12;
	v34 =	vmul.f32 v34, v10  }
0x4b9: {  	v52 =	vld.idx.msk [tilespmem:v25+s25+$0x0], $0xffff;
	v33 =	vmax.f32 v33, v37;
	v29 =	vmax.f32 v29, v36;
	v18 =	vadd.f32 v23, v18  }
0x4ba: {  	v53 =	vld.idx.msk [tilespmem:v30+s24+$0x0], $0xffff;
	v33 =	vmul.f32 v33, v10;
	v49 =	vmul.f32 $2.000000030e-01, v17;
	v32 =	vmax.f32 v32, v47  }
0x4bb: {  	v55 =	vld [tilespmem:s13+$0x0];
	v11 =	vmul.f32 v29, v11;
	v63 =	vmul.f32 $2.000000030e-01, v12;
	v16 =	vadd.f32 v34, v16  }
0x4bc: {  	v51 =	vmul.f32 v32, v10;
	v54 =	vmul.f32 $2.000000030e-01, v18;
	v17 =	vmax.f32 v17, v49;
	v50 =	vld.idx.msk [tilespmem:v38+s25+$0x0], $0xffff  }
0x4bd: {  	v19 =	vadd.f32 v33, v19;
	v11 =	vadd.f32 v11, v16;
	v10 =	vmul.f32 v17, v10;
	v17 =	vld.idx.msk [tilespmem:v38+s24+$0x0], $0xffff  }
0x4be: {  	v12 =	vmax.f32 v12, v63;
	v16 =	vadd.f32 v26, v20;
	v15 =	vadd.f32 v51, v15  }
0x4bf: {  	v22 =	vadd.f32 v22, v24;
	v18 =	vmax.f32 v18, v54;
	v58 =	vadd.f32 v46, v53  }
0x4c0: {  	v57 =	vld [tilespmem:s13+$0xFFFFFFF0];
	v12 =	vmul.f32 v12, v55;
	v13 =	vadd.f32 v13, v15;
	v15 =	vadd.f32 v52, v44  }
0x4c1: {  	v56 =	vmul.f32 $2.000000030e-01, v16;
	v10 =	vadd.f32 v10, v14;
	v14 =	vadd.f32 v48, v40  }
0x4c2: {  	v24 =	vmul.f32 $2.000000030e-01, v22;
	v59 =	vmul.f32 $2.000000030e-01, v15;
	v17 =	vadd.f32 v50, v17  }
0x4c3: {  	v19 =	vadd.f32 v28, v19;
	v61 =	vmul.f32 $2.000000030e-01, v58;
	v60 =	vmul.f32 $2.000000030e-01, v14  }
0x4c4: {  	v16 =	vmax.f32 v16, v56;
	v15 =	vmax.f32 v15, v59;
	v62 =	vmul.f32 $2.000000030e-01, v17  }
0x4c5: {  	v10 =	vadd.f32 v45, v10;
	v14 =	vmax.f32 v14, v60;
	v15 =	vmul.f32 v15, v57  }
0x4c6: {  	v21 =	vmax.f32 v58, v61;
	v14 =	vmul.f32 v14, v57;
	v17 =	vmax.f32 v17, v62  }
0x4c7: {  	v16 =	vmul.f32 v16, v55;
	v13 =	vadd.f32 v15, v13;
	v17 =	vmul.f32 v17, v57  }
0x4c8: {  	v22 =	vmax.f32 v22, v24;
	v11 =	vadd.f32 v14, v11;
	v14 =	vmul.f32 v21, v57  }
0x4c9: {  	v15 =	vmul.f32 v22, v55;
	v13 =	vadd.f32 v16, v13;
	v10 =	vadd.f32 v17, v10  }
0x4ca: {  	v16 =	vmul.f32 v18, v55;
	v14 =	vadd.f32 v14, v19;
	v11 =	vadd.f32 v12, v11  }
0x4cb: {  	v12 =	vmul.f32 $1.442695020e+00, v13;
	v10 =	vadd.f32 v15, v10  }
0x4cc: {  	v13 =	vadd.f32 v16, v14;
	v11 =	vmul.f32 $1.442695020e+00, v11  }
0x4cd: {  	(erf) = vpow2.f32 v12;
	v10 =	vmul.f32 $1.442695020e+00, v10  }
0x4ce: {  	(erf) = vpow2.f32 v11;
	v11 =	vmul.f32 $1.442695020e+00, v13  }
0x4cf: {  	(erf) = vpow2.f32 v10  }
0x4d0: {  	(erf) = vpow2.f32 v11;
	_ =	sdelay $0x1  }
0x4d1: {  	v10 =	vor.u32 $0x3, v2  }
0x4d2: {  	s7 =	simm.s32 $0x0;
	v14 =	vor.u32 $0x103, v2  }
0x4d3: {  	v15 =	vor.u32 $0x203, v2;
	v11 =	vadd.s32 s7, v0  }
0x4d4: {  	v16 =	vor.u32 $0x303, v2;
	v11 =	vand.u32 $0x7F, v11  }
0x4d5: {  	v13 =	vpop (erf)  }
0x4d6: {  	v17 =	vor.u32 v1, v11;
	v12 =	vpop (erf);
	[tilespmem:v10+s29+$0x0] =	vst.idx.msk $0xffff, v13  }
0x4d7: {  	[tilespmem:v14+s29+$0x0] =	vst.idx.msk $0xffff, v12;
	v11 =	vpop (erf)  }
0x4d8: {  	[tilespmem:v15+s29+$0x0] =	vst.idx.msk $0xffff, v11;
	v10 =	vpop (erf)  }
0x4d9: {  	[tilespmem:v16+s29+$0x0] =	vst.idx.msk $0xffff, v10  }
0x4da: {  	[spmem:s2] =	stream.indirect.scatter.add.f32 [tilespmem:s29], [sflag:$0x3], $0x10, s18, s18, $0xb8;
	[tilespmem:$0x1DE80] =	vst v63  }
0x4db: {  	s13 =	simm.s32 $0x1;
	v14 =	vld.idx.msk [tilespmem:v17+s24+$0x0], $0xffff  }
0x4dc: {  	v15 =	vadd.s32 s13, v0  }
0x4dd: {  	v15 =	vand.u32 $0x7F, v15  }
0x4de: {  	v15 =	vor.u32 v1, v15;
	_ =	sdelay $0x1  }
0x4df: {  	v14 =	vmul.f32 v14, v13;
	_ =	sdelay $0x1  }
0x4e0: {  	[tilespmem:v17+s30+$0x0] =	vst.idx.msk $0xffff, v14  }
0x4e1: {  	s7 =	simm.s32 $0x2;
	v16 =	vld.idx.msk [tilespmem:v15+s24+$0x0], $0xffff  }
0x4e2: {  	v14 =	vadd.s32 s7, v0  }
0x4e3: {  	v14 =	vand.u32 $0x7F, v14  }
0x4e4: {  	v14 =	vor.u32 v1, v14;
	_ =	sdelay $0x1  }
0x4e5: {  	s8 =	simm.s32 $0x4;
	v16 =	vmul.f32 v16, v13  }
.LBB2_59:
0x4e6: {  	_ = 	snop  }
0x4e7: {  	p0 =	slt.u32 s8, $0x7E;
	s9 =	smov.u32 s8;
	s8 =	sadd.s32 $0x2, s8;
	[tilespmem:v15+s30+$0x0] =	vst.idx.msk $0xffff, v16  }
0x4e8: {  	v16 =	vld.idx.msk [tilespmem:v14+s24+$0x0], $0xffff  }
0x4e9: {  	s13 =	sadd.s32 $0x1, s7;
	s7 =	smov.u32 s9  }
0x4ea: {  	v15 =	vadd.s32 s13, v0  }
0x4eb: {  	v15 =	vand.u32 $0x7F, v15  }
0x4ec: {  	v15 =	vor.u32 v1, v15;
	_ =	sdelay $0x1  }
0x4ed: {  	v16 =	vmul.f32 v16, v13;
	_ =	sdelay $0x1  }
0x4ee: {  	[tilespmem:v14+s30+$0x0] =	vst.idx.msk $0xffff, v16  }
0x4ef: {  	v16 =	vld.idx.msk [tilespmem:v15+s24+$0x0], $0xffff;
	_ =	sdelay $0x1  }
.Ltmp28:
0x4f0: {  	v14 =	vadd.s32 s7, v0;
	(pc) =	sbr.rel @p0 .LBB2_59-.Ltmp28, $3  }
0x4f1: {  	v14 =	vand.u32 $0x7F, v14  }
0x4f2: {  	v14 =	vor.u32 v1, v14;
	_ =	sdelay $0x1  }
0x4f3: {  	v16 =	vmul.f32 v16, v13  }
0x4f4: {  	_ =	sdelay $0x3  }
0x4f5: {  	[tilespmem:v15+s30+$0x0] =	vst.idx.msk $0xffff, v16  }
0x4f6: {  	s7 =	sadd.s32 $0x1, s7;
	v15 =	vld.idx.msk [tilespmem:v14+s24+$0x0], $0xffff  }
0x4f7: {  	v16 =	vadd.s32 s7, v0  }
0x4f8: {  	v16 =	vand.u32 $0x7F, v16  }
0x4f9: {  	v16 =	vor.u32 v1, v16;
	_ =	sdelay $0x1  }
0x4fa: {  	v15 =	vmul.f32 v15, v13;
	_ =	sdelay $0x1  }
0x4fb: {  	[tilespmem:v14+s30+$0x0] =	vst.idx.msk $0xffff, v15  }
0x4fc: {  	v14 =	vld.idx.msk [tilespmem:v16+s24+$0x0], $0xffff;
	_ =	sdelay $0x4  }
0x4fd: {  	v13 =	vmul.f32 v14, v13;
	_ =	sdelay $0x1  }
0x4fe: {  	[tilespmem:v16+s30+$0x0] =	vst.idx.msk $0xffff, v13  }
0x4ff: {  	v13 =	vld [tilespmem:$0x40]  }
0x500: {  	s9 =	simm.s32 $0x0  }
0x501: {  	v14 =	vadd.s32 s9, v0  }
0x502: {  	v14 =	vand.u32 $0x7F, v14  }
0x503: {  	v15 =	vor.u32 v4, v14;
	_ =	sdelay $0x3  }
0x504: {  	[spmem:s3] =	stream.indirect_vreg.scatter.add.f32 [tilespmem:s30], [sflag:$0x4], $0x80, v13, vm0, $0xb8;
	[tilespmem:$0x1DE80] =	vst v63  }
0x505: {  	s13 =	simm.s32 $0x1;
	v13 =	vld.idx.msk [tilespmem:v15+s24+$0x0], $0xffff  }
0x506: {  	v14 =	vadd.s32 s13, v0  }
0x507: {  	v14 =	vand.u32 $0x7F, v14  }
0x508: {  	v14 =	vor.u32 v4, v14;
	_ =	sdelay $0x1  }
0x509: {  	v13 =	vmul.f32 v13, v12;
	_ =	sdelay $0x1  }
0x50a: {  	[tilespmem:v15+s30+$0x0] =	vst.idx.msk $0xffff, v13  }
0x50b: {  	s7 =	simm.s32 $0x2;
	v15 =	vld.idx.msk [tilespmem:v14+s24+$0x0], $0xffff  }
0x50c: {  	v13 =	vadd.s32 s7, v0  }
0x50d: {  	v13 =	vand.u32 $0x7F, v13  }
0x50e: {  	v13 =	vor.u32 v4, v13;
	_ =	sdelay $0x1  }
0x50f: {  	s8 =	simm.s32 $0x4;
	v15 =	vmul.f32 v15, v12  }
.LBB2_61:
0x510: {  	_ = 	snop  }
0x511: {  	p0 =	slt.u32 s8, $0x7E;
	s9 =	smov.u32 s8;
	s8 =	sadd.s32 $0x2, s8;
	[tilespmem:v14+s30+$0x0] =	vst.idx.msk $0xffff, v15  }
0x512: {  	v15 =	vld.idx.msk [tilespmem:v13+s24+$0x0], $0xffff  }
0x513: {  	s13 =	sadd.s32 $0x1, s7;
	s7 =	smov.u32 s9  }
0x514: {  	v14 =	vadd.s32 s13, v0  }
0x515: {  	v14 =	vand.u32 $0x7F, v14  }
0x516: {  	v14 =	vor.u32 v4, v14;
	_ =	sdelay $0x1  }
0x517: {  	v15 =	vmul.f32 v15, v12;
	_ =	sdelay $0x1  }
0x518: {  	[tilespmem:v13+s30+$0x0] =	vst.idx.msk $0xffff, v15  }
0x519: {  	v15 =	vld.idx.msk [tilespmem:v14+s24+$0x0], $0xffff;
	_ =	sdelay $0x1  }
.Ltmp29:
0x51a: {  	v13 =	vadd.s32 s7, v0;
	(pc) =	sbr.rel @p0 .LBB2_61-.Ltmp29, $3  }
0x51b: {  	v13 =	vand.u32 $0x7F, v13  }
0x51c: {  	v13 =	vor.u32 v4, v13;
	_ =	sdelay $0x1  }
0x51d: {  	v15 =	vmul.f32 v15, v12  }
0x51e: {  	_ =	sdelay $0x3  }
0x51f: {  	[tilespmem:v14+s30+$0x0] =	vst.idx.msk $0xffff, v15  }
0x520: {  	s7 =	sadd.s32 $0x1, s7;
	v14 =	vld.idx.msk [tilespmem:v13+s24+$0x0], $0xffff  }
0x521: {  	v15 =	vadd.s32 s7, v0  }
0x522: {  	v15 =	vand.u32 $0x7F, v15  }
0x523: {  	v15 =	vor.u32 v4, v15;
	_ =	sdelay $0x1  }
0x524: {  	v14 =	vmul.f32 v14, v12;
	_ =	sdelay $0x1  }
0x525: {  	[tilespmem:v13+s30+$0x0] =	vst.idx.msk $0xffff, v14  }
0x526: {  	v13 =	vld.idx.msk [tilespmem:v15+s24+$0x0], $0xffff;
	_ =	sdelay $0x4  }
0x527: {  	v12 =	vmul.f32 v13, v12;
	_ =	sdelay $0x1  }
0x528: {  	[tilespmem:v15+s30+$0x0] =	vst.idx.msk $0xffff, v12  }
0x529: {  	v12 =	vld [tilespmem:$0x50]  }
0x52a: {  	s9 =	simm.s32 $0x0  }
0x52b: {  	v13 =	vadd.s32 s9, v0  }
0x52c: {  	v13 =	vand.u32 $0x7F, v13  }
0x52d: {  	v14 =	vor.u32 v5, v13;
	_ =	sdelay $0x3  }
0x52e: {  	[spmem:s3] =	stream.indirect_vreg.scatter.add.f32 [tilespmem:s31], [sflag:$0x4], $0x80, v12, vm0, $0xb8;
	[tilespmem:$0x1DE80] =	vst v63  }
0x52f: {  	s13 =	simm.s32 $0x1;
	v12 =	vld.idx.msk [tilespmem:v14+s24+$0x0], $0xffff  }
0x530: {  	v13 =	vadd.s32 s13, v0  }
0x531: {  	v13 =	vand.u32 $0x7F, v13  }
0x532: {  	v13 =	vor.u32 v5, v13;
	_ =	sdelay $0x1  }
0x533: {  	v12 =	vmul.f32 v12, v11;
	_ =	sdelay $0x1  }
0x534: {  	[tilespmem:v14+s30+$0x0] =	vst.idx.msk $0xffff, v12  }
0x535: {  	s7 =	simm.s32 $0x2;
	v14 =	vld.idx.msk [tilespmem:v13+s24+$0x0], $0xffff  }
0x536: {  	v12 =	vadd.s32 s7, v0  }
0x537: {  	v12 =	vand.u32 $0x7F, v12  }
0x538: {  	v12 =	vor.u32 v5, v12;
	_ =	sdelay $0x1  }
0x539: {  	s8 =	simm.s32 $0x4;
	v14 =	vmul.f32 v14, v11  }
.LBB2_63:
0x53a: {  	_ = 	snop  }
0x53b: {  	p0 =	slt.u32 s8, $0x7E;
	s9 =	smov.u32 s8;
	s8 =	sadd.s32 $0x2, s8;
	[tilespmem:v13+s30+$0x0] =	vst.idx.msk $0xffff, v14  }
0x53c: {  	v14 =	vld.idx.msk [tilespmem:v12+s24+$0x0], $0xffff  }
0x53d: {  	s13 =	sadd.s32 $0x1, s7;
	s7 =	smov.u32 s9  }
0x53e: {  	v13 =	vadd.s32 s13, v0  }
0x53f: {  	v13 =	vand.u32 $0x7F, v13  }
0x540: {  	v13 =	vor.u32 v5, v13;
	_ =	sdelay $0x1  }
0x541: {  	v14 =	vmul.f32 v14, v11;
	_ =	sdelay $0x1  }
0x542: {  	[tilespmem:v12+s30+$0x0] =	vst.idx.msk $0xffff, v14  }
0x543: {  	v14 =	vld.idx.msk [tilespmem:v13+s24+$0x0], $0xffff;
	_ =	sdelay $0x1  }
.Ltmp30:
0x544: {  	v12 =	vadd.s32 s7, v0;
	(pc) =	sbr.rel @p0 .LBB2_63-.Ltmp30, $3  }
0x545: {  	v12 =	vand.u32 $0x7F, v12  }
0x546: {  	v12 =	vor.u32 v5, v12;
	_ =	sdelay $0x1  }
0x547: {  	v14 =	vmul.f32 v14, v11  }
0x548: {  	_ =	sdelay $0x3  }
0x549: {  	[tilespmem:v13+s30+$0x0] =	vst.idx.msk $0xffff, v14  }
0x54a: {  	s7 =	sadd.s32 $0x1, s7;
	v13 =	vld.idx.msk [tilespmem:v12+s24+$0x0], $0xffff  }
0x54b: {  	v14 =	vadd.s32 s7, v0  }
0x54c: {  	v14 =	vand.u32 $0x7F, v14  }
0x54d: {  	v14 =	vor.u32 v5, v14;
	_ =	sdelay $0x1  }
0x54e: {  	v13 =	vmul.f32 v13, v11;
	_ =	sdelay $0x1  }
0x54f: {  	[tilespmem:v12+s30+$0x0] =	vst.idx.msk $0xffff, v13  }
0x550: {  	v12 =	vld.idx.msk [tilespmem:v14+s24+$0x0], $0xffff;
	_ =	sdelay $0x4  }
0x551: {  	v11 =	vmul.f32 v12, v11;
	_ =	sdelay $0x1  }
0x552: {  	[tilespmem:v14+s30+$0x0] =	vst.idx.msk $0xffff, v11  }
0x553: {  	v11 =	vld [tilespmem:$0x60]  }
0x554: {  	s9 =	simm.s32 $0x0  }
0x555: {  	v12 =	vadd.s32 s9, v0  }
0x556: {  	v12 =	vand.u32 $0x7F, v12  }
0x557: {  	v13 =	vor.u32 v6, v12;
	_ =	sdelay $0x3  }
0x558: {  	[spmem:s3] =	stream.indirect_vreg.scatter.add.f32 [tilespmem:s0], [sflag:$0x4], $0x80, v11, vm0, $0xb8;
	[tilespmem:$0x1DE80] =	vst v63  }
0x559: {  	s13 =	simm.s32 $0x1;
	v11 =	vld.idx.msk [tilespmem:v13+s24+$0x0], $0xffff  }
0x55a: {  	v12 =	vadd.s32 s13, v0  }
0x55b: {  	v12 =	vand.u32 $0x7F, v12  }
0x55c: {  	v12 =	vor.u32 v6, v12;
	_ =	sdelay $0x1  }
0x55d: {  	v11 =	vmul.f32 v11, v10;
	_ =	sdelay $0x1  }
0x55e: {  	[tilespmem:v13+s30+$0x0] =	vst.idx.msk $0xffff, v11  }
0x55f: {  	s7 =	simm.s32 $0x2;
	v13 =	vld.idx.msk [tilespmem:v12+s24+$0x0], $0xffff  }
0x560: {  	v11 =	vadd.s32 s7, v0  }
0x561: {  	v11 =	vand.u32 $0x7F, v11  }
0x562: {  	v11 =	vor.u32 v6, v11;
	_ =	sdelay $0x1  }
0x563: {  	s8 =	simm.s32 $0x4;
	v13 =	vmul.f32 v13, v10  }
.LBB2_65:
0x564: {  	_ = 	snop  }
0x565: {  	p0 =	slt.u32 s8, $0x7E;
	s9 =	smov.u32 s8;
	s8 =	sadd.s32 $0x2, s8;
	[tilespmem:v12+s30+$0x0] =	vst.idx.msk $0xffff, v13  }
0x566: {  	v13 =	vld.idx.msk [tilespmem:v11+s24+$0x0], $0xffff  }
0x567: {  	s13 =	sadd.s32 $0x1, s7;
	s7 =	smov.u32 s9  }
0x568: {  	v12 =	vadd.s32 s13, v0  }
0x569: {  	v12 =	vand.u32 $0x7F, v12  }
0x56a: {  	v12 =	vor.u32 v6, v12;
	_ =	sdelay $0x1  }
0x56b: {  	v13 =	vmul.f32 v13, v10;
	_ =	sdelay $0x1  }
0x56c: {  	[tilespmem:v11+s30+$0x0] =	vst.idx.msk $0xffff, v13  }
0x56d: {  	v13 =	vld.idx.msk [tilespmem:v12+s24+$0x0], $0xffff;
	_ =	sdelay $0x1  }
.Ltmp31:
0x56e: {  	v11 =	vadd.s32 s7, v0;
	(pc) =	sbr.rel @p0 .LBB2_65-.Ltmp31, $3  }
0x56f: {  	v11 =	vand.u32 $0x7F, v11  }
0x570: {  	v11 =	vor.u32 v6, v11;
	_ =	sdelay $0x1  }
0x571: {  	v13 =	vmul.f32 v13, v10  }
0x572: {  	_ =	sdelay $0x3  }
0x573: {  	[tilespmem:v12+s30+$0x0] =	vst.idx.msk $0xffff, v13  }
0x574: {  	s7 =	sadd.s32 $0x1, s7;
	v12 =	vld.idx.msk [tilespmem:v11+s24+$0x0], $0xffff  }
0x575: {  	v63 =	vadd.s32 s7, v0  }
0x576: {  	v13 =	vand.u32 $0x7F, v63  }
0x577: {  	v13 =	vor.u32 v6, v13;
	_ =	sdelay $0x1  }
0x578: {  	v12 =	vmul.f32 v12, v10;
	_ =	sdelay $0x1  }
0x579: {  	[tilespmem:v11+s30+$0x0] =	vst.idx.msk $0xffff, v12  }
0x57a: {  	v11 =	vld.idx.msk [tilespmem:v13+s24+$0x0], $0xffff;
	_ =	sdelay $0x4  }
0x57b: {  	v10 =	vmul.f32 v11, v10;
	_ =	sdelay $0x1  }
0x57c: {  	[tilespmem:v13+s30+$0x0] =	vst.idx.msk $0xffff, v10  }
0x57d: {  	v10 =	vld [tilespmem:$0x70];
	_ =	sdelay $0x7  }
0x57e: {  	[spmem:s3] =	stream.indirect_vreg.scatter.add.f32 [tilespmem:s1], [sflag:$0x4], $0x80, v10, vm0, $0xb8;
	[tilespmem:$0x1DE80] =	vst v63  }
0x57f: {  	_ =	swait.ge [sflag:s12], $0x800  }
0x580: {  	[sflag:s12] =	ssyncset.done $0x0  }
0x581: {  	[sflag:s12] =	ssyncadd.s32 $0xFFFFF800  }
0x582: {  	_ =	swait.ge [sflag:s12], $0x800  }
0x583: {  	[sflag:s12] =	ssyncset.done $0x0  }
0x584: {  	[sflag:s12] =	ssyncadd.s32 $0xFFFFF800  }
0x585: {  	_ =	swait.ge [sflag:s12], $0x800  }
0x586: {  	[sflag:s12] =	ssyncset.done $0x0  }
0x587: {  	s15 =	sadd.s32 $0x1, s15;
	[sflag:s12] =	ssyncadd.s32 $0xFFFFF800  }
0x588: {  	p0 =	sne.s32 s15, $0x54;
	_ =	swait.ge [sflag:s12], $0x800  }
.Ltmp32:
0x589: {  	[sflag:s12] =	ssyncset.done $0x0;
	(pc) =	sbr.rel @p0 .LBB2_56-.Ltmp32, $4  }
0x58a: {  	[sflag:s12] =	ssyncadd.s32 $0xFFFFF800  }
0x58b: {  	_ =	swait.ge [sflag:s21], $0x400  }
0x58c: {  	[sflag:s21] =	ssyncset.done $0x0  }
0x58d: {  	[sflag:s21] =	ssyncadd.s32 $0xFFFFFC00  }
0x58e: {  	[bflag:$0x0] =	sbarrier.arrive $0xFFFF  }
0x58f: {  	s8 =	sld [smem:$0x7F4]  }
0x590: {  	s7 =	sld [smem:$0x7F5];
	_ =	sdelay $0x1  }
0x591: {  	s4 =	rddreg [dreg:$0xc]  }
0x592: {  	[hbm:s4], [sflag:s8] =	dma.local [spmem:s7], $0x2800  }
0x593: {  	_ =	swait.ge [sflag:s14], $0x2800  }
0x594: {  	[sflag:s14] =	ssyncset.done $0x0  }
0x595: {  	[sflag:s14] =	ssyncadd.s32 $0xFFFFD800  }
0x596: {  	[bflag:$0x0] =	sbarrier.arrive $0xFFFF  }
0x597: {  	s7 =	rddreg [dreg:$0xd]  }
0x598: {  	s9 =	rddreg [dreg:$0x11]  }
0x599: {  	[hbm:s7], [sflag:s8] =	dma.local [spmem:s9], $0x500  }
0x59a: {  	_ =	swait.ge [sflag:s14], $0x500  }
0x59b: {  	s13 =	rddreg [dreg:$0x5]  }
0x59c: {  	s15 =	rddreg [dreg:$0x10];
	s4 =	sadd.s32 $0x1, s13  }
0x59d: {  	p0 =	sne.s32 s4, s15  }
.Ltmp33:
0x59e: {  	_ = 	snop;
	(pc) =	sbr.rel @p0 .LBB2_1-.Ltmp33, $3  }
0x59f: {  	_ =	sdelay $0x1  }
0x5a0: {  	[sflag:s14] =	ssyncset.done $0x0  }
0x5a1: {  	[sflag:s14] =	ssyncadd.s32 $0xFFFFFB00;
	[dreg:$0x5] =	wrdreg s4  }
0x5a2: {  	_ =	sfence.sel $0x180000  }
0x5a3: {  	[bflag:$0x0] =	sbarrier.arrive $0xFFFF  }
0x5a4: {  	_ =	strace $0x90000047  }
0x5a5: {  	s0 =	stileid.u32;
	[bflag:$0x2] =	sbarrier.arrive $0xFFFF  }
0x5a6: {  	p0 =	sne.s32 s0, $0x0;
	s0 =	rddreg [dreg:$0x4]  }
0x5a7: {  	s0 =	sadd.s32 @!p0 $0x100000, s0  }
0x5a8: {  	[sflag:s0] =	ssyncadd.tile.s32 @!p0 $0x1;
	_ =	shalt  }
.Lfunc_end2:
_tile_overlayer_lowered:
.L_overlay_start_2:
0x5a9: {  	(tag) =	ssettag $0x2  }
0x5aa: {  	s0 =	rddreg [dreg:$0x0];
	s2 =	stileid.u32  }
0x5ab: {  	s1 =	rddreg [dreg:$0x1];
	p0 =	sne.s32 s2, $0x0  }
0x5ac: {  	s3 =	rddreg [dreg:$0x2];
	[bflag:$0x3] =	sbarrier.arrive $0xFFFF;
	s2 =	simm.s32 @!p0 $0x1C05  }
0x5ad: {  	[timem:s3], [sflag:s2] =	dma.local @!p0 [hbm:s0], s1  }
0x5ae: {  	s0 =	simm.s32 @!p0 $0x5  }
0x5af: {  	_ =	swait.ge @!p0 [sflag:s0], s1  }
0x5b0: {  	s1 =	ssub.s32 @!p0 $0x0, s1;
	[sflag:s0] =	ssyncset.done @!p0 $0x0  }
0x5b1: {  	[sflag:s0] =	ssyncadd.s32 @!p0 s1  }
0x5b2: {  	[bflag:$0x3] =	sbarrier.arrive $0xFFFF  }
0x5b3: {  	_ =	shalt  }

</sc_bundles>
